<compile_context>
chip_gen: v7x
topology: tpu7x:2x2x1
jax: 0.10.2.dev20260603
libtpu: 0.0.44.dev20260713+nightly
codegen_flags: <defaults>
</compile_context>

<pallas_src>
import jax
import jax.numpy as jnp
from jax import lax
from jax.experimental import pallas as pl
from jax.experimental.pallas import tpu as pltpu
from jax.experimental.pallas import tpu_sc as plsc

N = 10000
E = 320000
D = 128
NC = 2
NS = 16
NW = NC * NS
CHUNK = 128
NBUF = 2
EPW = 10240
NCHUNKS = EPW // CHUNK
NCH0 = 124
NCH1 = 2 * NCHUNKS - NCH0
N_ACC = 10112
RPT = N_ACC // NS
CW = 16


def _make_edge_pass(with_cnt: bool):
  mesh = plsc.VectorSubcoreMesh(core_axis_name="c", subcore_axis_name="s")
  out_type = [jax.ShapeDtypeStruct((NC, N_ACC, D), jnp.float32)]
  if with_cnt:
    out_type.append(jax.ShapeDtypeStruct((NC * N_ACC,), jnp.float32))
  scratch = [
      pltpu.VMEM((NBUF, CHUNK), jnp.int32),
      pltpu.VMEM((NBUF, CHUNK), jnp.int32),
      pltpu.VMEM((NBUF, CHUNK, D), jnp.float32),
      pltpu.VMEM((CHUNK,), jnp.float32),
      pltpu.VMEM((RPT,), jnp.float32),
      pltpu.VMEM_SHARED((N_ACC, D), jnp.float32),
      pltpu.VMEM_SHARED((N_ACC,), jnp.float32),
  ] + [pltpu.SemaphoreType.DMA] * NBUF

  def body(p_hbm, src_hbm, dst_hbm, zrow_hbm, zcnt_hbm, ones_hbm, *refs):
    if with_cnt:
      out_hbm, cnt_hbm = refs[0], refs[1]
      refs = refs[2:]
    else:
      out_hbm = refs[0]
      cnt_hbm = None
      refs = refs[1:]
    idx_s, idx_d, rows, ones_v, cbuf, s_sh, c_sh = refs[:7]
    gsem = refs[7:]

    cid = lax.axis_index("c")
    sid = lax.axis_index("s")
    row0 = sid * RPT
    base = (sid * 2 * NCHUNKS + cid * NCH0) * CHUNK
    nch = jnp.where(cid == 0, NCH0, NCH1)

    pltpu.sync_copy(zrow_hbm.at[pl.ds(row0, RPT)], s_sh.at[pl.ds(row0, RPT)])
    if with_cnt:
      pltpu.sync_copy(zcnt_hbm.at[pl.ds(row0, RPT)], cbuf)
      pltpu.sync_copy(cbuf, c_sh.at[pl.ds(row0, RPT)])
      pltpu.sync_copy(ones_hbm, ones_v)
    plsc.subcore_barrier()

    def start(g, b):
      off = base + g * CHUNK
      pltpu.sync_copy(src_hbm.at[pl.ds(off, CHUNK)], idx_s.at[b])
      pltpu.sync_copy(dst_hbm.at[pl.ds(off, CHUNK)], idx_d.at[b])
      pltpu.async_copy(p_hbm.at[idx_s.at[b]], rows.at[b], gsem[b])

    for b in range(NBUF):
      start(b, b)

    @pl.loop(0, nch, step=NBUF)
    def _steps(g0):
      for b in range(NBUF):
        g = g0 + b
        pltpu.make_async_copy(p_hbm.at[idx_s.at[b]], rows.at[b],
                              gsem[b]).wait()
        pltpu.sync_copy(rows.at[b], s_sh.at[idx_d.at[b]], add=True)
        if with_cnt:
          pltpu.sync_copy(ones_v, c_sh.at[idx_d.at[b]], add=True)

        @pl.when(g + NBUF < nch)
        def _():
          start(g + NBUF, b)

    plsc.subcore_barrier()
    pltpu.sync_copy(s_sh.at[pl.ds(row0, RPT)],
                    out_hbm.at[cid, pl.ds(row0, RPT)])
    if with_cnt:
      pltpu.sync_copy(c_sh.at[pl.ds(row0, RPT)], cbuf)
      pltpu.sync_copy(cbuf, cnt_hbm.at[pl.ds(cid * N_ACC + row0, RPT)])

  return pl.kernel(body, out_type=out_type, mesh=mesh, scratch_types=scratch)


_edge_pass_cnt = _make_edge_pass(True)
_edge_pass = _make_edge_pass(False)


BN = 2000


def _pre_body(x_ref, wl_ref, wr_ref, b_ref, t_ref, r_ref):
  x = x_ref[...]
  t_ref[...] = jnp.dot(x, wl_ref[...], preferred_element_type=jnp.float32)
  r_ref[...] = jnp.dot(x, wr_ref[...],
                       preferred_element_type=jnp.float32) + b_ref[...]


def _mid_body(s0_ref, s1_ref, c0_ref, c1_ref, r_ref, wl_ref, wr_ref, b_ref,
              t_ref, ro_ref):
  cnt = jnp.maximum(c0_ref[:, 0:1] + c1_ref[:, 0:1], 1.0)
  h = jnp.maximum((s0_ref[...] + s1_ref[...]) / cnt + r_ref[...], 0.0)
  t_ref[...] = jnp.dot(h, wl_ref[...], preferred_element_type=jnp.float32)
  ro_ref[...] = jnp.dot(h, wr_ref[...],
                        preferred_element_type=jnp.float32) + b_ref[...]


def _head_body(s0_ref, s1_ref, c0_ref, c1_ref, r_ref, wh1_ref, bh1_ref,
               wh2_ref, bh2_ref, out_ref):
  cnt = jnp.maximum(c0_ref[:, 0:1] + c1_ref[:, 0:1], 1.0)
  h = jnp.maximum((s0_ref[...] + s1_ref[...]) / cnt + r_ref[...], 0.0)
  h = jnp.maximum(jnp.dot(h, wh1_ref[...],
                          preferred_element_type=jnp.float32) + bh1_ref[...],
                  0.0)
  out_ref[...] = jnp.dot(h, wh2_ref[...],
                         preferred_element_type=jnp.float32) + bh2_ref[...]


def _row_spec(w):
  return pl.BlockSpec((BN, w), lambda i: (i, 0))


def _full_spec(shape):
  return pl.BlockSpec(shape, lambda i: (0,) * len(shape))


_GRID = N // BN

_pre = pl.pallas_call(
    _pre_body,
    grid=(_GRID,),
    in_specs=[_row_spec(D), _full_spec((D, D)), _full_spec((D, D)),
              _full_spec((1, D))],
    out_specs=[_row_spec(D), _row_spec(D)],
    out_shape=[jax.ShapeDtypeStruct((N, D), jnp.float32)] * 2,
)

_mid = pl.pallas_call(
    _mid_body,
    grid=(_GRID,),
    in_specs=[_row_spec(D), _row_spec(D), _row_spec(1), _row_spec(1),
              _row_spec(D), _full_spec((D, D)), _full_spec((D, D)),
              _full_spec((1, D))],
    out_specs=[_row_spec(D), _row_spec(D)],
    out_shape=[jax.ShapeDtypeStruct((N, D), jnp.float32)] * 2,
)

_head = pl.pallas_call(
    _head_body,
    grid=(_GRID,),
    in_specs=[_row_spec(D), _row_spec(D), _row_spec(1), _row_spec(1),
              _row_spec(D), _full_spec((D, D // 2)), _full_spec((1, D // 2)),
              _full_spec((D // 2, 4)), _full_spec((1, 4))],
    out_specs=_row_spec(4),
    out_shape=jax.ShapeDtypeStruct((N, 4), jnp.float32),
)


def kernel(x, edge_index, W_l0, b_l0, W_r0, W_l1, b_l1, W_r1, W_l2, b_l2,
           W_r2, Wh1, bh1, Wh2, bh2):
  src = edge_index[0].astype(jnp.int32)
  dst = edge_index[1].astype(jnp.int32)
  pad = NW * EPW - E
  src_p = jnp.concatenate([src, jnp.zeros((pad,), jnp.int32)])
  dst_p = jnp.concatenate([dst, jnp.full((pad,), N, jnp.int32)])
  zrow = jnp.zeros((N_ACC, D), jnp.float32)
  zcnt = jnp.zeros((N_ACC,), jnp.float32)
  ones = jnp.ones((CHUNK,), jnp.float32)

  t0, r0 = _pre(x, W_l0, W_r0, b_l0.reshape(1, D))
  s, c = _edge_pass_cnt(t0, src_p, dst_p, zrow, zcnt, ones)
  c = c.reshape(NC, N_ACC)
  c0, c1 = c[0, :N].reshape(N, 1), c[1, :N].reshape(N, 1)

  t1, r1 = _mid(s[0, :N], s[1, :N], c0, c1, r0, W_l1, W_r1,
                b_l1.reshape(1, D))
  (s,) = _edge_pass(t1, src_p, dst_p, zrow, zcnt, ones)
  t2, r2 = _mid(s[0, :N], s[1, :N], c0, c1, r1, W_l2, W_r2,
                b_l2.reshape(1, D))
  (s,) = _edge_pass(t2, src_p, dst_p, zrow, zcnt, ones)
  out = _head(s[0, :N], s[1, :N], c0, c1, r2, Wh1, bh1.reshape(1, D // 2),
              Wh2, bh2.reshape(1, 4))
  return out

# --- scband reference (transcript-rebuilt; emitter-appended) ---
"""Pipeline reference for scband-station-gnn-35459249996283 (READ-ONLY COPY).

The authoritative reference and input builder live on the scoring server;
editing this copy changes nothing except your own understanding.
"""

import jax, jax.numpy as jnp
import numpy as np

N_NODES = 10000
N_EDGES = 320000
D_IN = 128
HIDDEN = 128
N_CLASSES = 4

def setup_inputs(seed: int = 0) -> dict:
    key = jax.random.key(seed)
    ks = jax.random.split(key, 16)
    x = jax.random.normal(ks[0], (N_NODES, D_IN), dtype=jnp.float32)
    edge_index = jax.random.randint(ks[1], (2, N_EDGES), 0, N_NODES, dtype=jnp.int64)
    def lin(k, fan_in, fan_out):
        bound = 1.0 / np.sqrt(fan_in)
        return jax.random.uniform(k, (fan_in, fan_out), dtype=jnp.float32, minval=-bound, maxval=bound)
    inp = {"x": x, "edge_index": edge_index}
    dims = [(D_IN, HIDDEN), (HIDDEN, HIDDEN), (HIDDEN, HIDDEN)]
    for i, (fi, fo) in enumerate(dims):
        inp[f"W_l{i}"] = lin(ks[2 + 3 * i], fi, fo)
        inp[f"b_l{i}"] = jnp.zeros((fo,), dtype=jnp.float32)
        inp[f"W_r{i}"] = lin(ks[3 + 3 * i], fi, fo)
    inp["Wh1"] = lin(ks[12], HIDDEN, HIDDEN // 2)
    inp["bh1"] = jnp.zeros((HIDDEN // 2,), dtype=jnp.float32)
    inp["Wh2"] = lin(ks[13], HIDDEN // 2, N_CLASSES)
    inp["bh2"] = jnp.zeros((N_CLASSES,), dtype=jnp.float32)
    return inp

def _sage_conv(x, src, dst, W_l, b_l, W_r):
    # PyG SAGEConv (aggr='mean'): out = lin_l(mean_{j in N(i)} x_j) + lin_r(x_i)
    msgs = x[src]
    summed = jax.ops.segment_sum(msgs, dst, num_segments=x.shape[0])
    cnt = jax.ops.segment_sum(jnp.ones((src.shape[0], 1), dtype=x.dtype), dst, num_segments=x.shape[0])
    mean = summed / jnp.maximum(cnt, 1.0)
    return mean @ W_l + b_l + x @ W_r

def reference(x, edge_index, W_l0, b_l0, W_r0, W_l1, b_l1, W_r1, W_l2, b_l2, W_r2, Wh1, bh1, Wh2, bh2):
    src = edge_index[0]
    dst = edge_index[1]
    h = x
    params = [(W_l0, b_l0, W_r0), (W_l1, b_l1, W_r1), (W_l2, b_l2, W_r2)]
    for (Wl, bl, Wr) in params:
        h = jax.nn.relu(_sage_conv(h, src, dst, Wl, bl, Wr))
    h = jax.nn.relu(h @ Wh1 + bh1)
    out = h @ Wh2 + bh2
    return out

if __name__ == "__main__":
    import jax
    _d = setup_inputs()
    print(jax.jit(kernel)(*tuple(_d.values())))

</pallas_src>

<mosaic_0001>
#map = affine_map<(d0, d1) -> (0, 0)>
#map1 = affine_map<(d0, d1) -> (0)>
#map2 = affine_map<(d0, d1) -> (0, 0, 0)>
module attributes {stable_mosaic.version = 14 : i64} {
  func.func @body(%arg0: i32, %arg1: i32, %arg2: memref<10000x128xf32, #tpu.memory_space<hbm>>, %arg3: memref<327680xi32, #tpu.memory_space<hbm>>, %arg4: memref<327680xi32, #tpu.memory_space<hbm>>, %arg5: memref<10112x128xf32, #tpu.memory_space<hbm>>, %arg6: memref<10112xf32, #tpu.memory_space<hbm>>, %arg7: memref<128xf32, #tpu.memory_space<hbm>>, %arg8: memref<2x10112x128xf32, #tpu.memory_space<hbm>>, %arg9: memref<2x128xi32, #tpu.memory_space<vmem>>, %arg10: memref<2x128xi32, #tpu.memory_space<vmem>>, %arg11: memref<2x128x128xf32, #tpu.memory_space<vmem>>, %arg12: memref<128xf32, #tpu.memory_space<vmem>>, %arg13: memref<632xf32, #tpu.memory_space<vmem>>, %arg14: memref<10112x128xf32, #tpu.memory_space<vmem_shared>>, %arg15: memref<10112xf32, #tpu.memory_space<vmem_shared>>, %arg16: memref<!tpu.dma_semaphore, #tpu.memory_space<semaphore_mem>>, %arg17: memref<!tpu.dma_semaphore, #tpu.memory_space<semaphore_mem>>) attributes {dimension_semantics = [#tpu.dimension_semantics<core_parallel>, #tpu.dimension_semantics<subcore_parallel>], iteration_bounds = array<i64: 2, 16>, scalar_prefetch = 0 : i64, scratch_operands = 9 : i64, tpu.core_type = #tpu.core_type<sc_vector_subcore>, window_params = [{transform_indices = #map}, {transform_indices = #map1}, {transform_indices = #map1}, {transform_indices = #map}, {transform_indices = #map1}, {transform_indices = #map1}, {transform_indices = #map2}]} {
    %mul3A = arith.constant 632 : i32
    %mul3A_0 = arith.muli %arg1, %mul3A : i32
    %mul3A_1 = arith.constant 2 : i32
    %mul3A_2 = arith.muli %arg1, %mul3A_1 : i32
    %mul3A_3 = arith.constant 80 : i32
    %mul3A_4 = arith.muli %mul3A_2, %mul3A_3 : i32
    %mul3A_5 = arith.constant 124 : i32
    %mul3A_6 = arith.muli %arg0, %mul3A_5 : i32
    %add3A = arith.addi %mul3A_4, %mul3A_6 : i32
    %mul3A_7 = arith.constant 128 : i32
    %mul3A_8 = arith.muli %add3A, %mul3A_7 : i32
    %eq3A = arith.constant 0 : i32
    %eq3A_9 = arith.cmpi eq, %arg0, %eq3A : i32
    %jit3A = arith.constant 124 : i32
    %jit3A_10 = arith.constant 36 : i32
    %select_n3A = arith.select %eq3A_9, %jit3A, %jit3A_10 : i32
    "tpu.region"() ({
      %run_scoped3A_58 = tpu.sem_alloc : memref<!tpu.dma_semaphore, #tpu.memory_space<semaphore_mem>>
      %dma_start3A_59 = arith.constant 0 : i32
      %dma_start3A_60 = tpu.memref_slice %arg14[%mul3A_0, %dma_start3A_59] : memref<10112x128xf32, #tpu.memory_space<vmem_shared>> -> memref<632x128xf32, #tpu.memory_space<vmem_shared>>
      %dma_start3A_61 = arith.constant 0 : i32
      %dma_start3A_62 = tpu.memref_slice %arg5[%mul3A_0, %dma_start3A_61] : memref<10112x128xf32, #tpu.memory_space<hbm>> -> memref<632x128xf32, #tpu.memory_space<hbm>>
      tpu.enqueue_dma source(%dma_start3A_62 : memref<632x128xf32, #tpu.memory_space<hbm>>) target(%dma_start3A_60 : memref<632x128xf32, #tpu.memory_space<vmem_shared>>) target_semaphore(%run_scoped3A_58 : memref<!tpu.dma_semaphore, #tpu.memory_space<semaphore_mem>>)
      %dma_wait3A = arith.constant 0 : i32
      %dma_wait3A_63 = tpu.memref_slice %arg14[%mul3A_0, %dma_wait3A] : memref<10112x128xf32, #tpu.memory_space<vmem_shared>> -> memref<632x128xf32, #tpu.memory_space<vmem_shared>>
      %dma_wait3A_64 = arith.constant 0 : i32
      %dma_wait3A_65 = tpu.memref_slice %arg5[%mul3A_0, %dma_wait3A_64] : memref<10112x128xf32, #tpu.memory_space<hbm>> -> memref<632x128xf32, #tpu.memory_space<hbm>>
      tpu.wait_dma2 semaphore(%run_scoped3A_58 : memref<!tpu.dma_semaphore, #tpu.memory_space<semaphore_mem>>) src(%dma_wait3A_65 : memref<632x128xf32, #tpu.memory_space<hbm>>) dst(%dma_wait3A_63 : memref<632x128xf32, #tpu.memory_space<vmem_shared>>)
      tpu.yield
    }) : () -> ()
    %barrier3A = arith.constant 0 : index
    tpu.barrier barrier_id(%barrier3A)
    %add3A_11 = arith.constant 0 : i32
    %add3A_12 = arith.addi %mul3A_8, %add3A_11 : i32
    %run_scoped3A = arith.constant 0 : i32
    "tpu.region"() ({
      %run_scoped3A_58 = tpu.sem_alloc : memref<!tpu.dma_semaphore, #tpu.memory_space<semaphore_mem>>
      %dma_start3A_59 = arith.constant 0 : i32
      %dma_start3A_60 = tpu.memref_slice %arg9[%run_scoped3A, %dma_start3A_59] : memref<2x128xi32, #tpu.memory_space<vmem>> -> memref<1x128xi32, #tpu.memory_space<vmem>>
      %dma_start3A_61 = tpu.memref_squeeze %dma_start3A_60 : memref<1x128xi32, #tpu.memory_space<vmem>> -> memref<128xi32, #tpu.memory_space<vmem>>
      %dma_start3A_62 = tpu.memref_slice %arg3[%add3A_12] : memref<327680xi32, #tpu.memory_space<hbm>> -> memref<128xi32, #tpu.memory_space<hbm>>
      %dma_start3A_63 = arith.constant 0 : i32
      %dma_start3A_64 = tpu.memref_slice %arg9[%run_scoped3A, %dma_start3A_63] : memref<2x128xi32, #tpu.memory_space<vmem>> -> memref<1x128xi32, #tpu.memory_space<vmem>>
      %dma_start3A_65 = tpu.memref_squeeze %dma_start3A_64 : memref<1x128xi32, #tpu.memory_space<vmem>> -> memref<128xi32, #tpu.memory_space<vmem>>
      %dma_start3A_66 = tpu.memref_slice %arg3[%add3A_12] : memref<327680xi32, #tpu.memory_space<hbm>> -> memref<128xi32, #tpu.memory_space<hbm>>
      tpu.enqueue_dma source(%dma_start3A_66 : memref<128xi32, #tpu.memory_space<hbm>>) target(%dma_start3A_65 : memref<128xi32, #tpu.memory_space<vmem>>) target_semaphore(%run_scoped3A_58 : memref<!tpu.dma_semaphore, #tpu.memory_space<semaphore_mem>>)
      %dma_wait3A = arith.constant 0 : i32
      %dma_wait3A_67 = tpu.memref_slice %arg9[%run_scoped3A, %dma_wait3A] : memref<2x128xi32, #tpu.memory_space<vmem>> -> memref<1x128xi32, #tpu.memory_space<vmem>>
      %dma_wait3A_68 = tpu.memref_squeeze %dma_wait3A_67 : memref<1x128xi32, #tpu.memory_space<vmem>> -> memref<128xi32, #tpu.memory_space<vmem>>
      %dma_wait3A_69 = tpu.memref_slice %arg3[%add3A_12] : memref<327680xi32, #tpu.memory_space<hbm>> -> memref<128xi32, #tpu.memory_space<hbm>>
      %dma_wait3A_70 = arith.constant 0 : i32
      %dma_wait3A_71 = tpu.memref_slice %arg9[%run_scoped3A, %dma_wait3A_70] : memref<2x128xi32, #tpu.memory_space<vmem>> -> memref<1x128xi32, #tpu.memory_space<vmem>>
      %dma_wait3A_72 = tpu.memref_squeeze %dma_wait3A_71 : memref<1x128xi32, #tpu.memory_space<vmem>> -> memref<128xi32, #tpu.memory_space<vmem>>
      %dma_wait3A_73 = tpu.memref_slice %arg3[%add3A_12] : memref<327680xi32, #tpu.memory_space<hbm>> -> memref<128xi32, #tpu.memory_space<hbm>>
      tpu.wait_dma2 semaphore(%run_scoped3A_58 : memref<!tpu.dma_semaphore, #tpu.memory_space<semaphore_mem>>) src(%dma_wait3A_73 : memref<128xi32, #tpu.memory_space<hbm>>) dst(%dma_wait3A_72 : memref<128xi32, #tpu.memory_space<vmem>>)
      tpu.yield
    }) : () -> ()
    %run_scoped3A_13 = arith.constant 0 : i32
    "tpu.region"() ({
      %run_scoped3A_58 = tpu.sem_alloc : memref<!tpu.dma_semaphore, #tpu.memory_space<semaphore_mem>>
      %dma_start3A_59 = arith.constant 0 : i32
      %dma_start3A_60 = tpu.memref_slice %arg10[%run_scoped3A_13, %dma_start3A_59] : memref<2x128xi32, #tpu.memory_space<vmem>> -> memref<1x128xi32, #tpu.memory_space<vmem>>
      %dma_start3A_61 = tpu.memref_squeeze %dma_start3A_60 : memref<1x128xi32, #tpu.memory_space<vmem>> -> memref<128xi32, #tpu.memory_space<vmem>>
      %dma_start3A_62 = tpu.memref_slice %arg4[%add3A_12] : memref<327680xi32, #tpu.memory_space<hbm>> -> memref<128xi32, #tpu.memory_space<hbm>>
      %dma_start3A_63 = arith.constant 0 : i32
      %dma_start3A_64 = tpu.memref_slice %arg10[%run_scoped3A_13, %dma_start3A_63] : memref<2x128xi32, #tpu.memory_space<vmem>> -> memref<1x128xi32, #tpu.memory_space<vmem>>
      %dma_start3A_65 = tpu.memref_squeeze %dma_start3A_64 : memref<1x128xi32, #tpu.memory_space<vmem>> -> memref<128xi32, #tpu.memory_space<vmem>>
      %dma_start3A_66 = tpu.memref_slice %arg4[%add3A_12] : memref<327680xi32, #tpu.memory_space<hbm>> -> memref<128xi32, #tpu.memory_space<hbm>>
      tpu.enqueue_dma source(%dma_start3A_66 : memref<128xi32, #tpu.memory_space<hbm>>) target(%dma_start3A_65 : memref<128xi32, #tpu.memory_space<vmem>>) target_semaphore(%run_scoped3A_58 : memref<!tpu.dma_semaphore, #tpu.memory_space<semaphore_mem>>)
      %dma_wait3A = arith.constant 0 : i32
      %dma_wait3A_67 = tpu.memref_slice %arg10[%run_scoped3A_13, %dma_wait3A] : memref<2x128xi32, #tpu.memory_space<vmem>> -> memref<1x128xi32, #tpu.memory_space<vmem>>
      %dma_wait3A_68 = tpu.memref_squeeze %dma_wait3A_67 : memref<1x128xi32, #tpu.memory_space<vmem>> -> memref<128xi32, #tpu.memory_space<vmem>>
      %dma_wait3A_69 = tpu.memref_slice %arg4[%add3A_12] : memref<327680xi32, #tpu.memory_space<hbm>> -> memref<128xi32, #tpu.memory_space<hbm>>
      %dma_wait3A_70 = arith.constant 0 : i32
      %dma_wait3A_71 = tpu.memref_slice %arg10[%run_scoped3A_13, %dma_wait3A_70] : memref<2x128xi32, #tpu.memory_space<vmem>> -> memref<1x128xi32, #tpu.memory_space<vmem>>
      %dma_wait3A_72 = tpu.memref_squeeze %dma_wait3A_71 : memref<1x128xi32, #tpu.memory_space<vmem>> -> memref<128xi32, #tpu.memory_space<vmem>>
      %dma_wait3A_73 = tpu.memref_slice %arg4[%add3A_12] : memref<327680xi32, #tpu.memory_space<hbm>> -> memref<128xi32, #tpu.memory_space<hbm>>
      tpu.wait_dma2 semaphore(%run_scoped3A_58 : memref<!tpu.dma_semaphore, #tpu.memory_space<semaphore_mem>>) src(%dma_wait3A_73 : memref<128xi32, #tpu.memory_space<hbm>>) dst(%dma_wait3A_72 : memref<128xi32, #tpu.memory_space<vmem>>)
      tpu.yield
    }) : () -> ()
    %dma_start3A = arith.constant 0 : i32
    %dma_start3A_14 = arith.constant 0 : i32
    %dma_start3A_15 = arith.constant 0 : i32
    %dma_start3A_16 = arith.constant 0 : i32
    %dma_start3A_17 = tpu.memref_slice %arg11[%dma_start3A_14, %dma_start3A_15, %dma_start3A_16] : memref<2x128x128xf32, #tpu.memory_space<vmem>> -> memref<1x128x128xf32, #tpu.memory_space<vmem>>
    %dma_start3A_18 = tpu.memref_squeeze %dma_start3A_17 : memref<1x128x128xf32, #tpu.memory_space<vmem>> -> memref<128x128xf32, #tpu.memory_space<vmem>>
    %dma_start3A_19 = arith.constant 0 : i32
    %dma_start3A_20 = tpu.memref_slice %arg9[%dma_start3A, %dma_start3A_19] : memref<2x128xi32, #tpu.memory_space<vmem>> -> memref<1x128xi32, #tpu.memory_space<vmem>>
    %dma_start3A_21 = tpu.memref_squeeze %dma_start3A_20 : memref<1x128xi32, #tpu.memory_space<vmem>> -> memref<128xi32, #tpu.memory_space<vmem>>
    %dma_start3A_22 = arith.constant 0 : i32
    %dma_start3A_23 = arith.constant 0 : i32
    %dma_start3A_24 = tpu.memref_slice %arg2[%dma_start3A_22, %dma_start3A_23] : memref<10000x128xf32, #tpu.memory_space<hbm>> -> memref<10000x128xf32, #tpu.memory_space<hbm>>
    tpu.enqueue_indirect_dma source(%dma_start3A_24 : memref<10000x128xf32, #tpu.memory_space<hbm>>) target(%dma_start3A_18 : memref<128x128xf32, #tpu.memory_space<vmem>>) offsets(%dma_start3A_21 : memref<128xi32, #tpu.memory_space<vmem>>) semaphore(%arg16 : memref<!tpu.dma_semaphore, #tpu.memory_space<semaphore_mem>>)
    %add3A_25 = arith.constant 128 : i32
    %add3A_26 = arith.addi %mul3A_8, %add3A_25 : i32
    %run_scoped3A_27 = arith.constant 1 : i32
    "tpu.region"() ({
      %run_scoped3A_58 = tpu.sem_alloc : memref<!tpu.dma_semaphore, #tpu.memory_space<semaphore_mem>>
      %dma_start3A_59 = arith.constant 0 : i32
      %dma_start3A_60 = tpu.memref_slice %arg9[%run_scoped3A_27, %dma_start3A_59] : memref<2x128xi32, #tpu.memory_space<vmem>> -> memref<1x128xi32, #tpu.memory_space<vmem>>
      %dma_start3A_61 = tpu.memref_squeeze %dma_start3A_60 : memref<1x128xi32, #tpu.memory_space<vmem>> -> memref<128xi32, #tpu.memory_space<vmem>>
      %dma_start3A_62 = tpu.memref_slice %arg3[%add3A_26] : memref<327680xi32, #tpu.memory_space<hbm>> -> memref<128xi32, #tpu.memory_space<hbm>>
      %dma_start3A_63 = arith.constant 0 : i32
      %dma_start3A_64 = tpu.memref_slice %arg9[%run_scoped3A_27, %dma_start3A_63] : memref<2x128xi32, #tpu.memory_space<vmem>> -> memref<1x128xi32, #tpu.memory_space<vmem>>
      %dma_start3A_65 = tpu.memref_squeeze %dma_start3A_64 : memref<1x128xi32, #tpu.memory_space<vmem>> -> memref<128xi32, #tpu.memory_space<vmem>>
      %dma_start3A_66 = tpu.memref_slice %arg3[%add3A_26] : memref<327680xi32, #tpu.memory_space<hbm>> -> memref<128xi32, #tpu.memory_space<hbm>>
      tpu.enqueue_dma source(%dma_start3A_66 : memref<128xi32, #tpu.memory_space<hbm>>) target(%dma_start3A_65 : memref<128xi32, #tpu.memory_space<vmem>>) target_semaphore(%run_scoped3A_58 : memref<!tpu.dma_semaphore, #tpu.memory_space<semaphore_mem>>)
      %dma_wait3A = arith.constant 0 : i32
      %dma_wait3A_67 = tpu.memref_slice %arg9[%run_scoped3A_27, %dma_wait3A] : memref<2x128xi32, #tpu.memory_space<vmem>> -> memref<1x128xi32, #tpu.memory_space<vmem>>
      %dma_wait3A_68 = tpu.memref_squeeze %dma_wait3A_67 : memref<1x128xi32, #tpu.memory_space<vmem>> -> memref<128xi32, #tpu.memory_space<vmem>>
      %dma_wait3A_69 = tpu.memref_slice %arg3[%add3A_26] : memref<327680xi32, #tpu.memory_space<hbm>> -> memref<128xi32, #tpu.memory_space<hbm>>
      %dma_wait3A_70 = arith.constant 0 : i32
      %dma_wait3A_71 = tpu.memref_slice %arg9[%run_scoped3A_27, %dma_wait3A_70] : memref<2x128xi32, #tpu.memory_space<vmem>> -> memref<1x128xi32, #tpu.memory_space<vmem>>
      %dma_wait3A_72 = tpu.memref_squeeze %dma_wait3A_71 : memref<1x128xi32, #tpu.memory_space<vmem>> -> memref<128xi32, #tpu.memory_space<vmem>>
      %dma_wait3A_73 = tpu.memref_slice %arg3[%add3A_26] : memref<327680xi32, #tpu.memory_space<hbm>> -> memref<128xi32, #tpu.memory_space<hbm>>
      tpu.wait_dma2 semaphore(%run_scoped3A_58 : memref<!tpu.dma_semaphore, #tpu.memory_space<semaphore_mem>>) src(%dma_wait3A_73 : memref<128xi32, #tpu.memory_space<hbm>>) dst(%dma_wait3A_72 : memref<128xi32, #tpu.memory_space<vmem>>)
      tpu.yield
    }) : () -> ()
    %run_scoped3A_28 = arith.constant 1 : i32
    "tpu.region"() ({
      %run_scoped3A_58 = tpu.sem_alloc : memref<!tpu.dma_semaphore, #tpu.memory_space<semaphore_mem>>
      %dma_start3A_59 = arith.constant 0 : i32
      %dma_start3A_60 = tpu.memref_slice %arg10[%run_scoped3A_28, %dma_start3A_59] : memref<2x128xi32, #tpu.memory_space<vmem>> -> memref<1x128xi32, #tpu.memory_space<vmem>>
      %dma_start3A_61 = tpu.memref_squeeze %dma_start3A_60 : memref<1x128xi32, #tpu.memory_space<vmem>> -> memref<128xi32, #tpu.memory_space<vmem>>
      %dma_start3A_62 = tpu.memref_slice %arg4[%add3A_26] : memref<327680xi32, #tpu.memory_space<hbm>> -> memref<128xi32, #tpu.memory_space<hbm>>
      %dma_start3A_63 = arith.constant 0 : i32
      %dma_start3A_64 = tpu.memref_slice %arg10[%run_scoped3A_28, %dma_start3A_63] : memref<2x128xi32, #tpu.memory_space<vmem>> -> memref<1x128xi32, #tpu.memory_space<vmem>>
      %dma_start3A_65 = tpu.memref_squeeze %dma_start3A_64 : memref<1x128xi32, #tpu.memory_space<vmem>> -> memref<128xi32, #tpu.memory_space<vmem>>
      %dma_start3A_66 = tpu.memref_slice %arg4[%add3A_26] : memref<327680xi32, #tpu.memory_space<hbm>> -> memref<128xi32, #tpu.memory_space<hbm>>
      tpu.enqueue_dma source(%dma_start3A_66 : memref<128xi32, #tpu.memory_space<hbm>>) target(%dma_start3A_65 : memref<128xi32, #tpu.memory_space<vmem>>) target_semaphore(%run_scoped3A_58 : memref<!tpu.dma_semaphore, #tpu.memory_space<semaphore_mem>>)
      %dma_wait3A = arith.constant 0 : i32
      %dma_wait3A_67 = tpu.memref_slice %arg10[%run_scoped3A_28, %dma_wait3A] : memref<2x128xi32, #tpu.memory_space<vmem>> -> memref<1x128xi32, #tpu.memory_space<vmem>>
      %dma_wait3A_68 = tpu.memref_squeeze %dma_wait3A_67 : memref<1x128xi32, #tpu.memory_space<vmem>> -> memref<128xi32, #tpu.memory_space<vmem>>
      %dma_wait3A_69 = tpu.memref_slice %arg4[%add3A_26] : memref<327680xi32, #tpu.memory_space<hbm>> -> memref<128xi32, #tpu.memory_space<hbm>>
      %dma_wait3A_70 = arith.constant 0 : i32
      %dma_wait3A_71 = tpu.memref_slice %arg10[%run_scoped3A_28, %dma_wait3A_70] : memref<2x128xi32, #tpu.memory_space<vmem>> -> memref<1x128xi32, #tpu.memory_space<vmem>>
      %dma_wait3A_72 = tpu.memref_squeeze %dma_wait3A_71 : memref<1x128xi32, #tpu.memory_space<vmem>> -> memref<128xi32, #tpu.memory_space<vmem>>
      %dma_wait3A_73 = tpu.memref_slice %arg4[%add3A_26] : memref<327680xi32, #tpu.memory_space<hbm>> -> memref<128xi32, #tpu.memory_space<hbm>>
      tpu.wait_dma2 semaphore(%run_scoped3A_58 : memref<!tpu.dma_semaphore, #tpu.memory_space<semaphore_mem>>) src(%dma_wait3A_73 : memref<128xi32, #tpu.memory_space<hbm>>) dst(%dma_wait3A_72 : memref<128xi32, #tpu.memory_space<vmem>>)
      tpu.yield
    }) : () -> ()
    %dma_start3A_29 = arith.constant 1 : i32
    %dma_start3A_30 = arith.constant 1 : i32
    %dma_start3A_31 = arith.constant 0 : i32
    %dma_start3A_32 = arith.constant 0 : i32
    %dma_start3A_33 = tpu.memref_slice %arg11[%dma_start3A_30, %dma_start3A_31, %dma_start3A_32] : memref<2x128x128xf32, #tpu.memory_space<vmem>> -> memref<1x128x128xf32, #tpu.memory_space<vmem>>
    %dma_start3A_34 = tpu.memref_squeeze %dma_start3A_33 : memref<1x128x128xf32, #tpu.memory_space<vmem>> -> memref<128x128xf32, #tpu.memory_space<vmem>>
    %dma_start3A_35 = arith.constant 0 : i32
    %dma_start3A_36 = tpu.memref_slice %arg9[%dma_start3A_29, %dma_start3A_35] : memref<2x128xi32, #tpu.memory_space<vmem>> -> memref<1x128xi32, #tpu.memory_space<vmem>>
    %dma_start3A_37 = tpu.memref_squeeze %dma_start3A_36 : memref<1x128xi32, #tpu.memory_space<vmem>> -> memref<128xi32, #tpu.memory_space<vmem>>
    %dma_start3A_38 = arith.constant 0 : i32
    %dma_start3A_39 = arith.constant 0 : i32
    %dma_start3A_40 = tpu.memref_slice %arg2[%dma_start3A_38, %dma_start3A_39] : memref<10000x128xf32, #tpu.memory_space<hbm>> -> memref<10000x128xf32, #tpu.memory_space<hbm>>
    tpu.enqueue_indirect_dma source(%dma_start3A_40 : memref<10000x128xf32, #tpu.memory_space<hbm>>) target(%dma_start3A_34 : memref<128x128xf32, #tpu.memory_space<vmem>>) offsets(%dma_start3A_37 : memref<128xi32, #tpu.memory_space<vmem>>) semaphore(%arg17 : memref<!tpu.dma_semaphore, #tpu.memory_space<semaphore_mem>>)
    %sub3A = arith.constant 0 : i32
    %sub3A_41 = arith.subi %select_n3A, %sub3A : i32
    %sub3A_42 = arith.constant 2 : i32
    %sub3A_43 = arith.constant 1 : i32
    %sub3A_44 = arith.subi %sub3A_42, %sub3A_43 : i32
    %add3A_45 = arith.addi %sub3A_41, %sub3A_44 : i32
    %div3A = arith.constant 2 : i32
    %div3A_46 = arith.divsi %add3A_45, %div3A : i32
    %while3A = arith.constant 2 : i32
    %while3A_47 = arith.constant 0 : i32
    %while3A_48 = arith.constant 0 : i32
    %while3A_49 = arith.subi %div3A_46, %while3A_48 : i32
    %while3A_50 = arith.addi %while3A_48, %while3A_49 : i32
    %while3A_51 = arith.constant 1 : i32
    %while3A_52 = arith.divsi %while3A_49, %while3A_51 : i32
    %while3A_53 = arith.muli %while3A_52, %while3A_51 : i32
    %while3A_54 = arith.addi %while3A_48, %while3A_53 : i32
    %while3A_55 = arith.constant 1 : i32
    scf.for %while3A_58 = %while3A_48 to %while3A_54 step %while3A_55  : i32 {
      %mul3A_59 = arith.muli %while3A_58, %while3A : i32
      %add3A_60 = arith.addi %while3A_47, %mul3A_59 : i32
      %add3A_61 = arith.constant 0 : i32
      %add3A_62 = arith.addi %add3A_60, %add3A_61 : i32
      %dma_wait3A = arith.constant 0 : i32
      %dma_wait3A_63 = arith.constant 0 : i32
      %dma_wait3A_64 = arith.constant 0 : i32
      %dma_wait3A_65 = arith.constant 0 : i32
      %dma_wait3A_66 = tpu.memref_slice %arg11[%dma_wait3A_63, %dma_wait3A_64, %dma_wait3A_65] : memref<2x128x128xf32, #tpu.memory_space<vmem>> -> memref<1x128x128xf32, #tpu.memory_space<vmem>>
      %dma_wait3A_67 = tpu.memref_squeeze %dma_wait3A_66 : memref<1x128x128xf32, #tpu.memory_space<vmem>> -> memref<128x128xf32, #tpu.memory_space<vmem>>
      %dma_wait3A_68 = arith.constant 0 : i32
      %dma_wait3A_69 = tpu.memref_slice %arg9[%dma_wait3A, %dma_wait3A_68] : memref<2x128xi32, #tpu.memory_space<vmem>> -> memref<1x128xi32, #tpu.memory_space<vmem>>
      %dma_wait3A_70 = tpu.memref_squeeze %dma_wait3A_69 : memref<1x128xi32, #tpu.memory_space<vmem>> -> memref<128xi32, #tpu.memory_space<vmem>>
      %dma_wait3A_71 = arith.constant 0 : i32
      %dma_wait3A_72 = arith.constant 0 : i32
      %dma_wait3A_73 = tpu.memref_slice %arg2[%dma_wait3A_71, %dma_wait3A_72] : memref<10000x128xf32, #tpu.memory_space<hbm>> -> memref<10000x128xf32, #tpu.memory_space<hbm>>
      tpu.wait_indirect_dma semaphore(%arg16 : memref<!tpu.dma_semaphore, #tpu.memory_space<semaphore_mem>>) src(%dma_wait3A_73 : memref<10000x128xf32, #tpu.memory_space<hbm>>) dst(%dma_wait3A_67 : memref<128x128xf32, #tpu.memory_space<vmem>>)
      %run_scoped3A_74 = arith.constant 0 : i32
      %run_scoped3A_75 = arith.constant 0 : i32
      "tpu.region"() ({
        %run_scoped3A_101 = tpu.sem_alloc : memref<!tpu.dma_semaphore, #tpu.memory_space<semaphore_mem>>
        %dma_start3A_102 = arith.constant 0 : i32
        %dma_start3A_103 = arith.constant 0 : i32
        %dma_start3A_104 = tpu.memref_slice %arg11[%run_scoped3A_74, %dma_start3A_102, %dma_start3A_103] : memref<2x128x128xf32, #tpu.memory_space<vmem>> -> memref<1x128x128xf32, #tpu.memory_space<vmem>>
        %dma_start3A_105 = tpu.memref_squeeze %dma_start3A_104 : memref<1x128x128xf32, #tpu.memory_space<vmem>> -> memref<128x128xf32, #tpu.memory_space<vmem>>
        %dma_start3A_106 = arith.constant 0 : i32
        %dma_start3A_107 = tpu.memref_slice %arg10[%run_scoped3A_75, %dma_start3A_106] : memref<2x128xi32, #tpu.memory_space<vmem>> -> memref<1x128xi32, #tpu.memory_space<vmem>>
        %dma_start3A_108 = tpu.memref_squeeze %dma_start3A_107 : memref<1x128xi32, #tpu.memory_space<vmem>> -> memref<128xi32, #tpu.memory_space<vmem>>
        %dma_start3A_109 = arith.constant 0 : i32
        %dma_start3A_110 = arith.constant 0 : i32
        %dma_start3A_111 = tpu.memref_slice %arg14[%dma_start3A_109, %dma_start3A_110] : memref<10112x128xf32, #tpu.memory_space<vmem_shared>> -> memref<10112x128xf32, #tpu.memory_space<vmem_shared>>
        tpu.enqueue_indirect_dma source(%dma_start3A_105 : memref<128x128xf32, #tpu.memory_space<vmem>>) target(%dma_start3A_111 : memref<10112x128xf32, #tpu.memory_space<vmem_shared>>) offsets(%dma_start3A_108 : memref<128xi32, #tpu.memory_space<vmem>>) semaphore(%run_scoped3A_101 : memref<!tpu.dma_semaphore, #tpu.memory_space<semaphore_mem>>) {add = true}
        %dma_wait3A_112 = arith.constant 0 : i32
        %dma_wait3A_113 = arith.constant 0 : i32
        %dma_wait3A_114 = tpu.memref_slice %arg11[%run_scoped3A_74, %dma_wait3A_112, %dma_wait3A_113] : memref<2x128x128xf32, #tpu.memory_space<vmem>> -> memref<1x128x128xf32, #tpu.memory_space<vmem>>
        %dma_wait3A_115 = tpu.memref_squeeze %dma_wait3A_114 : memref<1x128x128xf32, #tpu.memory_space<vmem>> -> memref<128x128xf32, #tpu.memory_space<vmem>>
        %dma_wait3A_116 = arith.constant 0 : i32
        %dma_wait3A_117 = tpu.memref_slice %arg10[%run_scoped3A_75, %dma_wait3A_116] : memref<2x128xi32, #tpu.memory_space<vmem>> -> memref<1x128xi32, #tpu.memory_space<vmem>>
        %dma_wait3A_118 = tpu.memref_squeeze %dma_wait3A_117 : memref<1x128xi32, #tpu.memory_space<vmem>> -> memref<128xi32, #tpu.memory_space<vmem>>
        %dma_wait3A_119 = arith.constant 0 : i32
        %dma_wait3A_120 = arith.constant 0 : i32
        %dma_wait3A_121 = tpu.memref_slice %arg14[%dma_wait3A_119, %dma_wait3A_120] : memref<10112x128xf32, #tpu.memory_space<vmem_shared>> -> memref<10112x128xf32, #tpu.memory_space<vmem_shared>>
        tpu.wait_indirect_dma semaphore(%run_scoped3A_101 : memref<!tpu.dma_semaphore, #tpu.memory_space<semaphore_mem>>) src(%dma_wait3A_115 : memref<128x128xf32, #tpu.memory_space<vmem>>) dst(%dma_wait3A_121 : memref<10112x128xf32, #tpu.memory_space<vmem_shared>>)
        tpu.yield
      }) : () -> ()
      %add3A_76 = arith.constant 2 : i32
      %add3A_77 = arith.addi %add3A_62, %add3A_76 : i32
      %lt3A = arith.cmpi slt, %add3A_77, %select_n3A : i32
      %convert_element_type3A = arith.extui %lt3A : i1 to i32
      %cond3A = arith.constant 0 : i32
      %cond3A_78 = arith.cmpi ne, %convert_element_type3A, %cond3A : i32
      scf.if %cond3A_78 {
        %add3A_101 = arith.constant 2 : i32
        %add3A_102 = arith.addi %add3A_62, %add3A_101 : i32
        %mul3A_103 = arith.constant 128 : i32
        %mul3A_104 = arith.muli %add3A_102, %mul3A_103 : i32
        %add3A_105 = arith.addi %mul3A_8, %mul3A_104 : i32
        %run_scoped3A_106 = arith.constant 0 : i32
        "tpu.region"() ({
          %run_scoped3A_120 = tpu.sem_alloc : memref<!tpu.dma_semaphore, #tpu.memory_space<semaphore_mem>>
          %dma_start3A_121 = arith.constant 0 : i32
          %dma_start3A_122 = tpu.memref_slice %arg9[%run_scoped3A_106, %dma_start3A_121] : memref<2x128xi32, #tpu.memory_space<vmem>> -> memref<1x128xi32, #tpu.memory_space<vmem>>
          %dma_start3A_123 = tpu.memref_squeeze %dma_start3A_122 : memref<1x128xi32, #tpu.memory_space<vmem>> -> memref<128xi32, #tpu.memory_space<vmem>>
          %dma_start3A_124 = tpu.memref_slice %arg3[%add3A_105] : memref<327680xi32, #tpu.memory_space<hbm>> -> memref<128xi32, #tpu.memory_space<hbm>>
          %dma_start3A_125 = arith.constant 0 : i32
          %dma_start3A_126 = tpu.memref_slice %arg9[%run_scoped3A_106, %dma_start3A_125] : memref<2x128xi32, #tpu.memory_space<vmem>> -> memref<1x128xi32, #tpu.memory_space<vmem>>
          %dma_start3A_127 = tpu.memref_squeeze %dma_start3A_126 : memref<1x128xi32, #tpu.memory_space<vmem>> -> memref<128xi32, #tpu.memory_space<vmem>>
          %dma_start3A_128 = tpu.memref_slice %arg3[%add3A_105] : memref<327680xi32, #tpu.memory_space<hbm>> -> memref<128xi32, #tpu.memory_space<hbm>>
          tpu.enqueue_dma source(%dma_start3A_128 : memref<128xi32, #tpu.memory_space<hbm>>) target(%dma_start3A_127 : memref<128xi32, #tpu.memory_space<vmem>>) target_semaphore(%run_scoped3A_120 : memref<!tpu.dma_semaphore, #tpu.memory_space<semaphore_mem>>)
          %dma_wait3A_129 = arith.constant 0 : i32
          %dma_wait3A_130 = tpu.memref_slice %arg9[%run_scoped3A_106, %dma_wait3A_129] : memref<2x128xi32, #tpu.memory_space<vmem>> -> memref<1x128xi32, #tpu.memory_space<vmem>>
          %dma_wait3A_131 = tpu.memref_squeeze %dma_wait3A_130 : memref<1x128xi32, #tpu.memory_space<vmem>> -> memref<128xi32, #tpu.memory_space<vmem>>
          %dma_wait3A_132 = tpu.memref_slice %arg3[%add3A_105] : memref<327680xi32, #tpu.memory_space<hbm>> -> memref<128xi32, #tpu.memory_space<hbm>>
          %dma_wait3A_133 = arith.constant 0 : i32
          %dma_wait3A_134 = tpu.memref_slice %arg9[%run_scoped3A_106, %dma_wait3A_133] : memref<2x128xi32, #tpu.memory_space<vmem>> -> memref<1x128xi32, #tpu.memory_space<vmem>>
          %dma_wait3A_135 = tpu.memref_squeeze %dma_wait3A_134 : memref<1x128xi32, #tpu.memory_space<vmem>> -> memref<128xi32, #tpu.memory_space<vmem>>
          %dma_wait3A_136 = tpu.memref_slice %arg3[%add3A_105] : memref<327680xi32, #tpu.memory_space<hbm>> -> memref<128xi32, #tpu.memory_space<hbm>>
          tpu.wait_dma2 semaphore(%run_scoped3A_120 : memref<!tpu.dma_semaphore, #tpu.memory_space<semaphore_mem>>) src(%dma_wait3A_136 : memref<128xi32, #tpu.memory_space<hbm>>) dst(%dma_wait3A_135 : memref<128xi32, #tpu.memory_space<vmem>>)
          tpu.yield
        }) : () -> ()
        %run_scoped3A_107 = arith.constant 0 : i32
        "tpu.region"() ({
          %run_scoped3A_120 = tpu.sem_alloc : memref<!tpu.dma_semaphore, #tpu.memory_space<semaphore_mem>>
          %dma_start3A_121 = arith.constant 0 : i32
          %dma_start3A_122 = tpu.memref_slice %arg10[%run_scoped3A_107, %dma_start3A_121] : memref<2x128xi32, #tpu.memory_space<vmem>> -> memref<1x128xi32, #tpu.memory_space<vmem>>
          %dma_start3A_123 = tpu.memref_squeeze %dma_start3A_122 : memref<1x128xi32, #tpu.memory_space<vmem>> -> memref<128xi32, #tpu.memory_space<vmem>>
          %dma_start3A_124 = tpu.memref_slice %arg4[%add3A_105] : memref<327680xi32, #tpu.memory_space<hbm>> -> memref<128xi32, #tpu.memory_space<hbm>>
          %dma_start3A_125 = arith.constant 0 : i32
          %dma_start3A_126 = tpu.memref_slice %arg10[%run_scoped3A_107, %dma_start3A_125] : memref<2x128xi32, #tpu.memory_space<vmem>> -> memref<1x128xi32, #tpu.memory_space<vmem>>
          %dma_start3A_127 = tpu.memref_squeeze %dma_start3A_126 : memref<1x128xi32, #tpu.memory_space<vmem>> -> memref<128xi32, #tpu.memory_space<vmem>>
          %dma_start3A_128 = tpu.memref_slice %arg4[%add3A_105] : memref<327680xi32, #tpu.memory_space<hbm>> -> memref<128xi32, #tpu.memory_space<hbm>>
          tpu.enqueue_dma source(%dma_start3A_128 : memref<128xi32, #tpu.memory_space<hbm>>) target(%dma_start3A_127 : memref<128xi32, #tpu.memory_space<vmem>>) target_semaphore(%run_scoped3A_120 : memref<!tpu.dma_semaphore, #tpu.memory_space<semaphore_mem>>)
          %dma_wait3A_129 = arith.constant 0 : i32
          %dma_wait3A_130 = tpu.memref_slice %arg10[%run_scoped3A_107, %dma_wait3A_129] : memref<2x128xi32, #tpu.memory_space<vmem>> -> memref<1x128xi32, #tpu.memory_space<vmem>>
          %dma_wait3A_131 = tpu.memref_squeeze %dma_wait3A_130 : memref<1x128xi32, #tpu.memory_space<vmem>> -> memref<128xi32, #tpu.memory_space<vmem>>
          %dma_wait3A_132 = tpu.memref_slice %arg4[%add3A_105] : memref<327680xi32, #tpu.memory_space<hbm>> -> memref<128xi32, #tpu.memory_space<hbm>>
          %dma_wait3A_133 = arith.constant 0 : i32
          %dma_wait3A_134 = tpu.memref_slice %arg10[%run_scoped3A_107, %dma_wait3A_133] : memref<2x128xi32, #tpu.memory_space<vmem>> -> memref<1x128xi32, #tpu.memory_space<vmem>>
          %dma_wait3A_135 = tpu.memref_squeeze %dma_wait3A_134 : memref<1x128xi32, #tpu.memory_space<vmem>> -> memref<128xi32, #tpu.memory_space<vmem>>
          %dma_wait3A_136 = tpu.memref_slice %arg4[%add3A_105] : memref<327680xi32, #tpu.memory_space<hbm>> -> memref<128xi32, #tpu.memory_space<hbm>>
          tpu.wait_dma2 semaphore(%run_scoped3A_120 : memref<!tpu.dma_semaphore, #tpu.memory_space<semaphore_mem>>) src(%dma_wait3A_136 : memref<128xi32, #tpu.memory_space<hbm>>) dst(%dma_wait3A_135 : memref<128xi32, #tpu.memory_space<vmem>>)
          tpu.yield
        }) : () -> ()
        %dma_start3A_108 = arith.constant 0 : i32
        %dma_start3A_109 = arith.constant 0 : i32
        %dma_start3A_110 = arith.constant 0 : i32
        %dma_start3A_111 = arith.constant 0 : i32
        %dma_start3A_112 = tpu.memref_slice %arg11[%dma_start3A_109, %dma_start3A_110, %dma_start3A_111] : memref<2x128x128xf32, #tpu.memory_space<vmem>> -> memref<1x128x128xf32, #tpu.memory_space<vmem>>
        %dma_start3A_113 = tpu.memref_squeeze %dma_start3A_112 : memref<1x128x128xf32, #tpu.memory_space<vmem>> -> memref<128x128xf32, #tpu.memory_space<vmem>>
        %dma_start3A_114 = arith.constant 0 : i32
        %dma_start3A_115 = tpu.memref_slice %arg9[%dma_start3A_108, %dma_start3A_114] : memref<2x128xi32, #tpu.memory_space<vmem>> -> memref<1x128xi32, #tpu.memory_space<vmem>>
        %dma_start3A_116 = tpu.memref_squeeze %dma_start3A_115 : memref<1x128xi32, #tpu.memory_space<vmem>> -> memref<128xi32, #tpu.memory_space<vmem>>
        %dma_start3A_117 = arith.constant 0 : i32
        %dma_start3A_118 = arith.constant 0 : i32
        %dma_start3A_119 = tpu.memref_slice %arg2[%dma_start3A_117, %dma_start3A_118] : memref<10000x128xf32, #tpu.memory_space<hbm>> -> memref<10000x128xf32, #tpu.memory_space<hbm>>
        tpu.enqueue_indirect_dma source(%dma_start3A_119 : memref<10000x128xf32, #tpu.memory_space<hbm>>) target(%dma_start3A_113 : memref<128x128xf32, #tpu.memory_space<vmem>>) offsets(%dma_start3A_116 : memref<128xi32, #tpu.memory_space<vmem>>) semaphore(%arg16 : memref<!tpu.dma_semaphore, #tpu.memory_space<semaphore_mem>>)
      } else {
      }
      %add3A_79 = arith.constant 1 : i32
      %add3A_80 = arith.addi %add3A_60, %add3A_79 : i32
      %dma_wait3A_81 = arith.constant 1 : i32
      %dma_wait3A_82 = arith.constant 1 : i32
      %dma_wait3A_83 = arith.constant 0 : i32
      %dma_wait3A_84 = arith.constant 0 : i32
      %dma_wait3A_85 = tpu.memref_slice %arg11[%dma_wait3A_82, %dma_wait3A_83, %dma_wait3A_84] : memref<2x128x128xf32, #tpu.memory_space<vmem>> -> memref<1x128x128xf32, #tpu.memory_space<vmem>>
      %dma_wait3A_86 = tpu.memref_squeeze %dma_wait3A_85 : memref<1x128x128xf32, #tpu.memory_space<vmem>> -> memref<128x128xf32, #tpu.memory_space<vmem>>
      %dma_wait3A_87 = arith.constant 0 : i32
      %dma_wait3A_88 = tpu.memref_slice %arg9[%dma_wait3A_81, %dma_wait3A_87] : memref<2x128xi32, #tpu.memory_space<vmem>> -> memref<1x128xi32, #tpu.memory_space<vmem>>
      %dma_wait3A_89 = tpu.memref_squeeze %dma_wait3A_88 : memref<1x128xi32, #tpu.memory_space<vmem>> -> memref<128xi32, #tpu.memory_space<vmem>>
      %dma_wait3A_90 = arith.constant 0 : i32
      %dma_wait3A_91 = arith.constant 0 : i32
      %dma_wait3A_92 = tpu.memref_slice %arg2[%dma_wait3A_90, %dma_wait3A_91] : memref<10000x128xf32, #tpu.memory_space<hbm>> -> memref<10000x128xf32, #tpu.memory_space<hbm>>
      tpu.wait_indirect_dma semaphore(%arg17 : memref<!tpu.dma_semaphore, #tpu.memory_space<semaphore_mem>>) src(%dma_wait3A_92 : memref<10000x128xf32, #tpu.memory_space<hbm>>) dst(%dma_wait3A_86 : memref<128x128xf32, #tpu.memory_space<vmem>>)
      %run_scoped3A_93 = arith.constant 1 : i32
      %run_scoped3A_94 = arith.constant 1 : i32
      "tpu.region"() ({
        %run_scoped3A_101 = tpu.sem_alloc : memref<!tpu.dma_semaphore, #tpu.memory_space<semaphore_mem>>
        %dma_start3A_102 = arith.constant 0 : i32
        %dma_start3A_103 = arith.constant 0 : i32
        %dma_start3A_104 = tpu.memref_slice %arg11[%run_scoped3A_93, %dma_start3A_102, %dma_start3A_103] : memref<2x128x128xf32, #tpu.memory_space<vmem>> -> memref<1x128x128xf32, #tpu.memory_space<vmem>>
        %dma_start3A_105 = tpu.memref_squeeze %dma_start3A_104 : memref<1x128x128xf32, #tpu.memory_space<vmem>> -> memref<128x128xf32, #tpu.memory_space<vmem>>
        %dma_start3A_106 = arith.constant 0 : i32
        %dma_start3A_107 = tpu.memref_slice %arg10[%run_scoped3A_94, %dma_start3A_106] : memref<2x128xi32, #tpu.memory_space<vmem>> -> memref<1x128xi32, #tpu.memory_space<vmem>>
        %dma_start3A_108 = tpu.memref_squeeze %dma_start3A_107 : memref<1x128xi32, #tpu.memory_space<vmem>> -> memref<128xi32, #tpu.memory_space<vmem>>
        %dma_start3A_109 = arith.constant 0 : i32
        %dma_start3A_110 = arith.constant 0 : i32
        %dma_start3A_111 = tpu.memref_slice %arg14[%dma_start3A_109, %dma_start3A_110] : memref<10112x128xf32, #tpu.memory_space<vmem_shared>> -> memref<10112x128xf32, #tpu.memory_space<vmem_shared>>
        tpu.enqueue_indirect_dma source(%dma_start3A_105 : memref<128x128xf32, #tpu.memory_space<vmem>>) target(%dma_start3A_111 : memref<10112x128xf32, #tpu.memory_space<vmem_shared>>) offsets(%dma_start3A_108 : memref<128xi32, #tpu.memory_space<vmem>>) semaphore(%run_scoped3A_101 : memref<!tpu.dma_semaphore, #tpu.memory_space<semaphore_mem>>) {add = true}
        %dma_wait3A_112 = arith.constant 0 : i32
        %dma_wait3A_113 = arith.constant 0 : i32
        %dma_wait3A_114 = tpu.memref_slice %arg11[%run_scoped3A_93, %dma_wait3A_112, %dma_wait3A_113] : memref<2x128x128xf32, #tpu.memory_space<vmem>> -> memref<1x128x128xf32, #tpu.memory_space<vmem>>
        %dma_wait3A_115 = tpu.memref_squeeze %dma_wait3A_114 : memref<1x128x128xf32, #tpu.memory_space<vmem>> -> memref<128x128xf32, #tpu.memory_space<vmem>>
        %dma_wait3A_116 = arith.constant 0 : i32
        %dma_wait3A_117 = tpu.memref_slice %arg10[%run_scoped3A_94, %dma_wait3A_116] : memref<2x128xi32, #tpu.memory_space<vmem>> -> memref<1x128xi32, #tpu.memory_space<vmem>>
        %dma_wait3A_118 = tpu.memref_squeeze %dma_wait3A_117 : memref<1x128xi32, #tpu.memory_space<vmem>> -> memref<128xi32, #tpu.memory_space<vmem>>
        %dma_wait3A_119 = arith.constant 0 : i32
        %dma_wait3A_120 = arith.constant 0 : i32
        %dma_wait3A_121 = tpu.memref_slice %arg14[%dma_wait3A_119, %dma_wait3A_120] : memref<10112x128xf32, #tpu.memory_space<vmem_shared>> -> memref<10112x128xf32, #tpu.memory_space<vmem_shared>>
        tpu.wait_indirect_dma semaphore(%run_scoped3A_101 : memref<!tpu.dma_semaphore, #tpu.memory_space<semaphore_mem>>) src(%dma_wait3A_115 : memref<128x128xf32, #tpu.memory_space<vmem>>) dst(%dma_wait3A_121 : memref<10112x128xf32, #tpu.memory_space<vmem_shared>>)
        tpu.yield
      }) : () -> ()
      %add3A_95 = arith.constant 2 : i32
      %add3A_96 = arith.addi %add3A_80, %add3A_95 : i32
      %lt3A_97 = arith.cmpi slt, %add3A_96, %select_n3A : i32
      %convert_element_type3A_98 = arith.extui %lt3A_97 : i1 to i32
      %cond3A_99 = arith.constant 0 : i32
      %cond3A_100 = arith.cmpi ne, %convert_element_type3A_98, %cond3A_99 : i32
      scf.if %cond3A_100 {
        %add3A_101 = arith.constant 2 : i32
        %add3A_102 = arith.addi %add3A_80, %add3A_101 : i32
        %mul3A_103 = arith.constant 128 : i32
        %mul3A_104 = arith.muli %add3A_102, %mul3A_103 : i32
        %add3A_105 = arith.addi %mul3A_8, %mul3A_104 : i32
        %run_scoped3A_106 = arith.constant 1 : i32
        "tpu.region"() ({
          %run_scoped3A_120 = tpu.sem_alloc : memref<!tpu.dma_semaphore, #tpu.memory_space<semaphore_mem>>
          %dma_start3A_121 = arith.constant 0 : i32
          %dma_start3A_122 = tpu.memref_slice %arg9[%run_scoped3A_106, %dma_start3A_121] : memref<2x128xi32, #tpu.memory_space<vmem>> -> memref<1x128xi32, #tpu.memory_space<vmem>>
          %dma_start3A_123 = tpu.memref_squeeze %dma_start3A_122 : memref<1x128xi32, #tpu.memory_space<vmem>> -> memref<128xi32, #tpu.memory_space<vmem>>
          %dma_start3A_124 = tpu.memref_slice %arg3[%add3A_105] : memref<327680xi32, #tpu.memory_space<hbm>> -> memref<128xi32, #tpu.memory_space<hbm>>
          %dma_start3A_125 = arith.constant 0 : i32
          %dma_start3A_126 = tpu.memref_slice %arg9[%run_scoped3A_106, %dma_start3A_125] : memref<2x128xi32, #tpu.memory_space<vmem>> -> memref<1x128xi32, #tpu.memory_space<vmem>>
          %dma_start3A_127 = tpu.memref_squeeze %dma_start3A_126 : memref<1x128xi32, #tpu.memory_space<vmem>> -> memref<128xi32, #tpu.memory_space<vmem>>
          %dma_start3A_128 = tpu.memref_slice %arg3[%add3A_105] : memref<327680xi32, #tpu.memory_space<hbm>> -> memref<128xi32, #tpu.memory_space<hbm>>
          tpu.enqueue_dma source(%dma_start3A_128 : memref<128xi32, #tpu.memory_space<hbm>>) target(%dma_start3A_127 : memref<128xi32, #tpu.memory_space<vmem>>) target_semaphore(%run_scoped3A_120 : memref<!tpu.dma_semaphore, #tpu.memory_space<semaphore_mem>>)
          %dma_wait3A_129 = arith.constant 0 : i32
          %dma_wait3A_130 = tpu.memref_slice %arg9[%run_scoped3A_106, %dma_wait3A_129] : memref<2x128xi32, #tpu.memory_space<vmem>> -> memref<1x128xi32, #tpu.memory_space<vmem>>
          %dma_wait3A_131 = tpu.memref_squeeze %dma_wait3A_130 : memref<1x128xi32, #tpu.memory_space<vmem>> -> memref<128xi32, #tpu.memory_space<vmem>>
          %dma_wait3A_132 = tpu.memref_slice %arg3[%add3A_105] : memref<327680xi32, #tpu.memory_space<hbm>> -> memref<128xi32, #tpu.memory_space<hbm>>
          %dma_wait3A_133 = arith.constant 0 : i32
          %dma_wait3A_134 = tpu.memref_slice %arg9[%run_scoped3A_106, %dma_wait3A_133] : memref<2x128xi32, #tpu.memory_space<vmem>> -> memref<1x128xi32, #tpu.memory_space<vmem>>
          %dma_wait3A_135 = tpu.memref_squeeze %dma_wait3A_134 : memref<1x128xi32, #tpu.memory_space<vmem>> -> memref<128xi32, #tpu.memory_space<vmem>>
          %dma_wait3A_136 = tpu.memref_slice %arg3[%add3A_105] : memref<327680xi32, #tpu.memory_space<hbm>> -> memref<128xi32, #tpu.memory_space<hbm>>
          tpu.wait_dma2 semaphore(%run_scoped3A_120 : memref<!tpu.dma_semaphore, #tpu.memory_space<semaphore_mem>>) src(%dma_wait3A_136 : memref<128xi32, #tpu.memory_space<hbm>>) dst(%dma_wait3A_135 : memref<128xi32, #tpu.memory_space<vmem>>)
          tpu.yield
        }) : () -> ()
        %run_scoped3A_107 = arith.constant 1 : i32
        "tpu.region"() ({
          %run_scoped3A_120 = tpu.sem_alloc : memref<!tpu.dma_semaphore, #tpu.memory_space<semaphore_mem>>
          %dma_start3A_121 = arith.constant 0 : i32
          %dma_start3A_122 = tpu.memref_slice %arg10[%run_scoped3A_107, %dma_start3A_121] : memref<2x128xi32, #tpu.memory_space<vmem>> -> memref<1x128xi32, #tpu.memory_space<vmem>>
          %dma_start3A_123 = tpu.memref_squeeze %dma_start3A_122 : memref<1x128xi32, #tpu.memory_space<vmem>> -> memref<128xi32, #tpu.memory_space<vmem>>
          %dma_start3A_124 = tpu.memref_slice %arg4[%add3A_105] : memref<327680xi32, #tpu.memory_space<hbm>> -> memref<128xi32, #tpu.memory_space<hbm>>
          %dma_start3A_125 = arith.constant 0 : i32
          %dma_start3A_126 = tpu.memref_slice %arg10[%run_scoped3A_107, %dma_start3A_125] : memref<2x128xi32, #tpu.memory_space<vmem>> -> memref<1x128xi32, #tpu.memory_space<vmem>>
          %dma_start3A_127 = tpu.memref_squeeze %dma_start3A_126 : memref<1x128xi32, #tpu.memory_space<vmem>> -> memref<128xi32, #tpu.memory_space<vmem>>
          %dma_start3A_128 = tpu.memref_slice %arg4[%add3A_105] : memref<327680xi32, #tpu.memory_space<hbm>> -> memref<128xi32, #tpu.memory_space<hbm>>
          tpu.enqueue_dma source(%dma_start3A_128 : memref<128xi32, #tpu.memory_space<hbm>>) target(%dma_start3A_127 : memref<128xi32, #tpu.memory_space<vmem>>) target_semaphore(%run_scoped3A_120 : memref<!tpu.dma_semaphore, #tpu.memory_space<semaphore_mem>>)
          %dma_wait3A_129 = arith.constant 0 : i32
          %dma_wait3A_130 = tpu.memref_slice %arg10[%run_scoped3A_107, %dma_wait3A_129] : memref<2x128xi32, #tpu.memory_space<vmem>> -> memref<1x128xi32, #tpu.memory_space<vmem>>
          %dma_wait3A_131 = tpu.memref_squeeze %dma_wait3A_130 : memref<1x128xi32, #tpu.memory_space<vmem>> -> memref<128xi32, #tpu.memory_space<vmem>>
          %dma_wait3A_132 = tpu.memref_slice %arg4[%add3A_105] : memref<327680xi32, #tpu.memory_space<hbm>> -> memref<128xi32, #tpu.memory_space<hbm>>
          %dma_wait3A_133 = arith.constant 0 : i32
          %dma_wait3A_134 = tpu.memref_slice %arg10[%run_scoped3A_107, %dma_wait3A_133] : memref<2x128xi32, #tpu.memory_space<vmem>> -> memref<1x128xi32, #tpu.memory_space<vmem>>
          %dma_wait3A_135 = tpu.memref_squeeze %dma_wait3A_134 : memref<1x128xi32, #tpu.memory_space<vmem>> -> memref<128xi32, #tpu.memory_space<vmem>>
          %dma_wait3A_136 = tpu.memref_slice %arg4[%add3A_105] : memref<327680xi32, #tpu.memory_space<hbm>> -> memref<128xi32, #tpu.memory_space<hbm>>
          tpu.wait_dma2 semaphore(%run_scoped3A_120 : memref<!tpu.dma_semaphore, #tpu.memory_space<semaphore_mem>>) src(%dma_wait3A_136 : memref<128xi32, #tpu.memory_space<hbm>>) dst(%dma_wait3A_135 : memref<128xi32, #tpu.memory_space<vmem>>)
          tpu.yield
        }) : () -> ()
        %dma_start3A_108 = arith.constant 1 : i32
        %dma_start3A_109 = arith.constant 1 : i32
        %dma_start3A_110 = arith.constant 0 : i32
        %dma_start3A_111 = arith.constant 0 : i32
        %dma_start3A_112 = tpu.memref_slice %arg11[%dma_start3A_109, %dma_start3A_110, %dma_start3A_111] : memref<2x128x128xf32, #tpu.memory_space<vmem>> -> memref<1x128x128xf32, #tpu.memory_space<vmem>>
        %dma_start3A_113 = tpu.memref_squeeze %dma_start3A_112 : memref<1x128x128xf32, #tpu.memory_space<vmem>> -> memref<128x128xf32, #tpu.memory_space<vmem>>
        %dma_start3A_114 = arith.constant 0 : i32
        %dma_start3A_115 = tpu.memref_slice %arg9[%dma_start3A_108, %dma_start3A_114] : memref<2x128xi32, #tpu.memory_space<vmem>> -> memref<1x128xi32, #tpu.memory_space<vmem>>
        %dma_start3A_116 = tpu.memref_squeeze %dma_start3A_115 : memref<1x128xi32, #tpu.memory_space<vmem>> -> memref<128xi32, #tpu.memory_space<vmem>>
        %dma_start3A_117 = arith.constant 0 : i32
        %dma_start3A_118 = arith.constant 0 : i32
        %dma_start3A_119 = tpu.memref_slice %arg2[%dma_start3A_117, %dma_start3A_118] : memref<10000x128xf32, #tpu.memory_space<hbm>> -> memref<10000x128xf32, #tpu.memory_space<hbm>>
        tpu.enqueue_indirect_dma source(%dma_start3A_119 : memref<10000x128xf32, #tpu.memory_space<hbm>>) target(%dma_start3A_113 : memref<128x128xf32, #tpu.memory_space<vmem>>) offsets(%dma_start3A_116 : memref<128xi32, #tpu.memory_space<vmem>>) semaphore(%arg17 : memref<!tpu.dma_semaphore, #tpu.memory_space<semaphore_mem>>)
      } else {
      }
    }
    %while3A_56 = arith.constant 1 : i32
    scf.for %while3A_58 = %while3A_54 to %while3A_50 step %while3A_56  : i32 {
      %mul3A_59 = arith.muli %while3A_58, %while3A : i32
      %add3A_60 = arith.addi %while3A_47, %mul3A_59 : i32
      %add3A_61 = arith.constant 0 : i32
      %add3A_62 = arith.addi %add3A_60, %add3A_61 : i32
      %dma_wait3A = arith.constant 0 : i32
      %dma_wait3A_63 = arith.constant 0 : i32
      %dma_wait3A_64 = arith.constant 0 : i32
      %dma_wait3A_65 = arith.constant 0 : i32
      %dma_wait3A_66 = tpu.memref_slice %arg11[%dma_wait3A_63, %dma_wait3A_64, %dma_wait3A_65] : memref<2x128x128xf32, #tpu.memory_space<vmem>> -> memref<1x128x128xf32, #tpu.memory_space<vmem>>
      %dma_wait3A_67 = tpu.memref_squeeze %dma_wait3A_66 : memref<1x128x128xf32, #tpu.memory_space<vmem>> -> memref<128x128xf32, #tpu.memory_space<vmem>>
      %dma_wait3A_68 = arith.constant 0 : i32
      %dma_wait3A_69 = tpu.memref_slice %arg9[%dma_wait3A, %dma_wait3A_68] : memref<2x128xi32, #tpu.memory_space<vmem>> -> memref<1x128xi32, #tpu.memory_space<vmem>>
      %dma_wait3A_70 = tpu.memref_squeeze %dma_wait3A_69 : memref<1x128xi32, #tpu.memory_space<vmem>> -> memref<128xi32, #tpu.memory_space<vmem>>
      %dma_wait3A_71 = arith.constant 0 : i32
      %dma_wait3A_72 = arith.constant 0 : i32
      %dma_wait3A_73 = tpu.memref_slice %arg2[%dma_wait3A_71, %dma_wait3A_72] : memref<10000x128xf32, #tpu.memory_space<hbm>> -> memref<10000x128xf32, #tpu.memory_space<hbm>>
      tpu.wait_indirect_dma semaphore(%arg16 : memref<!tpu.dma_semaphore, #tpu.memory_space<semaphore_mem>>) src(%dma_wait3A_73 : memref<10000x128xf32, #tpu.memory_space<hbm>>) dst(%dma_wait3A_67 : memref<128x128xf32, #tpu.memory_space<vmem>>)
      %run_scoped3A_74 = arith.constant 0 : i32
      %run_scoped3A_75 = arith.constant 0 : i32
      "tpu.region"() ({
        %run_scoped3A_101 = tpu.sem_alloc : memref<!tpu.dma_semaphore, #tpu.memory_space<semaphore_mem>>
        %dma_start3A_102 = arith.constant 0 : i32
        %dma_start3A_103 = arith.constant 0 : i32
        %dma_start3A_104 = tpu.memref_slice %arg11[%run_scoped3A_74, %dma_start3A_102, %dma_start3A_103] : memref<2x128x128xf32, #tpu.memory_space<vmem>> -> memref<1x128x128xf32, #tpu.memory_space<vmem>>
        %dma_start3A_105 = tpu.memref_squeeze %dma_start3A_104 : memref<1x128x128xf32, #tpu.memory_space<vmem>> -> memref<128x128xf32, #tpu.memory_space<vmem>>
        %dma_start3A_106 = arith.constant 0 : i32
        %dma_start3A_107 = tpu.memref_slice %arg10[%run_scoped3A_75, %dma_start3A_106] : memref<2x128xi32, #tpu.memory_space<vmem>> -> memref<1x128xi32, #tpu.memory_space<vmem>>
        %dma_start3A_108 = tpu.memref_squeeze %dma_start3A_107 : memref<1x128xi32, #tpu.memory_space<vmem>> -> memref<128xi32, #tpu.memory_space<vmem>>
        %dma_start3A_109 = arith.constant 0 : i32
        %dma_start3A_110 = arith.constant 0 : i32
        %dma_start3A_111 = tpu.memref_slice %arg14[%dma_start3A_109, %dma_start3A_110] : memref<10112x128xf32, #tpu.memory_space<vmem_shared>> -> memref<10112x128xf32, #tpu.memory_space<vmem_shared>>
        tpu.enqueue_indirect_dma source(%dma_start3A_105 : memref<128x128xf32, #tpu.memory_space<vmem>>) target(%dma_start3A_111 : memref<10112x128xf32, #tpu.memory_space<vmem_shared>>) offsets(%dma_start3A_108 : memref<128xi32, #tpu.memory_space<vmem>>) semaphore(%run_scoped3A_101 : memref<!tpu.dma_semaphore, #tpu.memory_space<semaphore_mem>>) {add = true}
        %dma_wait3A_112 = arith.constant 0 : i32
        %dma_wait3A_113 = arith.constant 0 : i32
        %dma_wait3A_114 = tpu.memref_slice %arg11[%run_scoped3A_74, %dma_wait3A_112, %dma_wait3A_113] : memref<2x128x128xf32, #tpu.memory_space<vmem>> -> memref<1x128x128xf32, #tpu.memory_space<vmem>>
        %dma_wait3A_115 = tpu.memref_squeeze %dma_wait3A_114 : memref<1x128x128xf32, #tpu.memory_space<vmem>> -> memref<128x128xf32, #tpu.memory_space<vmem>>
        %dma_wait3A_116 = arith.constant 0 : i32
        %dma_wait3A_117 = tpu.memref_slice %arg10[%run_scoped3A_75, %dma_wait3A_116] : memref<2x128xi32, #tpu.memory_space<vmem>> -> memref<1x128xi32, #tpu.memory_space<vmem>>
        %dma_wait3A_118 = tpu.memref_squeeze %dma_wait3A_117 : memref<1x128xi32, #tpu.memory_space<vmem>> -> memref<128xi32, #tpu.memory_space<vmem>>
        %dma_wait3A_119 = arith.constant 0 : i32
        %dma_wait3A_120 = arith.constant 0 : i32
        %dma_wait3A_121 = tpu.memref_slice %arg14[%dma_wait3A_119, %dma_wait3A_120] : memref<10112x128xf32, #tpu.memory_space<vmem_shared>> -> memref<10112x128xf32, #tpu.memory_space<vmem_shared>>
        tpu.wait_indirect_dma semaphore(%run_scoped3A_101 : memref<!tpu.dma_semaphore, #tpu.memory_space<semaphore_mem>>) src(%dma_wait3A_115 : memref<128x128xf32, #tpu.memory_space<vmem>>) dst(%dma_wait3A_121 : memref<10112x128xf32, #tpu.memory_space<vmem_shared>>)
        tpu.yield
      }) : () -> ()
      %add3A_76 = arith.constant 2 : i32
      %add3A_77 = arith.addi %add3A_62, %add3A_76 : i32
      %lt3A = arith.cmpi slt, %add3A_77, %select_n3A : i32
      %convert_element_type3A = arith.extui %lt3A : i1 to i32
      %cond3A = arith.constant 0 : i32
      %cond3A_78 = arith.cmpi ne, %convert_element_type3A, %cond3A : i32
      scf.if %cond3A_78 {
        %add3A_101 = arith.constant 2 : i32
        %add3A_102 = arith.addi %add3A_62, %add3A_101 : i32
        %mul3A_103 = arith.constant 128 : i32
        %mul3A_104 = arith.muli %add3A_102, %mul3A_103 : i32
        %add3A_105 = arith.addi %mul3A_8, %mul3A_104 : i32
        %run_scoped3A_106 = arith.constant 0 : i32
        "tpu.region"() ({
          %run_scoped3A_120 = tpu.sem_alloc : memref<!tpu.dma_semaphore, #tpu.memory_space<semaphore_mem>>
          %dma_start3A_121 = arith.constant 0 : i32
          %dma_start3A_122 = tpu.memref_slice %arg9[%run_scoped3A_106, %dma_start3A_121] : memref<2x128xi32, #tpu.memory_space<vmem>> -> memref<1x128xi32, #tpu.memory_space<vmem>>
          %dma_start3A_123 = tpu.memref_squeeze %dma_start3A_122 : memref<1x128xi32, #tpu.memory_space<vmem>> -> memref<128xi32, #tpu.memory_space<vmem>>
          %dma_start3A_124 = tpu.memref_slice %arg3[%add3A_105] : memref<327680xi32, #tpu.memory_space<hbm>> -> memref<128xi32, #tpu.memory_space<hbm>>
          %dma_start3A_125 = arith.constant 0 : i32
          %dma_start3A_126 = tpu.memref_slice %arg9[%run_scoped3A_106, %dma_start3A_125] : memref<2x128xi32, #tpu.memory_space<vmem>> -> memref<1x128xi32, #tpu.memory_space<vmem>>
          %dma_start3A_127 = tpu.memref_squeeze %dma_start3A_126 : memref<1x128xi32, #tpu.memory_space<vmem>> -> memref<128xi32, #tpu.memory_space<vmem>>
          %dma_start3A_128 = tpu.memref_slice %arg3[%add3A_105] : memref<327680xi32, #tpu.memory_space<hbm>> -> memref<128xi32, #tpu.memory_space<hbm>>
          tpu.enqueue_dma source(%dma_start3A_128 : memref<128xi32, #tpu.memory_space<hbm>>) target(%dma_start3A_127 : memref<128xi32, #tpu.memory_space<vmem>>) target_semaphore(%run_scoped3A_120 : memref<!tpu.dma_semaphore, #tpu.memory_space<semaphore_mem>>)
          %dma_wait3A_129 = arith.constant 0 : i32
          %dma_wait3A_130 = tpu.memref_slice %arg9[%run_scoped3A_106, %dma_wait3A_129] : memref<2x128xi32, #tpu.memory_space<vmem>> -> memref<1x128xi32, #tpu.memory_space<vmem>>
          %dma_wait3A_131 = tpu.memref_squeeze %dma_wait3A_130 : memref<1x128xi32, #tpu.memory_space<vmem>> -> memref<128xi32, #tpu.memory_space<vmem>>
          %dma_wait3A_132 = tpu.memref_slice %arg3[%add3A_105] : memref<327680xi32, #tpu.memory_space<hbm>> -> memref<128xi32, #tpu.memory_space<hbm>>
          %dma_wait3A_133 = arith.constant 0 : i32
          %dma_wait3A_134 = tpu.memref_slice %arg9[%run_scoped3A_106, %dma_wait3A_133] : memref<2x128xi32, #tpu.memory_space<vmem>> -> memref<1x128xi32, #tpu.memory_space<vmem>>
          %dma_wait3A_135 = tpu.memref_squeeze %dma_wait3A_134 : memref<1x128xi32, #tpu.memory_space<vmem>> -> memref<128xi32, #tpu.memory_space<vmem>>
          %dma_wait3A_136 = tpu.memref_slice %arg3[%add3A_105] : memref<327680xi32, #tpu.memory_space<hbm>> -> memref<128xi32, #tpu.memory_space<hbm>>
          tpu.wait_dma2 semaphore(%run_scoped3A_120 : memref<!tpu.dma_semaphore, #tpu.memory_space<semaphore_mem>>) src(%dma_wait3A_136 : memref<128xi32, #tpu.memory_space<hbm>>) dst(%dma_wait3A_135 : memref<128xi32, #tpu.memory_space<vmem>>)
          tpu.yield
        }) : () -> ()
        %run_scoped3A_107 = arith.constant 0 : i32
        "tpu.region"() ({
          %run_scoped3A_120 = tpu.sem_alloc : memref<!tpu.dma_semaphore, #tpu.memory_space<semaphore_mem>>
          %dma_start3A_121 = arith.constant 0 : i32
          %dma_start3A_122 = tpu.memref_slice %arg10[%run_scoped3A_107, %dma_start3A_121] : memref<2x128xi32, #tpu.memory_space<vmem>> -> memref<1x128xi32, #tpu.memory_space<vmem>>
          %dma_start3A_123 = tpu.memref_squeeze %dma_start3A_122 : memref<1x128xi32, #tpu.memory_space<vmem>> -> memref<128xi32, #tpu.memory_space<vmem>>
          %dma_start3A_124 = tpu.memref_slice %arg4[%add3A_105] : memref<327680xi32, #tpu.memory_space<hbm>> -> memref<128xi32, #tpu.memory_space<hbm>>
          %dma_start3A_125 = arith.constant 0 : i32
          %dma_start3A_126 = tpu.memref_slice %arg10[%run_scoped3A_107, %dma_start3A_125] : memref<2x128xi32, #tpu.memory_space<vmem>> -> memref<1x128xi32, #tpu.memory_space<vmem>>
          %dma_start3A_127 = tpu.memref_squeeze %dma_start3A_126 : memref<1x128xi32, #tpu.memory_space<vmem>> -> memref<128xi32, #tpu.memory_space<vmem>>
          %dma_start3A_128 = tpu.memref_slice %arg4[%add3A_105] : memref<327680xi32, #tpu.memory_space<hbm>> -> memref<128xi32, #tpu.memory_space<hbm>>
          tpu.enqueue_dma source(%dma_start3A_128 : memref<128xi32, #tpu.memory_space<hbm>>) target(%dma_start3A_127 : memref<128xi32, #tpu.memory_space<vmem>>) target_semaphore(%run_scoped3A_120 : memref<!tpu.dma_semaphore, #tpu.memory_space<semaphore_mem>>)
          %dma_wait3A_129 = arith.constant 0 : i32
          %dma_wait3A_130 = tpu.memref_slice %arg10[%run_scoped3A_107, %dma_wait3A_129] : memref<2x128xi32, #tpu.memory_space<vmem>> -> memref<1x128xi32, #tpu.memory_space<vmem>>
          %dma_wait3A_131 = tpu.memref_squeeze %dma_wait3A_130 : memref<1x128xi32, #tpu.memory_space<vmem>> -> memref<128xi32, #tpu.memory_space<vmem>>
          %dma_wait3A_132 = tpu.memref_slice %arg4[%add3A_105] : memref<327680xi32, #tpu.memory_space<hbm>> -> memref<128xi32, #tpu.memory_space<hbm>>
          %dma_wait3A_133 = arith.constant 0 : i32
          %dma_wait3A_134 = tpu.memref_slice %arg10[%run_scoped3A_107, %dma_wait3A_133] : memref<2x128xi32, #tpu.memory_space<vmem>> -> memref<1x128xi32, #tpu.memory_space<vmem>>
          %dma_wait3A_135 = tpu.memref_squeeze %dma_wait3A_134 : memref<1x128xi32, #tpu.memory_space<vmem>> -> memref<128xi32, #tpu.memory_space<vmem>>
          %dma_wait3A_136 = tpu.memref_slice %arg4[%add3A_105] : memref<327680xi32, #tpu.memory_space<hbm>> -> memref<128xi32, #tpu.memory_space<hbm>>
          tpu.wait_dma2 semaphore(%run_scoped3A_120 : memref<!tpu.dma_semaphore, #tpu.memory_space<semaphore_mem>>) src(%dma_wait3A_136 : memref<128xi32, #tpu.memory_space<hbm>>) dst(%dma_wait3A_135 : memref<128xi32, #tpu.memory_space<vmem>>)
          tpu.yield
        }) : () -> ()
        %dma_start3A_108 = arith.constant 0 : i32
        %dma_start3A_109 = arith.constant 0 : i32
        %dma_start3A_110 = arith.constant 0 : i32
        %dma_start3A_111 = arith.constant 0 : i32
        %dma_start3A_112 = tpu.memref_slice %arg11[%dma_start3A_109, %dma_start3A_110, %dma_start3A_111] : memref<2x128x128xf32, #tpu.memory_space<vmem>> -> memref<1x128x128xf32, #tpu.memory_space<vmem>>
        %dma_start3A_113 = tpu.memref_squeeze %dma_start3A_112 : memref<1x128x128xf32, #tpu.memory_space<vmem>> -> memref<128x128xf32, #tpu.memory_space<vmem>>
        %dma_start3A_114 = arith.constant 0 : i32
        %dma_start3A_115 = tpu.memref_slice %arg9[%dma_start3A_108, %dma_start3A_114] : memref<2x128xi32, #tpu.memory_space<vmem>> -> memref<1x128xi32, #tpu.memory_space<vmem>>
        %dma_start3A_116 = tpu.memref_squeeze %dma_start3A_115 : memref<1x128xi32, #tpu.memory_space<vmem>> -> memref<128xi32, #tpu.memory_space<vmem>>
        %dma_start3A_117 = arith.constant 0 : i32
        %dma_start3A_118 = arith.constant 0 : i32
        %dma_start3A_119 = tpu.memref_slice %arg2[%dma_start3A_117, %dma_start3A_118] : memref<10000x128xf32, #tpu.memory_space<hbm>> -> memref<10000x128xf32, #tpu.memory_space<hbm>>
        tpu.enqueue_indirect_dma source(%dma_start3A_119 : memref<10000x128xf32, #tpu.memory_space<hbm>>) target(%dma_start3A_113 : memref<128x128xf32, #tpu.memory_space<vmem>>) offsets(%dma_start3A_116 : memref<128xi32, #tpu.memory_space<vmem>>) semaphore(%arg16 : memref<!tpu.dma_semaphore, #tpu.memory_space<semaphore_mem>>)
      } else {
      }
      %add3A_79 = arith.constant 1 : i32
      %add3A_80 = arith.addi %add3A_60, %add3A_79 : i32
      %dma_wait3A_81 = arith.constant 1 : i32
      %dma_wait3A_82 = arith.constant 1 : i32
      %dma_wait3A_83 = arith.constant 0 : i32
      %dma_wait3A_84 = arith.constant 0 : i32
      %dma_wait3A_85 = tpu.memref_slice %arg11[%dma_wait3A_82, %dma_wait3A_83, %dma_wait3A_84] : memref<2x128x128xf32, #tpu.memory_space<vmem>> -> memref<1x128x128xf32, #tpu.memory_space<vmem>>
      %dma_wait3A_86 = tpu.memref_squeeze %dma_wait3A_85 : memref<1x128x128xf32, #tpu.memory_space<vmem>> -> memref<128x128xf32, #tpu.memory_space<vmem>>
      %dma_wait3A_87 = arith.constant 0 : i32
      %dma_wait3A_88 = tpu.memref_slice %arg9[%dma_wait3A_81, %dma_wait3A_87] : memref<2x128xi32, #tpu.memory_space<vmem>> -> memref<1x128xi32, #tpu.memory_space<vmem>>
      %dma_wait3A_89 = tpu.memref_squeeze %dma_wait3A_88 : memref<1x128xi32, #tpu.memory_space<vmem>> -> memref<128xi32, #tpu.memory_space<vmem>>
      %dma_wait3A_90 = arith.constant 0 : i32
      %dma_wait3A_91 = arith.constant 0 : i32
      %dma_wait3A_92 = tpu.memref_slice %arg2[%dma_wait3A_90, %dma_wait3A_91] : memref<10000x128xf32, #tpu.memory_space<hbm>> -> memref<10000x128xf32, #tpu.memory_space<hbm>>
      tpu.wait_indirect_dma semaphore(%arg17 : memref<!tpu.dma_semaphore, #tpu.memory_space<semaphore_mem>>) src(%dma_wait3A_92 : memref<10000x128xf32, #tpu.memory_space<hbm>>) dst(%dma_wait3A_86 : memref<128x128xf32, #tpu.memory_space<vmem>>)
      %run_scoped3A_93 = arith.constant 1 : i32
      %run_scoped3A_94 = arith.constant 1 : i32
      "tpu.region"() ({
        %run_scoped3A_101 = tpu.sem_alloc : memref<!tpu.dma_semaphore, #tpu.memory_space<semaphore_mem>>
        %dma_start3A_102 = arith.constant 0 : i32
        %dma_start3A_103 = arith.constant 0 : i32
        %dma_start3A_104 = tpu.memref_slice %arg11[%run_scoped3A_93, %dma_start3A_102, %dma_start3A_103] : memref<2x128x128xf32, #tpu.memory_space<vmem>> -> memref<1x128x128xf32, #tpu.memory_space<vmem>>
        %dma_start3A_105 = tpu.memref_squeeze %dma_start3A_104 : memref<1x128x128xf32, #tpu.memory_space<vmem>> -> memref<128x128xf32, #tpu.memory_space<vmem>>
        %dma_start3A_106 = arith.constant 0 : i32
        %dma_start3A_107 = tpu.memref_slice %arg10[%run_scoped3A_94, %dma_start3A_106] : memref<2x128xi32, #tpu.memory_space<vmem>> -> memref<1x128xi32, #tpu.memory_space<vmem>>
        %dma_start3A_108 = tpu.memref_squeeze %dma_start3A_107 : memref<1x128xi32, #tpu.memory_space<vmem>> -> memref<128xi32, #tpu.memory_space<vmem>>
        %dma_start3A_109 = arith.constant 0 : i32
        %dma_start3A_110 = arith.constant 0 : i32
        %dma_start3A_111 = tpu.memref_slice %arg14[%dma_start3A_109, %dma_start3A_110] : memref<10112x128xf32, #tpu.memory_space<vmem_shared>> -> memref<10112x128xf32, #tpu.memory_space<vmem_shared>>
        tpu.enqueue_indirect_dma source(%dma_start3A_105 : memref<128x128xf32, #tpu.memory_space<vmem>>) target(%dma_start3A_111 : memref<10112x128xf32, #tpu.memory_space<vmem_shared>>) offsets(%dma_start3A_108 : memref<128xi32, #tpu.memory_space<vmem>>) semaphore(%run_scoped3A_101 : memref<!tpu.dma_semaphore, #tpu.memory_space<semaphore_mem>>) {add = true}
        %dma_wait3A_112 = arith.constant 0 : i32
        %dma_wait3A_113 = arith.constant 0 : i32
        %dma_wait3A_114 = tpu.memref_slice %arg11[%run_scoped3A_93, %dma_wait3A_112, %dma_wait3A_113] : memref<2x128x128xf32, #tpu.memory_space<vmem>> -> memref<1x128x128xf32, #tpu.memory_space<vmem>>
        %dma_wait3A_115 = tpu.memref_squeeze %dma_wait3A_114 : memref<1x128x128xf32, #tpu.memory_space<vmem>> -> memref<128x128xf32, #tpu.memory_space<vmem>>
        %dma_wait3A_116 = arith.constant 0 : i32
        %dma_wait3A_117 = tpu.memref_slice %arg10[%run_scoped3A_94, %dma_wait3A_116] : memref<2x128xi32, #tpu.memory_space<vmem>> -> memref<1x128xi32, #tpu.memory_space<vmem>>
        %dma_wait3A_118 = tpu.memref_squeeze %dma_wait3A_117 : memref<1x128xi32, #tpu.memory_space<vmem>> -> memref<128xi32, #tpu.memory_space<vmem>>
        %dma_wait3A_119 = arith.constant 0 : i32
        %dma_wait3A_120 = arith.constant 0 : i32
        %dma_wait3A_121 = tpu.memref_slice %arg14[%dma_wait3A_119, %dma_wait3A_120] : memref<10112x128xf32, #tpu.memory_space<vmem_shared>> -> memref<10112x128xf32, #tpu.memory_space<vmem_shared>>
        tpu.wait_indirect_dma semaphore(%run_scoped3A_101 : memref<!tpu.dma_semaphore, #tpu.memory_space<semaphore_mem>>) src(%dma_wait3A_115 : memref<128x128xf32, #tpu.memory_space<vmem>>) dst(%dma_wait3A_121 : memref<10112x128xf32, #tpu.memory_space<vmem_shared>>)
        tpu.yield
      }) : () -> ()
      %add3A_95 = arith.constant 2 : i32
      %add3A_96 = arith.addi %add3A_80, %add3A_95 : i32
      %lt3A_97 = arith.cmpi slt, %add3A_96, %select_n3A : i32
      %convert_element_type3A_98 = arith.extui %lt3A_97 : i1 to i32
      %cond3A_99 = arith.constant 0 : i32
      %cond3A_100 = arith.cmpi ne, %convert_element_type3A_98, %cond3A_99 : i32
      scf.if %cond3A_100 {
        %add3A_101 = arith.constant 2 : i32
        %add3A_102 = arith.addi %add3A_80, %add3A_101 : i32
        %mul3A_103 = arith.constant 128 : i32
        %mul3A_104 = arith.muli %add3A_102, %mul3A_103 : i32
        %add3A_105 = arith.addi %mul3A_8, %mul3A_104 : i32
        %run_scoped3A_106 = arith.constant 1 : i32
        "tpu.region"() ({
          %run_scoped3A_120 = tpu.sem_alloc : memref<!tpu.dma_semaphore, #tpu.memory_space<semaphore_mem>>
          %dma_start3A_121 = arith.constant 0 : i32
          %dma_start3A_122 = tpu.memref_slice %arg9[%run_scoped3A_106, %dma_start3A_121] : memref<2x128xi32, #tpu.memory_space<vmem>> -> memref<1x128xi32, #tpu.memory_space<vmem>>
          %dma_start3A_123 = tpu.memref_squeeze %dma_start3A_122 : memref<1x128xi32, #tpu.memory_space<vmem>> -> memref<128xi32, #tpu.memory_space<vmem>>
          %dma_start3A_124 = tpu.memref_slice %arg3[%add3A_105] : memref<327680xi32, #tpu.memory_space<hbm>> -> memref<128xi32, #tpu.memory_space<hbm>>
          %dma_start3A_125 = arith.constant 0 : i32
          %dma_start3A_126 = tpu.memref_slice %arg9[%run_scoped3A_106, %dma_start3A_125] : memref<2x128xi32, #tpu.memory_space<vmem>> -> memref<1x128xi32, #tpu.memory_space<vmem>>
          %dma_start3A_127 = tpu.memref_squeeze %dma_start3A_126 : memref<1x128xi32, #tpu.memory_space<vmem>> -> memref<128xi32, #tpu.memory_space<vmem>>
          %dma_start3A_128 = tpu.memref_slice %arg3[%add3A_105] : memref<327680xi32, #tpu.memory_space<hbm>> -> memref<128xi32, #tpu.memory_space<hbm>>
          tpu.enqueue_dma source(%dma_start3A_128 : memref<128xi32, #tpu.memory_space<hbm>>) target(%dma_start3A_127 : memref<128xi32, #tpu.memory_space<vmem>>) target_semaphore(%run_scoped3A_120 : memref<!tpu.dma_semaphore, #tpu.memory_space<semaphore_mem>>)
          %dma_wait3A_129 = arith.constant 0 : i32
          %dma_wait3A_130 = tpu.memref_slice %arg9[%run_scoped3A_106, %dma_wait3A_129] : memref<2x128xi32, #tpu.memory_space<vmem>> -> memref<1x128xi32, #tpu.memory_space<vmem>>
          %dma_wait3A_131 = tpu.memref_squeeze %dma_wait3A_130 : memref<1x128xi32, #tpu.memory_space<vmem>> -> memref<128xi32, #tpu.memory_space<vmem>>
          %dma_wait3A_132 = tpu.memref_slice %arg3[%add3A_105] : memref<327680xi32, #tpu.memory_space<hbm>> -> memref<128xi32, #tpu.memory_space<hbm>>
          %dma_wait3A_133 = arith.constant 0 : i32
          %dma_wait3A_134 = tpu.memref_slice %arg9[%run_scoped3A_106, %dma_wait3A_133] : memref<2x128xi32, #tpu.memory_space<vmem>> -> memref<1x128xi32, #tpu.memory_space<vmem>>
          %dma_wait3A_135 = tpu.memref_squeeze %dma_wait3A_134 : memref<1x128xi32, #tpu.memory_space<vmem>> -> memref<128xi32, #tpu.memory_space<vmem>>
          %dma_wait3A_136 = tpu.memref_slice %arg3[%add3A_105] : memref<327680xi32, #tpu.memory_space<hbm>> -> memref<128xi32, #tpu.memory_space<hbm>>
          tpu.wait_dma2 semaphore(%run_scoped3A_120 : memref<!tpu.dma_semaphore, #tpu.memory_space<semaphore_mem>>) src(%dma_wait3A_136 : memref<128xi32, #tpu.memory_space<hbm>>) dst(%dma_wait3A_135 : memref<128xi32, #tpu.memory_space<vmem>>)
          tpu.yield
        }) : () -> ()
        %run_scoped3A_107 = arith.constant 1 : i32
        "tpu.region"() ({
          %run_scoped3A_120 = tpu.sem_alloc : memref<!tpu.dma_semaphore, #tpu.memory_space<semaphore_mem>>
          %dma_start3A_121 = arith.constant 0 : i32
          %dma_start3A_122 = tpu.memref_slice %arg10[%run_scoped3A_107, %dma_start3A_121] : memref<2x128xi32, #tpu.memory_space<vmem>> -> memref<1x128xi32, #tpu.memory_space<vmem>>
          %dma_start3A_123 = tpu.memref_squeeze %dma_start3A_122 : memref<1x128xi32, #tpu.memory_space<vmem>> -> memref<128xi32, #tpu.memory_space<vmem>>
          %dma_start3A_124 = tpu.memref_slice %arg4[%add3A_105] : memref<327680xi32, #tpu.memory_space<hbm>> -> memref<128xi32, #tpu.memory_space<hbm>>
          %dma_start3A_125 = arith.constant 0 : i32
          %dma_start3A_126 = tpu.memref_slice %arg10[%run_scoped3A_107, %dma_start3A_125] : memref<2x128xi32, #tpu.memory_space<vmem>> -> memref<1x128xi32, #tpu.memory_space<vmem>>
          %dma_start3A_127 = tpu.memref_squeeze %dma_start3A_126 : memref<1x128xi32, #tpu.memory_space<vmem>> -> memref<128xi32, #tpu.memory_space<vmem>>
          %dma_start3A_128 = tpu.memref_slice %arg4[%add3A_105] : memref<327680xi32, #tpu.memory_space<hbm>> -> memref<128xi32, #tpu.memory_space<hbm>>
          tpu.enqueue_dma source(%dma_start3A_128 : memref<128xi32, #tpu.memory_space<hbm>>) target(%dma_start3A_127 : memref<128xi32, #tpu.memory_space<vmem>>) target_semaphore(%run_scoped3A_120 : memref<!tpu.dma_semaphore, #tpu.memory_space<semaphore_mem>>)
          %dma_wait3A_129 = arith.constant 0 : i32
          %dma_wait3A_130 = tpu.memref_slice %arg10[%run_scoped3A_107, %dma_wait3A_129] : memref<2x128xi32, #tpu.memory_space<vmem>> -> memref<1x128xi32, #tpu.memory_space<vmem>>
          %dma_wait3A_131 = tpu.memref_squeeze %dma_wait3A_130 : memref<1x128xi32, #tpu.memory_space<vmem>> -> memref<128xi32, #tpu.memory_space<vmem>>
          %dma_wait3A_132 = tpu.memref_slice %arg4[%add3A_105] : memref<327680xi32, #tpu.memory_space<hbm>> -> memref<128xi32, #tpu.memory_space<hbm>>
          %dma_wait3A_133 = arith.constant 0 : i32
          %dma_wait3A_134 = tpu.memref_slice %arg10[%run_scoped3A_107, %dma_wait3A_133] : memref<2x128xi32, #tpu.memory_space<vmem>> -> memref<1x128xi32, #tpu.memory_space<vmem>>
          %dma_wait3A_135 = tpu.memref_squeeze %dma_wait3A_134 : memref<1x128xi32, #tpu.memory_space<vmem>> -> memref<128xi32, #tpu.memory_space<vmem>>
          %dma_wait3A_136 = tpu.memref_slice %arg4[%add3A_105] : memref<327680xi32, #tpu.memory_space<hbm>> -> memref<128xi32, #tpu.memory_space<hbm>>
          tpu.wait_dma2 semaphore(%run_scoped3A_120 : memref<!tpu.dma_semaphore, #tpu.memory_space<semaphore_mem>>) src(%dma_wait3A_136 : memref<128xi32, #tpu.memory_space<hbm>>) dst(%dma_wait3A_135 : memref<128xi32, #tpu.memory_space<vmem>>)
          tpu.yield
        }) : () -> ()
        %dma_start3A_108 = arith.constant 1 : i32
        %dma_start3A_109 = arith.constant 1 : i32
        %dma_start3A_110 = arith.constant 0 : i32
        %dma_start3A_111 = arith.constant 0 : i32
        %dma_start3A_112 = tpu.memref_slice %arg11[%dma_start3A_109, %dma_start3A_110, %dma_start3A_111] : memref<2x128x128xf32, #tpu.memory_space<vmem>> -> memref<1x128x128xf32, #tpu.memory_space<vmem>>
        %dma_start3A_113 = tpu.memref_squeeze %dma_start3A_112 : memref<1x128x128xf32, #tpu.memory_space<vmem>> -> memref<128x128xf32, #tpu.memory_space<vmem>>
        %dma_start3A_114 = arith.constant 0 : i32
        %dma_start3A_115 = tpu.memref_slice %arg9[%dma_start3A_108, %dma_start3A_114] : memref<2x128xi32, #tpu.memory_space<vmem>> -> memref<1x128xi32, #tpu.memory_space<vmem>>
        %dma_start3A_116 = tpu.memref_squeeze %dma_start3A_115 : memref<1x128xi32, #tpu.memory_space<vmem>> -> memref<128xi32, #tpu.memory_space<vmem>>
        %dma_start3A_117 = arith.constant 0 : i32
        %dma_start3A_118 = arith.constant 0 : i32
        %dma_start3A_119 = tpu.memref_slice %arg2[%dma_start3A_117, %dma_start3A_118] : memref<10000x128xf32, #tpu.memory_space<hbm>> -> memref<10000x128xf32, #tpu.memory_space<hbm>>
        tpu.enqueue_indirect_dma source(%dma_start3A_119 : memref<10000x128xf32, #tpu.memory_space<hbm>>) target(%dma_start3A_113 : memref<128x128xf32, #tpu.memory_space<vmem>>) offsets(%dma_start3A_116 : memref<128xi32, #tpu.memory_space<vmem>>) semaphore(%arg17 : memref<!tpu.dma_semaphore, #tpu.memory_space<semaphore_mem>>)
      } else {
      }
    }
    %barrier3A_57 = arith.constant 0 : index
    tpu.barrier barrier_id(%barrier3A_57)
    "tpu.region"() ({
      %run_scoped3A_58 = tpu.sem_alloc : memref<!tpu.dma_semaphore, #tpu.memory_space<semaphore_mem>>
      %dma_start3A_59 = arith.constant 0 : i32
      %dma_start3A_60 = tpu.memref_slice %arg8[%arg0, %mul3A_0, %dma_start3A_59] : memref<2x10112x128xf32, #tpu.memory_space<hbm>> -> memref<1x632x128xf32, #tpu.memory_space<hbm>>
      %dma_start3A_61 = tpu.memref_squeeze %dma_start3A_60 : memref<1x632x128xf32, #tpu.memory_space<hbm>> -> memref<632x128xf32, #tpu.memory_space<hbm>>
      %dma_start3A_62 = arith.constant 0 : i32
      %dma_start3A_63 = tpu.memref_slice %arg14[%mul3A_0, %dma_start3A_62] : memref<10112x128xf32, #tpu.memory_space<vmem_shared>> -> memref<632x128xf32, #tpu.memory_space<vmem_shared>>
      tpu.enqueue_dma source(%dma_start3A_63 : memref<632x128xf32, #tpu.memory_space<vmem_shared>>) target(%dma_start3A_61 : memref<632x128xf32, #tpu.memory_space<hbm>>) target_semaphore(%run_scoped3A_58 : memref<!tpu.dma_semaphore, #tpu.memory_space<semaphore_mem>>)
      %dma_wait3A = arith.constant 0 : i32
      %dma_wait3A_64 = tpu.memref_slice %arg8[%arg0, %mul3A_0, %dma_wait3A] : memref<2x10112x128xf32, #tpu.memory_space<hbm>> -> memref<1x632x128xf32, #tpu.memory_space<hbm>>
      %dma_wait3A_65 = tpu.memref_squeeze %dma_wait3A_64 : memref<1x632x128xf32, #tpu.memory_space<hbm>> -> memref<632x128xf32, #tpu.memory_space<hbm>>
      %dma_wait3A_66 = arith.constant 0 : i32
      %dma_wait3A_67 = tpu.memref_slice %arg14[%mul3A_0, %dma_wait3A_66] : memref<10112x128xf32, #tpu.memory_space<vmem_shared>> -> memref<632x128xf32, #tpu.memory_space<vmem_shared>>
      tpu.wait_dma2 semaphore(%run_scoped3A_58 : memref<!tpu.dma_semaphore, #tpu.memory_space<semaphore_mem>>) src(%dma_wait3A_67 : memref<632x128xf32, #tpu.memory_space<vmem_shared>>) dst(%dma_wait3A_65 : memref<632x128xf32, #tpu.memory_space<hbm>>)
      tpu.yield
    }) : () -> ()
    return
  }
}

#map = affine_map<(d0, d1) -> (0, 0)>
#map1 = affine_map<(d0, d1) -> (0)>
#map2 = affine_map<(d0, d1) -> (0, 0, 0)>
module attributes {stable_mosaic.version = 14 : i64} {
  func.func @body(%arg0: i32, %arg1: i32, %arg2: memref<10000x128xf32, #tpu.memory_space<hbm>>, %arg3: memref<327680xi32, #tpu.memory_space<hbm>>, %arg4: memref<327680xi32, #tpu.memory_space<hbm>>, %arg5: memref<10112x128xf32, #tpu.memory_space<hbm>>, %arg6: memref<10112xf32, #tpu.memory_space<hbm>>, %arg7: memref<128xf32, #tpu.memory_space<hbm>>, %arg8: memref<2x10112x128xf32, #tpu.memory_space<hbm>>, %arg9: memref<20224xf32, #tpu.memory_space<hbm>>, %arg10: memref<2x128xi32, #tpu.memory_space<vmem>>, %arg11: memref<2x128xi32, #tpu.memory_space<vmem>>, %arg12: memref<2x128x128xf32, #tpu.memory_space<vmem>>, %arg13: memref<128xf32, #tpu.memory_space<vmem>>, %arg14: memref<632xf32, #tpu.memory_space<vmem>>, %arg15: memref<10112x128xf32, #tpu.memory_space<vmem_shared>>, %arg16: memref<10112xf32, #tpu.memory_space<vmem_shared>>, %arg17: memref<!tpu.dma_semaphore, #tpu.memory_space<semaphore_mem>>, %arg18: memref<!tpu.dma_semaphore, #tpu.memory_space<semaphore_mem>>) attributes {dimension_semantics = [#tpu.dimension_semantics<core_parallel>, #tpu.dimension_semantics<subcore_parallel>], iteration_bounds = array<i64: 2, 16>, scalar_prefetch = 0 : i64, scratch_operands = 9 : i64, tpu.core_type = #tpu.core_type<sc_vector_subcore>, window_params = [{transform_indices = #map}, {transform_indices = #map1}, {transform_indices = #map1}, {transform_indices = #map}, {transform_indices = #map1}, {transform_indices = #map1}, {transform_indices = #map2}, {transform_indices = #map1}]} {
    %mul3A = arith.constant 632 : i32
    %mul3A_0 = arith.muli %arg1, %mul3A : i32
    %mul3A_1 = arith.constant 2 : i32
    %mul3A_2 = arith.muli %arg1, %mul3A_1 : i32
    %mul3A_3 = arith.constant 80 : i32
    %mul3A_4 = arith.muli %mul3A_2, %mul3A_3 : i32
    %mul3A_5 = arith.constant 124 : i32
    %mul3A_6 = arith.muli %arg0, %mul3A_5 : i32
    %add3A = arith.addi %mul3A_4, %mul3A_6 : i32
    %mul3A_7 = arith.constant 128 : i32
    %mul3A_8 = arith.muli %add3A, %mul3A_7 : i32
    %eq3A = arith.constant 0 : i32
    %eq3A_9 = arith.cmpi eq, %arg0, %eq3A : i32
    %jit3A = arith.constant 124 : i32
    %jit3A_10 = arith.constant 36 : i32
    %select_n3A = arith.select %eq3A_9, %jit3A, %jit3A_10 : i32
    "tpu.region"() ({
      %run_scoped3A_61 = tpu.sem_alloc : memref<!tpu.dma_semaphore, #tpu.memory_space<semaphore_mem>>
      %dma_start3A_62 = arith.constant 0 : i32
      %dma_start3A_63 = tpu.memref_slice %arg15[%mul3A_0, %dma_start3A_62] : memref<10112x128xf32, #tpu.memory_space<vmem_shared>> -> memref<632x128xf32, #tpu.memory_space<vmem_shared>>
      %dma_start3A_64 = arith.constant 0 : i32
      %dma_start3A_65 = tpu.memref_slice %arg5[%mul3A_0, %dma_start3A_64] : memref<10112x128xf32, #tpu.memory_space<hbm>> -> memref<632x128xf32, #tpu.memory_space<hbm>>
      tpu.enqueue_dma source(%dma_start3A_65 : memref<632x128xf32, #tpu.memory_space<hbm>>) target(%dma_start3A_63 : memref<632x128xf32, #tpu.memory_space<vmem_shared>>) target_semaphore(%run_scoped3A_61 : memref<!tpu.dma_semaphore, #tpu.memory_space<semaphore_mem>>)
      %dma_wait3A = arith.constant 0 : i32
      %dma_wait3A_66 = tpu.memref_slice %arg15[%mul3A_0, %dma_wait3A] : memref<10112x128xf32, #tpu.memory_space<vmem_shared>> -> memref<632x128xf32, #tpu.memory_space<vmem_shared>>
      %dma_wait3A_67 = arith.constant 0 : i32
      %dma_wait3A_68 = tpu.memref_slice %arg5[%mul3A_0, %dma_wait3A_67] : memref<10112x128xf32, #tpu.memory_space<hbm>> -> memref<632x128xf32, #tpu.memory_space<hbm>>
      tpu.wait_dma2 semaphore(%run_scoped3A_61 : memref<!tpu.dma_semaphore, #tpu.memory_space<semaphore_mem>>) src(%dma_wait3A_68 : memref<632x128xf32, #tpu.memory_space<hbm>>) dst(%dma_wait3A_66 : memref<632x128xf32, #tpu.memory_space<vmem_shared>>)
      tpu.yield
    }) : () -> ()
    "tpu.region"() ({
      %run_scoped3A_61 = tpu.sem_alloc : memref<!tpu.dma_semaphore, #tpu.memory_space<semaphore_mem>>
      %dma_start3A_62 = tpu.memref_slice %arg6[%mul3A_0] : memref<10112xf32, #tpu.memory_space<hbm>> -> memref<632xf32, #tpu.memory_space<hbm>>
      %dma_start3A_63 = tpu.memref_slice %arg6[%mul3A_0] : memref<10112xf32, #tpu.memory_space<hbm>> -> memref<632xf32, #tpu.memory_space<hbm>>
      tpu.enqueue_dma source(%dma_start3A_63 : memref<632xf32, #tpu.memory_space<hbm>>) target(%arg14 : memref<632xf32, #tpu.memory_space<vmem>>) target_semaphore(%run_scoped3A_61 : memref<!tpu.dma_semaphore, #tpu.memory_space<semaphore_mem>>)
      %dma_wait3A = tpu.memref_slice %arg6[%mul3A_0] : memref<10112xf32, #tpu.memory_space<hbm>> -> memref<632xf32, #tpu.memory_space<hbm>>
      %dma_wait3A_64 = tpu.memref_slice %arg6[%mul3A_0] : memref<10112xf32, #tpu.memory_space<hbm>> -> memref<632xf32, #tpu.memory_space<hbm>>
      tpu.wait_dma2 semaphore(%run_scoped3A_61 : memref<!tpu.dma_semaphore, #tpu.memory_space<semaphore_mem>>) src(%dma_wait3A_64 : memref<632xf32, #tpu.memory_space<hbm>>) dst(%arg14 : memref<632xf32, #tpu.memory_space<vmem>>)
      tpu.yield
    }) : () -> ()
    "tpu.region"() ({
      %run_scoped3A_61 = tpu.sem_alloc : memref<!tpu.dma_semaphore, #tpu.memory_space<semaphore_mem>>
      %dma_start3A_62 = tpu.memref_slice %arg16[%mul3A_0] : memref<10112xf32, #tpu.memory_space<vmem_shared>> -> memref<632xf32, #tpu.memory_space<vmem_shared>>
      %dma_start3A_63 = tpu.memref_slice %arg16[%mul3A_0] : memref<10112xf32, #tpu.memory_space<vmem_shared>> -> memref<632xf32, #tpu.memory_space<vmem_shared>>
      tpu.enqueue_dma source(%arg14 : memref<632xf32, #tpu.memory_space<vmem>>) target(%dma_start3A_63 : memref<632xf32, #tpu.memory_space<vmem_shared>>) target_semaphore(%run_scoped3A_61 : memref<!tpu.dma_semaphore, #tpu.memory_space<semaphore_mem>>)
      %dma_wait3A = tpu.memref_slice %arg16[%mul3A_0] : memref<10112xf32, #tpu.memory_space<vmem_shared>> -> memref<632xf32, #tpu.memory_space<vmem_shared>>
      %dma_wait3A_64 = tpu.memref_slice %arg16[%mul3A_0] : memref<10112xf32, #tpu.memory_space<vmem_shared>> -> memref<632xf32, #tpu.memory_space<vmem_shared>>
      tpu.wait_dma2 semaphore(%run_scoped3A_61 : memref<!tpu.dma_semaphore, #tpu.memory_space<semaphore_mem>>) src(%arg14 : memref<632xf32, #tpu.memory_space<vmem>>) dst(%dma_wait3A_64 : memref<632xf32, #tpu.memory_space<vmem_shared>>)
      tpu.yield
    }) : () -> ()
    "tpu.region"() ({
      %run_scoped3A_61 = tpu.sem_alloc : memref<!tpu.dma_semaphore, #tpu.memory_space<semaphore_mem>>
      tpu.enqueue_dma source(%arg7 : memref<128xf32, #tpu.memory_space<hbm>>) target(%arg13 : memref<128xf32, #tpu.memory_space<vmem>>) target_semaphore(%run_scoped3A_61 : memref<!tpu.dma_semaphore, #tpu.memory_space<semaphore_mem>>)
      tpu.wait_dma2 semaphore(%run_scoped3A_61 : memref<!tpu.dma_semaphore, #tpu.memory_space<semaphore_mem>>) src(%arg7 : memref<128xf32, #tpu.memory_space<hbm>>) dst(%arg13 : memref<128xf32, #tpu.memory_space<vmem>>)
      tpu.yield
    }) : () -> ()
    %barrier3A = arith.constant 0 : index
    tpu.barrier barrier_id(%barrier3A)
    %add3A_11 = arith.constant 0 : i32
    %add3A_12 = arith.addi %mul3A_8, %add3A_11 : i32
    %run_scoped3A = arith.constant 0 : i32
    "tpu.region"() ({
      %run_scoped3A_61 = tpu.sem_alloc : memref<!tpu.dma_semaphore, #tpu.memory_space<semaphore_mem>>
      %dma_start3A_62 = arith.constant 0 : i32
      %dma_start3A_63 = tpu.memref_slice %arg10[%run_scoped3A, %dma_start3A_62] : memref<2x128xi32, #tpu.memory_space<vmem>> -> memref<1x128xi32, #tpu.memory_space<vmem>>
      %dma_start3A_64 = tpu.memref_squeeze %dma_start3A_63 : memref<1x128xi32, #tpu.memory_space<vmem>> -> memref<128xi32, #tpu.memory_space<vmem>>
      %dma_start3A_65 = tpu.memref_slice %arg3[%add3A_12] : memref<327680xi32, #tpu.memory_space<hbm>> -> memref<128xi32, #tpu.memory_space<hbm>>
      %dma_start3A_66 = arith.constant 0 : i32
      %dma_start3A_67 = tpu.memref_slice %arg10[%run_scoped3A, %dma_start3A_66] : memref<2x128xi32, #tpu.memory_space<vmem>> -> memref<1x128xi32, #tpu.memory_space<vmem>>
      %dma_start3A_68 = tpu.memref_squeeze %dma_start3A_67 : memref<1x128xi32, #tpu.memory_space<vmem>> -> memref<128xi32, #tpu.memory_space<vmem>>
      %dma_start3A_69 = tpu.memref_slice %arg3[%add3A_12] : memref<327680xi32, #tpu.memory_space<hbm>> -> memref<128xi32, #tpu.memory_space<hbm>>
      tpu.enqueue_dma source(%dma_start3A_69 : memref<128xi32, #tpu.memory_space<hbm>>) target(%dma_start3A_68 : memref<128xi32, #tpu.memory_space<vmem>>) target_semaphore(%run_scoped3A_61 : memref<!tpu.dma_semaphore, #tpu.memory_space<semaphore_mem>>)
      %dma_wait3A = arith.constant 0 : i32
      %dma_wait3A_70 = tpu.memref_slice %arg10[%run_scoped3A, %dma_wait3A] : memref<2x128xi32, #tpu.memory_space<vmem>> -> memref<1x128xi32, #tpu.memory_space<vmem>>
      %dma_wait3A_71 = tpu.memref_squeeze %dma_wait3A_70 : memref<1x128xi32, #tpu.memory_space<vmem>> -> memref<128xi32, #tpu.memory_space<vmem>>
      %dma_wait3A_72 = tpu.memref_slice %arg3[%add3A_12] : memref<327680xi32, #tpu.memory_space<hbm>> -> memref<128xi32, #tpu.memory_space<hbm>>
      %dma_wait3A_73 = arith.constant 0 : i32
      %dma_wait3A_74 = tpu.memref_slice %arg10[%run_scoped3A, %dma_wait3A_73] : memref<2x128xi32, #tpu.memory_space<vmem>> -> memref<1x128xi32, #tpu.memory_space<vmem>>
      %dma_wait3A_75 = tpu.memref_squeeze %dma_wait3A_74 : memref<1x128xi32, #tpu.memory_space<vmem>> -> memref<128xi32, #tpu.memory_space<vmem>>
      %dma_wait3A_76 = tpu.memref_slice %arg3[%add3A_12] : memref<327680xi32, #tpu.memory_space<hbm>> -> memref<128xi32, #tpu.memory_space<hbm>>
      tpu.wait_dma2 semaphore(%run_scoped3A_61 : memref<!tpu.dma_semaphore, #tpu.memory_space<semaphore_mem>>) src(%dma_wait3A_76 : memref<128xi32, #tpu.memory_space<hbm>>) dst(%dma_wait3A_75 : memref<128xi32, #tpu.memory_space<vmem>>)
      tpu.yield
    }) : () -> ()
    %run_scoped3A_13 = arith.constant 0 : i32
    "tpu.region"() ({
      %run_scoped3A_61 = tpu.sem_alloc : memref<!tpu.dma_semaphore, #tpu.memory_space<semaphore_mem>>
      %dma_start3A_62 = arith.constant 0 : i32
      %dma_start3A_63 = tpu.memref_slice %arg11[%run_scoped3A_13, %dma_start3A_62] : memref<2x128xi32, #tpu.memory_space<vmem>> -> memref<1x128xi32, #tpu.memory_space<vmem>>
      %dma_start3A_64 = tpu.memref_squeeze %dma_start3A_63 : memref<1x128xi32, #tpu.memory_space<vmem>> -> memref<128xi32, #tpu.memory_space<vmem>>
      %dma_start3A_65 = tpu.memref_slice %arg4[%add3A_12] : memref<327680xi32, #tpu.memory_space<hbm>> -> memref<128xi32, #tpu.memory_space<hbm>>
      %dma_start3A_66 = arith.constant 0 : i32
      %dma_start3A_67 = tpu.memref_slice %arg11[%run_scoped3A_13, %dma_start3A_66] : memref<2x128xi32, #tpu.memory_space<vmem>> -> memref<1x128xi32, #tpu.memory_space<vmem>>
      %dma_start3A_68 = tpu.memref_squeeze %dma_start3A_67 : memref<1x128xi32, #tpu.memory_space<vmem>> -> memref<128xi32, #tpu.memory_space<vmem>>
      %dma_start3A_69 = tpu.memref_slice %arg4[%add3A_12] : memref<327680xi32, #tpu.memory_space<hbm>> -> memref<128xi32, #tpu.memory_space<hbm>>
      tpu.enqueue_dma source(%dma_start3A_69 : memref<128xi32, #tpu.memory_space<hbm>>) target(%dma_start3A_68 : memref<128xi32, #tpu.memory_space<vmem>>) target_semaphore(%run_scoped3A_61 : memref<!tpu.dma_semaphore, #tpu.memory_space<semaphore_mem>>)
      %dma_wait3A = arith.constant 0 : i32
      %dma_wait3A_70 = tpu.memref_slice %arg11[%run_scoped3A_13, %dma_wait3A] : memref<2x128xi32, #tpu.memory_space<vmem>> -> memref<1x128xi32, #tpu.memory_space<vmem>>
      %dma_wait3A_71 = tpu.memref_squeeze %dma_wait3A_70 : memref<1x128xi32, #tpu.memory_space<vmem>> -> memref<128xi32, #tpu.memory_space<vmem>>
      %dma_wait3A_72 = tpu.memref_slice %arg4[%add3A_12] : memref<327680xi32, #tpu.memory_space<hbm>> -> memref<128xi32, #tpu.memory_space<hbm>>
      %dma_wait3A_73 = arith.constant 0 : i32
      %dma_wait3A_74 = tpu.memref_slice %arg11[%run_scoped3A_13, %dma_wait3A_73] : memref<2x128xi32, #tpu.memory_space<vmem>> -> memref<1x128xi32, #tpu.memory_space<vmem>>
      %dma_wait3A_75 = tpu.memref_squeeze %dma_wait3A_74 : memref<1x128xi32, #tpu.memory_space<vmem>> -> memref<128xi32, #tpu.memory_space<vmem>>
      %dma_wait3A_76 = tpu.memref_slice %arg4[%add3A_12] : memref<327680xi32, #tpu.memory_space<hbm>> -> memref<128xi32, #tpu.memory_space<hbm>>
      tpu.wait_dma2 semaphore(%run_scoped3A_61 : memref<!tpu.dma_semaphore, #tpu.memory_space<semaphore_mem>>) src(%dma_wait3A_76 : memref<128xi32, #tpu.memory_space<hbm>>) dst(%dma_wait3A_75 : memref<128xi32, #tpu.memory_space<vmem>>)
      tpu.yield
    }) : () -> ()
    %dma_start3A = arith.constant 0 : i32
    %dma_start3A_14 = arith.constant 0 : i32
    %dma_start3A_15 = arith.constant 0 : i32
    %dma_start3A_16 = arith.constant 0 : i32
    %dma_start3A_17 = tpu.memref_slice %arg12[%dma_start3A_14, %dma_start3A_15, %dma_start3A_16] : memref<2x128x128xf32, #tpu.memory_space<vmem>> -> memref<1x128x128xf32, #tpu.memory_space<vmem>>
    %dma_start3A_18 = tpu.memref_squeeze %dma_start3A_17 : memref<1x128x128xf32, #tpu.memory_space<vmem>> -> memref<128x128xf32, #tpu.memory_space<vmem>>
    %dma_start3A_19 = arith.constant 0 : i32
    %dma_start3A_20 = tpu.memref_slice %arg10[%dma_start3A, %dma_start3A_19] : memref<2x128xi32, #tpu.memory_space<vmem>> -> memref<1x128xi32, #tpu.memory_space<vmem>>
    %dma_start3A_21 = tpu.memref_squeeze %dma_start3A_20 : memref<1x128xi32, #tpu.memory_space<vmem>> -> memref<128xi32, #tpu.memory_space<vmem>>
    %dma_start3A_22 = arith.constant 0 : i32
    %dma_start3A_23 = arith.constant 0 : i32
    %dma_start3A_24 = tpu.memref_slice %arg2[%dma_start3A_22, %dma_start3A_23] : memref<10000x128xf32, #tpu.memory_space<hbm>> -> memref<10000x128xf32, #tpu.memory_space<hbm>>
    tpu.enqueue_indirect_dma source(%dma_start3A_24 : memref<10000x128xf32, #tpu.memory_space<hbm>>) target(%dma_start3A_18 : memref<128x128xf32, #tpu.memory_space<vmem>>) offsets(%dma_start3A_21 : memref<128xi32, #tpu.memory_space<vmem>>) semaphore(%arg17 : memref<!tpu.dma_semaphore, #tpu.memory_space<semaphore_mem>>)
    %add3A_25 = arith.constant 128 : i32
    %add3A_26 = arith.addi %mul3A_8, %add3A_25 : i32
    %run_scoped3A_27 = arith.constant 1 : i32
    "tpu.region"() ({
      %run_scoped3A_61 = tpu.sem_alloc : memref<!tpu.dma_semaphore, #tpu.memory_space<semaphore_mem>>
      %dma_start3A_62 = arith.constant 0 : i32
      %dma_start3A_63 = tpu.memref_slice %arg10[%run_scoped3A_27, %dma_start3A_62] : memref<2x128xi32, #tpu.memory_space<vmem>> -> memref<1x128xi32, #tpu.memory_space<vmem>>
      %dma_start3A_64 = tpu.memref_squeeze %dma_start3A_63 : memref<1x128xi32, #tpu.memory_space<vmem>> -> memref<128xi32, #tpu.memory_space<vmem>>
      %dma_start3A_65 = tpu.memref_slice %arg3[%add3A_26] : memref<327680xi32, #tpu.memory_space<hbm>> -> memref<128xi32, #tpu.memory_space<hbm>>
      %dma_start3A_66 = arith.constant 0 : i32
      %dma_start3A_67 = tpu.memref_slice %arg10[%run_scoped3A_27, %dma_start3A_66] : memref<2x128xi32, #tpu.memory_space<vmem>> -> memref<1x128xi32, #tpu.memory_space<vmem>>
      %dma_start3A_68 = tpu.memref_squeeze %dma_start3A_67 : memref<1x128xi32, #tpu.memory_space<vmem>> -> memref<128xi32, #tpu.memory_space<vmem>>
      %dma_start3A_69 = tpu.memref_slice %arg3[%add3A_26] : memref<327680xi32, #tpu.memory_space<hbm>> -> memref<128xi32, #tpu.memory_space<hbm>>
      tpu.enqueue_dma source(%dma_start3A_69 : memref<128xi32, #tpu.memory_space<hbm>>) target(%dma_start3A_68 : memref<128xi32, #tpu.memory_space<vmem>>) target_semaphore(%run_scoped3A_61 : memref<!tpu.dma_semaphore, #tpu.memory_space<semaphore_mem>>)
      %dma_wait3A = arith.constant 0 : i32
      %dma_wait3A_70 = tpu.memref_slice %arg10[%run_scoped3A_27, %dma_wait3A] : memref<2x128xi32, #tpu.memory_space<vmem>> -> memref<1x128xi32, #tpu.memory_space<vmem>>
      %dma_wait3A_71 = tpu.memref_squeeze %dma_wait3A_70 : memref<1x128xi32, #tpu.memory_space<vmem>> -> memref<128xi32, #tpu.memory_space<vmem>>
      %dma_wait3A_72 = tpu.memref_slice %arg3[%add3A_26] : memref<327680xi32, #tpu.memory_space<hbm>> -> memref<128xi32, #tpu.memory_space<hbm>>
      %dma_wait3A_73 = arith.constant 0 : i32
      %dma_wait3A_74 = tpu.memref_slice %arg10[%run_scoped3A_27, %dma_wait3A_73] : memref<2x128xi32, #tpu.memory_space<vmem>> -> memref<1x128xi32, #tpu.memory_space<vmem>>
      %dma_wait3A_75 = tpu.memref_squeeze %dma_wait3A_74 : memref<1x128xi32, #tpu.memory_space<vmem>> -> memref<128xi32, #tpu.memory_space<vmem>>
      %dma_wait3A_76 = tpu.memref_slice %arg3[%add3A_26] : memref<327680xi32, #tpu.memory_space<hbm>> -> memref<128xi32, #tpu.memory_space<hbm>>
      tpu.wait_dma2 semaphore(%run_scoped3A_61 : memref<!tpu.dma_semaphore, #tpu.memory_space<semaphore_mem>>) src(%dma_wait3A_76 : memref<128xi32, #tpu.memory_space<hbm>>) dst(%dma_wait3A_75 : memref<128xi32, #tpu.memory_space<vmem>>)
      tpu.yield
    }) : () -> ()
    %run_scoped3A_28 = arith.constant 1 : i32
    "tpu.region"() ({
      %run_scoped3A_61 = tpu.sem_alloc : memref<!tpu.dma_semaphore, #tpu.memory_space<semaphore_mem>>
      %dma_start3A_62 = arith.constant 0 : i32
      %dma_start3A_63 = tpu.memref_slice %arg11[%run_scoped3A_28, %dma_start3A_62] : memref<2x128xi32, #tpu.memory_space<vmem>> -> memref<1x128xi32, #tpu.memory_space<vmem>>
      %dma_start3A_64 = tpu.memref_squeeze %dma_start3A_63 : memref<1x128xi32, #tpu.memory_space<vmem>> -> memref<128xi32, #tpu.memory_space<vmem>>
      %dma_start3A_65 = tpu.memref_slice %arg4[%add3A_26] : memref<327680xi32, #tpu.memory_space<hbm>> -> memref<128xi32, #tpu.memory_space<hbm>>
      %dma_start3A_66 = arith.constant 0 : i32
      %dma_start3A_67 = tpu.memref_slice %arg11[%run_scoped3A_28, %dma_start3A_66] : memref<2x128xi32, #tpu.memory_space<vmem>> -> memref<1x128xi32, #tpu.memory_space<vmem>>
      %dma_start3A_68 = tpu.memref_squeeze %dma_start3A_67 : memref<1x128xi32, #tpu.memory_space<vmem>> -> memref<128xi32, #tpu.memory_space<vmem>>
      %dma_start3A_69 = tpu.memref_slice %arg4[%add3A_26] : memref<327680xi32, #tpu.memory_space<hbm>> -> memref<128xi32, #tpu.memory_space<hbm>>
      tpu.enqueue_dma source(%dma_start3A_69 : memref<128xi32, #tpu.memory_space<hbm>>) target(%dma_start3A_68 : memref<128xi32, #tpu.memory_space<vmem>>) target_semaphore(%run_scoped3A_61 : memref<!tpu.dma_semaphore, #tpu.memory_space<semaphore_mem>>)
      %dma_wait3A = arith.constant 0 : i32
      %dma_wait3A_70 = tpu.memref_slice %arg11[%run_scoped3A_28, %dma_wait3A] : memref<2x128xi32, #tpu.memory_space<vmem>> -> memref<1x128xi32, #tpu.memory_space<vmem>>
      %dma_wait3A_71 = tpu.memref_squeeze %dma_wait3A_70 : memref<1x128xi32, #tpu.memory_space<vmem>> -> memref<128xi32, #tpu.memory_space<vmem>>
      %dma_wait3A_72 = tpu.memref_slice %arg4[%add3A_26] : memref<327680xi32, #tpu.memory_space<hbm>> -> memref<128xi32, #tpu.memory_space<hbm>>
      %dma_wait3A_73 = arith.constant 0 : i32
      %dma_wait3A_74 = tpu.memref_slice %arg11[%run_scoped3A_28, %dma_wait3A_73] : memref<2x128xi32, #tpu.memory_space<vmem>> -> memref<1x128xi32, #tpu.memory_space<vmem>>
      %dma_wait3A_75 = tpu.memref_squeeze %dma_wait3A_74 : memref<1x128xi32, #tpu.memory_space<vmem>> -> memref<128xi32, #tpu.memory_space<vmem>>
      %dma_wait3A_76 = tpu.memref_slice %arg4[%add3A_26] : memref<327680xi32, #tpu.memory_space<hbm>> -> memref<128xi32, #tpu.memory_space<hbm>>
      tpu.wait_dma2 semaphore(%run_scoped3A_61 : memref<!tpu.dma_semaphore, #tpu.memory_space<semaphore_mem>>) src(%dma_wait3A_76 : memref<128xi32, #tpu.memory_space<hbm>>) dst(%dma_wait3A_75 : memref<128xi32, #tpu.memory_space<vmem>>)
      tpu.yield
    }) : () -> ()
    %dma_start3A_29 = arith.constant 1 : i32
    %dma_start3A_30 = arith.constant 1 : i32
    %dma_start3A_31 = arith.constant 0 : i32
    %dma_start3A_32 = arith.constant 0 : i32
    %dma_start3A_33 = tpu.memref_slice %arg12[%dma_start3A_30, %dma_start3A_31, %dma_start3A_32] : memref<2x128x128xf32, #tpu.memory_space<vmem>> -> memref<1x128x128xf32, #tpu.memory_space<vmem>>
    %dma_start3A_34 = tpu.memref_squeeze %dma_start3A_33 : memref<1x128x128xf32, #tpu.memory_space<vmem>> -> memref<128x128xf32, #tpu.memory_space<vmem>>
    %dma_start3A_35 = arith.constant 0 : i32
    %dma_start3A_36 = tpu.memref_slice %arg10[%dma_start3A_29, %dma_start3A_35] : memref<2x128xi32, #tpu.memory_space<vmem>> -> memref<1x128xi32, #tpu.memory_space<vmem>>
    %dma_start3A_37 = tpu.memref_squeeze %dma_start3A_36 : memref<1x128xi32, #tpu.memory_space<vmem>> -> memref<128xi32, #tpu.memory_space<vmem>>
    %dma_start3A_38 = arith.constant 0 : i32
    %dma_start3A_39 = arith.constant 0 : i32
    %dma_start3A_40 = tpu.memref_slice %arg2[%dma_start3A_38, %dma_start3A_39] : memref<10000x128xf32, #tpu.memory_space<hbm>> -> memref<10000x128xf32, #tpu.memory_space<hbm>>
    tpu.enqueue_indirect_dma source(%dma_start3A_40 : memref<10000x128xf32, #tpu.memory_space<hbm>>) target(%dma_start3A_34 : memref<128x128xf32, #tpu.memory_space<vmem>>) offsets(%dma_start3A_37 : memref<128xi32, #tpu.memory_space<vmem>>) semaphore(%arg18 : memref<!tpu.dma_semaphore, #tpu.memory_space<semaphore_mem>>)
    %sub3A = arith.constant 0 : i32
    %sub3A_41 = arith.subi %select_n3A, %sub3A : i32
    %sub3A_42 = arith.constant 2 : i32
    %sub3A_43 = arith.constant 1 : i32
    %sub3A_44 = arith.subi %sub3A_42, %sub3A_43 : i32
    %add3A_45 = arith.addi %sub3A_41, %sub3A_44 : i32
    %div3A = arith.constant 2 : i32
    %div3A_46 = arith.divsi %add3A_45, %div3A : i32
    %while3A = arith.constant 2 : i32
    %while3A_47 = arith.constant 0 : i32
    %while3A_48 = arith.constant 0 : i32
    %while3A_49 = arith.subi %div3A_46, %while3A_48 : i32
    %while3A_50 = arith.addi %while3A_48, %while3A_49 : i32
    %while3A_51 = arith.constant 1 : i32
    %while3A_52 = arith.divsi %while3A_49, %while3A_51 : i32
    %while3A_53 = arith.muli %while3A_52, %while3A_51 : i32
    %while3A_54 = arith.addi %while3A_48, %while3A_53 : i32
    %while3A_55 = arith.constant 1 : i32
    scf.for %while3A_61 = %while3A_48 to %while3A_54 step %while3A_55  : i32 {
      %mul3A_62 = arith.muli %while3A_61, %while3A : i32
      %add3A_63 = arith.addi %while3A_47, %mul3A_62 : i32
      %add3A_64 = arith.constant 0 : i32
      %add3A_65 = arith.addi %add3A_63, %add3A_64 : i32
      %dma_wait3A = arith.constant 0 : i32
      %dma_wait3A_66 = arith.constant 0 : i32
      %dma_wait3A_67 = arith.constant 0 : i32
      %dma_wait3A_68 = arith.constant 0 : i32
      %dma_wait3A_69 = tpu.memref_slice %arg12[%dma_wait3A_66, %dma_wait3A_67, %dma_wait3A_68] : memref<2x128x128xf32, #tpu.memory_space<vmem>> -> memref<1x128x128xf32, #tpu.memory_space<vmem>>
      %dma_wait3A_70 = tpu.memref_squeeze %dma_wait3A_69 : memref<1x128x128xf32, #tpu.memory_space<vmem>> -> memref<128x128xf32, #tpu.memory_space<vmem>>
      %dma_wait3A_71 = arith.constant 0 : i32
      %dma_wait3A_72 = tpu.memref_slice %arg10[%dma_wait3A, %dma_wait3A_71] : memref<2x128xi32, #tpu.memory_space<vmem>> -> memref<1x128xi32, #tpu.memory_space<vmem>>
      %dma_wait3A_73 = tpu.memref_squeeze %dma_wait3A_72 : memref<1x128xi32, #tpu.memory_space<vmem>> -> memref<128xi32, #tpu.memory_space<vmem>>
      %dma_wait3A_74 = arith.constant 0 : i32
      %dma_wait3A_75 = arith.constant 0 : i32
      %dma_wait3A_76 = tpu.memref_slice %arg2[%dma_wait3A_74, %dma_wait3A_75] : memref<10000x128xf32, #tpu.memory_space<hbm>> -> memref<10000x128xf32, #tpu.memory_space<hbm>>
      tpu.wait_indirect_dma semaphore(%arg17 : memref<!tpu.dma_semaphore, #tpu.memory_space<semaphore_mem>>) src(%dma_wait3A_76 : memref<10000x128xf32, #tpu.memory_space<hbm>>) dst(%dma_wait3A_70 : memref<128x128xf32, #tpu.memory_space<vmem>>)
      %run_scoped3A_77 = arith.constant 0 : i32
      %run_scoped3A_78 = arith.constant 0 : i32
      "tpu.region"() ({
        %run_scoped3A_106 = tpu.sem_alloc : memref<!tpu.dma_semaphore, #tpu.memory_space<semaphore_mem>>
        %dma_start3A_107 = arith.constant 0 : i32
        %dma_start3A_108 = arith.constant 0 : i32
        %dma_start3A_109 = tpu.memref_slice %arg12[%run_scoped3A_77, %dma_start3A_107, %dma_start3A_108] : memref<2x128x128xf32, #tpu.memory_space<vmem>> -> memref<1x128x128xf32, #tpu.memory_space<vmem>>
        %dma_start3A_110 = tpu.memref_squeeze %dma_start3A_109 : memref<1x128x128xf32, #tpu.memory_space<vmem>> -> memref<128x128xf32, #tpu.memory_space<vmem>>
        %dma_start3A_111 = arith.constant 0 : i32
        %dma_start3A_112 = tpu.memref_slice %arg11[%run_scoped3A_78, %dma_start3A_111] : memref<2x128xi32, #tpu.memory_space<vmem>> -> memref<1x128xi32, #tpu.memory_space<vmem>>
        %dma_start3A_113 = tpu.memref_squeeze %dma_start3A_112 : memref<1x128xi32, #tpu.memory_space<vmem>> -> memref<128xi32, #tpu.memory_space<vmem>>
        %dma_start3A_114 = arith.constant 0 : i32
        %dma_start3A_115 = arith.constant 0 : i32
        %dma_start3A_116 = tpu.memref_slice %arg15[%dma_start3A_114, %dma_start3A_115] : memref<10112x128xf32, #tpu.memory_space<vmem_shared>> -> memref<10112x128xf32, #tpu.memory_space<vmem_shared>>
        tpu.enqueue_indirect_dma source(%dma_start3A_110 : memref<128x128xf32, #tpu.memory_space<vmem>>) target(%dma_start3A_116 : memref<10112x128xf32, #tpu.memory_space<vmem_shared>>) offsets(%dma_start3A_113 : memref<128xi32, #tpu.memory_space<vmem>>) semaphore(%run_scoped3A_106 : memref<!tpu.dma_semaphore, #tpu.memory_space<semaphore_mem>>) {add = true}
        %dma_wait3A_117 = arith.constant 0 : i32
        %dma_wait3A_118 = arith.constant 0 : i32
        %dma_wait3A_119 = tpu.memref_slice %arg12[%run_scoped3A_77, %dma_wait3A_117, %dma_wait3A_118] : memref<2x128x128xf32, #tpu.memory_space<vmem>> -> memref<1x128x128xf32, #tpu.memory_space<vmem>>
        %dma_wait3A_120 = tpu.memref_squeeze %dma_wait3A_119 : memref<1x128x128xf32, #tpu.memory_space<vmem>> -> memref<128x128xf32, #tpu.memory_space<vmem>>
        %dma_wait3A_121 = arith.constant 0 : i32
        %dma_wait3A_122 = tpu.memref_slice %arg11[%run_scoped3A_78, %dma_wait3A_121] : memref<2x128xi32, #tpu.memory_space<vmem>> -> memref<1x128xi32, #tpu.memory_space<vmem>>
        %dma_wait3A_123 = tpu.memref_squeeze %dma_wait3A_122 : memref<1x128xi32, #tpu.memory_space<vmem>> -> memref<128xi32, #tpu.memory_space<vmem>>
        %dma_wait3A_124 = arith.constant 0 : i32
        %dma_wait3A_125 = arith.constant 0 : i32
        %dma_wait3A_126 = tpu.memref_slice %arg15[%dma_wait3A_124, %dma_wait3A_125] : memref<10112x128xf32, #tpu.memory_space<vmem_shared>> -> memref<10112x128xf32, #tpu.memory_space<vmem_shared>>
        tpu.wait_indirect_dma semaphore(%run_scoped3A_106 : memref<!tpu.dma_semaphore, #tpu.memory_space<semaphore_mem>>) src(%dma_wait3A_120 : memref<128x128xf32, #tpu.memory_space<vmem>>) dst(%dma_wait3A_126 : memref<10112x128xf32, #tpu.memory_space<vmem_shared>>)
        tpu.yield
      }) : () -> ()
      %run_scoped3A_79 = arith.constant 0 : i32
      "tpu.region"() ({
        %run_scoped3A_106 = tpu.sem_alloc : memref<!tpu.dma_semaphore, #tpu.memory_space<semaphore_mem>>
        %dma_start3A_107 = arith.constant 0 : i32
        %dma_start3A_108 = tpu.memref_slice %arg11[%run_scoped3A_79, %dma_start3A_107] : memref<2x128xi32, #tpu.memory_space<vmem>> -> memref<1x128xi32, #tpu.memory_space<vmem>>
        %dma_start3A_109 = tpu.memref_squeeze %dma_start3A_108 : memref<1x128xi32, #tpu.memory_space<vmem>> -> memref<128xi32, #tpu.memory_space<vmem>>
        %dma_start3A_110 = arith.constant 0 : i32
        %dma_start3A_111 = tpu.memref_slice %arg16[%dma_start3A_110] : memref<10112xf32, #tpu.memory_space<vmem_shared>> -> memref<10112xf32, #tpu.memory_space<vmem_shared>>
        tpu.enqueue_indirect_dma source(%arg13 : memref<128xf32, #tpu.memory_space<vmem>>) target(%dma_start3A_111 : memref<10112xf32, #tpu.memory_space<vmem_shared>>) offsets(%dma_start3A_109 : memref<128xi32, #tpu.memory_space<vmem>>) semaphore(%run_scoped3A_106 : memref<!tpu.dma_semaphore, #tpu.memory_space<semaphore_mem>>) {add = true}
        %dma_wait3A_112 = arith.constant 0 : i32
        %dma_wait3A_113 = tpu.memref_slice %arg11[%run_scoped3A_79, %dma_wait3A_112] : memref<2x128xi32, #tpu.memory_space<vmem>> -> memref<1x128xi32, #tpu.memory_space<vmem>>
        %dma_wait3A_114 = tpu.memref_squeeze %dma_wait3A_113 : memref<1x128xi32, #tpu.memory_space<vmem>> -> memref<128xi32, #tpu.memory_space<vmem>>
        %dma_wait3A_115 = arith.constant 0 : i32
        %dma_wait3A_116 = tpu.memref_slice %arg16[%dma_wait3A_115] : memref<10112xf32, #tpu.memory_space<vmem_shared>> -> memref<10112xf32, #tpu.memory_space<vmem_shared>>
        tpu.wait_indirect_dma semaphore(%run_scoped3A_106 : memref<!tpu.dma_semaphore, #tpu.memory_space<semaphore_mem>>) src(%arg13 : memref<128xf32, #tpu.memory_space<vmem>>) dst(%dma_wait3A_116 : memref<10112xf32, #tpu.memory_space<vmem_shared>>)
        tpu.yield
      }) : () -> ()
      %add3A_80 = arith.constant 2 : i32
      %add3A_81 = arith.addi %add3A_65, %add3A_80 : i32
      %lt3A = arith.cmpi slt, %add3A_81, %select_n3A : i32
      %convert_element_type3A = arith.extui %lt3A : i1 to i32
      %cond3A = arith.constant 0 : i32
      %cond3A_82 = arith.cmpi ne, %convert_element_type3A, %cond3A : i32
      scf.if %cond3A_82 {
        %add3A_106 = arith.constant 2 : i32
        %add3A_107 = arith.addi %add3A_65, %add3A_106 : i32
        %mul3A_108 = arith.constant 128 : i32
        %mul3A_109 = arith.muli %add3A_107, %mul3A_108 : i32
        %add3A_110 = arith.addi %mul3A_8, %mul3A_109 : i32
        %run_scoped3A_111 = arith.constant 0 : i32
        "tpu.region"() ({
          %run_scoped3A_125 = tpu.sem_alloc : memref<!tpu.dma_semaphore, #tpu.memory_space<semaphore_mem>>
          %dma_start3A_126 = arith.constant 0 : i32
          %dma_start3A_127 = tpu.memref_slice %arg10[%run_scoped3A_111, %dma_start3A_126] : memref<2x128xi32, #tpu.memory_space<vmem>> -> memref<1x128xi32, #tpu.memory_space<vmem>>
          %dma_start3A_128 = tpu.memref_squeeze %dma_start3A_127 : memref<1x128xi32, #tpu.memory_space<vmem>> -> memref<128xi32, #tpu.memory_space<vmem>>
          %dma_start3A_129 = tpu.memref_slice %arg3[%add3A_110] : memref<327680xi32, #tpu.memory_space<hbm>> -> memref<128xi32, #tpu.memory_space<hbm>>
          %dma_start3A_130 = arith.constant 0 : i32
          %dma_start3A_131 = tpu.memref_slice %arg10[%run_scoped3A_111, %dma_start3A_130] : memref<2x128xi32, #tpu.memory_space<vmem>> -> memref<1x128xi32, #tpu.memory_space<vmem>>
          %dma_start3A_132 = tpu.memref_squeeze %dma_start3A_131 : memref<1x128xi32, #tpu.memory_space<vmem>> -> memref<128xi32, #tpu.memory_space<vmem>>
          %dma_start3A_133 = tpu.memref_slice %arg3[%add3A_110] : memref<327680xi32, #tpu.memory_space<hbm>> -> memref<128xi32, #tpu.memory_space<hbm>>
          tpu.enqueue_dma source(%dma_start3A_133 : memref<128xi32, #tpu.memory_space<hbm>>) target(%dma_start3A_132 : memref<128xi32, #tpu.memory_space<vmem>>) target_semaphore(%run_scoped3A_125 : memref<!tpu.dma_semaphore, #tpu.memory_space<semaphore_mem>>)
          %dma_wait3A_134 = arith.constant 0 : i32
          %dma_wait3A_135 = tpu.memref_slice %arg10[%run_scoped3A_111, %dma_wait3A_134] : memref<2x128xi32, #tpu.memory_space<vmem>> -> memref<1x128xi32, #tpu.memory_space<vmem>>
          %dma_wait3A_136 = tpu.memref_squeeze %dma_wait3A_135 : memref<1x128xi32, #tpu.memory_space<vmem>> -> memref<128xi32, #tpu.memory_space<vmem>>
          %dma_wait3A_137 = tpu.memref_slice %arg3[%add3A_110] : memref<327680xi32, #tpu.memory_space<hbm>> -> memref<128xi32, #tpu.memory_space<hbm>>
          %dma_wait3A_138 = arith.constant 0 : i32
          %dma_wait3A_139 = tpu.memref_slice %arg10[%run_scoped3A_111, %dma_wait3A_138] : memref<2x128xi32, #tpu.memory_space<vmem>> -> memref<1x128xi32, #tpu.memory_space<vmem>>
          %dma_wait3A_140 = tpu.memref_squeeze %dma_wait3A_139 : memref<1x128xi32, #tpu.memory_space<vmem>> -> memref<128xi32, #tpu.memory_space<vmem>>
          %dma_wait3A_141 = tpu.memref_slice %arg3[%add3A_110] : memref<327680xi32, #tpu.memory_space<hbm>> -> memref<128xi32, #tpu.memory_space<hbm>>
          tpu.wait_dma2 semaphore(%run_scoped3A_125 : memref<!tpu.dma_semaphore, #tpu.memory_space<semaphore_mem>>) src(%dma_wait3A_141 : memref<128xi32, #tpu.memory_space<hbm>>) dst(%dma_wait3A_140 : memref<128xi32, #tpu.memory_space<vmem>>)
          tpu.yield
        }) : () -> ()
        %run_scoped3A_112 = arith.constant 0 : i32
        "tpu.region"() ({
          %run_scoped3A_125 = tpu.sem_alloc : memref<!tpu.dma_semaphore, #tpu.memory_space<semaphore_mem>>
          %dma_start3A_126 = arith.constant 0 : i32
          %dma_start3A_127 = tpu.memref_slice %arg11[%run_scoped3A_112, %dma_start3A_126] : memref<2x128xi32, #tpu.memory_space<vmem>> -> memref<1x128xi32, #tpu.memory_space<vmem>>
          %dma_start3A_128 = tpu.memref_squeeze %dma_start3A_127 : memref<1x128xi32, #tpu.memory_space<vmem>> -> memref<128xi32, #tpu.memory_space<vmem>>
          %dma_start3A_129 = tpu.memref_slice %arg4[%add3A_110] : memref<327680xi32, #tpu.memory_space<hbm>> -> memref<128xi32, #tpu.memory_space<hbm>>
          %dma_start3A_130 = arith.constant 0 : i32
          %dma_start3A_131 = tpu.memref_slice %arg11[%run_scoped3A_112, %dma_start3A_130] : memref<2x128xi32, #tpu.memory_space<vmem>> -> memref<1x128xi32, #tpu.memory_space<vmem>>
          %dma_start3A_132 = tpu.memref_squeeze %dma_start3A_131 : memref<1x128xi32, #tpu.memory_space<vmem>> -> memref<128xi32, #tpu.memory_space<vmem>>
          %dma_start3A_133 = tpu.memref_slice %arg4[%add3A_110] : memref<327680xi32, #tpu.memory_space<hbm>> -> memref<128xi32, #tpu.memory_space<hbm>>
          tpu.enqueue_dma source(%dma_start3A_133 : memref<128xi32, #tpu.memory_space<hbm>>) target(%dma_start3A_132 : memref<128xi32, #tpu.memory_space<vmem>>) target_semaphore(%run_scoped3A_125 : memref<!tpu.dma_semaphore, #tpu.memory_space<semaphore_mem>>)
          %dma_wait3A_134 = arith.constant 0 : i32
          %dma_wait3A_135 = tpu.memref_slice %arg11[%run_scoped3A_112, %dma_wait3A_134] : memref<2x128xi32, #tpu.memory_space<vmem>> -> memref<1x128xi32, #tpu.memory_space<vmem>>
          %dma_wait3A_136 = tpu.memref_squeeze %dma_wait3A_135 : memref<1x128xi32, #tpu.memory_space<vmem>> -> memref<128xi32, #tpu.memory_space<vmem>>
          %dma_wait3A_137 = tpu.memref_slice %arg4[%add3A_110] : memref<327680xi32, #tpu.memory_space<hbm>> -> memref<128xi32, #tpu.memory_space<hbm>>
          %dma_wait3A_138 = arith.constant 0 : i32
          %dma_wait3A_139 = tpu.memref_slice %arg11[%run_scoped3A_112, %dma_wait3A_138] : memref<2x128xi32, #tpu.memory_space<vmem>> -> memref<1x128xi32, #tpu.memory_space<vmem>>
          %dma_wait3A_140 = tpu.memref_squeeze %dma_wait3A_139 : memref<1x128xi32, #tpu.memory_space<vmem>> -> memref<128xi32, #tpu.memory_space<vmem>>
          %dma_wait3A_141 = tpu.memref_slice %arg4[%add3A_110] : memref<327680xi32, #tpu.memory_space<hbm>> -> memref<128xi32, #tpu.memory_space<hbm>>
          tpu.wait_dma2 semaphore(%run_scoped3A_125 : memref<!tpu.dma_semaphore, #tpu.memory_space<semaphore_mem>>) src(%dma_wait3A_141 : memref<128xi32, #tpu.memory_space<hbm>>) dst(%dma_wait3A_140 : memref<128xi32, #tpu.memory_space<vmem>>)
          tpu.yield
        }) : () -> ()
        %dma_start3A_113 = arith.constant 0 : i32
        %dma_start3A_114 = arith.constant 0 : i32
        %dma_start3A_115 = arith.constant 0 : i32
        %dma_start3A_116 = arith.constant 0 : i32
        %dma_start3A_117 = tpu.memref_slice %arg12[%dma_start3A_114, %dma_start3A_115, %dma_start3A_116] : memref<2x128x128xf32, #tpu.memory_space<vmem>> -> memref<1x128x128xf32, #tpu.memory_space<vmem>>
        %dma_start3A_118 = tpu.memref_squeeze %dma_start3A_117 : memref<1x128x128xf32, #tpu.memory_space<vmem>> -> memref<128x128xf32, #tpu.memory_space<vmem>>
        %dma_start3A_119 = arith.constant 0 : i32
        %dma_start3A_120 = tpu.memref_slice %arg10[%dma_start3A_113, %dma_start3A_119] : memref<2x128xi32, #tpu.memory_space<vmem>> -> memref<1x128xi32, #tpu.memory_space<vmem>>
        %dma_start3A_121 = tpu.memref_squeeze %dma_start3A_120 : memref<1x128xi32, #tpu.memory_space<vmem>> -> memref<128xi32, #tpu.memory_space<vmem>>
        %dma_start3A_122 = arith.constant 0 : i32
        %dma_start3A_123 = arith.constant 0 : i32
        %dma_start3A_124 = tpu.memref_slice %arg2[%dma_start3A_122, %dma_start3A_123] : memref<10000x128xf32, #tpu.memory_space<hbm>> -> memref<10000x128xf32, #tpu.memory_space<hbm>>
        tpu.enqueue_indirect_dma source(%dma_start3A_124 : memref<10000x128xf32, #tpu.memory_space<hbm>>) target(%dma_start3A_118 : memref<128x128xf32, #tpu.memory_space<vmem>>) offsets(%dma_start3A_121 : memref<128xi32, #tpu.memory_space<vmem>>) semaphore(%arg17 : memref<!tpu.dma_semaphore, #tpu.memory_space<semaphore_mem>>)
      } else {
      }
      %add3A_83 = arith.constant 1 : i32
      %add3A_84 = arith.addi %add3A_63, %add3A_83 : i32
      %dma_wait3A_85 = arith.constant 1 : i32
      %dma_wait3A_86 = arith.constant 1 : i32
      %dma_wait3A_87 = arith.constant 0 : i32
      %dma_wait3A_88 = arith.constant 0 : i32
      %dma_wait3A_89 = tpu.memref_slice %arg12[%dma_wait3A_86, %dma_wait3A_87, %dma_wait3A_88] : memref<2x128x128xf32, #tpu.memory_space<vmem>> -> memref<1x128x128xf32, #tpu.memory_space<vmem>>
      %dma_wait3A_90 = tpu.memref_squeeze %dma_wait3A_89 : memref<1x128x128xf32, #tpu.memory_space<vmem>> -> memref<128x128xf32, #tpu.memory_space<vmem>>
      %dma_wait3A_91 = arith.constant 0 : i32
      %dma_wait3A_92 = tpu.memref_slice %arg10[%dma_wait3A_85, %dma_wait3A_91] : memref<2x128xi32, #tpu.memory_space<vmem>> -> memref<1x128xi32, #tpu.memory_space<vmem>>
      %dma_wait3A_93 = tpu.memref_squeeze %dma_wait3A_92 : memref<1x128xi32, #tpu.memory_space<vmem>> -> memref<128xi32, #tpu.memory_space<vmem>>
      %dma_wait3A_94 = arith.constant 0 : i32
      %dma_wait3A_95 = arith.constant 0 : i32
      %dma_wait3A_96 = tpu.memref_slice %arg2[%dma_wait3A_94, %dma_wait3A_95] : memref<10000x128xf32, #tpu.memory_space<hbm>> -> memref<10000x128xf32, #tpu.memory_space<hbm>>
      tpu.wait_indirect_dma semaphore(%arg18 : memref<!tpu.dma_semaphore, #tpu.memory_space<semaphore_mem>>) src(%dma_wait3A_96 : memref<10000x128xf32, #tpu.memory_space<hbm>>) dst(%dma_wait3A_90 : memref<128x128xf32, #tpu.memory_space<vmem>>)
      %run_scoped3A_97 = arith.constant 1 : i32
      %run_scoped3A_98 = arith.constant 1 : i32
      "tpu.region"() ({
        %run_scoped3A_106 = tpu.sem_alloc : memref<!tpu.dma_semaphore, #tpu.memory_space<semaphore_mem>>
        %dma_start3A_107 = arith.constant 0 : i32
        %dma_start3A_108 = arith.constant 0 : i32
        %dma_start3A_109 = tpu.memref_slice %arg12[%run_scoped3A_97, %dma_start3A_107, %dma_start3A_108] : memref<2x128x128xf32, #tpu.memory_space<vmem>> -> memref<1x128x128xf32, #tpu.memory_space<vmem>>
        %dma_start3A_110 = tpu.memref_squeeze %dma_start3A_109 : memref<1x128x128xf32, #tpu.memory_space<vmem>> -> memref<128x128xf32, #tpu.memory_space<vmem>>
        %dma_start3A_111 = arith.constant 0 : i32
        %dma_start3A_112 = tpu.memref_slice %arg11[%run_scoped3A_98, %dma_start3A_111] : memref<2x128xi32, #tpu.memory_space<vmem>> -> memref<1x128xi32, #tpu.memory_space<vmem>>
        %dma_start3A_113 = tpu.memref_squeeze %dma_start3A_112 : memref<1x128xi32, #tpu.memory_space<vmem>> -> memref<128xi32, #tpu.memory_space<vmem>>
        %dma_start3A_114 = arith.constant 0 : i32
        %dma_start3A_115 = arith.constant 0 : i32
        %dma_start3A_116 = tpu.memref_slice %arg15[%dma_start3A_114, %dma_start3A_115] : memref<10112x128xf32, #tpu.memory_space<vmem_shared>> -> memref<10112x128xf32, #tpu.memory_space<vmem_shared>>
        tpu.enqueue_indirect_dma source(%dma_start3A_110 : memref<128x128xf32, #tpu.memory_space<vmem>>) target(%dma_start3A_116 : memref<10112x128xf32, #tpu.memory_space<vmem_shared>>) offsets(%dma_start3A_113 : memref<128xi32, #tpu.memory_space<vmem>>) semaphore(%run_scoped3A_106 : memref<!tpu.dma_semaphore, #tpu.memory_space<semaphore_mem>>) {add = true}
        %dma_wait3A_117 = arith.constant 0 : i32
        %dma_wait3A_118 = arith.constant 0 : i32
        %dma_wait3A_119 = tpu.memref_slice %arg12[%run_scoped3A_97, %dma_wait3A_117, %dma_wait3A_118] : memref<2x128x128xf32, #tpu.memory_space<vmem>> -> memref<1x128x128xf32, #tpu.memory_space<vmem>>
        %dma_wait3A_120 = tpu.memref_squeeze %dma_wait3A_119 : memref<1x128x128xf32, #tpu.memory_space<vmem>> -> memref<128x128xf32, #tpu.memory_space<vmem>>
        %dma_wait3A_121 = arith.constant 0 : i32
        %dma_wait3A_122 = tpu.memref_slice %arg11[%run_scoped3A_98, %dma_wait3A_121] : memref<2x128xi32, #tpu.memory_space<vmem>> -> memref<1x128xi32, #tpu.memory_space<vmem>>
        %dma_wait3A_123 = tpu.memref_squeeze %dma_wait3A_122 : memref<1x128xi32, #tpu.memory_space<vmem>> -> memref<128xi32, #tpu.memory_space<vmem>>
        %dma_wait3A_124 = arith.constant 0 : i32
        %dma_wait3A_125 = arith.constant 0 : i32
        %dma_wait3A_126 = tpu.memref_slice %arg15[%dma_wait3A_124, %dma_wait3A_125] : memref<10112x128xf32, #tpu.memory_space<vmem_shared>> -> memref<10112x128xf32, #tpu.memory_space<vmem_shared>>
        tpu.wait_indirect_dma semaphore(%run_scoped3A_106 : memref<!tpu.dma_semaphore, #tpu.memory_space<semaphore_mem>>) src(%dma_wait3A_120 : memref<128x128xf32, #tpu.memory_space<vmem>>) dst(%dma_wait3A_126 : memref<10112x128xf32, #tpu.memory_space<vmem_shared>>)
        tpu.yield
      }) : () -> ()
      %run_scoped3A_99 = arith.constant 1 : i32
      "tpu.region"() ({
        %run_scoped3A_106 = tpu.sem_alloc : memref<!tpu.dma_semaphore, #tpu.memory_space<semaphore_mem>>
        %dma_start3A_107 = arith.constant 0 : i32
        %dma_start3A_108 = tpu.memref_slice %arg11[%run_scoped3A_99, %dma_start3A_107] : memref<2x128xi32, #tpu.memory_space<vmem>> -> memref<1x128xi32, #tpu.memory_space<vmem>>
        %dma_start3A_109 = tpu.memref_squeeze %dma_start3A_108 : memref<1x128xi32, #tpu.memory_space<vmem>> -> memref<128xi32, #tpu.memory_space<vmem>>
        %dma_start3A_110 = arith.constant 0 : i32
        %dma_start3A_111 = tpu.memref_slice %arg16[%dma_start3A_110] : memref<10112xf32, #tpu.memory_space<vmem_shared>> -> memref<10112xf32, #tpu.memory_space<vmem_shared>>
        tpu.enqueue_indirect_dma source(%arg13 : memref<128xf32, #tpu.memory_space<vmem>>) target(%dma_start3A_111 : memref<10112xf32, #tpu.memory_space<vmem_shared>>) offsets(%dma_start3A_109 : memref<128xi32, #tpu.memory_space<vmem>>) semaphore(%run_scoped3A_106 : memref<!tpu.dma_semaphore, #tpu.memory_space<semaphore_mem>>) {add = true}
        %dma_wait3A_112 = arith.constant 0 : i32
        %dma_wait3A_113 = tpu.memref_slice %arg11[%run_scoped3A_99, %dma_wait3A_112] : memref<2x128xi32, #tpu.memory_space<vmem>> -> memref<1x128xi32, #tpu.memory_space<vmem>>
        %dma_wait3A_114 = tpu.memref_squeeze %dma_wait3A_113 : memref<1x128xi32, #tpu.memory_space<vmem>> -> memref<128xi32, #tpu.memory_space<vmem>>
        %dma_wait3A_115 = arith.constant 0 : i32
        %dma_wait3A_116 = tpu.memref_slice %arg16[%dma_wait3A_115] : memref<10112xf32, #tpu.memory_space<vmem_shared>> -> memref<10112xf32, #tpu.memory_space<vmem_shared>>
        tpu.wait_indirect_dma semaphore(%run_scoped3A_106 : memref<!tpu.dma_semaphore, #tpu.memory_space<semaphore_mem>>) src(%arg13 : memref<128xf32, #tpu.memory_space<vmem>>) dst(%dma_wait3A_116 : memref<10112xf32, #tpu.memory_space<vmem_shared>>)
        tpu.yield
      }) : () -> ()
      %add3A_100 = arith.constant 2 : i32
      %add3A_101 = arith.addi %add3A_84, %add3A_100 : i32
      %lt3A_102 = arith.cmpi slt, %add3A_101, %select_n3A : i32
      %convert_element_type3A_103 = arith.extui %lt3A_102 : i1 to i32
      %cond3A_104 = arith.constant 0 : i32
      %cond3A_105 = arith.cmpi ne, %convert_element_type3A_103, %cond3A_104 : i32
      scf.if %cond3A_105 {
        %add3A_106 = arith.constant 2 : i32
        %add3A_107 = arith.addi %add3A_84, %add3A_106 : i32
        %mul3A_108 = arith.constant 128 : i32
        %mul3A_109 = arith.muli %add3A_107, %mul3A_108 : i32
        %add3A_110 = arith.addi %mul3A_8, %mul3A_109 : i32
        %run_scoped3A_111 = arith.constant 1 : i32
        "tpu.region"() ({
          %run_scoped3A_125 = tpu.sem_alloc : memref<!tpu.dma_semaphore, #tpu.memory_space<semaphore_mem>>
          %dma_start3A_126 = arith.constant 0 : i32
          %dma_start3A_127 = tpu.memref_slice %arg10[%run_scoped3A_111, %dma_start3A_126] : memref<2x128xi32, #tpu.memory_space<vmem>> -> memref<1x128xi32, #tpu.memory_space<vmem>>
          %dma_start3A_128 = tpu.memref_squeeze %dma_start3A_127 : memref<1x128xi32, #tpu.memory_space<vmem>> -> memref<128xi32, #tpu.memory_space<vmem>>
          %dma_start3A_129 = tpu.memref_slice %arg3[%add3A_110] : memref<327680xi32, #tpu.memory_space<hbm>> -> memref<128xi32, #tpu.memory_space<hbm>>
          %dma_start3A_130 = arith.constant 0 : i32
          %dma_start3A_131 = tpu.memref_slice %arg10[%run_scoped3A_111, %dma_start3A_130] : memref<2x128xi32, #tpu.memory_space<vmem>> -> memref<1x128xi32, #tpu.memory_space<vmem>>
          %dma_start3A_132 = tpu.memref_squeeze %dma_start3A_131 : memref<1x128xi32, #tpu.memory_space<vmem>> -> memref<128xi32, #tpu.memory_space<vmem>>
          %dma_start3A_133 = tpu.memref_slice %arg3[%add3A_110] : memref<327680xi32, #tpu.memory_space<hbm>> -> memref<128xi32, #tpu.memory_space<hbm>>
          tpu.enqueue_dma source(%dma_start3A_133 : memref<128xi32, #tpu.memory_space<hbm>>) target(%dma_start3A_132 : memref<128xi32, #tpu.memory_space<vmem>>) target_semaphore(%run_scoped3A_125 : memref<!tpu.dma_semaphore, #tpu.memory_space<semaphore_mem>>)
          %dma_wait3A_134 = arith.constant 0 : i32
          %dma_wait3A_135 = tpu.memref_slice %arg10[%run_scoped3A_111, %dma_wait3A_134] : memref<2x128xi32, #tpu.memory_space<vmem>> -> memref<1x128xi32, #tpu.memory_space<vmem>>
          %dma_wait3A_136 = tpu.memref_squeeze %dma_wait3A_135 : memref<1x128xi32, #tpu.memory_space<vmem>> -> memref<128xi32, #tpu.memory_space<vmem>>
          %dma_wait3A_137 = tpu.memref_slice %arg3[%add3A_110] : memref<327680xi32, #tpu.memory_space<hbm>> -> memref<128xi32, #tpu.memory_space<hbm>>
          %dma_wait3A_138 = arith.constant 0 : i32
          %dma_wait3A_139 = tpu.memref_slice %arg10[%run_scoped3A_111, %dma_wait3A_138] : memref<2x128xi32, #tpu.memory_space<vmem>> -> memref<1x128xi32, #tpu.memory_space<vmem>>
          %dma_wait3A_140 = tpu.memref_squeeze %dma_wait3A_139 : memref<1x128xi32, #tpu.memory_space<vmem>> -> memref<128xi32, #tpu.memory_space<vmem>>
          %dma_wait3A_141 = tpu.memref_slice %arg3[%add3A_110] : memref<327680xi32, #tpu.memory_space<hbm>> -> memref<128xi32, #tpu.memory_space<hbm>>
          tpu.wait_dma2 semaphore(%run_scoped3A_125 : memref<!tpu.dma_semaphore, #tpu.memory_space<semaphore_mem>>) src(%dma_wait3A_141 : memref<128xi32, #tpu.memory_space<hbm>>) dst(%dma_wait3A_140 : memref<128xi32, #tpu.memory_space<vmem>>)
          tpu.yield
        }) : () -> ()
        %run_scoped3A_112 = arith.constant 1 : i32
        "tpu.region"() ({
          %run_scoped3A_125 = tpu.sem_alloc : memref<!tpu.dma_semaphore, #tpu.memory_space<semaphore_mem>>
          %dma_start3A_126 = arith.constant 0 : i32
          %dma_start3A_127 = tpu.memref_slice %arg11[%run_scoped3A_112, %dma_start3A_126] : memref<2x128xi32, #tpu.memory_space<vmem>> -> memref<1x128xi32, #tpu.memory_space<vmem>>
          %dma_start3A_128 = tpu.memref_squeeze %dma_start3A_127 : memref<1x128xi32, #tpu.memory_space<vmem>> -> memref<128xi32, #tpu.memory_space<vmem>>
          %dma_start3A_129 = tpu.memref_slice %arg4[%add3A_110] : memref<327680xi32, #tpu.memory_space<hbm>> -> memref<128xi32, #tpu.memory_space<hbm>>
          %dma_start3A_130 = arith.constant 0 : i32
          %dma_start3A_131 = tpu.memref_slice %arg11[%run_scoped3A_112, %dma_start3A_130] : memref<2x128xi32, #tpu.memory_space<vmem>> -> memref<1x128xi32, #tpu.memory_space<vmem>>
          %dma_start3A_132 = tpu.memref_squeeze %dma_start3A_131 : memref<1x128xi32, #tpu.memory_space<vmem>> -> memref<128xi32, #tpu.memory_space<vmem>>
          %dma_start3A_133 = tpu.memref_slice %arg4[%add3A_110] : memref<327680xi32, #tpu.memory_space<hbm>> -> memref<128xi32, #tpu.memory_space<hbm>>
          tpu.enqueue_dma source(%dma_start3A_133 : memref<128xi32, #tpu.memory_space<hbm>>) target(%dma_start3A_132 : memref<128xi32, #tpu.memory_space<vmem>>) target_semaphore(%run_scoped3A_125 : memref<!tpu.dma_semaphore, #tpu.memory_space<semaphore_mem>>)
          %dma_wait3A_134 = arith.constant 0 : i32
          %dma_wait3A_135 = tpu.memref_slice %arg11[%run_scoped3A_112, %dma_wait3A_134] : memref<2x128xi32, #tpu.memory_space<vmem>> -> memref<1x128xi32, #tpu.memory_space<vmem>>
          %dma_wait3A_136 = tpu.memref_squeeze %dma_wait3A_135 : memref<1x128xi32, #tpu.memory_space<vmem>> -> memref<128xi32, #tpu.memory_space<vmem>>
          %dma_wait3A_137 = tpu.memref_slice %arg4[%add3A_110] : memref<327680xi32, #tpu.memory_space<hbm>> -> memref<128xi32, #tpu.memory_space<hbm>>
          %dma_wait3A_138 = arith.constant 0 : i32
          %dma_wait3A_139 = tpu.memref_slice %arg11[%run_scoped3A_112, %dma_wait3A_138] : memref<2x128xi32, #tpu.memory_space<vmem>> -> memref<1x128xi32, #tpu.memory_space<vmem>>
          %dma_wait3A_140 = tpu.memref_squeeze %dma_wait3A_139 : memref<1x128xi32, #tpu.memory_space<vmem>> -> memref<128xi32, #tpu.memory_space<vmem>>
          %dma_wait3A_141 = tpu.memref_slice %arg4[%add3A_110] : memref<327680xi32, #tpu.memory_space<hbm>> -> memref<128xi32, #tpu.memory_space<hbm>>
          tpu.wait_dma2 semaphore(%run_scoped3A_125 : memref<!tpu.dma_semaphore, #tpu.memory_space<semaphore_mem>>) src(%dma_wait3A_141 : memref<128xi32, #tpu.memory_space<hbm>>) dst(%dma_wait3A_140 : memref<128xi32, #tpu.memory_space<vmem>>)
          tpu.yield
        }) : () -> ()
        %dma_start3A_113 = arith.constant 1 : i32
        %dma_start3A_114 = arith.constant 1 : i32
        %dma_start3A_115 = arith.constant 0 : i32
        %dma_start3A_116 = arith.constant 0 : i32
        %dma_start3A_117 = tpu.memref_slice %arg12[%dma_start3A_114, %dma_start3A_115, %dma_start3A_116] : memref<2x128x128xf32, #tpu.memory_space<vmem>> -> memref<1x128x128xf32, #tpu.memory_space<vmem>>
        %dma_start3A_118 = tpu.memref_squeeze %dma_start3A_117 : memref<1x128x128xf32, #tpu.memory_space<vmem>> -> memref<128x128xf32, #tpu.memory_space<vmem>>
        %dma_start3A_119 = arith.constant 0 : i32
        %dma_start3A_120 = tpu.memref_slice %arg10[%dma_start3A_113, %dma_start3A_119] : memref<2x128xi32, #tpu.memory_space<vmem>> -> memref<1x128xi32, #tpu.memory_space<vmem>>
        %dma_start3A_121 = tpu.memref_squeeze %dma_start3A_120 : memref<1x128xi32, #tpu.memory_space<vmem>> -> memref<128xi32, #tpu.memory_space<vmem>>
        %dma_start3A_122 = arith.constant 0 : i32
        %dma_start3A_123 = arith.constant 0 : i32
        %dma_start3A_124 = tpu.memref_slice %arg2[%dma_start3A_122, %dma_start3A_123] : memref<10000x128xf32, #tpu.memory_space<hbm>> -> memref<10000x128xf32, #tpu.memory_space<hbm>>
        tpu.enqueue_indirect_dma source(%dma_start3A_124 : memref<10000x128xf32, #tpu.memory_space<hbm>>) target(%dma_start3A_118 : memref<128x128xf32, #tpu.memory_space<vmem>>) offsets(%dma_start3A_121 : memref<128xi32, #tpu.memory_space<vmem>>) semaphore(%arg18 : memref<!tpu.dma_semaphore, #tpu.memory_space<semaphore_mem>>)
      } else {
      }
    }
    %while3A_56 = arith.constant 1 : i32
    scf.for %while3A_61 = %while3A_54 to %while3A_50 step %while3A_56  : i32 {
      %mul3A_62 = arith.muli %while3A_61, %while3A : i32
      %add3A_63 = arith.addi %while3A_47, %mul3A_62 : i32
      %add3A_64 = arith.constant 0 : i32
      %add3A_65 = arith.addi %add3A_63, %add3A_64 : i32
      %dma_wait3A = arith.constant 0 : i32
      %dma_wait3A_66 = arith.constant 0 : i32
      %dma_wait3A_67 = arith.constant 0 : i32
      %dma_wait3A_68 = arith.constant 0 : i32
      %dma_wait3A_69 = tpu.memref_slice %arg12[%dma_wait3A_66, %dma_wait3A_67, %dma_wait3A_68] : memref<2x128x128xf32, #tpu.memory_space<vmem>> -> memref<1x128x128xf32, #tpu.memory_space<vmem>>
      %dma_wait3A_70 = tpu.memref_squeeze %dma_wait3A_69 : memref<1x128x128xf32, #tpu.memory_space<vmem>> -> memref<128x128xf32, #tpu.memory_space<vmem>>
      %dma_wait3A_71 = arith.constant 0 : i32
      %dma_wait3A_72 = tpu.memref_slice %arg10[%dma_wait3A, %dma_wait3A_71] : memref<2x128xi32, #tpu.memory_space<vmem>> -> memref<1x128xi32, #tpu.memory_space<vmem>>
      %dma_wait3A_73 = tpu.memref_squeeze %dma_wait3A_72 : memref<1x128xi32, #tpu.memory_space<vmem>> -> memref<128xi32, #tpu.memory_space<vmem>>
      %dma_wait3A_74 = arith.constant 0 : i32
      %dma_wait3A_75 = arith.constant 0 : i32
      %dma_wait3A_76 = tpu.memref_slice %arg2[%dma_wait3A_74, %dma_wait3A_75] : memref<10000x128xf32, #tpu.memory_space<hbm>> -> memref<10000x128xf32, #tpu.memory_space<hbm>>
      tpu.wait_indirect_dma semaphore(%arg17 : memref<!tpu.dma_semaphore, #tpu.memory_space<semaphore_mem>>) src(%dma_wait3A_76 : memref<10000x128xf32, #tpu.memory_space<hbm>>) dst(%dma_wait3A_70 : memref<128x128xf32, #tpu.memory_space<vmem>>)
      %run_scoped3A_77 = arith.constant 0 : i32
      %run_scoped3A_78 = arith.constant 0 : i32
      "tpu.region"() ({
        %run_scoped3A_106 = tpu.sem_alloc : memref<!tpu.dma_semaphore, #tpu.memory_space<semaphore_mem>>
        %dma_start3A_107 = arith.constant 0 : i32
        %dma_start3A_108 = arith.constant 0 : i32
        %dma_start3A_109 = tpu.memref_slice %arg12[%run_scoped3A_77, %dma_start3A_107, %dma_start3A_108] : memref<2x128x128xf32, #tpu.memory_space<vmem>> -> memref<1x128x128xf32, #tpu.memory_space<vmem>>
        %dma_start3A_110 = tpu.memref_squeeze %dma_start3A_109 : memref<1x128x128xf32, #tpu.memory_space<vmem>> -> memref<128x128xf32, #tpu.memory_space<vmem>>
        %dma_start3A_111 = arith.constant 0 : i32
        %dma_start3A_112 = tpu.memref_slice %arg11[%run_scoped3A_78, %dma_start3A_111] : memref<2x128xi32, #tpu.memory_space<vmem>> -> memref<1x128xi32, #tpu.memory_space<vmem>>
        %dma_start3A_113 = tpu.memref_squeeze %dma_start3A_112 : memref<1x128xi32, #tpu.memory_space<vmem>> -> memref<128xi32, #tpu.memory_space<vmem>>
        %dma_start3A_114 = arith.constant 0 : i32
        %dma_start3A_115 = arith.constant 0 : i32
        %dma_start3A_116 = tpu.memref_slice %arg15[%dma_start3A_114, %dma_start3A_115] : memref<10112x128xf32, #tpu.memory_space<vmem_shared>> -> memref<10112x128xf32, #tpu.memory_space<vmem_shared>>
        tpu.enqueue_indirect_dma source(%dma_start3A_110 : memref<128x128xf32, #tpu.memory_space<vmem>>) target(%dma_start3A_116 : memref<10112x128xf32, #tpu.memory_space<vmem_shared>>) offsets(%dma_start3A_113 : memref<128xi32, #tpu.memory_space<vmem>>) semaphore(%run_scoped3A_106 : memref<!tpu.dma_semaphore, #tpu.memory_space<semaphore_mem>>) {add = true}
        %dma_wait3A_117 = arith.constant 0 : i32
        %dma_wait3A_118 = arith.constant 0 : i32
        %dma_wait3A_119 = tpu.memref_slice %arg12[%run_scoped3A_77, %dma_wait3A_117, %dma_wait3A_118] : memref<2x128x128xf32, #tpu.memory_space<vmem>> -> memref<1x128x128xf32, #tpu.memory_space<vmem>>
        %dma_wait3A_120 = tpu.memref_squeeze %dma_wait3A_119 : memref<1x128x128xf32, #tpu.memory_space<vmem>> -> memref<128x128xf32, #tpu.memory_space<vmem>>
        %dma_wait3A_121 = arith.constant 0 : i32
        %dma_wait3A_122 = tpu.memref_slice %arg11[%run_scoped3A_78, %dma_wait3A_121] : memref<2x128xi32, #tpu.memory_space<vmem>> -> memref<1x128xi32, #tpu.memory_space<vmem>>
        %dma_wait3A_123 = tpu.memref_squeeze %dma_wait3A_122 : memref<1x128xi32, #tpu.memory_space<vmem>> -> memref<128xi32, #tpu.memory_space<vmem>>
        %dma_wait3A_124 = arith.constant 0 : i32
        %dma_wait3A_125 = arith.constant 0 : i32
        %dma_wait3A_126 = tpu.memref_slice %arg15[%dma_wait3A_124, %dma_wait3A_125] : memref<10112x128xf32, #tpu.memory_space<vmem_shared>> -> memref<10112x128xf32, #tpu.memory_space<vmem_shared>>
        tpu.wait_indirect_dma semaphore(%run_scoped3A_106 : memref<!tpu.dma_semaphore, #tpu.memory_space<semaphore_mem>>) src(%dma_wait3A_120 : memref<128x128xf32, #tpu.memory_space<vmem>>) dst(%dma_wait3A_126 : memref<10112x128xf32, #tpu.memory_space<vmem_shared>>)
        tpu.yield
      }) : () -> ()
      %run_scoped3A_79 = arith.constant 0 : i32
      "tpu.region"() ({
        %run_scoped3A_106 = tpu.sem_alloc : memref<!tpu.dma_semaphore, #tpu.memory_space<semaphore_mem>>
        %dma_start3A_107 = arith.constant 0 : i32
        %dma_start3A_108 = tpu.memref_slice %arg11[%run_scoped3A_79, %dma_start3A_107] : memref<2x128xi32, #tpu.memory_space<vmem>> -> memref<1x128xi32, #tpu.memory_space<vmem>>
        %dma_start3A_109 = tpu.memref_squeeze %dma_start3A_108 : memref<1x128xi32, #tpu.memory_space<vmem>> -> memref<128xi32, #tpu.memory_space<vmem>>
        %dma_start3A_110 = arith.constant 0 : i32
        %dma_start3A_111 = tpu.memref_slice %arg16[%dma_start3A_110] : memref<10112xf32, #tpu.memory_space<vmem_shared>> -> memref<10112xf32, #tpu.memory_space<vmem_shared>>
        tpu.enqueue_indirect_dma source(%arg13 : memref<128xf32, #tpu.memory_space<vmem>>) target(%dma_start3A_111 : memref<10112xf32, #tpu.memory_space<vmem_shared>>) offsets(%dma_start3A_109 : memref<128xi32, #tpu.memory_space<vmem>>) semaphore(%run_scoped3A_106 : memref<!tpu.dma_semaphore, #tpu.memory_space<semaphore_mem>>) {add = true}
        %dma_wait3A_112 = arith.constant 0 : i32
        %dma_wait3A_113 = tpu.memref_slice %arg11[%run_scoped3A_79, %dma_wait3A_112] : memref<2x128xi32, #tpu.memory_space<vmem>> -> memref<1x128xi32, #tpu.memory_space<vmem>>
        %dma_wait3A_114 = tpu.memref_squeeze %dma_wait3A_113 : memref<1x128xi32, #tpu.memory_space<vmem>> -> memref<128xi32, #tpu.memory_space<vmem>>
        %dma_wait3A_115 = arith.constant 0 : i32
        %dma_wait3A_116 = tpu.memref_slice %arg16[%dma_wait3A_115] : memref<10112xf32, #tpu.memory_space<vmem_shared>> -> memref<10112xf32, #tpu.memory_space<vmem_shared>>
        tpu.wait_indirect_dma semaphore(%run_scoped3A_106 : memref<!tpu.dma_semaphore, #tpu.memory_space<semaphore_mem>>) src(%arg13 : memref<128xf32, #tpu.memory_space<vmem>>) dst(%dma_wait3A_116 : memref<10112xf32, #tpu.memory_space<vmem_shared>>)
        tpu.yield
      }) : () -> ()
      %add3A_80 = arith.constant 2 : i32
      %add3A_81 = arith.addi %add3A_65, %add3A_80 : i32
      %lt3A = arith.cmpi slt, %add3A_81, %select_n3A : i32
      %convert_element_type3A = arith.extui %lt3A : i1 to i32
      %cond3A = arith.constant 0 : i32
      %cond3A_82 = arith.cmpi ne, %convert_element_type3A, %cond3A : i32
      scf.if %cond3A_82 {
        %add3A_106 = arith.constant 2 : i32
        %add3A_107 = arith.addi %add3A_65, %add3A_106 : i32
        %mul3A_108 = arith.constant 128 : i32
        %mul3A_109 = arith.muli %add3A_107, %mul3A_108 : i32
        %add3A_110 = arith.addi %mul3A_8, %mul3A_109 : i32
        %run_scoped3A_111 = arith.constant 0 : i32
        "tpu.region"() ({
          %run_scoped3A_125 = tpu.sem_alloc : memref<!tpu.dma_semaphore, #tpu.memory_space<semaphore_mem>>
          %dma_start3A_126 = arith.constant 0 : i32
          %dma_start3A_127 = tpu.memref_slice %arg10[%run_scoped3A_111, %dma_start3A_126] : memref<2x128xi32, #tpu.memory_space<vmem>> -> memref<1x128xi32, #tpu.memory_space<vmem>>
          %dma_start3A_128 = tpu.memref_squeeze %dma_start3A_127 : memref<1x128xi32, #tpu.memory_space<vmem>> -> memref<128xi32, #tpu.memory_space<vmem>>
          %dma_start3A_129 = tpu.memref_slice %arg3[%add3A_110] : memref<327680xi32, #tpu.memory_space<hbm>> -> memref<128xi32, #tpu.memory_space<hbm>>
          %dma_start3A_130 = arith.constant 0 : i32
          %dma_start3A_131 = tpu.memref_slice %arg10[%run_scoped3A_111, %dma_start3A_130] : memref<2x128xi32, #tpu.memory_space<vmem>> -> memref<1x128xi32, #tpu.memory_space<vmem>>
          %dma_start3A_132 = tpu.memref_squeeze %dma_start3A_131 : memref<1x128xi32, #tpu.memory_space<vmem>> -> memref<128xi32, #tpu.memory_space<vmem>>
          %dma_start3A_133 = tpu.memref_slice %arg3[%add3A_110] : memref<327680xi32, #tpu.memory_space<hbm>> -> memref<128xi32, #tpu.memory_space<hbm>>
          tpu.enqueue_dma source(%dma_start3A_133 : memref<128xi32, #tpu.memory_space<hbm>>) target(%dma_start3A_132 : memref<128xi32, #tpu.memory_space<vmem>>) target_semaphore(%run_scoped3A_125 : memref<!tpu.dma_semaphore, #tpu.memory_space<semaphore_mem>>)
          %dma_wait3A_134 = arith.constant 0 : i32
          %dma_wait3A_135 = tpu.memref_slice %arg10[%run_scoped3A_111, %dma_wait3A_134] : memref<2x128xi32, #tpu.memory_space<vmem>> -> memref<1x128xi32, #tpu.memory_space<vmem>>
          %dma_wait3A_136 = tpu.memref_squeeze %dma_wait3A_135 : memref<1x128xi32, #tpu.memory_space<vmem>> -> memref<128xi32, #tpu.memory_space<vmem>>
          %dma_wait3A_137 = tpu.memref_slice %arg3[%add3A_110] : memref<327680xi32, #tpu.memory_space<hbm>> -> memref<128xi32, #tpu.memory_space<hbm>>
          %dma_wait3A_138 = arith.constant 0 : i32
          %dma_wait3A_139 = tpu.memref_slice %arg10[%run_scoped3A_111, %dma_wait3A_138] : memref<2x128xi32, #tpu.memory_space<vmem>> -> memref<1x128xi32, #tpu.memory_space<vmem>>
          %dma_wait3A_140 = tpu.memref_squeeze %dma_wait3A_139 : memref<1x128xi32, #tpu.memory_space<vmem>> -> memref<128xi32, #tpu.memory_space<vmem>>
          %dma_wait3A_141 = tpu.memref_slice %arg3[%add3A_110] : memref<327680xi32, #tpu.memory_space<hbm>> -> memref<128xi32, #tpu.memory_space<hbm>>
          tpu.wait_dma2 semaphore(%run_scoped3A_125 : memref<!tpu.dma_semaphore, #tpu.memory_space<semaphore_mem>>) src(%dma_wait3A_141 : memref<128xi32, #tpu.memory_space<hbm>>) dst(%dma_wait3A_140 : memref<128xi32, #tpu.memory_space<vmem>>)
          tpu.yield
        }) : () -> ()
        %run_scoped3A_112 = arith.constant 0 : i32
        "tpu.region"() ({
          %run_scoped3A_125 = tpu.sem_alloc : memref<!tpu.dma_semaphore, #tpu.memory_space<semaphore_mem>>
          %dma_start3A_126 = arith.constant 0 : i32
          %dma_start3A_127 = tpu.memref_slice %arg11[%run_scoped3A_112, %dma_start3A_126] : memref<2x128xi32, #tpu.memory_space<vmem>> -> memref<1x128xi32, #tpu.memory_space<vmem>>
          %dma_start3A_128 = tpu.memref_squeeze %dma_start3A_127 : memref<1x128xi32, #tpu.memory_space<vmem>> -> memref<128xi32, #tpu.memory_space<vmem>>
          %dma_start3A_129 = tpu.memref_slice %arg4[%add3A_110] : memref<327680xi32, #tpu.memory_space<hbm>> -> memref<128xi32, #tpu.memory_space<hbm>>
          %dma_start3A_130 = arith.constant 0 : i32
          %dma_start3A_131 = tpu.memref_slice %arg11[%run_scoped3A_112, %dma_start3A_130] : memref<2x128xi32, #tpu.memory_space<vmem>> -> memref<1x128xi32, #tpu.memory_space<vmem>>
          %dma_start3A_132 = tpu.memref_squeeze %dma_start3A_131 : memref<1x128xi32, #tpu.memory_space<vmem>> -> memref<128xi32, #tpu.memory_space<vmem>>
          %dma_start3A_133 = tpu.memref_slice %arg4[%add3A_110] : memref<327680xi32, #tpu.memory_space<hbm>> -> memref<128xi32, #tpu.memory_space<hbm>>
          tpu.enqueue_dma source(%dma_start3A_133 : memref<128xi32, #tpu.memory_space<hbm>>) target(%dma_start3A_132 : memref<128xi32, #tpu.memory_space<vmem>>) target_semaphore(%run_scoped3A_125 : memref<!tpu.dma_semaphore, #tpu.memory_space<semaphore_mem>>)
          %dma_wait3A_134 = arith.constant 0 : i32
          %dma_wait3A_135 = tpu.memref_slice %arg11[%run_scoped3A_112, %dma_wait3A_134] : memref<2x128xi32, #tpu.memory_space<vmem>> -> memref<1x128xi32, #tpu.memory_space<vmem>>
          %dma_wait3A_136 = tpu.memref_squeeze %dma_wait3A_135 : memref<1x128xi32, #tpu.memory_space<vmem>> -> memref<128xi32, #tpu.memory_space<vmem>>
          %dma_wait3A_137 = tpu.memref_slice %arg4[%add3A_110] : memref<327680xi32, #tpu.memory_space<hbm>> -> memref<128xi32, #tpu.memory_space<hbm>>
          %dma_wait3A_138 = arith.constant 0 : i32
          %dma_wait3A_139 = tpu.memref_slice %arg11[%run_scoped3A_112, %dma_wait3A_138] : memref<2x128xi32, #tpu.memory_space<vmem>> -> memref<1x128xi32, #tpu.memory_space<vmem>>
          %dma_wait3A_140 = tpu.memref_squeeze %dma_wait3A_139 : memref<1x128xi32, #tpu.memory_space<vmem>> -> memref<128xi32, #tpu.memory_space<vmem>>
          %dma_wait3A_141 = tpu.memref_slice %arg4[%add3A_110] : memref<327680xi32, #tpu.memory_space<hbm>> -> memref<128xi32, #tpu.memory_space<hbm>>
          tpu.wait_dma2 semaphore(%run_scoped3A_125 : memref<!tpu.dma_semaphore, #tpu.memory_space<semaphore_mem>>) src(%dma_wait3A_141 : memref<128xi32, #tpu.memory_space<hbm>>) dst(%dma_wait3A_140 : memref<128xi32, #tpu.memory_space<vmem>>)
          tpu.yield
        }) : () -> ()
        %dma_start3A_113 = arith.constant 0 : i32
        %dma_start3A_114 = arith.constant 0 : i32
        %dma_start3A_115 = arith.constant 0 : i32
        %dma_start3A_116 = arith.constant 0 : i32
        %dma_start3A_117 = tpu.memref_slice %arg12[%dma_start3A_114, %dma_start3A_115, %dma_start3A_116] : memref<2x128x128xf32, #tpu.memory_space<vmem>> -> memref<1x128x128xf32, #tpu.memory_space<vmem>>
        %dma_start3A_118 = tpu.memref_squeeze %dma_start3A_117 : memref<1x128x128xf32, #tpu.memory_space<vmem>> -> memref<128x128xf32, #tpu.memory_space<vmem>>
        %dma_start3A_119 = arith.constant 0 : i32
        %dma_start3A_120 = tpu.memref_slice %arg10[%dma_start3A_113, %dma_start3A_119] : memref<2x128xi32, #tpu.memory_space<vmem>> -> memref<1x128xi32, #tpu.memory_space<vmem>>
        %dma_start3A_121 = tpu.memref_squeeze %dma_start3A_120 : memref<1x128xi32, #tpu.memory_space<vmem>> -> memref<128xi32, #tpu.memory_space<vmem>>
        %dma_start3A_122 = arith.constant 0 : i32
        %dma_start3A_123 = arith.constant 0 : i32
        %dma_start3A_124 = tpu.memref_slice %arg2[%dma_start3A_122, %dma_start3A_123] : memref<10000x128xf32, #tpu.memory_space<hbm>> -> memref<10000x128xf32, #tpu.memory_space<hbm>>
        tpu.enqueue_indirect_dma source(%dma_start3A_124 : memref<10000x128xf32, #tpu.memory_space<hbm>>) target(%dma_start3A_118 : memref<128x128xf32, #tpu.memory_space<vmem>>) offsets(%dma_start3A_121 : memref<128xi32, #tpu.memory_space<vmem>>) semaphore(%arg17 : memref<!tpu.dma_semaphore, #tpu.memory_space<semaphore_mem>>)
      } else {
      }
      %add3A_83 = arith.constant 1 : i32
      %add3A_84 = arith.addi %add3A_63, %add3A_83 : i32
      %dma_wait3A_85 = arith.constant 1 : i32
      %dma_wait3A_86 = arith.constant 1 : i32
      %dma_wait3A_87 = arith.constant 0 : i32
      %dma_wait3A_88 = arith.constant 0 : i32
      %dma_wait3A_89 = tpu.memref_slice %arg12[%dma_wait3A_86, %dma_wait3A_87, %dma_wait3A_88] : memref<2x128x128xf32, #tpu.memory_space<vmem>> -> memref<1x128x128xf32, #tpu.memory_space<vmem>>
      %dma_wait3A_90 = tpu.memref_squeeze %dma_wait3A_89 : memref<1x128x128xf32, #tpu.memory_space<vmem>> -> memref<128x128xf32, #tpu.memory_space<vmem>>
      %dma_wait3A_91 = arith.constant 0 : i32
      %dma_wait3A_92 = tpu.memref_slice %arg10[%dma_wait3A_85, %dma_wait3A_91] : memref<2x128xi32, #tpu.memory_space<vmem>> -> memref<1x128xi32, #tpu.memory_space<vmem>>
      %dma_wait3A_93 = tpu.memref_squeeze %dma_wait3A_92 : memref<1x128xi32, #tpu.memory_space<vmem>> -> memref<128xi32, #tpu.memory_space<vmem>>
      %dma_wait3A_94 = arith.constant 0 : i32
      %dma_wait3A_95 = arith.constant 0 : i32
      %dma_wait3A_96 = tpu.memref_slice %arg2[%dma_wait3A_94, %dma_wait3A_95] : memref<10000x128xf32, #tpu.memory_space<hbm>> -> memref<10000x128xf32, #tpu.memory_space<hbm>>
      tpu.wait_indirect_dma semaphore(%arg18 : memref<!tpu.dma_semaphore, #tpu.memory_space<semaphore_mem>>) src(%dma_wait3A_96 : memref<10000x128xf32, #tpu.memory_space<hbm>>) dst(%dma_wait3A_90 : memref<128x128xf32, #tpu.memory_space<vmem>>)
      %run_scoped3A_97 = arith.constant 1 : i32
      %run_scoped3A_98 = arith.constant 1 : i32
      "tpu.region"() ({
        %run_scoped3A_106 = tpu.sem_alloc : memref<!tpu.dma_semaphore, #tpu.memory_space<semaphore_mem>>
        %dma_start3A_107 = arith.constant 0 : i32
        %dma_start3A_108 = arith.constant 0 : i32
        %dma_start3A_109 = tpu.memref_slice %arg12[%run_scoped3A_97, %dma_start3A_107, %dma_start3A_108] : memref<2x128x128xf32, #tpu.memory_space<vmem>> -> memref<1x128x128xf32, #tpu.memory_space<vmem>>
        %dma_start3A_110 = tpu.memref_squeeze %dma_start3A_109 : memref<1x128x128xf32, #tpu.memory_space<vmem>> -> memref<128x128xf32, #tpu.memory_space<vmem>>
        %dma_start3A_111 = arith.constant 0 : i32
        %dma_start3A_112 = tpu.memref_slice %arg11[%run_scoped3A_98, %dma_start3A_111] : memref<2x128xi32, #tpu.memory_space<vmem>> -> memref<1x128xi32, #tpu.memory_space<vmem>>
        %dma_start3A_113 = tpu.memref_squeeze %dma_start3A_112 : memref<1x128xi32, #tpu.memory_space<vmem>> -> memref<128xi32, #tpu.memory_space<vmem>>
        %dma_start3A_114 = arith.constant 0 : i32
        %dma_start3A_115 = arith.constant 0 : i32
        %dma_start3A_116 = tpu.memref_slice %arg15[%dma_start3A_114, %dma_start3A_115] : memref<10112x128xf32, #tpu.memory_space<vmem_shared>> -> memref<10112x128xf32, #tpu.memory_space<vmem_shared>>
        tpu.enqueue_indirect_dma source(%dma_start3A_110 : memref<128x128xf32, #tpu.memory_space<vmem>>) target(%dma_start3A_116 : memref<10112x128xf32, #tpu.memory_space<vmem_shared>>) offsets(%dma_start3A_113 : memref<128xi32, #tpu.memory_space<vmem>>) semaphore(%run_scoped3A_106 : memref<!tpu.dma_semaphore, #tpu.memory_space<semaphore_mem>>) {add = true}
        %dma_wait3A_117 = arith.constant 0 : i32
        %dma_wait3A_118 = arith.constant 0 : i32
        %dma_wait3A_119 = tpu.memref_slice %arg12[%run_scoped3A_97, %dma_wait3A_117, %dma_wait3A_118] : memref<2x128x128xf32, #tpu.memory_space<vmem>> -> memref<1x128x128xf32, #tpu.memory_space<vmem>>
        %dma_wait3A_120 = tpu.memref_squeeze %dma_wait3A_119 : memref<1x128x128xf32, #tpu.memory_space<vmem>> -> memref<128x128xf32, #tpu.memory_space<vmem>>
        %dma_wait3A_121 = arith.constant 0 : i32
        %dma_wait3A_122 = tpu.memref_slice %arg11[%run_scoped3A_98, %dma_wait3A_121] : memref<2x128xi32, #tpu.memory_space<vmem>> -> memref<1x128xi32, #tpu.memory_space<vmem>>
        %dma_wait3A_123 = tpu.memref_squeeze %dma_wait3A_122 : memref<1x128xi32, #tpu.memory_space<vmem>> -> memref<128xi32, #tpu.memory_space<vmem>>
        %dma_wait3A_124 = arith.constant 0 : i32
        %dma_wait3A_125 = arith.constant 0 : i32
        %dma_wait3A_126 = tpu.memref_slice %arg15[%dma_wait3A_124, %dma_wait3A_125] : memref<10112x128xf32, #tpu.memory_space<vmem_shared>> -> memref<10112x128xf32, #tpu.memory_space<vmem_shared>>
        tpu.wait_indirect_dma semaphore(%run_scoped3A_106 : memref<!tpu.dma_semaphore, #tpu.memory_space<semaphore_mem>>) src(%dma_wait3A_120 : memref<128x128xf32, #tpu.memory_space<vmem>>) dst(%dma_wait3A_126 : memref<10112x128xf32, #tpu.memory_space<vmem_shared>>)
        tpu.yield
      }) : () -> ()
      %run_scoped3A_99 = arith.constant 1 : i32
      "tpu.region"() ({
        %run_scoped3A_106 = tpu.sem_alloc : memref<!tpu.dma_semaphore, #tpu.memory_space<semaphore_mem>>
        %dma_start3A_107 = arith.constant 0 : i32
        %dma_start3A_108 = tpu.memref_slice %arg11[%run_scoped3A_99, %dma_start3A_107] : memref<2x128xi32, #tpu.memory_space<vmem>> -> memref<1x128xi32, #tpu.memory_space<vmem>>
        %dma_start3A_109 = tpu.memref_squeeze %dma_start3A_108 : memref<1x128xi32, #tpu.memory_space<vmem>> -> memref<128xi32, #tpu.memory_space<vmem>>
        %dma_start3A_110 = arith.constant 0 : i32
        %dma_start3A_111 = tpu.memref_slice %arg16[%dma_start3A_110] : memref<10112xf32, #tpu.memory_space<vmem_shared>> -> memref<10112xf32, #tpu.memory_space<vmem_shared>>
        tpu.enqueue_indirect_dma source(%arg13 : memref<128xf32, #tpu.memory_space<vmem>>) target(%dma_start3A_111 : memref<10112xf32, #tpu.memory_space<vmem_shared>>) offsets(%dma_start3A_109 : memref<128xi32, #tpu.memory_space<vmem>>) semaphore(%run_scoped3A_106 : memref<!tpu.dma_semaphore, #tpu.memory_space<semaphore_mem>>) {add = true}
        %dma_wait3A_112 = arith.constant 0 : i32
        %dma_wait3A_113 = tpu.memref_slice %arg11[%run_scoped3A_99, %dma_wait3A_112] : memref<2x128xi32, #tpu.memory_space<vmem>> -> memref<1x128xi32, #tpu.memory_space<vmem>>
        %dma_wait3A_114 = tpu.memref_squeeze %dma_wait3A_113 : memref<1x128xi32, #tpu.memory_space<vmem>> -> memref<128xi32, #tpu.memory_space<vmem>>
        %dma_wait3A_115 = arith.constant 0 : i32
        %dma_wait3A_116 = tpu.memref_slice %arg16[%dma_wait3A_115] : memref<10112xf32, #tpu.memory_space<vmem_shared>> -> memref<10112xf32, #tpu.memory_space<vmem_shared>>
        tpu.wait_indirect_dma semaphore(%run_scoped3A_106 : memref<!tpu.dma_semaphore, #tpu.memory_space<semaphore_mem>>) src(%arg13 : memref<128xf32, #tpu.memory_space<vmem>>) dst(%dma_wait3A_116 : memref<10112xf32, #tpu.memory_space<vmem_shared>>)
        tpu.yield
      }) : () -> ()
      %add3A_100 = arith.constant 2 : i32
      %add3A_101 = arith.addi %add3A_84, %add3A_100 : i32
      %lt3A_102 = arith.cmpi slt, %add3A_101, %select_n3A : i32
      %convert_element_type3A_103 = arith.extui %lt3A_102 : i1 to i32
      %cond3A_104 = arith.constant 0 : i32
      %cond3A_105 = arith.cmpi ne, %convert_element_type3A_103, %cond3A_104 : i32
      scf.if %cond3A_105 {
        %add3A_106 = arith.constant 2 : i32
        %add3A_107 = arith.addi %add3A_84, %add3A_106 : i32
        %mul3A_108 = arith.constant 128 : i32
        %mul3A_109 = arith.muli %add3A_107, %mul3A_108 : i32
        %add3A_110 = arith.addi %mul3A_8, %mul3A_109 : i32
        %run_scoped3A_111 = arith.constant 1 : i32
        "tpu.region"() ({
          %run_scoped3A_125 = tpu.sem_alloc : memref<!tpu.dma_semaphore, #tpu.memory_space<semaphore_mem>>
          %dma_start3A_126 = arith.constant 0 : i32
          %dma_start3A_127 = tpu.memref_slice %arg10[%run_scoped3A_111, %dma_start3A_126] : memref<2x128xi32, #tpu.memory_space<vmem>> -> memref<1x128xi32, #tpu.memory_space<vmem>>
          %dma_start3A_128 = tpu.memref_squeeze %dma_start3A_127 : memref<1x128xi32, #tpu.memory_space<vmem>> -> memref<128xi32, #tpu.memory_space<vmem>>
          %dma_start3A_129 = tpu.memref_slice %arg3[%add3A_110] : memref<327680xi32, #tpu.memory_space<hbm>> -> memref<128xi32, #tpu.memory_space<hbm>>
          %dma_start3A_130 = arith.constant 0 : i32
          %dma_start3A_131 = tpu.memref_slice %arg10[%run_scoped3A_111, %dma_start3A_130] : memref<2x128xi32, #tpu.memory_space<vmem>> -> memref<1x128xi32, #tpu.memory_space<vmem>>
          %dma_start3A_132 = tpu.memref_squeeze %dma_start3A_131 : memref<1x128xi32, #tpu.memory_space<vmem>> -> memref<128xi32, #tpu.memory_space<vmem>>
          %dma_start3A_133 = tpu.memref_slice %arg3[%add3A_110] : memref<327680xi32, #tpu.memory_space<hbm>> -> memref<128xi32, #tpu.memory_space<hbm>>
          tpu.enqueue_dma source(%dma_start3A_133 : memref<128xi32, #tpu.memory_space<hbm>>) target(%dma_start3A_132 : memref<128xi32, #tpu.memory_space<vmem>>) target_semaphore(%run_scoped3A_125 : memref<!tpu.dma_semaphore, #tpu.memory_space<semaphore_mem>>)
          %dma_wait3A_134 = arith.constant 0 : i32
          %dma_wait3A_135 = tpu.memref_slice %arg10[%run_scoped3A_111, %dma_wait3A_134] : memref<2x128xi32, #tpu.memory_space<vmem>> -> memref<1x128xi32, #tpu.memory_space<vmem>>
          %dma_wait3A_136 = tpu.memref_squeeze %dma_wait3A_135 : memref<1x128xi32, #tpu.memory_space<vmem>> -> memref<128xi32, #tpu.memory_space<vmem>>
          %dma_wait3A_137 = tpu.memref_slice %arg3[%add3A_110] : memref<327680xi32, #tpu.memory_space<hbm>> -> memref<128xi32, #tpu.memory_space<hbm>>
          %dma_wait3A_138 = arith.constant 0 : i32
          %dma_wait3A_139 = tpu.memref_slice %arg10[%run_scoped3A_111, %dma_wait3A_138] : memref<2x128xi32, #tpu.memory_space<vmem>> -> memref<1x128xi32, #tpu.memory_space<vmem>>
          %dma_wait3A_140 = tpu.memref_squeeze %dma_wait3A_139 : memref<1x128xi32, #tpu.memory_space<vmem>> -> memref<128xi32, #tpu.memory_space<vmem>>
          %dma_wait3A_141 = tpu.memref_slice %arg3[%add3A_110] : memref<327680xi32, #tpu.memory_space<hbm>> -> memref<128xi32, #tpu.memory_space<hbm>>
          tpu.wait_dma2 semaphore(%run_scoped3A_125 : memref<!tpu.dma_semaphore, #tpu.memory_space<semaphore_mem>>) src(%dma_wait3A_141 : memref<128xi32, #tpu.memory_space<hbm>>) dst(%dma_wait3A_140 : memref<128xi32, #tpu.memory_space<vmem>>)
          tpu.yield
        }) : () -> ()
        %run_scoped3A_112 = arith.constant 1 : i32
        "tpu.region"() ({
          %run_scoped3A_125 = tpu.sem_alloc : memref<!tpu.dma_semaphore, #tpu.memory_space<semaphore_mem>>
          %dma_start3A_126 = arith.constant 0 : i32
          %dma_start3A_127 = tpu.memref_slice %arg11[%run_scoped3A_112, %dma_start3A_126] : memref<2x128xi32, #tpu.memory_space<vmem>> -> memref<1x128xi32, #tpu.memory_space<vmem>>
          %dma_start3A_128 = tpu.memref_squeeze %dma_start3A_127 : memref<1x128xi32, #tpu.memory_space<vmem>> -> memref<128xi32, #tpu.memory_space<vmem>>
          %dma_start3A_129 = tpu.memref_slice %arg4[%add3A_110] : memref<327680xi32, #tpu.memory_space<hbm>> -> memref<128xi32, #tpu.memory_space<hbm>>
          %dma_start3A_130 = arith.constant 0 : i32
          %dma_start3A_131 = tpu.memref_slice %arg11[%run_scoped3A_112, %dma_start3A_130] : memref<2x128xi32, #tpu.memory_space<vmem>> -> memref<1x128xi32, #tpu.memory_space<vmem>>
          %dma_start3A_132 = tpu.memref_squeeze %dma_start3A_131 : memref<1x128xi32, #tpu.memory_space<vmem>> -> memref<128xi32, #tpu.memory_space<vmem>>
          %dma_start3A_133 = tpu.memref_slice %arg4[%add3A_110] : memref<327680xi32, #tpu.memory_space<hbm>> -> memref<128xi32, #tpu.memory_space<hbm>>
          tpu.enqueue_dma source(%dma_start3A_133 : memref<128xi32, #tpu.memory_space<hbm>>) target(%dma_start3A_132 : memref<128xi32, #tpu.memory_space<vmem>>) target_semaphore(%run_scoped3A_125 : memref<!tpu.dma_semaphore, #tpu.memory_space<semaphore_mem>>)
          %dma_wait3A_134 = arith.constant 0 : i32
          %dma_wait3A_135 = tpu.memref_slice %arg11[%run_scoped3A_112, %dma_wait3A_134] : memref<2x128xi32, #tpu.memory_space<vmem>> -> memref<1x128xi32, #tpu.memory_space<vmem>>
          %dma_wait3A_136 = tpu.memref_squeeze %dma_wait3A_135 : memref<1x128xi32, #tpu.memory_space<vmem>> -> memref<128xi32, #tpu.memory_space<vmem>>
          %dma_wait3A_137 = tpu.memref_slice %arg4[%add3A_110] : memref<327680xi32, #tpu.memory_space<hbm>> -> memref<128xi32, #tpu.memory_space<hbm>>
          %dma_wait3A_138 = arith.constant 0 : i32
          %dma_wait3A_139 = tpu.memref_slice %arg11[%run_scoped3A_112, %dma_wait3A_138] : memref<2x128xi32, #tpu.memory_space<vmem>> -> memref<1x128xi32, #tpu.memory_space<vmem>>
          %dma_wait3A_140 = tpu.memref_squeeze %dma_wait3A_139 : memref<1x128xi32, #tpu.memory_space<vmem>> -> memref<128xi32, #tpu.memory_space<vmem>>
          %dma_wait3A_141 = tpu.memref_slice %arg4[%add3A_110] : memref<327680xi32, #tpu.memory_space<hbm>> -> memref<128xi32, #tpu.memory_space<hbm>>
          tpu.wait_dma2 semaphore(%run_scoped3A_125 : memref<!tpu.dma_semaphore, #tpu.memory_space<semaphore_mem>>) src(%dma_wait3A_141 : memref<128xi32, #tpu.memory_space<hbm>>) dst(%dma_wait3A_140 : memref<128xi32, #tpu.memory_space<vmem>>)
          tpu.yield
        }) : () -> ()
        %dma_start3A_113 = arith.constant 1 : i32
        %dma_start3A_114 = arith.constant 1 : i32
        %dma_start3A_115 = arith.constant 0 : i32
        %dma_start3A_116 = arith.constant 0 : i32
        %dma_start3A_117 = tpu.memref_slice %arg12[%dma_start3A_114, %dma_start3A_115, %dma_start3A_116] : memref<2x128x128xf32, #tpu.memory_space<vmem>> -> memref<1x128x128xf32, #tpu.memory_space<vmem>>
        %dma_start3A_118 = tpu.memref_squeeze %dma_start3A_117 : memref<1x128x128xf32, #tpu.memory_space<vmem>> -> memref<128x128xf32, #tpu.memory_space<vmem>>
        %dma_start3A_119 = arith.constant 0 : i32
        %dma_start3A_120 = tpu.memref_slice %arg10[%dma_start3A_113, %dma_start3A_119] : memref<2x128xi32, #tpu.memory_space<vmem>> -> memref<1x128xi32, #tpu.memory_space<vmem>>
        %dma_start3A_121 = tpu.memref_squeeze %dma_start3A_120 : memref<1x128xi32, #tpu.memory_space<vmem>> -> memref<128xi32, #tpu.memory_space<vmem>>
        %dma_start3A_122 = arith.constant 0 : i32
        %dma_start3A_123 = arith.constant 0 : i32
        %dma_start3A_124 = tpu.memref_slice %arg2[%dma_start3A_122, %dma_start3A_123] : memref<10000x128xf32, #tpu.memory_space<hbm>> -> memref<10000x128xf32, #tpu.memory_space<hbm>>
        tpu.enqueue_indirect_dma source(%dma_start3A_124 : memref<10000x128xf32, #tpu.memory_space<hbm>>) target(%dma_start3A_118 : memref<128x128xf32, #tpu.memory_space<vmem>>) offsets(%dma_start3A_121 : memref<128xi32, #tpu.memory_space<vmem>>) semaphore(%arg18 : memref<!tpu.dma_semaphore, #tpu.memory_space<semaphore_mem>>)
      } else {
      }
    }
    %barrier3A_57 = arith.constant 0 : index
    tpu.barrier barrier_id(%barrier3A_57)
    "tpu.region"() ({
      %run_scoped3A_61 = tpu.sem_alloc : memref<!tpu.dma_semaphore, #tpu.memory_space<semaphore_mem>>
      %dma_start3A_62 = arith.constant 0 : i32
      %dma_start3A_63 = tpu.memref_slice %arg8[%arg0, %mul3A_0, %dma_start3A_62] : memref<2x10112x128xf32, #tpu.memory_space<hbm>> -> memref<1x632x128xf32, #tpu.memory_space<hbm>>
      %dma_start3A_64 = tpu.memref_squeeze %dma_start3A_63 : memref<1x632x128xf32, #tpu.memory_space<hbm>> -> memref<632x128xf32, #tpu.memory_space<hbm>>
      %dma_start3A_65 = arith.constant 0 : i32
      %dma_start3A_66 = tpu.memref_slice %arg15[%mul3A_0, %dma_start3A_65] : memref<10112x128xf32, #tpu.memory_space<vmem_shared>> -> memref<632x128xf32, #tpu.memory_space<vmem_shared>>
      tpu.enqueue_dma source(%dma_start3A_66 : memref<632x128xf32, #tpu.memory_space<vmem_shared>>) target(%dma_start3A_64 : memref<632x128xf32, #tpu.memory_space<hbm>>) target_semaphore(%run_scoped3A_61 : memref<!tpu.dma_semaphore, #tpu.memory_space<semaphore_mem>>)
      %dma_wait3A = arith.constant 0 : i32
      %dma_wait3A_67 = tpu.memref_slice %arg8[%arg0, %mul3A_0, %dma_wait3A] : memref<2x10112x128xf32, #tpu.memory_space<hbm>> -> memref<1x632x128xf32, #tpu.memory_space<hbm>>
      %dma_wait3A_68 = tpu.memref_squeeze %dma_wait3A_67 : memref<1x632x128xf32, #tpu.memory_space<hbm>> -> memref<632x128xf32, #tpu.memory_space<hbm>>
      %dma_wait3A_69 = arith.constant 0 : i32
      %dma_wait3A_70 = tpu.memref_slice %arg15[%mul3A_0, %dma_wait3A_69] : memref<10112x128xf32, #tpu.memory_space<vmem_shared>> -> memref<632x128xf32, #tpu.memory_space<vmem_shared>>
      tpu.wait_dma2 semaphore(%run_scoped3A_61 : memref<!tpu.dma_semaphore, #tpu.memory_space<semaphore_mem>>) src(%dma_wait3A_70 : memref<632x128xf32, #tpu.memory_space<vmem_shared>>) dst(%dma_wait3A_68 : memref<632x128xf32, #tpu.memory_space<hbm>>)
      tpu.yield
    }) : () -> ()
    "tpu.region"() ({
      %run_scoped3A_61 = tpu.sem_alloc : memref<!tpu.dma_semaphore, #tpu.memory_space<semaphore_mem>>
      %dma_start3A_62 = tpu.memref_slice %arg16[%mul3A_0] : memref<10112xf32, #tpu.memory_space<vmem_shared>> -> memref<632xf32, #tpu.memory_space<vmem_shared>>
      %dma_start3A_63 = tpu.memref_slice %arg16[%mul3A_0] : memref<10112xf32, #tpu.memory_space<vmem_shared>> -> memref<632xf32, #tpu.memory_space<vmem_shared>>
      tpu.enqueue_dma source(%dma_start3A_63 : memref<632xf32, #tpu.memory_space<vmem_shared>>) target(%arg14 : memref<632xf32, #tpu.memory_space<vmem>>) target_semaphore(%run_scoped3A_61 : memref<!tpu.dma_semaphore, #tpu.memory_space<semaphore_mem>>)
      %dma_wait3A = tpu.memref_slice %arg16[%mul3A_0] : memref<10112xf32, #tpu.memory_space<vmem_shared>> -> memref<632xf32, #tpu.memory_space<vmem_shared>>
      %dma_wait3A_64 = tpu.memref_slice %arg16[%mul3A_0] : memref<10112xf32, #tpu.memory_space<vmem_shared>> -> memref<632xf32, #tpu.memory_space<vmem_shared>>
      tpu.wait_dma2 semaphore(%run_scoped3A_61 : memref<!tpu.dma_semaphore, #tpu.memory_space<semaphore_mem>>) src(%dma_wait3A_64 : memref<632xf32, #tpu.memory_space<vmem_shared>>) dst(%arg14 : memref<632xf32, #tpu.memory_space<vmem>>)
      tpu.yield
    }) : () -> ()
    %mul3A_58 = arith.constant 10112 : i32
    %mul3A_59 = arith.muli %arg0, %mul3A_58 : i32
    %add3A_60 = arith.addi %mul3A_59, %mul3A_0 : i32
    "tpu.region"() ({
      %run_scoped3A_61 = tpu.sem_alloc : memref<!tpu.dma_semaphore, #tpu.memory_space<semaphore_mem>>
      %dma_start3A_62 = tpu.memref_slice %arg9[%add3A_60] : memref<20224xf32, #tpu.memory_space<hbm>> -> memref<632xf32, #tpu.memory_space<hbm>>
      %dma_start3A_63 = tpu.memref_slice %arg9[%add3A_60] : memref<20224xf32, #tpu.memory_space<hbm>> -> memref<632xf32, #tpu.memory_space<hbm>>
      tpu.enqueue_dma source(%arg14 : memref<632xf32, #tpu.memory_space<vmem>>) target(%dma_start3A_63 : memref<632xf32, #tpu.memory_space<hbm>>) target_semaphore(%run_scoped3A_61 : memref<!tpu.dma_semaphore, #tpu.memory_space<semaphore_mem>>)
      %dma_wait3A = tpu.memref_slice %arg9[%add3A_60] : memref<20224xf32, #tpu.memory_space<hbm>> -> memref<632xf32, #tpu.memory_space<hbm>>
      %dma_wait3A_64 = tpu.memref_slice %arg9[%add3A_60] : memref<20224xf32, #tpu.memory_space<hbm>> -> memref<632xf32, #tpu.memory_space<hbm>>
      tpu.wait_dma2 semaphore(%run_scoped3A_61 : memref<!tpu.dma_semaphore, #tpu.memory_space<semaphore_mem>>) src(%arg14 : memref<632xf32, #tpu.memory_space<vmem>>) dst(%dma_wait3A_64 : memref<632xf32, #tpu.memory_space<hbm>>)
      tpu.yield
    }) : () -> ()
    return
  }
}

#map = affine_map<(d0, d1) -> (0, 0)>
#map1 = affine_map<(d0, d1) -> (0)>
#map2 = affine_map<(d0, d1) -> (0, 0, 0)>
module attributes {stable_mosaic.version = 14 : i64} {
  func.func @body(%arg0: i32, %arg1: i32, %arg2: memref<10000x128xf32, #tpu.memory_space<hbm>>, %arg3: memref<327680xi32, #tpu.memory_space<hbm>>, %arg4: memref<327680xi32, #tpu.memory_space<hbm>>, %arg5: memref<10112x128xf32, #tpu.memory_space<hbm>>, %arg6: memref<10112xf32, #tpu.memory_space<hbm>>, %arg7: memref<128xf32, #tpu.memory_space<hbm>>, %arg8: memref<2x10112x128xf32, #tpu.memory_space<hbm>>, %arg9: memref<2x128xi32, #tpu.memory_space<vmem>>, %arg10: memref<2x128xi32, #tpu.memory_space<vmem>>, %arg11: memref<2x128x128xf32, #tpu.memory_space<vmem>>, %arg12: memref<128xf32, #tpu.memory_space<vmem>>, %arg13: memref<632xf32, #tpu.memory_space<vmem>>, %arg14: memref<10112x128xf32, #tpu.memory_space<vmem_shared>>, %arg15: memref<10112xf32, #tpu.memory_space<vmem_shared>>, %arg16: memref<!tpu.dma_semaphore, #tpu.memory_space<semaphore_mem>>, %arg17: memref<!tpu.dma_semaphore, #tpu.memory_space<semaphore_mem>>) attributes {dimension_semantics = [#tpu.dimension_semantics<core_parallel>, #tpu.dimension_semantics<subcore_parallel>], iteration_bounds = array<i64: 2, 16>, scalar_prefetch = 0 : i64, scratch_operands = 9 : i64, tpu.core_type = #tpu.core_type<sc_vector_subcore>, window_params = [{transform_indices = #map}, {transform_indices = #map1}, {transform_indices = #map1}, {transform_indices = #map}, {transform_indices = #map1}, {transform_indices = #map1}, {transform_indices = #map2}]} {
    %mul3A = arith.constant 632 : i32
    %mul3A_0 = arith.muli %arg1, %mul3A : i32
    %mul3A_1 = arith.constant 2 : i32
    %mul3A_2 = arith.muli %arg1, %mul3A_1 : i32
    %mul3A_3 = arith.constant 80 : i32
    %mul3A_4 = arith.muli %mul3A_2, %mul3A_3 : i32
    %mul3A_5 = arith.constant 124 : i32
    %mul3A_6 = arith.muli %arg0, %mul3A_5 : i32
    %add3A = arith.addi %mul3A_4, %mul3A_6 : i32
    %mul3A_7 = arith.constant 128 : i32
    %mul3A_8 = arith.muli %add3A, %mul3A_7 : i32
    %eq3A = arith.constant 0 : i32
    %eq3A_9 = arith.cmpi eq, %arg0, %eq3A : i32
    %jit3A = arith.constant 124 : i32
    %jit3A_10 = arith.constant 36 : i32
    %select_n3A = arith.select %eq3A_9, %jit3A, %jit3A_10 : i32
    "tpu.region"() ({
      %run_scoped3A_58 = tpu.sem_alloc : memref<!tpu.dma_semaphore, #tpu.memory_space<semaphore_mem>>
      %dma_start3A_59 = arith.constant 0 : i32
      %dma_start3A_60 = tpu.memref_slice %arg14[%mul3A_0, %dma_start3A_59] : memref<10112x128xf32, #tpu.memory_space<vmem_shared>> -> memref<632x128xf32, #tpu.memory_space<vmem_shared>>
      %dma_start3A_61 = arith.constant 0 : i32
      %dma_start3A_62 = tpu.memref_slice %arg5[%mul3A_0, %dma_start3A_61] : memref<10112x128xf32, #tpu.memory_space<hbm>> -> memref<632x128xf32, #tpu.memory_space<hbm>>
      tpu.enqueue_dma source(%dma_start3A_62 : memref<632x128xf32, #tpu.memory_space<hbm>>) target(%dma_start3A_60 : memref<632x128xf32, #tpu.memory_space<vmem_shared>>) target_semaphore(%run_scoped3A_58 : memref<!tpu.dma_semaphore, #tpu.memory_space<semaphore_mem>>)
      %dma_wait3A = arith.constant 0 : i32
      %dma_wait3A_63 = tpu.memref_slice %arg14[%mul3A_0, %dma_wait3A] : memref<10112x128xf32, #tpu.memory_space<vmem_shared>> -> memref<632x128xf32, #tpu.memory_space<vmem_shared>>
      %dma_wait3A_64 = arith.constant 0 : i32
      %dma_wait3A_65 = tpu.memref_slice %arg5[%mul3A_0, %dma_wait3A_64] : memref<10112x128xf32, #tpu.memory_space<hbm>> -> memref<632x128xf32, #tpu.memory_space<hbm>>
      tpu.wait_dma2 semaphore(%run_scoped3A_58 : memref<!tpu.dma_semaphore, #tpu.memory_space<semaphore_mem>>) src(%dma_wait3A_65 : memref<632x128xf32, #tpu.memory_space<hbm>>) dst(%dma_wait3A_63 : memref<632x128xf32, #tpu.memory_space<vmem_shared>>)
      tpu.yield
    }) : () -> ()
    %barrier3A = arith.constant 0 : index
    tpu.barrier barrier_id(%barrier3A)
    %add3A_11 = arith.constant 0 : i32
    %add3A_12 = arith.addi %mul3A_8, %add3A_11 : i32
    %run_scoped3A = arith.constant 0 : i32
    "tpu.region"() ({
      %run_scoped3A_58 = tpu.sem_alloc : memref<!tpu.dma_semaphore, #tpu.memory_space<semaphore_mem>>
      %dma_start3A_59 = arith.constant 0 : i32
      %dma_start3A_60 = tpu.memref_slice %arg9[%run_scoped3A, %dma_start3A_59] : memref<2x128xi32, #tpu.memory_space<vmem>> -> memref<1x128xi32, #tpu.memory_space<vmem>>
      %dma_start3A_61 = tpu.memref_squeeze %dma_start3A_60 : memref<1x128xi32, #tpu.memory_space<vmem>> -> memref<128xi32, #tpu.memory_space<vmem>>
      %dma_start3A_62 = tpu.memref_slice %arg3[%add3A_12] : memref<327680xi32, #tpu.memory_space<hbm>> -> memref<128xi32, #tpu.memory_space<hbm>>
      %dma_start3A_63 = arith.constant 0 : i32
      %dma_start3A_64 = tpu.memref_slice %arg9[%run_scoped3A, %dma_start3A_63] : memref<2x128xi32, #tpu.memory_space<vmem>> -> memref<1x128xi32, #tpu.memory_space<vmem>>
      %dma_start3A_65 = tpu.memref_squeeze %dma_start3A_64 : memref<1x128xi32, #tpu.memory_space<vmem>> -> memref<128xi32, #tpu.memory_space<vmem>>
      %dma_start3A_66 = tpu.memref_slice %arg3[%add3A_12] : memref<327680xi32, #tpu.memory_space<hbm>> -> memref<128xi32, #tpu.memory_space<hbm>>
      tpu.enqueue_dma source(%dma_start3A_66 : memref<128xi32, #tpu.memory_space<hbm>>) target(%dma_start3A_65 : memref<128xi32, #tpu.memory_space<vmem>>) target_semaphore(%run_scoped3A_58 : memref<!tpu.dma_semaphore, #tpu.memory_space<semaphore_mem>>)
      %dma_wait3A = arith.constant 0 : i32
      %dma_wait3A_67 = tpu.memref_slice %arg9[%run_scoped3A, %dma_wait3A] : memref<2x128xi32, #tpu.memory_space<vmem>> -> memref<1x128xi32, #tpu.memory_space<vmem>>
      %dma_wait3A_68 = tpu.memref_squeeze %dma_wait3A_67 : memref<1x128xi32, #tpu.memory_space<vmem>> -> memref<128xi32, #tpu.memory_space<vmem>>
      %dma_wait3A_69 = tpu.memref_slice %arg3[%add3A_12] : memref<327680xi32, #tpu.memory_space<hbm>> -> memref<128xi32, #tpu.memory_space<hbm>>
      %dma_wait3A_70 = arith.constant 0 : i32
      %dma_wait3A_71 = tpu.memref_slice %arg9[%run_scoped3A, %dma_wait3A_70] : memref<2x128xi32, #tpu.memory_space<vmem>> -> memref<1x128xi32, #tpu.memory_space<vmem>>
      %dma_wait3A_72 = tpu.memref_squeeze %dma_wait3A_71 : memref<1x128xi32, #tpu.memory_space<vmem>> -> memref<128xi32, #tpu.memory_space<vmem>>
      %dma_wait3A_73 = tpu.memref_slice %arg3[%add3A_12] : memref<327680xi32, #tpu.memory_space<hbm>> -> memref<128xi32, #tpu.memory_space<hbm>>
      tpu.wait_dma2 semaphore(%run_scoped3A_58 : memref<!tpu.dma_semaphore, #tpu.memory_space<semaphore_mem>>) src(%dma_wait3A_73 : memref<128xi32, #tpu.memory_space<hbm>>) dst(%dma_wait3A_72 : memref<128xi32, #tpu.memory_space<vmem>>)
      tpu.yield
    }) : () -> ()
    %run_scoped3A_13 = arith.constant 0 : i32
    "tpu.region"() ({
      %run_scoped3A_58 = tpu.sem_alloc : memref<!tpu.dma_semaphore, #tpu.memory_space<semaphore_mem>>
      %dma_start3A_59 = arith.constant 0 : i32
      %dma_start3A_60 = tpu.memref_slice %arg10[%run_scoped3A_13, %dma_start3A_59] : memref<2x128xi32, #tpu.memory_space<vmem>> -> memref<1x128xi32, #tpu.memory_space<vmem>>
      %dma_start3A_61 = tpu.memref_squeeze %dma_start3A_60 : memref<1x128xi32, #tpu.memory_space<vmem>> -> memref<128xi32, #tpu.memory_space<vmem>>
      %dma_start3A_62 = tpu.memref_slice %arg4[%add3A_12] : memref<327680xi32, #tpu.memory_space<hbm>> -> memref<128xi32, #tpu.memory_space<hbm>>
      %dma_start3A_63 = arith.constant 0 : i32
      %dma_start3A_64 = tpu.memref_slice %arg10[%run_scoped3A_13, %dma_start3A_63] : memref<2x128xi32, #tpu.memory_space<vmem>> -> memref<1x128xi32, #tpu.memory_space<vmem>>
      %dma_start3A_65 = tpu.memref_squeeze %dma_start3A_64 : memref<1x128xi32, #tpu.memory_space<vmem>> -> memref<128xi32, #tpu.memory_space<vmem>>
      %dma_start3A_66 = tpu.memref_slice %arg4[%add3A_12] : memref<327680xi32, #tpu.memory_space<hbm>> -> memref<128xi32, #tpu.memory_space<hbm>>
      tpu.enqueue_dma source(%dma_start3A_66 : memref<128xi32, #tpu.memory_space<hbm>>) target(%dma_start3A_65 : memref<128xi32, #tpu.memory_space<vmem>>) target_semaphore(%run_scoped3A_58 : memref<!tpu.dma_semaphore, #tpu.memory_space<semaphore_mem>>)
      %dma_wait3A = arith.constant 0 : i32
      %dma_wait3A_67 = tpu.memref_slice %arg10[%run_scoped3A_13, %dma_wait3A] : memref<2x128xi32, #tpu.memory_space<vmem>> -> memref<1x128xi32, #tpu.memory_space<vmem>>
      %dma_wait3A_68 = tpu.memref_squeeze %dma_wait3A_67 : memref<1x128xi32, #tpu.memory_space<vmem>> -> memref<128xi32, #tpu.memory_space<vmem>>
      %dma_wait3A_69 = tpu.memref_slice %arg4[%add3A_12] : memref<327680xi32, #tpu.memory_space<hbm>> -> memref<128xi32, #tpu.memory_space<hbm>>
      %dma_wait3A_70 = arith.constant 0 : i32
      %dma_wait3A_71 = tpu.memref_slice %arg10[%run_scoped3A_13, %dma_wait3A_70] : memref<2x128xi32, #tpu.memory_space<vmem>> -> memref<1x128xi32, #tpu.memory_space<vmem>>
      %dma_wait3A_72 = tpu.memref_squeeze %dma_wait3A_71 : memref<1x128xi32, #tpu.memory_space<vmem>> -> memref<128xi32, #tpu.memory_space<vmem>>
      %dma_wait3A_73 = tpu.memref_slice %arg4[%add3A_12] : memref<327680xi32, #tpu.memory_space<hbm>> -> memref<128xi32, #tpu.memory_space<hbm>>
      tpu.wait_dma2 semaphore(%run_scoped3A_58 : memref<!tpu.dma_semaphore, #tpu.memory_space<semaphore_mem>>) src(%dma_wait3A_73 : memref<128xi32, #tpu.memory_space<hbm>>) dst(%dma_wait3A_72 : memref<128xi32, #tpu.memory_space<vmem>>)
      tpu.yield
    }) : () -> ()
    %dma_start3A = arith.constant 0 : i32
    %dma_start3A_14 = arith.constant 0 : i32
    %dma_start3A_15 = arith.constant 0 : i32
    %dma_start3A_16 = arith.constant 0 : i32
    %dma_start3A_17 = tpu.memref_slice %arg11[%dma_start3A_14, %dma_start3A_15, %dma_start3A_16] : memref<2x128x128xf32, #tpu.memory_space<vmem>> -> memref<1x128x128xf32, #tpu.memory_space<vmem>>
    %dma_start3A_18 = tpu.memref_squeeze %dma_start3A_17 : memref<1x128x128xf32, #tpu.memory_space<vmem>> -> memref<128x128xf32, #tpu.memory_space<vmem>>
    %dma_start3A_19 = arith.constant 0 : i32
    %dma_start3A_20 = tpu.memref_slice %arg9[%dma_start3A, %dma_start3A_19] : memref<2x128xi32, #tpu.memory_space<vmem>> -> memref<1x128xi32, #tpu.memory_space<vmem>>
    %dma_start3A_21 = tpu.memref_squeeze %dma_start3A_20 : memref<1x128xi32, #tpu.memory_space<vmem>> -> memref<128xi32, #tpu.memory_space<vmem>>
    %dma_start3A_22 = arith.constant 0 : i32
    %dma_start3A_23 = arith.constant 0 : i32
    %dma_start3A_24 = tpu.memref_slice %arg2[%dma_start3A_22, %dma_start3A_23] : memref<10000x128xf32, #tpu.memory_space<hbm>> -> memref<10000x128xf32, #tpu.memory_space<hbm>>
    tpu.enqueue_indirect_dma source(%dma_start3A_24 : memref<10000x128xf32, #tpu.memory_space<hbm>>) target(%dma_start3A_18 : memref<128x128xf32, #tpu.memory_space<vmem>>) offsets(%dma_start3A_21 : memref<128xi32, #tpu.memory_space<vmem>>) semaphore(%arg16 : memref<!tpu.dma_semaphore, #tpu.memory_space<semaphore_mem>>)
    %add3A_25 = arith.constant 128 : i32
    %add3A_26 = arith.addi %mul3A_8, %add3A_25 : i32
    %run_scoped3A_27 = arith.constant 1 : i32
    "tpu.region"() ({
      %run_scoped3A_58 = tpu.sem_alloc : memref<!tpu.dma_semaphore, #tpu.memory_space<semaphore_mem>>
      %dma_start3A_59 = arith.constant 0 : i32
      %dma_start3A_60 = tpu.memref_slice %arg9[%run_scoped3A_27, %dma_start3A_59] : memref<2x128xi32, #tpu.memory_space<vmem>> -> memref<1x128xi32, #tpu.memory_space<vmem>>
      %dma_start3A_61 = tpu.memref_squeeze %dma_start3A_60 : memref<1x128xi32, #tpu.memory_space<vmem>> -> memref<128xi32, #tpu.memory_space<vmem>>
      %dma_start3A_62 = tpu.memref_slice %arg3[%add3A_26] : memref<327680xi32, #tpu.memory_space<hbm>> -> memref<128xi32, #tpu.memory_space<hbm>>
      %dma_start3A_63 = arith.constant 0 : i32
      %dma_start3A_64 = tpu.memref_slice %arg9[%run_scoped3A_27, %dma_start3A_63] : memref<2x128xi32, #tpu.memory_space<vmem>> -> memref<1x128xi32, #tpu.memory_space<vmem>>
      %dma_start3A_65 = tpu.memref_squeeze %dma_start3A_64 : memref<1x128xi32, #tpu.memory_space<vmem>> -> memref<128xi32, #tpu.memory_space<vmem>>
      %dma_start3A_66 = tpu.memref_slice %arg3[%add3A_26] : memref<327680xi32, #tpu.memory_space<hbm>> -> memref<128xi32, #tpu.memory_space<hbm>>
      tpu.enqueue_dma source(%dma_start3A_66 : memref<128xi32, #tpu.memory_space<hbm>>) target(%dma_start3A_65 : memref<128xi32, #tpu.memory_space<vmem>>) target_semaphore(%run_scoped3A_58 : memref<!tpu.dma_semaphore, #tpu.memory_space<semaphore_mem>>)
      %dma_wait3A = arith.constant 0 : i32
      %dma_wait3A_67 = tpu.memref_slice %arg9[%run_scoped3A_27, %dma_wait3A] : memref<2x128xi32, #tpu.memory_space<vmem>> -> memref<1x128xi32, #tpu.memory_space<vmem>>
      %dma_wait3A_68 = tpu.memref_squeeze %dma_wait3A_67 : memref<1x128xi32, #tpu.memory_space<vmem>> -> memref<128xi32, #tpu.memory_space<vmem>>
      %dma_wait3A_69 = tpu.memref_slice %arg3[%add3A_26] : memref<327680xi32, #tpu.memory_space<hbm>> -> memref<128xi32, #tpu.memory_space<hbm>>
      %dma_wait3A_70 = arith.constant 0 : i32
      %dma_wait3A_71 = tpu.memref_slice %arg9[%run_scoped3A_27, %dma_wait3A_70] : memref<2x128xi32, #tpu.memory_space<vmem>> -> memref<1x128xi32, #tpu.memory_space<vmem>>
      %dma_wait3A_72 = tpu.memref_squeeze %dma_wait3A_71 : memref<1x128xi32, #tpu.memory_space<vmem>> -> memref<128xi32, #tpu.memory_space<vmem>>
      %dma_wait3A_73 = tpu.memref_slice %arg3[%add3A_26] : memref<327680xi32, #tpu.memory_space<hbm>> -> memref<128xi32, #tpu.memory_space<hbm>>
      tpu.wait_dma2 semaphore(%run_scoped3A_58 : memref<!tpu.dma_semaphore, #tpu.memory_space<semaphore_mem>>) src(%dma_wait3A_73 : memref<128xi32, #tpu.memory_space<hbm>>) dst(%dma_wait3A_72 : memref<128xi32, #tpu.memory_space<vmem>>)
      tpu.yield
    }) : () -> ()
    %run_scoped3A_28 = arith.constant 1 : i32
    "tpu.region"() ({
      %run_scoped3A_58 = tpu.sem_alloc : memref<!tpu.dma_semaphore, #tpu.memory_space<semaphore_mem>>
      %dma_start3A_59 = arith.constant 0 : i32
      %dma_start3A_60 = tpu.memref_slice %arg10[%run_scoped3A_28, %dma_start3A_59] : memref<2x128xi32, #tpu.memory_space<vmem>> -> memref<1x128xi32, #tpu.memory_space<vmem>>
      %dma_start3A_61 = tpu.memref_squeeze %dma_start3A_60 : memref<1x128xi32, #tpu.memory_space<vmem>> -> memref<128xi32, #tpu.memory_space<vmem>>
      %dma_start3A_62 = tpu.memref_slice %arg4[%add3A_26] : memref<327680xi32, #tpu.memory_space<hbm>> -> memref<128xi32, #tpu.memory_space<hbm>>
      %dma_start3A_63 = arith.constant 0 : i32
      %dma_start3A_64 = tpu.memref_slice %arg10[%run_scoped3A_28, %dma_start3A_63] : memref<2x128xi32, #tpu.memory_space<vmem>> -> memref<1x128xi32, #tpu.memory_space<vmem>>
      %dma_start3A_65 = tpu.memref_squeeze %dma_start3A_64 : memref<1x128xi32, #tpu.memory_space<vmem>> -> memref<128xi32, #tpu.memory_space<vmem>>
      %dma_start3A_66 = tpu.memref_slice %arg4[%add3A_26] : memref<327680xi32, #tpu.memory_space<hbm>> -> memref<128xi32, #tpu.memory_space<hbm>>
      tpu.enqueue_dma source(%dma_start3A_66 : memref<128xi32, #tpu.memory_space<hbm>>) target(%dma_start3A_65 : memref<128xi32, #tpu.memory_space<vmem>>) target_semaphore(%run_scoped3A_58 : memref<!tpu.dma_semaphore, #tpu.memory_space<semaphore_mem>>)
      %dma_wait3A = arith.constant 0 : i32
      %dma_wait3A_67 = tpu.memref_slice %arg10[%run_scoped3A_28, %dma_wait3A] : memref<2x128xi32, #tpu.memory_space<vmem>> -> memref<1x128xi32, #tpu.memory_space<vmem>>
      %dma_wait3A_68 = tpu.memref_squeeze %dma_wait3A_67 : memref<1x128xi32, #tpu.memory_space<vmem>> -> memref<128xi32, #tpu.memory_space<vmem>>
      %dma_wait3A_69 = tpu.memref_slice %arg4[%add3A_26] : memref<327680xi32, #tpu.memory_space<hbm>> -> memref<128xi32, #tpu.memory_space<hbm>>
      %dma_wait3A_70 = arith.constant 0 : i32
      %dma_wait3A_71 = tpu.memref_slice %arg10[%run_scoped3A_28, %dma_wait3A_70] : memref<2x128xi32, #tpu.memory_space<vmem>> -> memref<1x128xi32, #tpu.memory_space<vmem>>
      %dma_wait3A_72 = tpu.memref_squeeze %dma_wait3A_71 : memref<1x128xi32, #tpu.memory_space<vmem>> -> memref<128xi32, #tpu.memory_space<vmem>>
      %dma_wait3A_73 = tpu.memref_slice %arg4[%add3A_26] : memref<327680xi32, #tpu.memory_space<hbm>> -> memref<128xi32, #tpu.memory_space<hbm>>
      tpu.wait_dma2 semaphore(%run_scoped3A_58 : memref<!tpu.dma_semaphore, #tpu.memory_space<semaphore_mem>>) src(%dma_wait3A_73 : memref<128xi32, #tpu.memory_space<hbm>>) dst(%dma_wait3A_72 : memref<128xi32, #tpu.memory_space<vmem>>)
      tpu.yield
    }) : () -> ()
    %dma_start3A_29 = arith.constant 1 : i32
    %dma_start3A_30 = arith.constant 1 : i32
    %dma_start3A_31 = arith.constant 0 : i32
    %dma_start3A_32 = arith.constant 0 : i32
    %dma_start3A_33 = tpu.memref_slice %arg11[%dma_start3A_30, %dma_start3A_31, %dma_start3A_32] : memref<2x128x128xf32, #tpu.memory_space<vmem>> -> memref<1x128x128xf32, #tpu.memory_space<vmem>>
    %dma_start3A_34 = tpu.memref_squeeze %dma_start3A_33 : memref<1x128x128xf32, #tpu.memory_space<vmem>> -> memref<128x128xf32, #tpu.memory_space<vmem>>
    %dma_start3A_35 = arith.constant 0 : i32
    %dma_start3A_36 = tpu.memref_slice %arg9[%dma_start3A_29, %dma_start3A_35] : memref<2x128xi32, #tpu.memory_space<vmem>> -> memref<1x128xi32, #tpu.memory_space<vmem>>
    %dma_start3A_37 = tpu.memref_squeeze %dma_start3A_36 : memref<1x128xi32, #tpu.memory_space<vmem>> -> memref<128xi32, #tpu.memory_space<vmem>>
    %dma_start3A_38 = arith.constant 0 : i32
    %dma_start3A_39 = arith.constant 0 : i32
    %dma_start3A_40 = tpu.memref_slice %arg2[%dma_start3A_38, %dma_start3A_39] : memref<10000x128xf32, #tpu.memory_space<hbm>> -> memref<10000x128xf32, #tpu.memory_space<hbm>>
    tpu.enqueue_indirect_dma source(%dma_start3A_40 : memref<10000x128xf32, #tpu.memory_space<hbm>>) target(%dma_start3A_34 : memref<128x128xf32, #tpu.memory_space<vmem>>) offsets(%dma_start3A_37 : memref<128xi32, #tpu.memory_space<vmem>>) semaphore(%arg17 : memref<!tpu.dma_semaphore, #tpu.memory_space<semaphore_mem>>)
    %sub3A = arith.constant 0 : i32
    %sub3A_41 = arith.subi %select_n3A, %sub3A : i32
    %sub3A_42 = arith.constant 2 : i32
    %sub3A_43 = arith.constant 1 : i32
    %sub3A_44 = arith.subi %sub3A_42, %sub3A_43 : i32
    %add3A_45 = arith.addi %sub3A_41, %sub3A_44 : i32
    %div3A = arith.constant 2 : i32
    %div3A_46 = arith.divsi %add3A_45, %div3A : i32
    %while3A = arith.constant 2 : i32
    %while3A_47 = arith.constant 0 : i32
    %while3A_48 = arith.constant 0 : i32
    %while3A_49 = arith.subi %div3A_46, %while3A_48 : i32
    %while3A_50 = arith.addi %while3A_48, %while3A_49 : i32
    %while3A_51 = arith.constant 1 : i32
    %while3A_52 = arith.divsi %while3A_49, %while3A_51 : i32
    %while3A_53 = arith.muli %while3A_52, %while3A_51 : i32
    %while3A_54 = arith.addi %while3A_48, %while3A_53 : i32
    %while3A_55 = arith.constant 1 : i32
    scf.for %while3A_58 = %while3A_48 to %while3A_54 step %while3A_55  : i32 {
      %mul3A_59 = arith.muli %while3A_58, %while3A : i32
      %add3A_60 = arith.addi %while3A_47, %mul3A_59 : i32
      %add3A_61 = arith.constant 0 : i32
      %add3A_62 = arith.addi %add3A_60, %add3A_61 : i32
      %dma_wait3A = arith.constant 0 : i32
      %dma_wait3A_63 = arith.constant 0 : i32
      %dma_wait3A_64 = arith.constant 0 : i32
      %dma_wait3A_65 = arith.constant 0 : i32
      %dma_wait3A_66 = tpu.memref_slice %arg11[%dma_wait3A_63, %dma_wait3A_64, %dma_wait3A_65] : memref<2x128x128xf32, #tpu.memory_space<vmem>> -> memref<1x128x128xf32, #tpu.memory_space<vmem>>
      %dma_wait3A_67 = tpu.memref_squeeze %dma_wait3A_66 : memref<1x128x128xf32, #tpu.memory_space<vmem>> -> memref<128x128xf32, #tpu.memory_space<vmem>>
      %dma_wait3A_68 = arith.constant 0 : i32
      %dma_wait3A_69 = tpu.memref_slice %arg9[%dma_wait3A, %dma_wait3A_68] : memref<2x128xi32, #tpu.memory_space<vmem>> -> memref<1x128xi32, #tpu.memory_space<vmem>>
      %dma_wait3A_70 = tpu.memref_squeeze %dma_wait3A_69 : memref<1x128xi32, #tpu.memory_space<vmem>> -> memref<128xi32, #tpu.memory_space<vmem>>
      %dma_wait3A_71 = arith.constant 0 : i32
      %dma_wait3A_72 = arith.constant 0 : i32
      %dma_wait3A_73 = tpu.memref_slice %arg2[%dma_wait3A_71, %dma_wait3A_72] : memref<10000x128xf32, #tpu.memory_space<hbm>> -> memref<10000x128xf32, #tpu.memory_space<hbm>>
      tpu.wait_indirect_dma semaphore(%arg16 : memref<!tpu.dma_semaphore, #tpu.memory_space<semaphore_mem>>) src(%dma_wait3A_73 : memref<10000x128xf32, #tpu.memory_space<hbm>>) dst(%dma_wait3A_67 : memref<128x128xf32, #tpu.memory_space<vmem>>)
      %run_scoped3A_74 = arith.constant 0 : i32
      %run_scoped3A_75 = arith.constant 0 : i32
      "tpu.region"() ({
        %run_scoped3A_101 = tpu.sem_alloc : memref<!tpu.dma_semaphore, #tpu.memory_space<semaphore_mem>>
        %dma_start3A_102 = arith.constant 0 : i32
        %dma_start3A_103 = arith.constant 0 : i32
        %dma_start3A_104 = tpu.memref_slice %arg11[%run_scoped3A_74, %dma_start3A_102, %dma_start3A_103] : memref<2x128x128xf32, #tpu.memory_space<vmem>> -> memref<1x128x128xf32, #tpu.memory_space<vmem>>
        %dma_start3A_105 = tpu.memref_squeeze %dma_start3A_104 : memref<1x128x128xf32, #tpu.memory_space<vmem>> -> memref<128x128xf32, #tpu.memory_space<vmem>>
        %dma_start3A_106 = arith.constant 0 : i32
        %dma_start3A_107 = tpu.memref_slice %arg10[%run_scoped3A_75, %dma_start3A_106] : memref<2x128xi32, #tpu.memory_space<vmem>> -> memref<1x128xi32, #tpu.memory_space<vmem>>
        %dma_start3A_108 = tpu.memref_squeeze %dma_start3A_107 : memref<1x128xi32, #tpu.memory_space<vmem>> -> memref<128xi32, #tpu.memory_space<vmem>>
        %dma_start3A_109 = arith.constant 0 : i32
        %dma_start3A_110 = arith.constant 0 : i32
        %dma_start3A_111 = tpu.memref_slice %arg14[%dma_start3A_109, %dma_start3A_110] : memref<10112x128xf32, #tpu.memory_space<vmem_shared>> -> memref<10112x128xf32, #tpu.memory_space<vmem_shared>>
        tpu.enqueue_indirect_dma source(%dma_start3A_105 : memref<128x128xf32, #tpu.memory_space<vmem>>) target(%dma_start3A_111 : memref<10112x128xf32, #tpu.memory_space<vmem_shared>>) offsets(%dma_start3A_108 : memref<128xi32, #tpu.memory_space<vmem>>) semaphore(%run_scoped3A_101 : memref<!tpu.dma_semaphore, #tpu.memory_space<semaphore_mem>>) {add = true}
        %dma_wait3A_112 = arith.constant 0 : i32
        %dma_wait3A_113 = arith.constant 0 : i32
        %dma_wait3A_114 = tpu.memref_slice %arg11[%run_scoped3A_74, %dma_wait3A_112, %dma_wait3A_113] : memref<2x128x128xf32, #tpu.memory_space<vmem>> -> memref<1x128x128xf32, #tpu.memory_space<vmem>>
        %dma_wait3A_115 = tpu.memref_squeeze %dma_wait3A_114 : memref<1x128x128xf32, #tpu.memory_space<vmem>> -> memref<128x128xf32, #tpu.memory_space<vmem>>
        %dma_wait3A_116 = arith.constant 0 : i32
        %dma_wait3A_117 = tpu.memref_slice %arg10[%run_scoped3A_75, %dma_wait3A_116] : memref<2x128xi32, #tpu.memory_space<vmem>> -> memref<1x128xi32, #tpu.memory_space<vmem>>
        %dma_wait3A_118 = tpu.memref_squeeze %dma_wait3A_117 : memref<1x128xi32, #tpu.memory_space<vmem>> -> memref<128xi32, #tpu.memory_space<vmem>>
        %dma_wait3A_119 = arith.constant 0 : i32
        %dma_wait3A_120 = arith.constant 0 : i32
        %dma_wait3A_121 = tpu.memref_slice %arg14[%dma_wait3A_119, %dma_wait3A_120] : memref<10112x128xf32, #tpu.memory_space<vmem_shared>> -> memref<10112x128xf32, #tpu.memory_space<vmem_shared>>
        tpu.wait_indirect_dma semaphore(%run_scoped3A_101 : memref<!tpu.dma_semaphore, #tpu.memory_space<semaphore_mem>>) src(%dma_wait3A_115 : memref<128x128xf32, #tpu.memory_space<vmem>>) dst(%dma_wait3A_121 : memref<10112x128xf32, #tpu.memory_space<vmem_shared>>)
        tpu.yield
      }) : () -> ()
      %add3A_76 = arith.constant 2 : i32
      %add3A_77 = arith.addi %add3A_62, %add3A_76 : i32
      %lt3A = arith.cmpi slt, %add3A_77, %select_n3A : i32
      %convert_element_type3A = arith.extui %lt3A : i1 to i32
      %cond3A = arith.constant 0 : i32
      %cond3A_78 = arith.cmpi ne, %convert_element_type3A, %cond3A : i32
      scf.if %cond3A_78 {
        %add3A_101 = arith.constant 2 : i32
        %add3A_102 = arith.addi %add3A_62, %add3A_101 : i32
        %mul3A_103 = arith.constant 128 : i32
        %mul3A_104 = arith.muli %add3A_102, %mul3A_103 : i32
        %add3A_105 = arith.addi %mul3A_8, %mul3A_104 : i32
        %run_scoped3A_106 = arith.constant 0 : i32
        "tpu.region"() ({
          %run_scoped3A_120 = tpu.sem_alloc : memref<!tpu.dma_semaphore, #tpu.memory_space<semaphore_mem>>
          %dma_start3A_121 = arith.constant 0 : i32
          %dma_start3A_122 = tpu.memref_slice %arg9[%run_scoped3A_106, %dma_start3A_121] : memref<2x128xi32, #tpu.memory_space<vmem>> -> memref<1x128xi32, #tpu.memory_space<vmem>>
          %dma_start3A_123 = tpu.memref_squeeze %dma_start3A_122 : memref<1x128xi32, #tpu.memory_space<vmem>> -> memref<128xi32, #tpu.memory_space<vmem>>
          %dma_start3A_124 = tpu.memref_slice %arg3[%add3A_105] : memref<327680xi32, #tpu.memory_space<hbm>> -> memref<128xi32, #tpu.memory_space<hbm>>
          %dma_start3A_125 = arith.constant 0 : i32
          %dma_start3A_126 = tpu.memref_slice %arg9[%run_scoped3A_106, %dma_start3A_125] : memref<2x128xi32, #tpu.memory_space<vmem>> -> memref<1x128xi32, #tpu.memory_space<vmem>>
          %dma_start3A_127 = tpu.memref_squeeze %dma_start3A_126 : memref<1x128xi32, #tpu.memory_space<vmem>> -> memref<128xi32, #tpu.memory_space<vmem>>
          %dma_start3A_128 = tpu.memref_slice %arg3[%add3A_105] : memref<327680xi32, #tpu.memory_space<hbm>> -> memref<128xi32, #tpu.memory_space<hbm>>
          tpu.enqueue_dma source(%dma_start3A_128 : memref<128xi32, #tpu.memory_space<hbm>>) target(%dma_start3A_127 : memref<128xi32, #tpu.memory_space<vmem>>) target_semaphore(%run_scoped3A_120 : memref<!tpu.dma_semaphore, #tpu.memory_space<semaphore_mem>>)
          %dma_wait3A_129 = arith.constant 0 : i32
          %dma_wait3A_130 = tpu.memref_slice %arg9[%run_scoped3A_106, %dma_wait3A_129] : memref<2x128xi32, #tpu.memory_space<vmem>> -> memref<1x128xi32, #tpu.memory_space<vmem>>
          %dma_wait3A_131 = tpu.memref_squeeze %dma_wait3A_130 : memref<1x128xi32, #tpu.memory_space<vmem>> -> memref<128xi32, #tpu.memory_space<vmem>>
          %dma_wait3A_132 = tpu.memref_slice %arg3[%add3A_105] : memref<327680xi32, #tpu.memory_space<hbm>> -> memref<128xi32, #tpu.memory_space<hbm>>
          %dma_wait3A_133 = arith.constant 0 : i32
          %dma_wait3A_134 = tpu.memref_slice %arg9[%run_scoped3A_106, %dma_wait3A_133] : memref<2x128xi32, #tpu.memory_space<vmem>> -> memref<1x128xi32, #tpu.memory_space<vmem>>
          %dma_wait3A_135 = tpu.memref_squeeze %dma_wait3A_134 : memref<1x128xi32, #tpu.memory_space<vmem>> -> memref<128xi32, #tpu.memory_space<vmem>>
          %dma_wait3A_136 = tpu.memref_slice %arg3[%add3A_105] : memref<327680xi32, #tpu.memory_space<hbm>> -> memref<128xi32, #tpu.memory_space<hbm>>
          tpu.wait_dma2 semaphore(%run_scoped3A_120 : memref<!tpu.dma_semaphore, #tpu.memory_space<semaphore_mem>>) src(%dma_wait3A_136 : memref<128xi32, #tpu.memory_space<hbm>>) dst(%dma_wait3A_135 : memref<128xi32, #tpu.memory_space<vmem>>)
          tpu.yield
        }) : () -> ()
        %run_scoped3A_107 = arith.constant 0 : i32
        "tpu.region"() ({
          %run_scoped3A_120 = tpu.sem_alloc : memref<!tpu.dma_semaphore, #tpu.memory_space<semaphore_mem>>
          %dma_start3A_121 = arith.constant 0 : i32
          %dma_start3A_122 = tpu.memref_slice %arg10[%run_scoped3A_107, %dma_start3A_121] : memref<2x128xi32, #tpu.memory_space<vmem>> -> memref<1x128xi32, #tpu.memory_space<vmem>>
          %dma_start3A_123 = tpu.memref_squeeze %dma_start3A_122 : memref<1x128xi32, #tpu.memory_space<vmem>> -> memref<128xi32, #tpu.memory_space<vmem>>
          %dma_start3A_124 = tpu.memref_slice %arg4[%add3A_105] : memref<327680xi32, #tpu.memory_space<hbm>> -> memref<128xi32, #tpu.memory_space<hbm>>
          %dma_start3A_125 = arith.constant 0 : i32
          %dma_start3A_126 = tpu.memref_slice %arg10[%run_scoped3A_107, %dma_start3A_125] : memref<2x128xi32, #tpu.memory_space<vmem>> -> memref<1x128xi32, #tpu.memory_space<vmem>>
          %dma_start3A_127 = tpu.memref_squeeze %dma_start3A_126 : memref<1x128xi32, #tpu.memory_space<vmem>> -> memref<128xi32, #tpu.memory_space<vmem>>
          %dma_start3A_128 = tpu.memref_slice %arg4[%add3A_105] : memref<327680xi32, #tpu.memory_space<hbm>> -> memref<128xi32, #tpu.memory_space<hbm>>
          tpu.enqueue_dma source(%dma_start3A_128 : memref<128xi32, #tpu.memory_space<hbm>>) target(%dma_start3A_127 : memref<128xi32, #tpu.memory_space<vmem>>) target_semaphore(%run_scoped3A_120 : memref<!tpu.dma_semaphore, #tpu.memory_space<semaphore_mem>>)
          %dma_wait3A_129 = arith.constant 0 : i32
          %dma_wait3A_130 = tpu.memref_slice %arg10[%run_scoped3A_107, %dma_wait3A_129] : memref<2x128xi32, #tpu.memory_space<vmem>> -> memref<1x128xi32, #tpu.memory_space<vmem>>
          %dma_wait3A_131 = tpu.memref_squeeze %dma_wait3A_130 : memref<1x128xi32, #tpu.memory_space<vmem>> -> memref<128xi32, #tpu.memory_space<vmem>>
          %dma_wait3A_132 = tpu.memref_slice %arg4[%add3A_105] : memref<327680xi32, #tpu.memory_space<hbm>> -> memref<128xi32, #tpu.memory_space<hbm>>
          %dma_wait3A_133 = arith.constant 0 : i32
          %dma_wait3A_134 = tpu.memref_slice %arg10[%run_scoped3A_107, %dma_wait3A_133] : memref<2x128xi32, #tpu.memory_space<vmem>> -> memref<1x128xi32, #tpu.memory_space<vmem>>
          %dma_wait3A_135 = tpu.memref_squeeze %dma_wait3A_134 : memref<1x128xi32, #tpu.memory_space<vmem>> -> memref<128xi32, #tpu.memory_space<vmem>>
          %dma_wait3A_136 = tpu.memref_slice %arg4[%add3A_105] : memref<327680xi32, #tpu.memory_space<hbm>> -> memref<128xi32, #tpu.memory_space<hbm>>
          tpu.wait_dma2 semaphore(%run_scoped3A_120 : memref<!tpu.dma_semaphore, #tpu.memory_space<semaphore_mem>>) src(%dma_wait3A_136 : memref<128xi32, #tpu.memory_space<hbm>>) dst(%dma_wait3A_135 : memref<128xi32, #tpu.memory_space<vmem>>)
          tpu.yield
        }) : () -> ()
        %dma_start3A_108 = arith.constant 0 : i32
        %dma_start3A_109 = arith.constant 0 : i32
        %dma_start3A_110 = arith.constant 0 : i32
        %dma_start3A_111 = arith.constant 0 : i32
        %dma_start3A_112 = tpu.memref_slice %arg11[%dma_start3A_109, %dma_start3A_110, %dma_start3A_111] : memref<2x128x128xf32, #tpu.memory_space<vmem>> -> memref<1x128x128xf32, #tpu.memory_space<vmem>>
        %dma_start3A_113 = tpu.memref_squeeze %dma_start3A_112 : memref<1x128x128xf32, #tpu.memory_space<vmem>> -> memref<128x128xf32, #tpu.memory_space<vmem>>
        %dma_start3A_114 = arith.constant 0 : i32
        %dma_start3A_115 = tpu.memref_slice %arg9[%dma_start3A_108, %dma_start3A_114] : memref<2x128xi32, #tpu.memory_space<vmem>> -> memref<1x128xi32, #tpu.memory_space<vmem>>
        %dma_start3A_116 = tpu.memref_squeeze %dma_start3A_115 : memref<1x128xi32, #tpu.memory_space<vmem>> -> memref<128xi32, #tpu.memory_space<vmem>>
        %dma_start3A_117 = arith.constant 0 : i32
        %dma_start3A_118 = arith.constant 0 : i32
        %dma_start3A_119 = tpu.memref_slice %arg2[%dma_start3A_117, %dma_start3A_118] : memref<10000x128xf32, #tpu.memory_space<hbm>> -> memref<10000x128xf32, #tpu.memory_space<hbm>>
        tpu.enqueue_indirect_dma source(%dma_start3A_119 : memref<10000x128xf32, #tpu.memory_space<hbm>>) target(%dma_start3A_113 : memref<128x128xf32, #tpu.memory_space<vmem>>) offsets(%dma_start3A_116 : memref<128xi32, #tpu.memory_space<vmem>>) semaphore(%arg16 : memref<!tpu.dma_semaphore, #tpu.memory_space<semaphore_mem>>)
      } else {
      }
      %add3A_79 = arith.constant 1 : i32
      %add3A_80 = arith.addi %add3A_60, %add3A_79 : i32
      %dma_wait3A_81 = arith.constant 1 : i32
      %dma_wait3A_82 = arith.constant 1 : i32
      %dma_wait3A_83 = arith.constant 0 : i32
      %dma_wait3A_84 = arith.constant 0 : i32
      %dma_wait3A_85 = tpu.memref_slice %arg11[%dma_wait3A_82, %dma_wait3A_83, %dma_wait3A_84] : memref<2x128x128xf32, #tpu.memory_space<vmem>> -> memref<1x128x128xf32, #tpu.memory_space<vmem>>
      %dma_wait3A_86 = tpu.memref_squeeze %dma_wait3A_85 : memref<1x128x128xf32, #tpu.memory_space<vmem>> -> memref<128x128xf32, #tpu.memory_space<vmem>>
      %dma_wait3A_87 = arith.constant 0 : i32
      %dma_wait3A_88 = tpu.memref_slice %arg9[%dma_wait3A_81, %dma_wait3A_87] : memref<2x128xi32, #tpu.memory_space<vmem>> -> memref<1x128xi32, #tpu.memory_space<vmem>>
      %dma_wait3A_89 = tpu.memref_squeeze %dma_wait3A_88 : memref<1x128xi32, #tpu.memory_space<vmem>> -> memref<128xi32, #tpu.memory_space<vmem>>
      %dma_wait3A_90 = arith.constant 0 : i32
      %dma_wait3A_91 = arith.constant 0 : i32
      %dma_wait3A_92 = tpu.memref_slice %arg2[%dma_wait3A_90, %dma_wait3A_91] : memref<10000x128xf32, #tpu.memory_space<hbm>> -> memref<10000x128xf32, #tpu.memory_space<hbm>>
      tpu.wait_indirect_dma semaphore(%arg17 : memref<!tpu.dma_semaphore, #tpu.memory_space<semaphore_mem>>) src(%dma_wait3A_92 : memref<10000x128xf32, #tpu.memory_space<hbm>>) dst(%dma_wait3A_86 : memref<128x128xf32, #tpu.memory_space<vmem>>)
      %run_scoped3A_93 = arith.constant 1 : i32
      %run_scoped3A_94 = arith.constant 1 : i32
      "tpu.region"() ({
        %run_scoped3A_101 = tpu.sem_alloc : memref<!tpu.dma_semaphore, #tpu.memory_space<semaphore_mem>>
        %dma_start3A_102 = arith.constant 0 : i32
        %dma_start3A_103 = arith.constant 0 : i32
        %dma_start3A_104 = tpu.memref_slice %arg11[%run_scoped3A_93, %dma_start3A_102, %dma_start3A_103] : memref<2x128x128xf32, #tpu.memory_space<vmem>> -> memref<1x128x128xf32, #tpu.memory_space<vmem>>
        %dma_start3A_105 = tpu.memref_squeeze %dma_start3A_104 : memref<1x128x128xf32, #tpu.memory_space<vmem>> -> memref<128x128xf32, #tpu.memory_space<vmem>>
        %dma_start3A_106 = arith.constant 0 : i32
        %dma_start3A_107 = tpu.memref_slice %arg10[%run_scoped3A_94, %dma_start3A_106] : memref<2x128xi32, #tpu.memory_space<vmem>> -> memref<1x128xi32, #tpu.memory_space<vmem>>
        %dma_start3A_108 = tpu.memref_squeeze %dma_start3A_107 : memref<1x128xi32, #tpu.memory_space<vmem>> -> memref<128xi32, #tpu.memory_space<vmem>>
        %dma_start3A_109 = arith.constant 0 : i32
        %dma_start3A_110 = arith.constant 0 : i32
        %dma_start3A_111 = tpu.memref_slice %arg14[%dma_start3A_109, %dma_start3A_110] : memref<10112x128xf32, #tpu.memory_space<vmem_shared>> -> memref<10112x128xf32, #tpu.memory_space<vmem_shared>>
        tpu.enqueue_indirect_dma source(%dma_start3A_105 : memref<128x128xf32, #tpu.memory_space<vmem>>) target(%dma_start3A_111 : memref<10112x128xf32, #tpu.memory_space<vmem_shared>>) offsets(%dma_start3A_108 : memref<128xi32, #tpu.memory_space<vmem>>) semaphore(%run_scoped3A_101 : memref<!tpu.dma_semaphore, #tpu.memory_space<semaphore_mem>>) {add = true}
        %dma_wait3A_112 = arith.constant 0 : i32
        %dma_wait3A_113 = arith.constant 0 : i32
        %dma_wait3A_114 = tpu.memref_slice %arg11[%run_scoped3A_93, %dma_wait3A_112, %dma_wait3A_113] : memref<2x128x128xf32, #tpu.memory_space<vmem>> -> memref<1x128x128xf32, #tpu.memory_space<vmem>>
        %dma_wait3A_115 = tpu.memref_squeeze %dma_wait3A_114 : memref<1x128x128xf32, #tpu.memory_space<vmem>> -> memref<128x128xf32, #tpu.memory_space<vmem>>
        %dma_wait3A_116 = arith.constant 0 : i32
        %dma_wait3A_117 = tpu.memref_slice %arg10[%run_scoped3A_94, %dma_wait3A_116] : memref<2x128xi32, #tpu.memory_space<vmem>> -> memref<1x128xi32, #tpu.memory_space<vmem>>
        %dma_wait3A_118 = tpu.memref_squeeze %dma_wait3A_117 : memref<1x128xi32, #tpu.memory_space<vmem>> -> memref<128xi32, #tpu.memory_space<vmem>>
        %dma_wait3A_119 = arith.constant 0 : i32
        %dma_wait3A_120 = arith.constant 0 : i32
        %dma_wait3A_121 = tpu.memref_slice %arg14[%dma_wait3A_119, %dma_wait3A_120] : memref<10112x128xf32, #tpu.memory_space<vmem_shared>> -> memref<10112x128xf32, #tpu.memory_space<vmem_shared>>
        tpu.wait_indirect_dma semaphore(%run_scoped3A_101 : memref<!tpu.dma_semaphore, #tpu.memory_space<semaphore_mem>>) src(%dma_wait3A_115 : memref<128x128xf32, #tpu.memory_space<vmem>>) dst(%dma_wait3A_121 : memref<10112x128xf32, #tpu.memory_space<vmem_shared>>)
        tpu.yield
      }) : () -> ()
      %add3A_95 = arith.constant 2 : i32
      %add3A_96 = arith.addi %add3A_80, %add3A_95 : i32
      %lt3A_97 = arith.cmpi slt, %add3A_96, %select_n3A : i32
      %convert_element_type3A_98 = arith.extui %lt3A_97 : i1 to i32
      %cond3A_99 = arith.constant 0 : i32
      %cond3A_100 = arith.cmpi ne, %convert_element_type3A_98, %cond3A_99 : i32
      scf.if %cond3A_100 {
        %add3A_101 = arith.constant 2 : i32
        %add3A_102 = arith.addi %add3A_80, %add3A_101 : i32
        %mul3A_103 = arith.constant 128 : i32
        %mul3A_104 = arith.muli %add3A_102, %mul3A_103 : i32
        %add3A_105 = arith.addi %mul3A_8, %mul3A_104 : i32
        %run_scoped3A_106 = arith.constant 1 : i32
        "tpu.region"() ({
          %run_scoped3A_120 = tpu.sem_alloc : memref<!tpu.dma_semaphore, #tpu.memory_space<semaphore_mem>>
          %dma_start3A_121 = arith.constant 0 : i32
          %dma_start3A_122 = tpu.memref_slice %arg9[%run_scoped3A_106, %dma_start3A_121] : memref<2x128xi32, #tpu.memory_space<vmem>> -> memref<1x128xi32, #tpu.memory_space<vmem>>
          %dma_start3A_123 = tpu.memref_squeeze %dma_start3A_122 : memref<1x128xi32, #tpu.memory_space<vmem>> -> memref<128xi32, #tpu.memory_space<vmem>>
          %dma_start3A_124 = tpu.memref_slice %arg3[%add3A_105] : memref<327680xi32, #tpu.memory_space<hbm>> -> memref<128xi32, #tpu.memory_space<hbm>>
          %dma_start3A_125 = arith.constant 0 : i32
          %dma_start3A_126 = tpu.memref_slice %arg9[%run_scoped3A_106, %dma_start3A_125] : memref<2x128xi32, #tpu.memory_space<vmem>> -> memref<1x128xi32, #tpu.memory_space<vmem>>
          %dma_start3A_127 = tpu.memref_squeeze %dma_start3A_126 : memref<1x128xi32, #tpu.memory_space<vmem>> -> memref<128xi32, #tpu.memory_space<vmem>>
          %dma_start3A_128 = tpu.memref_slice %arg3[%add3A_105] : memref<327680xi32, #tpu.memory_space<hbm>> -> memref<128xi32, #tpu.memory_space<hbm>>
          tpu.enqueue_dma source(%dma_start3A_128 : memref<128xi32, #tpu.memory_space<hbm>>) target(%dma_start3A_127 : memref<128xi32, #tpu.memory_space<vmem>>) target_semaphore(%run_scoped3A_120 : memref<!tpu.dma_semaphore, #tpu.memory_space<semaphore_mem>>)
          %dma_wait3A_129 = arith.constant 0 : i32
          %dma_wait3A_130 = tpu.memref_slice %arg9[%run_scoped3A_106, %dma_wait3A_129] : memref<2x128xi32, #tpu.memory_space<vmem>> -> memref<1x128xi32, #tpu.memory_space<vmem>>
          %dma_wait3A_131 = tpu.memref_squeeze %dma_wait3A_130 : memref<1x128xi32, #tpu.memory_space<vmem>> -> memref<128xi32, #tpu.memory_space<vmem>>
          %dma_wait3A_132 = tpu.memref_slice %arg3[%add3A_105] : memref<327680xi32, #tpu.memory_space<hbm>> -> memref<128xi32, #tpu.memory_space<hbm>>
          %dma_wait3A_133 = arith.constant 0 : i32
          %dma_wait3A_134 = tpu.memref_slice %arg9[%run_scoped3A_106, %dma_wait3A_133] : memref<2x128xi32, #tpu.memory_space<vmem>> -> memref<1x128xi32, #tpu.memory_space<vmem>>
          %dma_wait3A_135 = tpu.memref_squeeze %dma_wait3A_134 : memref<1x128xi32, #tpu.memory_space<vmem>> -> memref<128xi32, #tpu.memory_space<vmem>>
          %dma_wait3A_136 = tpu.memref_slice %arg3[%add3A_105] : memref<327680xi32, #tpu.memory_space<hbm>> -> memref<128xi32, #tpu.memory_space<hbm>>
          tpu.wait_dma2 semaphore(%run_scoped3A_120 : memref<!tpu.dma_semaphore, #tpu.memory_space<semaphore_mem>>) src(%dma_wait3A_136 : memref<128xi32, #tpu.memory_space<hbm>>) dst(%dma_wait3A_135 : memref<128xi32, #tpu.memory_space<vmem>>)
          tpu.yield
        }) : () -> ()
        %run_scoped3A_107 = arith.constant 1 : i32
        "tpu.region"() ({
          %run_scoped3A_120 = tpu.sem_alloc : memref<!tpu.dma_semaphore, #tpu.memory_space<semaphore_mem>>
          %dma_start3A_121 = arith.constant 0 : i32
          %dma_start3A_122 = tpu.memref_slice %arg10[%run_scoped3A_107, %dma_start3A_121] : memref<2x128xi32, #tpu.memory_space<vmem>> -> memref<1x128xi32, #tpu.memory_space<vmem>>
          %dma_start3A_123 = tpu.memref_squeeze %dma_start3A_122 : memref<1x128xi32, #tpu.memory_space<vmem>> -> memref<128xi32, #tpu.memory_space<vmem>>
          %dma_start3A_124 = tpu.memref_slice %arg4[%add3A_105] : memref<327680xi32, #tpu.memory_space<hbm>> -> memref<128xi32, #tpu.memory_space<hbm>>
          %dma_start3A_125 = arith.constant 0 : i32
          %dma_start3A_126 = tpu.memref_slice %arg10[%run_scoped3A_107, %dma_start3A_125] : memref<2x128xi32, #tpu.memory_space<vmem>> -> memref<1x128xi32, #tpu.memory_space<vmem>>
          %dma_start3A_127 = tpu.memref_squeeze %dma_start3A_126 : memref<1x128xi32, #tpu.memory_space<vmem>> -> memref<128xi32, #tpu.memory_space<vmem>>
          %dma_start3A_128 = tpu.memref_slice %arg4[%add3A_105] : memref<327680xi32, #tpu.memory_space<hbm>> -> memref<128xi32, #tpu.memory_space<hbm>>
          tpu.enqueue_dma source(%dma_start3A_128 : memref<128xi32, #tpu.memory_space<hbm>>) target(%dma_start3A_127 : memref<128xi32, #tpu.memory_space<vmem>>) target_semaphore(%run_scoped3A_120 : memref<!tpu.dma_semaphore, #tpu.memory_space<semaphore_mem>>)
          %dma_wait3A_129 = arith.constant 0 : i32
          %dma_wait3A_130 = tpu.memref_slice %arg10[%run_scoped3A_107, %dma_wait3A_129] : memref<2x128xi32, #tpu.memory_space<vmem>> -> memref<1x128xi32, #tpu.memory_space<vmem>>
          %dma_wait3A_131 = tpu.memref_squeeze %dma_wait3A_130 : memref<1x128xi32, #tpu.memory_space<vmem>> -> memref<128xi32, #tpu.memory_space<vmem>>
          %dma_wait3A_132 = tpu.memref_slice %arg4[%add3A_105] : memref<327680xi32, #tpu.memory_space<hbm>> -> memref<128xi32, #tpu.memory_space<hbm>>
          %dma_wait3A_133 = arith.constant 0 : i32
          %dma_wait3A_134 = tpu.memref_slice %arg10[%run_scoped3A_107, %dma_wait3A_133] : memref<2x128xi32, #tpu.memory_space<vmem>> -> memref<1x128xi32, #tpu.memory_space<vmem>>
          %dma_wait3A_135 = tpu.memref_squeeze %dma_wait3A_134 : memref<1x128xi32, #tpu.memory_space<vmem>> -> memref<128xi32, #tpu.memory_space<vmem>>
          %dma_wait3A_136 = tpu.memref_slice %arg4[%add3A_105] : memref<327680xi32, #tpu.memory_space<hbm>> -> memref<128xi32, #tpu.memory_space<hbm>>
          tpu.wait_dma2 semaphore(%run_scoped3A_120 : memref<!tpu.dma_semaphore, #tpu.memory_space<semaphore_mem>>) src(%dma_wait3A_136 : memref<128xi32, #tpu.memory_space<hbm>>) dst(%dma_wait3A_135 : memref<128xi32, #tpu.memory_space<vmem>>)
          tpu.yield
        }) : () -> ()
        %dma_start3A_108 = arith.constant 1 : i32
        %dma_start3A_109 = arith.constant 1 : i32
        %dma_start3A_110 = arith.constant 0 : i32
        %dma_start3A_111 = arith.constant 0 : i32
        %dma_start3A_112 = tpu.memref_slice %arg11[%dma_start3A_109, %dma_start3A_110, %dma_start3A_111] : memref<2x128x128xf32, #tpu.memory_space<vmem>> -> memref<1x128x128xf32, #tpu.memory_space<vmem>>
        %dma_start3A_113 = tpu.memref_squeeze %dma_start3A_112 : memref<1x128x128xf32, #tpu.memory_space<vmem>> -> memref<128x128xf32, #tpu.memory_space<vmem>>
        %dma_start3A_114 = arith.constant 0 : i32
        %dma_start3A_115 = tpu.memref_slice %arg9[%dma_start3A_108, %dma_start3A_114] : memref<2x128xi32, #tpu.memory_space<vmem>> -> memref<1x128xi32, #tpu.memory_space<vmem>>
        %dma_start3A_116 = tpu.memref_squeeze %dma_start3A_115 : memref<1x128xi32, #tpu.memory_space<vmem>> -> memref<128xi32, #tpu.memory_space<vmem>>
        %dma_start3A_117 = arith.constant 0 : i32
        %dma_start3A_118 = arith.constant 0 : i32
        %dma_start3A_119 = tpu.memref_slice %arg2[%dma_start3A_117, %dma_start3A_118] : memref<10000x128xf32, #tpu.memory_space<hbm>> -> memref<10000x128xf32, #tpu.memory_space<hbm>>
        tpu.enqueue_indirect_dma source(%dma_start3A_119 : memref<10000x128xf32, #tpu.memory_space<hbm>>) target(%dma_start3A_113 : memref<128x128xf32, #tpu.memory_space<vmem>>) offsets(%dma_start3A_116 : memref<128xi32, #tpu.memory_space<vmem>>) semaphore(%arg17 : memref<!tpu.dma_semaphore, #tpu.memory_space<semaphore_mem>>)
      } else {
      }
    }
    %while3A_56 = arith.constant 1 : i32
    scf.for %while3A_58 = %while3A_54 to %while3A_50 step %while3A_56  : i32 {
      %mul3A_59 = arith.muli %while3A_58, %while3A : i32
      %add3A_60 = arith.addi %while3A_47, %mul3A_59 : i32
      %add3A_61 = arith.constant 0 : i32
      %add3A_62 = arith.addi %add3A_60, %add3A_61 : i32
      %dma_wait3A = arith.constant 0 : i32
      %dma_wait3A_63 = arith.constant 0 : i32
      %dma_wait3A_64 = arith.constant 0 : i32
      %dma_wait3A_65 = arith.constant 0 : i32
      %dma_wait3A_66 = tpu.memref_slice %arg11[%dma_wait3A_63, %dma_wait3A_64, %dma_wait3A_65] : memref<2x128x128xf32, #tpu.memory_space<vmem>> -> memref<1x128x128xf32, #tpu.memory_space<vmem>>
      %dma_wait3A_67 = tpu.memref_squeeze %dma_wait3A_66 : memref<1x128x128xf32, #tpu.memory_space<vmem>> -> memref<128x128xf32, #tpu.memory_space<vmem>>
      %dma_wait3A_68 = arith.constant 0 : i32
      %dma_wait3A_69 = tpu.memref_slice %arg9[%dma_wait3A, %dma_wait3A_68] : memref<2x128xi32, #tpu.memory_space<vmem>> -> memref<1x128xi32, #tpu.memory_space<vmem>>
      %dma_wait3A_70 = tpu.memref_squeeze %dma_wait3A_69 : memref<1x128xi32, #tpu.memory_space<vmem>> -> memref<128xi32, #tpu.memory_space<vmem>>
      %dma_wait3A_71 = arith.constant 0 : i32
      %dma_wait3A_72 = arith.constant 0 : i32
      %dma_wait3A_73 = tpu.memref_slice %arg2[%dma_wait3A_71, %dma_wait3A_72] : memref<10000x128xf32, #tpu.memory_space<hbm>> -> memref<10000x128xf32, #tpu.memory_space<hbm>>
      tpu.wait_indirect_dma semaphore(%arg16 : memref<!tpu.dma_semaphore, #tpu.memory_space<semaphore_mem>>) src(%dma_wait3A_73 : memref<10000x128xf32, #tpu.memory_space<hbm>>) dst(%dma_wait3A_67 : memref<128x128xf32, #tpu.memory_space<vmem>>)
      %run_scoped3A_74 = arith.constant 0 : i32
      %run_scoped3A_75 = arith.constant 0 : i32
      "tpu.region"() ({
        %run_scoped3A_101 = tpu.sem_alloc : memref<!tpu.dma_semaphore, #tpu.memory_space<semaphore_mem>>
        %dma_start3A_102 = arith.constant 0 : i32
        %dma_start3A_103 = arith.constant 0 : i32
        %dma_start3A_104 = tpu.memref_slice %arg11[%run_scoped3A_74, %dma_start3A_102, %dma_start3A_103] : memref<2x128x128xf32, #tpu.memory_space<vmem>> -> memref<1x128x128xf32, #tpu.memory_space<vmem>>
        %dma_start3A_105 = tpu.memref_squeeze %dma_start3A_104 : memref<1x128x128xf32, #tpu.memory_space<vmem>> -> memref<128x128xf32, #tpu.memory_space<vmem>>
        %dma_start3A_106 = arith.constant 0 : i32
        %dma_start3A_107 = tpu.memref_slice %arg10[%run_scoped3A_75, %dma_start3A_106] : memref<2x128xi32, #tpu.memory_space<vmem>> -> memref<1x128xi32, #tpu.memory_space<vmem>>
        %dma_start3A_108 = tpu.memref_squeeze %dma_start3A_107 : memref<1x128xi32, #tpu.memory_space<vmem>> -> memref<128xi32, #tpu.memory_space<vmem>>
        %dma_start3A_109 = arith.constant 0 : i32
        %dma_start3A_110 = arith.constant 0 : i32
        %dma_start3A_111 = tpu.memref_slice %arg14[%dma_start3A_109, %dma_start3A_110] : memref<10112x128xf32, #tpu.memory_space<vmem_shared>> -> memref<10112x128xf32, #tpu.memory_space<vmem_shared>>
        tpu.enqueue_indirect_dma source(%dma_start3A_105 : memref<128x128xf32, #tpu.memory_space<vmem>>) target(%dma_start3A_111 : memref<10112x128xf32, #tpu.memory_space<vmem_shared>>) offsets(%dma_start3A_108 : memref<128xi32, #tpu.memory_space<vmem>>) semaphore(%run_scoped3A_101 : memref<!tpu.dma_semaphore, #tpu.memory_space<semaphore_mem>>) {add = true}
        %dma_wait3A_112 = arith.constant 0 : i32
        %dma_wait3A_113 = arith.constant 0 : i32
        %dma_wait3A_114 = tpu.memref_slice %arg11[%run_scoped3A_74, %dma_wait3A_112, %dma_wait3A_113] : memref<2x128x128xf32, #tpu.memory_space<vmem>> -> memref<1x128x128xf32, #tpu.memory_space<vmem>>
        %dma_wait3A_115 = tpu.memref_squeeze %dma_wait3A_114 : memref<1x128x128xf32, #tpu.memory_space<vmem>> -> memref<128x128xf32, #tpu.memory_space<vmem>>
        %dma_wait3A_116 = arith.constant 0 : i32
        %dma_wait3A_117 = tpu.memref_slice %arg10[%run_scoped3A_75, %dma_wait3A_116] : memref<2x128xi32, #tpu.memory_space<vmem>> -> memref<1x128xi32, #tpu.memory_space<vmem>>
        %dma_wait3A_118 = tpu.memref_squeeze %dma_wait3A_117 : memref<1x128xi32, #tpu.memory_space<vmem>> -> memref<128xi32, #tpu.memory_space<vmem>>
        %dma_wait3A_119 = arith.constant 0 : i32
        %dma_wait3A_120 = arith.constant 0 : i32
        %dma_wait3A_121 = tpu.memref_slice %arg14[%dma_wait3A_119, %dma_wait3A_120] : memref<10112x128xf32, #tpu.memory_space<vmem_shared>> -> memref<10112x128xf32, #tpu.memory_space<vmem_shared>>
        tpu.wait_indirect_dma semaphore(%run_scoped3A_101 : memref<!tpu.dma_semaphore, #tpu.memory_space<semaphore_mem>>) src(%dma_wait3A_115 : memref<128x128xf32, #tpu.memory_space<vmem>>) dst(%dma_wait3A_121 : memref<10112x128xf32, #tpu.memory_space<vmem_shared>>)
        tpu.yield
      }) : () -> ()
      %add3A_76 = arith.constant 2 : i32
      %add3A_77 = arith.addi %add3A_62, %add3A_76 : i32
      %lt3A = arith.cmpi slt, %add3A_77, %select_n3A : i32
      %convert_element_type3A = arith.extui %lt3A : i1 to i32
      %cond3A = arith.constant 0 : i32
      %cond3A_78 = arith.cmpi ne, %convert_element_type3A, %cond3A : i32
      scf.if %cond3A_78 {
        %add3A_101 = arith.constant 2 : i32
        %add3A_102 = arith.addi %add3A_62, %add3A_101 : i32
        %mul3A_103 = arith.constant 128 : i32
        %mul3A_104 = arith.muli %add3A_102, %mul3A_103 : i32
        %add3A_105 = arith.addi %mul3A_8, %mul3A_104 : i32
        %run_scoped3A_106 = arith.constant 0 : i32
        "tpu.region"() ({
          %run_scoped3A_120 = tpu.sem_alloc : memref<!tpu.dma_semaphore, #tpu.memory_space<semaphore_mem>>
          %dma_start3A_121 = arith.constant 0 : i32
          %dma_start3A_122 = tpu.memref_slice %arg9[%run_scoped3A_106, %dma_start3A_121] : memref<2x128xi32, #tpu.memory_space<vmem>> -> memref<1x128xi32, #tpu.memory_space<vmem>>
          %dma_start3A_123 = tpu.memref_squeeze %dma_start3A_122 : memref<1x128xi32, #tpu.memory_space<vmem>> -> memref<128xi32, #tpu.memory_space<vmem>>
          %dma_start3A_124 = tpu.memref_slice %arg3[%add3A_105] : memref<327680xi32, #tpu.memory_space<hbm>> -> memref<128xi32, #tpu.memory_space<hbm>>
          %dma_start3A_125 = arith.constant 0 : i32
          %dma_start3A_126 = tpu.memref_slice %arg9[%run_scoped3A_106, %dma_start3A_125] : memref<2x128xi32, #tpu.memory_space<vmem>> -> memref<1x128xi32, #tpu.memory_space<vmem>>
          %dma_start3A_127 = tpu.memref_squeeze %dma_start3A_126 : memref<1x128xi32, #tpu.memory_space<vmem>> -> memref<128xi32, #tpu.memory_space<vmem>>
          %dma_start3A_128 = tpu.memref_slice %arg3[%add3A_105] : memref<327680xi32, #tpu.memory_space<hbm>> -> memref<128xi32, #tpu.memory_space<hbm>>
          tpu.enqueue_dma source(%dma_start3A_128 : memref<128xi32, #tpu.memory_space<hbm>>) target(%dma_start3A_127 : memref<128xi32, #tpu.memory_space<vmem>>) target_semaphore(%run_scoped3A_120 : memref<!tpu.dma_semaphore, #tpu.memory_space<semaphore_mem>>)
          %dma_wait3A_129 = arith.constant 0 : i32
          %dma_wait3A_130 = tpu.memref_slice %arg9[%run_scoped3A_106, %dma_wait3A_129] : memref<2x128xi32, #tpu.memory_space<vmem>> -> memref<1x128xi32, #tpu.memory_space<vmem>>
          %dma_wait3A_131 = tpu.memref_squeeze %dma_wait3A_130 : memref<1x128xi32, #tpu.memory_space<vmem>> -> memref<128xi32, #tpu.memory_space<vmem>>
          %dma_wait3A_132 = tpu.memref_slice %arg3[%add3A_105] : memref<327680xi32, #tpu.memory_space<hbm>> -> memref<128xi32, #tpu.memory_space<hbm>>
          %dma_wait3A_133 = arith.constant 0 : i32
          %dma_wait3A_134 = tpu.memref_slice %arg9[%run_scoped3A_106, %dma_wait3A_133] : memref<2x128xi32, #tpu.memory_space<vmem>> -> memref<1x128xi32, #tpu.memory_space<vmem>>
          %dma_wait3A_135 = tpu.memref_squeeze %dma_wait3A_134 : memref<1x128xi32, #tpu.memory_space<vmem>> -> memref<128xi32, #tpu.memory_space<vmem>>
          %dma_wait3A_136 = tpu.memref_slice %arg3[%add3A_105] : memref<327680xi32, #tpu.memory_space<hbm>> -> memref<128xi32, #tpu.memory_space<hbm>>
          tpu.wait_dma2 semaphore(%run_scoped3A_120 : memref<!tpu.dma_semaphore, #tpu.memory_space<semaphore_mem>>) src(%dma_wait3A_136 : memref<128xi32, #tpu.memory_space<hbm>>) dst(%dma_wait3A_135 : memref<128xi32, #tpu.memory_space<vmem>>)
          tpu.yield
        }) : () -> ()
        %run_scoped3A_107 = arith.constant 0 : i32
        "tpu.region"() ({
          %run_scoped3A_120 = tpu.sem_alloc : memref<!tpu.dma_semaphore, #tpu.memory_space<semaphore_mem>>
          %dma_start3A_121 = arith.constant 0 : i32
          %dma_start3A_122 = tpu.memref_slice %arg10[%run_scoped3A_107, %dma_start3A_121] : memref<2x128xi32, #tpu.memory_space<vmem>> -> memref<1x128xi32, #tpu.memory_space<vmem>>
          %dma_start3A_123 = tpu.memref_squeeze %dma_start3A_122 : memref<1x128xi32, #tpu.memory_space<vmem>> -> memref<128xi32, #tpu.memory_space<vmem>>
          %dma_start3A_124 = tpu.memref_slice %arg4[%add3A_105] : memref<327680xi32, #tpu.memory_space<hbm>> -> memref<128xi32, #tpu.memory_space<hbm>>
          %dma_start3A_125 = arith.constant 0 : i32
          %dma_start3A_126 = tpu.memref_slice %arg10[%run_scoped3A_107, %dma_start3A_125] : memref<2x128xi32, #tpu.memory_space<vmem>> -> memref<1x128xi32, #tpu.memory_space<vmem>>
          %dma_start3A_127 = tpu.memref_squeeze %dma_start3A_126 : memref<1x128xi32, #tpu.memory_space<vmem>> -> memref<128xi32, #tpu.memory_space<vmem>>
          %dma_start3A_128 = tpu.memref_slice %arg4[%add3A_105] : memref<327680xi32, #tpu.memory_space<hbm>> -> memref<128xi32, #tpu.memory_space<hbm>>
          tpu.enqueue_dma source(%dma_start3A_128 : memref<128xi32, #tpu.memory_space<hbm>>) target(%dma_start3A_127 : memref<128xi32, #tpu.memory_space<vmem>>) target_semaphore(%run_scoped3A_120 : memref<!tpu.dma_semaphore, #tpu.memory_space<semaphore_mem>>)
          %dma_wait3A_129 = arith.constant 0 : i32
          %dma_wait3A_130 = tpu.memref_slice %arg10[%run_scoped3A_107, %dma_wait3A_129] : memref<2x128xi32, #tpu.memory_space<vmem>> -> memref<1x128xi32, #tpu.memory_space<vmem>>
          %dma_wait3A_131 = tpu.memref_squeeze %dma_wait3A_130 : memref<1x128xi32, #tpu.memory_space<vmem>> -> memref<128xi32, #tpu.memory_space<vmem>>
          %dma_wait3A_132 = tpu.memref_slice %arg4[%add3A_105] : memref<327680xi32, #tpu.memory_space<hbm>> -> memref<128xi32, #tpu.memory_space<hbm>>
          %dma_wait3A_133 = arith.constant 0 : i32
          %dma_wait3A_134 = tpu.memref_slice %arg10[%run_scoped3A_107, %dma_wait3A_133] : memref<2x128xi32, #tpu.memory_space<vmem>> -> memref<1x128xi32, #tpu.memory_space<vmem>>
          %dma_wait3A_135 = tpu.memref_squeeze %dma_wait3A_134 : memref<1x128xi32, #tpu.memory_space<vmem>> -> memref<128xi32, #tpu.memory_space<vmem>>
          %dma_wait3A_136 = tpu.memref_slice %arg4[%add3A_105] : memref<327680xi32, #tpu.memory_space<hbm>> -> memref<128xi32, #tpu.memory_space<hbm>>
          tpu.wait_dma2 semaphore(%run_scoped3A_120 : memref<!tpu.dma_semaphore, #tpu.memory_space<semaphore_mem>>) src(%dma_wait3A_136 : memref<128xi32, #tpu.memory_space<hbm>>) dst(%dma_wait3A_135 : memref<128xi32, #tpu.memory_space<vmem>>)
          tpu.yield
        }) : () -> ()
        %dma_start3A_108 = arith.constant 0 : i32
        %dma_start3A_109 = arith.constant 0 : i32
        %dma_start3A_110 = arith.constant 0 : i32
        %dma_start3A_111 = arith.constant 0 : i32
        %dma_start3A_112 = tpu.memref_slice %arg11[%dma_start3A_109, %dma_start3A_110, %dma_start3A_111] : memref<2x128x128xf32, #tpu.memory_space<vmem>> -> memref<1x128x128xf32, #tpu.memory_space<vmem>>
        %dma_start3A_113 = tpu.memref_squeeze %dma_start3A_112 : memref<1x128x128xf32, #tpu.memory_space<vmem>> -> memref<128x128xf32, #tpu.memory_space<vmem>>
        %dma_start3A_114 = arith.constant 0 : i32
        %dma_start3A_115 = tpu.memref_slice %arg9[%dma_start3A_108, %dma_start3A_114] : memref<2x128xi32, #tpu.memory_space<vmem>> -> memref<1x128xi32, #tpu.memory_space<vmem>>
        %dma_start3A_116 = tpu.memref_squeeze %dma_start3A_115 : memref<1x128xi32, #tpu.memory_space<vmem>> -> memref<128xi32, #tpu.memory_space<vmem>>
        %dma_start3A_117 = arith.constant 0 : i32
        %dma_start3A_118 = arith.constant 0 : i32
        %dma_start3A_119 = tpu.memref_slice %arg2[%dma_start3A_117, %dma_start3A_118] : memref<10000x128xf32, #tpu.memory_space<hbm>> -> memref<10000x128xf32, #tpu.memory_space<hbm>>
        tpu.enqueue_indirect_dma source(%dma_start3A_119 : memref<10000x128xf32, #tpu.memory_space<hbm>>) target(%dma_start3A_113 : memref<128x128xf32, #tpu.memory_space<vmem>>) offsets(%dma_start3A_116 : memref<128xi32, #tpu.memory_space<vmem>>) semaphore(%arg16 : memref<!tpu.dma_semaphore, #tpu.memory_space<semaphore_mem>>)
      } else {
      }
      %add3A_79 = arith.constant 1 : i32
      %add3A_80 = arith.addi %add3A_60, %add3A_79 : i32
      %dma_wait3A_81 = arith.constant 1 : i32
      %dma_wait3A_82 = arith.constant 1 : i32
      %dma_wait3A_83 = arith.constant 0 : i32
      %dma_wait3A_84 = arith.constant 0 : i32
      %dma_wait3A_85 = tpu.memref_slice %arg11[%dma_wait3A_82, %dma_wait3A_83, %dma_wait3A_84] : memref<2x128x128xf32, #tpu.memory_space<vmem>> -> memref<1x128x128xf32, #tpu.memory_space<vmem>>
      %dma_wait3A_86 = tpu.memref_squeeze %dma_wait3A_85 : memref<1x128x128xf32, #tpu.memory_space<vmem>> -> memref<128x128xf32, #tpu.memory_space<vmem>>
      %dma_wait3A_87 = arith.constant 0 : i32
      %dma_wait3A_88 = tpu.memref_slice %arg9[%dma_wait3A_81, %dma_wait3A_87] : memref<2x128xi32, #tpu.memory_space<vmem>> -> memref<1x128xi32, #tpu.memory_space<vmem>>
      %dma_wait3A_89 = tpu.memref_squeeze %dma_wait3A_88 : memref<1x128xi32, #tpu.memory_space<vmem>> -> memref<128xi32, #tpu.memory_space<vmem>>
      %dma_wait3A_90 = arith.constant 0 : i32
      %dma_wait3A_91 = arith.constant 0 : i32
      %dma_wait3A_92 = tpu.memref_slice %arg2[%dma_wait3A_90, %dma_wait3A_91] : memref<10000x128xf32, #tpu.memory_space<hbm>> -> memref<10000x128xf32, #tpu.memory_space<hbm>>
      tpu.wait_indirect_dma semaphore(%arg17 : memref<!tpu.dma_semaphore, #tpu.memory_space<semaphore_mem>>) src(%dma_wait3A_92 : memref<10000x128xf32, #tpu.memory_space<hbm>>) dst(%dma_wait3A_86 : memref<128x128xf32, #tpu.memory_space<vmem>>)
      %run_scoped3A_93 = arith.constant 1 : i32
      %run_scoped3A_94 = arith.constant 1 : i32
      "tpu.region"() ({
        %run_scoped3A_101 = tpu.sem_alloc : memref<!tpu.dma_semaphore, #tpu.memory_space<semaphore_mem>>
        %dma_start3A_102 = arith.constant 0 : i32
        %dma_start3A_103 = arith.constant 0 : i32
        %dma_start3A_104 = tpu.memref_slice %arg11[%run_scoped3A_93, %dma_start3A_102, %dma_start3A_103] : memref<2x128x128xf32, #tpu.memory_space<vmem>> -> memref<1x128x128xf32, #tpu.memory_space<vmem>>
        %dma_start3A_105 = tpu.memref_squeeze %dma_start3A_104 : memref<1x128x128xf32, #tpu.memory_space<vmem>> -> memref<128x128xf32, #tpu.memory_space<vmem>>
        %dma_start3A_106 = arith.constant 0 : i32
        %dma_start3A_107 = tpu.memref_slice %arg10[%run_scoped3A_94, %dma_start3A_106] : memref<2x128xi32, #tpu.memory_space<vmem>> -> memref<1x128xi32, #tpu.memory_space<vmem>>
        %dma_start3A_108 = tpu.memref_squeeze %dma_start3A_107 : memref<1x128xi32, #tpu.memory_space<vmem>> -> memref<128xi32, #tpu.memory_space<vmem>>
        %dma_start3A_109 = arith.constant 0 : i32
        %dma_start3A_110 = arith.constant 0 : i32
        %dma_start3A_111 = tpu.memref_slice %arg14[%dma_start3A_109, %dma_start3A_110] : memref<10112x128xf32, #tpu.memory_space<vmem_shared>> -> memref<10112x128xf32, #tpu.memory_space<vmem_shared>>
        tpu.enqueue_indirect_dma source(%dma_start3A_105 : memref<128x128xf32, #tpu.memory_space<vmem>>) target(%dma_start3A_111 : memref<10112x128xf32, #tpu.memory_space<vmem_shared>>) offsets(%dma_start3A_108 : memref<128xi32, #tpu.memory_space<vmem>>) semaphore(%run_scoped3A_101 : memref<!tpu.dma_semaphore, #tpu.memory_space<semaphore_mem>>) {add = true}
        %dma_wait3A_112 = arith.constant 0 : i32
        %dma_wait3A_113 = arith.constant 0 : i32
        %dma_wait3A_114 = tpu.memref_slice %arg11[%run_scoped3A_93, %dma_wait3A_112, %dma_wait3A_113] : memref<2x128x128xf32, #tpu.memory_space<vmem>> -> memref<1x128x128xf32, #tpu.memory_space<vmem>>
        %dma_wait3A_115 = tpu.memref_squeeze %dma_wait3A_114 : memref<1x128x128xf32, #tpu.memory_space<vmem>> -> memref<128x128xf32, #tpu.memory_space<vmem>>
        %dma_wait3A_116 = arith.constant 0 : i32
        %dma_wait3A_117 = tpu.memref_slice %arg10[%run_scoped3A_94, %dma_wait3A_116] : memref<2x128xi32, #tpu.memory_space<vmem>> -> memref<1x128xi32, #tpu.memory_space<vmem>>
        %dma_wait3A_118 = tpu.memref_squeeze %dma_wait3A_117 : memref<1x128xi32, #tpu.memory_space<vmem>> -> memref<128xi32, #tpu.memory_space<vmem>>
        %dma_wait3A_119 = arith.constant 0 : i32
        %dma_wait3A_120 = arith.constant 0 : i32
        %dma_wait3A_121 = tpu.memref_slice %arg14[%dma_wait3A_119, %dma_wait3A_120] : memref<10112x128xf32, #tpu.memory_space<vmem_shared>> -> memref<10112x128xf32, #tpu.memory_space<vmem_shared>>
        tpu.wait_indirect_dma semaphore(%run_scoped3A_101 : memref<!tpu.dma_semaphore, #tpu.memory_space<semaphore_mem>>) src(%dma_wait3A_115 : memref<128x128xf32, #tpu.memory_space<vmem>>) dst(%dma_wait3A_121 : memref<10112x128xf32, #tpu.memory_space<vmem_shared>>)
        tpu.yield
      }) : () -> ()
      %add3A_95 = arith.constant 2 : i32
      %add3A_96 = arith.addi %add3A_80, %add3A_95 : i32
      %lt3A_97 = arith.cmpi slt, %add3A_96, %select_n3A : i32
      %convert_element_type3A_98 = arith.extui %lt3A_97 : i1 to i32
      %cond3A_99 = arith.constant 0 : i32
      %cond3A_100 = arith.cmpi ne, %convert_element_type3A_98, %cond3A_99 : i32
      scf.if %cond3A_100 {
        %add3A_101 = arith.constant 2 : i32
        %add3A_102 = arith.addi %add3A_80, %add3A_101 : i32
        %mul3A_103 = arith.constant 128 : i32
        %mul3A_104 = arith.muli %add3A_102, %mul3A_103 : i32
        %add3A_105 = arith.addi %mul3A_8, %mul3A_104 : i32
        %run_scoped3A_106 = arith.constant 1 : i32
        "tpu.region"() ({
          %run_scoped3A_120 = tpu.sem_alloc : memref<!tpu.dma_semaphore, #tpu.memory_space<semaphore_mem>>
          %dma_start3A_121 = arith.constant 0 : i32
          %dma_start3A_122 = tpu.memref_slice %arg9[%run_scoped3A_106, %dma_start3A_121] : memref<2x128xi32, #tpu.memory_space<vmem>> -> memref<1x128xi32, #tpu.memory_space<vmem>>
          %dma_start3A_123 = tpu.memref_squeeze %dma_start3A_122 : memref<1x128xi32, #tpu.memory_space<vmem>> -> memref<128xi32, #tpu.memory_space<vmem>>
          %dma_start3A_124 = tpu.memref_slice %arg3[%add3A_105] : memref<327680xi32, #tpu.memory_space<hbm>> -> memref<128xi32, #tpu.memory_space<hbm>>
          %dma_start3A_125 = arith.constant 0 : i32
          %dma_start3A_126 = tpu.memref_slice %arg9[%run_scoped3A_106, %dma_start3A_125] : memref<2x128xi32, #tpu.memory_space<vmem>> -> memref<1x128xi32, #tpu.memory_space<vmem>>
          %dma_start3A_127 = tpu.memref_squeeze %dma_start3A_126 : memref<1x128xi32, #tpu.memory_space<vmem>> -> memref<128xi32, #tpu.memory_space<vmem>>
          %dma_start3A_128 = tpu.memref_slice %arg3[%add3A_105] : memref<327680xi32, #tpu.memory_space<hbm>> -> memref<128xi32, #tpu.memory_space<hbm>>
          tpu.enqueue_dma source(%dma_start3A_128 : memref<128xi32, #tpu.memory_space<hbm>>) target(%dma_start3A_127 : memref<128xi32, #tpu.memory_space<vmem>>) target_semaphore(%run_scoped3A_120 : memref<!tpu.dma_semaphore, #tpu.memory_space<semaphore_mem>>)
          %dma_wait3A_129 = arith.constant 0 : i32
          %dma_wait3A_130 = tpu.memref_slice %arg9[%run_scoped3A_106, %dma_wait3A_129] : memref<2x128xi32, #tpu.memory_space<vmem>> -> memref<1x128xi32, #tpu.memory_space<vmem>>
          %dma_wait3A_131 = tpu.memref_squeeze %dma_wait3A_130 : memref<1x128xi32, #tpu.memory_space<vmem>> -> memref<128xi32, #tpu.memory_space<vmem>>
          %dma_wait3A_132 = tpu.memref_slice %arg3[%add3A_105] : memref<327680xi32, #tpu.memory_space<hbm>> -> memref<128xi32, #tpu.memory_space<hbm>>
          %dma_wait3A_133 = arith.constant 0 : i32
          %dma_wait3A_134 = tpu.memref_slice %arg9[%run_scoped3A_106, %dma_wait3A_133] : memref<2x128xi32, #tpu.memory_space<vmem>> -> memref<1x128xi32, #tpu.memory_space<vmem>>
          %dma_wait3A_135 = tpu.memref_squeeze %dma_wait3A_134 : memref<1x128xi32, #tpu.memory_space<vmem>> -> memref<128xi32, #tpu.memory_space<vmem>>
          %dma_wait3A_136 = tpu.memref_slice %arg3[%add3A_105] : memref<327680xi32, #tpu.memory_space<hbm>> -> memref<128xi32, #tpu.memory_space<hbm>>
          tpu.wait_dma2 semaphore(%run_scoped3A_120 : memref<!tpu.dma_semaphore, #tpu.memory_space<semaphore_mem>>) src(%dma_wait3A_136 : memref<128xi32, #tpu.memory_space<hbm>>) dst(%dma_wait3A_135 : memref<128xi32, #tpu.memory_space<vmem>>)
          tpu.yield
        }) : () -> ()
        %run_scoped3A_107 = arith.constant 1 : i32
        "tpu.region"() ({
          %run_scoped3A_120 = tpu.sem_alloc : memref<!tpu.dma_semaphore, #tpu.memory_space<semaphore_mem>>
          %dma_start3A_121 = arith.constant 0 : i32
          %dma_start3A_122 = tpu.memref_slice %arg10[%run_scoped3A_107, %dma_start3A_121] : memref<2x128xi32, #tpu.memory_space<vmem>> -> memref<1x128xi32, #tpu.memory_space<vmem>>
          %dma_start3A_123 = tpu.memref_squeeze %dma_start3A_122 : memref<1x128xi32, #tpu.memory_space<vmem>> -> memref<128xi32, #tpu.memory_space<vmem>>
          %dma_start3A_124 = tpu.memref_slice %arg4[%add3A_105] : memref<327680xi32, #tpu.memory_space<hbm>> -> memref<128xi32, #tpu.memory_space<hbm>>
          %dma_start3A_125 = arith.constant 0 : i32
          %dma_start3A_126 = tpu.memref_slice %arg10[%run_scoped3A_107, %dma_start3A_125] : memref<2x128xi32, #tpu.memory_space<vmem>> -> memref<1x128xi32, #tpu.memory_space<vmem>>
          %dma_start3A_127 = tpu.memref_squeeze %dma_start3A_126 : memref<1x128xi32, #tpu.memory_space<vmem>> -> memref<128xi32, #tpu.memory_space<vmem>>
          %dma_start3A_128 = tpu.memref_slice %arg4[%add3A_105] : memref<327680xi32, #tpu.memory_space<hbm>> -> memref<128xi32, #tpu.memory_space<hbm>>
          tpu.enqueue_dma source(%dma_start3A_128 : memref<128xi32, #tpu.memory_space<hbm>>) target(%dma_start3A_127 : memref<128xi32, #tpu.memory_space<vmem>>) target_semaphore(%run_scoped3A_120 : memref<!tpu.dma_semaphore, #tpu.memory_space<semaphore_mem>>)
          %dma_wait3A_129 = arith.constant 0 : i32
          %dma_wait3A_130 = tpu.memref_slice %arg10[%run_scoped3A_107, %dma_wait3A_129] : memref<2x128xi32, #tpu.memory_space<vmem>> -> memref<1x128xi32, #tpu.memory_space<vmem>>
          %dma_wait3A_131 = tpu.memref_squeeze %dma_wait3A_130 : memref<1x128xi32, #tpu.memory_space<vmem>> -> memref<128xi32, #tpu.memory_space<vmem>>
          %dma_wait3A_132 = tpu.memref_slice %arg4[%add3A_105] : memref<327680xi32, #tpu.memory_space<hbm>> -> memref<128xi32, #tpu.memory_space<hbm>>
          %dma_wait3A_133 = arith.constant 0 : i32
          %dma_wait3A_134 = tpu.memref_slice %arg10[%run_scoped3A_107, %dma_wait3A_133] : memref<2x128xi32, #tpu.memory_space<vmem>> -> memref<1x128xi32, #tpu.memory_space<vmem>>
          %dma_wait3A_135 = tpu.memref_squeeze %dma_wait3A_134 : memref<1x128xi32, #tpu.memory_space<vmem>> -> memref<128xi32, #tpu.memory_space<vmem>>
          %dma_wait3A_136 = tpu.memref_slice %arg4[%add3A_105] : memref<327680xi32, #tpu.memory_space<hbm>> -> memref<128xi32, #tpu.memory_space<hbm>>
          tpu.wait_dma2 semaphore(%run_scoped3A_120 : memref<!tpu.dma_semaphore, #tpu.memory_space<semaphore_mem>>) src(%dma_wait3A_136 : memref<128xi32, #tpu.memory_space<hbm>>) dst(%dma_wait3A_135 : memref<128xi32, #tpu.memory_space<vmem>>)
          tpu.yield
        }) : () -> ()
        %dma_start3A_108 = arith.constant 1 : i32
        %dma_start3A_109 = arith.constant 1 : i32
        %dma_start3A_110 = arith.constant 0 : i32
        %dma_start3A_111 = arith.constant 0 : i32
        %dma_start3A_112 = tpu.memref_slice %arg11[%dma_start3A_109, %dma_start3A_110, %dma_start3A_111] : memref<2x128x128xf32, #tpu.memory_space<vmem>> -> memref<1x128x128xf32, #tpu.memory_space<vmem>>
        %dma_start3A_113 = tpu.memref_squeeze %dma_start3A_112 : memref<1x128x128xf32, #tpu.memory_space<vmem>> -> memref<128x128xf32, #tpu.memory_space<vmem>>
        %dma_start3A_114 = arith.constant 0 : i32
        %dma_start3A_115 = tpu.memref_slice %arg9[%dma_start3A_108, %dma_start3A_114] : memref<2x128xi32, #tpu.memory_space<vmem>> -> memref<1x128xi32, #tpu.memory_space<vmem>>
        %dma_start3A_116 = tpu.memref_squeeze %dma_start3A_115 : memref<1x128xi32, #tpu.memory_space<vmem>> -> memref<128xi32, #tpu.memory_space<vmem>>
        %dma_start3A_117 = arith.constant 0 : i32
        %dma_start3A_118 = arith.constant 0 : i32
        %dma_start3A_119 = tpu.memref_slice %arg2[%dma_start3A_117, %dma_start3A_118] : memref<10000x128xf32, #tpu.memory_space<hbm>> -> memref<10000x128xf32, #tpu.memory_space<hbm>>
        tpu.enqueue_indirect_dma source(%dma_start3A_119 : memref<10000x128xf32, #tpu.memory_space<hbm>>) target(%dma_start3A_113 : memref<128x128xf32, #tpu.memory_space<vmem>>) offsets(%dma_start3A_116 : memref<128xi32, #tpu.memory_space<vmem>>) semaphore(%arg17 : memref<!tpu.dma_semaphore, #tpu.memory_space<semaphore_mem>>)
      } else {
      }
    }
    %barrier3A_57 = arith.constant 0 : index
    tpu.barrier barrier_id(%barrier3A_57)
    "tpu.region"() ({
      %run_scoped3A_58 = tpu.sem_alloc : memref<!tpu.dma_semaphore, #tpu.memory_space<semaphore_mem>>
      %dma_start3A_59 = arith.constant 0 : i32
      %dma_start3A_60 = tpu.memref_slice %arg8[%arg0, %mul3A_0, %dma_start3A_59] : memref<2x10112x128xf32, #tpu.memory_space<hbm>> -> memref<1x632x128xf32, #tpu.memory_space<hbm>>
      %dma_start3A_61 = tpu.memref_squeeze %dma_start3A_60 : memref<1x632x128xf32, #tpu.memory_space<hbm>> -> memref<632x128xf32, #tpu.memory_space<hbm>>
      %dma_start3A_62 = arith.constant 0 : i32
      %dma_start3A_63 = tpu.memref_slice %arg14[%mul3A_0, %dma_start3A_62] : memref<10112x128xf32, #tpu.memory_space<vmem_shared>> -> memref<632x128xf32, #tpu.memory_space<vmem_shared>>
      tpu.enqueue_dma source(%dma_start3A_63 : memref<632x128xf32, #tpu.memory_space<vmem_shared>>) target(%dma_start3A_61 : memref<632x128xf32, #tpu.memory_space<hbm>>) target_semaphore(%run_scoped3A_58 : memref<!tpu.dma_semaphore, #tpu.memory_space<semaphore_mem>>)
      %dma_wait3A = arith.constant 0 : i32
      %dma_wait3A_64 = tpu.memref_slice %arg8[%arg0, %mul3A_0, %dma_wait3A] : memref<2x10112x128xf32, #tpu.memory_space<hbm>> -> memref<1x632x128xf32, #tpu.memory_space<hbm>>
      %dma_wait3A_65 = tpu.memref_squeeze %dma_wait3A_64 : memref<1x632x128xf32, #tpu.memory_space<hbm>> -> memref<632x128xf32, #tpu.memory_space<hbm>>
      %dma_wait3A_66 = arith.constant 0 : i32
      %dma_wait3A_67 = tpu.memref_slice %arg14[%mul3A_0, %dma_wait3A_66] : memref<10112x128xf32, #tpu.memory_space<vmem_shared>> -> memref<632x128xf32, #tpu.memory_space<vmem_shared>>
      tpu.wait_dma2 semaphore(%run_scoped3A_58 : memref<!tpu.dma_semaphore, #tpu.memory_space<semaphore_mem>>) src(%dma_wait3A_67 : memref<632x128xf32, #tpu.memory_space<vmem_shared>>) dst(%dma_wait3A_65 : memref<632x128xf32, #tpu.memory_space<hbm>>)
      tpu.yield
    }) : () -> ()
    return
  }
}

module attributes {stable_mosaic.version = 14 : i64} {
  func.func @_pre_body(%arg0: i32, %arg1: memref<2000x128xf32, #tpu.memory_space<vmem>>, %arg2: memref<128x128xf32, #tpu.memory_space<vmem>>, %arg3: memref<128x128xf32, #tpu.memory_space<vmem>>, %arg4: memref<1x128xf32, #tpu.memory_space<vmem>>, %arg5: memref<2000x128xf32, #tpu.memory_space<vmem>>, %arg6: memref<2000x128xf32, #tpu.memory_space<vmem>>) attributes {dimension_semantics = [#tpu.dimension_semantics<arbitrary>], iteration_bounds = array<i64: 5>, scalar_prefetch = 0 : i64, scratch_operands = 0 : i64, tpu.core_type = #tpu.core_type<tc>, window_params = [{transform_indices = @transform_0, window_bounds = array<i64: 2000, 128>}, {pipeline_mode = #tpu.pipeline_mode<synchronous>, transform_indices = @transform_1, window_bounds = array<i64: 128, 128>}, {pipeline_mode = #tpu.pipeline_mode<synchronous>, transform_indices = @transform_2, window_bounds = array<i64: 128, 128>}, {pipeline_mode = #tpu.pipeline_mode<synchronous>, transform_indices = @transform_3, window_bounds = array<i64: 1, 128>}, {transform_indices = @transform_4, window_bounds = array<i64: 2000, 128>}, {transform_indices = @transform_5, window_bounds = array<i64: 2000, 128>}]} {
    %get3A = arith.constant 0 : index
    %get3A_0 = arith.constant 0 : index
    %get3A_1 = vector.load %arg1[%get3A, %get3A_0] : memref<2000x128xf32, #tpu.memory_space<vmem>>, vector<2000x128xf32>
    %get3A_2 = arith.constant 0 : index
    %get3A_3 = arith.constant 0 : index
    %get3A_4 = vector.load %arg2[%get3A_2, %get3A_3] : memref<128x128xf32, #tpu.memory_space<vmem>>, vector<128x128xf32>
    %dot_general3A = arith.constant dense<0.000000e+00> : vector<2000x128xf32>
    %dot_general3A_5 = tpu.matmul %get3A_1, %get3A_4, %dot_general3A {dimension_numbers = #tpu.dot_dimension_numbers<[1], [0], [0], [1], [0, 0, 1, 1], [], []>, transpose_lhs_hint = false} : vector<2000x128xf32>, vector<128x128xf32>, vector<2000x128xf32> -> vector<2000x128xf32>
    %swap3A = arith.constant 0 : index
    %swap3A_6 = arith.constant 0 : index
    %swap3A_7 = vector.load %arg5[%swap3A, %swap3A_6] : memref<2000x128xf32, #tpu.memory_space<vmem>>, vector<2000x128xf32>
    tpu.vector_store %arg5[%swap3A, %swap3A_6], %dot_general3A_5 {strides = array<i32>} : memref<2000x128xf32, #tpu.memory_space<vmem>>, vector<2000x128xf32>,
    %get3A_8 = arith.constant 0 : index
    %get3A_9 = arith.constant 0 : index
    %get3A_10 = vector.load %arg3[%get3A_8, %get3A_9] : memref<128x128xf32, #tpu.memory_space<vmem>>, vector<128x128xf32>
    %dot_general3A_11 = arith.constant dense<0.000000e+00> : vector<2000x128xf32>
    %dot_general3A_12 = tpu.matmul %get3A_1, %get3A_10, %dot_general3A_11 {dimension_numbers = #tpu.dot_dimension_numbers<[1], [0], [0], [1], [0, 0, 1, 1], [], []>, transpose_lhs_hint = false} : vector<2000x128xf32>, vector<128x128xf32>, vector<2000x128xf32> -> vector<2000x128xf32>
    %get3A_13 = arith.constant 0 : index
    %get3A_14 = arith.constant 0 : index
    %get3A_15 = vector.load %arg4[%get3A_13, %get3A_14] : memref<1x128xf32, #tpu.memory_space<vmem>>, vector<1x128xf32>
    %add3A = vector.broadcast %get3A_15 : vector<1x128xf32> to vector<2000x128xf32>
    %add3A_16 = arith.addf %dot_general3A_12, %add3A : vector<2000x128xf32>
    %swap3A_17 = arith.constant 0 : index
    %swap3A_18 = arith.constant 0 : index
    %swap3A_19 = vector.load %arg6[%swap3A_17, %swap3A_18] : memref<2000x128xf32, #tpu.memory_space<vmem>>, vector<2000x128xf32>
    tpu.vector_store %arg6[%swap3A_17, %swap3A_18], %add3A_16 {strides = array<i32>} : memref<2000x128xf32, #tpu.memory_space<vmem>>, vector<2000x128xf32>,
    return
  }
  func.func @transform_0(%arg0: i32) -> (i32, i32) {
    %c0_i32 = arith.constant 0 : i32
    %c0_i32_0 = arith.constant 0 : i32
    return %arg0, %c0_i32 : i32, i32
  }
  func.func @transform_1(%arg0: i32) -> (i32, i32) {
    %c0_i32 = arith.constant 0 : i32
    %c0_i32_0 = arith.constant 0 : i32
    %c0_i32_1 = arith.constant 0 : i32
    return %c0_i32, %c0_i32_0 : i32, i32
  }
  func.func @transform_2(%arg0: i32) -> (i32, i32) {
    %c0_i32 = arith.constant 0 : i32
    %c0_i32_0 = arith.constant 0 : i32
    %c0_i32_1 = arith.constant 0 : i32
    return %c0_i32, %c0_i32_0 : i32, i32
  }
  func.func @transform_3(%arg0: i32) -> (i32, i32) {
    %c0_i32 = arith.constant 0 : i32
    %c0_i32_0 = arith.constant 0 : i32
    %c0_i32_1 = arith.constant 0 : i32
    return %c0_i32, %c0_i32_0 : i32, i32
  }
  func.func @transform_4(%arg0: i32) -> (i32, i32) {
    %c0_i32 = arith.constant 0 : i32
    %c0_i32_0 = arith.constant 0 : i32
    return %arg0, %c0_i32 : i32, i32
  }
  func.func @transform_5(%arg0: i32) -> (i32, i32) {
    %c0_i32 = arith.constant 0 : i32
    %c0_i32_0 = arith.constant 0 : i32
    return %arg0, %c0_i32 : i32, i32
  }
}

module attributes {stable_mosaic.version = 14 : i64} {
  func.func @_mid_body(%arg0: i32, %arg1: memref<2000x128xf32, #tpu.memory_space<vmem>>, %arg2: memref<2000x128xf32, #tpu.memory_space<vmem>>, %arg3: memref<2000x1xf32, #tpu.memory_space<vmem>>, %arg4: memref<2000x1xf32, #tpu.memory_space<vmem>>, %arg5: memref<2000x128xf32, #tpu.memory_space<vmem>>, %arg6: memref<128x128xf32, #tpu.memory_space<vmem>>, %arg7: memref<128x128xf32, #tpu.memory_space<vmem>>, %arg8: memref<1x128xf32, #tpu.memory_space<vmem>>, %arg9: memref<2000x128xf32, #tpu.memory_space<vmem>>, %arg10: memref<2000x128xf32, #tpu.memory_space<vmem>>) attributes {dimension_semantics = [#tpu.dimension_semantics<arbitrary>], iteration_bounds = array<i64: 5>, scalar_prefetch = 0 : i64, scratch_operands = 0 : i64, tpu.core_type = #tpu.core_type<tc>, window_params = [{transform_indices = @transform_0, window_bounds = array<i64: 2000, 128>}, {transform_indices = @transform_1, window_bounds = array<i64: 2000, 128>}, {transform_indices = @transform_2, window_bounds = array<i64: 2000, 1>}, {transform_indices = @transform_3, window_bounds = array<i64: 2000, 1>}, {transform_indices = @transform_4, window_bounds = array<i64: 2000, 128>}, {pipeline_mode = #tpu.pipeline_mode<synchronous>, transform_indices = @transform_5, window_bounds = array<i64: 128, 128>}, {pipeline_mode = #tpu.pipeline_mode<synchronous>, transform_indices = @transform_6, window_bounds = array<i64: 128, 128>}, {pipeline_mode = #tpu.pipeline_mode<synchronous>, transform_indices = @transform_7, window_bounds = array<i64: 1, 128>}, {transform_indices = @transform_8, window_bounds = array<i64: 2000, 128>}, {transform_indices = @transform_9, window_bounds = array<i64: 2000, 128>}]} {
    %get3A = arith.constant 0 : index
    %get3A_0 = arith.constant 0 : index
    %get3A_1 = vector.load %arg3[%get3A, %get3A_0] : memref<2000x1xf32, #tpu.memory_space<vmem>>, vector<2000x1xf32>
    %get3A_2 = arith.constant 0 : index
    %get3A_3 = arith.constant 0 : index
    %get3A_4 = vector.load %arg4[%get3A_2, %get3A_3] : memref<2000x1xf32, #tpu.memory_space<vmem>>, vector<2000x1xf32>
    %add3A = arith.addf %get3A_1, %get3A_4 : vector<2000x1xf32>
    %max3A = arith.constant 1.000000e+00 : f32
    %max3A_5 = vector.broadcast %max3A : f32 to vector<2000x1xf32>
    %max3A_6 = arith.maximumf %add3A, %max3A_5 : vector<2000x1xf32>
    %get3A_7 = arith.constant 0 : index
    %get3A_8 = arith.constant 0 : index
    %get3A_9 = vector.load %arg1[%get3A_7, %get3A_8] : memref<2000x128xf32, #tpu.memory_space<vmem>>, vector<2000x128xf32>
    %get3A_10 = arith.constant 0 : index
    %get3A_11 = arith.constant 0 : index
    %get3A_12 = vector.load %arg2[%get3A_10, %get3A_11] : memref<2000x128xf32, #tpu.memory_space<vmem>>, vector<2000x128xf32>
    %add3A_13 = arith.addf %get3A_9, %get3A_12 : vector<2000x128xf32>
    %div3A = vector.broadcast %max3A_6 : vector<2000x1xf32> to vector<2000x128xf32>
    %div3A_14 = arith.divf %add3A_13, %div3A : vector<2000x128xf32>
    %get3A_15 = arith.constant 0 : index
    %get3A_16 = arith.constant 0 : index
    %get3A_17 = vector.load %arg5[%get3A_15, %get3A_16] : memref<2000x128xf32, #tpu.memory_space<vmem>>, vector<2000x128xf32>
    %add3A_18 = arith.addf %div3A_14, %get3A_17 : vector<2000x128xf32>
    %max3A_19 = arith.constant 0.000000e+00 : f32
    %max3A_20 = vector.broadcast %max3A_19 : f32 to vector<2000x128xf32>
    %max3A_21 = arith.maximumf %add3A_18, %max3A_20 : vector<2000x128xf32>
    %get3A_22 = arith.constant 0 : index
    %get3A_23 = arith.constant 0 : index
    %get3A_24 = vector.load %arg6[%get3A_22, %get3A_23] : memref<128x128xf32, #tpu.memory_space<vmem>>, vector<128x128xf32>
    %dot_general3A = arith.constant dense<0.000000e+00> : vector<2000x128xf32>
    %dot_general3A_25 = tpu.matmul %max3A_21, %get3A_24, %dot_general3A {dimension_numbers = #tpu.dot_dimension_numbers<[1], [0], [0], [1], [0, 0, 1, 1], [], []>, transpose_lhs_hint = false} : vector<2000x128xf32>, vector<128x128xf32>, vector<2000x128xf32> -> vector<2000x128xf32>
    %swap3A = arith.constant 0 : index
    %swap3A_26 = arith.constant 0 : index
    %swap3A_27 = vector.load %arg9[%swap3A, %swap3A_26] : memref<2000x128xf32, #tpu.memory_space<vmem>>, vector<2000x128xf32>
    tpu.vector_store %arg9[%swap3A, %swap3A_26], %dot_general3A_25 {strides = array<i32>} : memref<2000x128xf32, #tpu.memory_space<vmem>>, vector<2000x128xf32>,
    %get3A_28 = arith.constant 0 : index
    %get3A_29 = arith.constant 0 : index
    %get3A_30 = vector.load %arg7[%get3A_28, %get3A_29] : memref<128x128xf32, #tpu.memory_space<vmem>>, vector<128x128xf32>
    %dot_general3A_31 = arith.constant dense<0.000000e+00> : vector<2000x128xf32>
    %dot_general3A_32 = tpu.matmul %max3A_21, %get3A_30, %dot_general3A_31 {dimension_numbers = #tpu.dot_dimension_numbers<[1], [0], [0], [1], [0, 0, 1, 1], [], []>, transpose_lhs_hint = false} : vector<2000x128xf32>, vector<128x128xf32>, vector<2000x128xf32> -> vector<2000x128xf32>
    %get3A_33 = arith.constant 0 : index
    %get3A_34 = arith.constant 0 : index
    %get3A_35 = vector.load %arg8[%get3A_33, %get3A_34] : memref<1x128xf32, #tpu.memory_space<vmem>>, vector<1x128xf32>
    %add3A_36 = vector.broadcast %get3A_35 : vector<1x128xf32> to vector<2000x128xf32>
    %add3A_37 = arith.addf %dot_general3A_32, %add3A_36 : vector<2000x128xf32>
    %swap3A_38 = arith.constant 0 : index
    %swap3A_39 = arith.constant 0 : index
    %swap3A_40 = vector.load %arg10[%swap3A_38, %swap3A_39] : memref<2000x128xf32, #tpu.memory_space<vmem>>, vector<2000x128xf32>
    tpu.vector_store %arg10[%swap3A_38, %swap3A_39], %add3A_37 {strides = array<i32>} : memref<2000x128xf32, #tpu.memory_space<vmem>>, vector<2000x128xf32>,
    return
  }
  func.func @transform_0(%arg0: i32) -> (i32, i32) {
    %c0_i32 = arith.constant 0 : i32
    %c0_i32_0 = arith.constant 0 : i32
    return %arg0, %c0_i32 : i32, i32
  }
  func.func @transform_1(%arg0: i32) -> (i32, i32) {
    %c0_i32 = arith.constant 0 : i32
    %c0_i32_0 = arith.constant 0 : i32
    return %arg0, %c0_i32 : i32, i32
  }
  func.func @transform_2(%arg0: i32) -> (i32, i32) {
    %c0_i32 = arith.constant 0 : i32
    %c0_i32_0 = arith.constant 0 : i32
    return %arg0, %c0_i32 : i32, i32
  }
  func.func @transform_3(%arg0: i32) -> (i32, i32) {
    %c0_i32 = arith.constant 0 : i32
    %c0_i32_0 = arith.constant 0 : i32
    return %arg0, %c0_i32 : i32, i32
  }
  func.func @transform_4(%arg0: i32) -> (i32, i32) {
    %c0_i32 = arith.constant 0 : i32
    %c0_i32_0 = arith.constant 0 : i32
    return %arg0, %c0_i32 : i32, i32
  }
  func.func @transform_5(%arg0: i32) -> (i32, i32) {
    %c0_i32 = arith.constant 0 : i32
    %c0_i32_0 = arith.constant 0 : i32
    %c0_i32_1 = arith.constant 0 : i32
    return %c0_i32, %c0_i32_0 : i32, i32
  }
  func.func @transform_6(%arg0: i32) -> (i32, i32) {
    %c0_i32 = arith.constant 0 : i32
    %c0_i32_0 = arith.constant 0 : i32
    %c0_i32_1 = arith.constant 0 : i32
    return %c0_i32, %c0_i32_0 : i32, i32
  }
  func.func @transform_7(%arg0: i32) -> (i32, i32) {
    %c0_i32 = arith.constant 0 : i32
    %c0_i32_0 = arith.constant 0 : i32
    %c0_i32_1 = arith.constant 0 : i32
    return %c0_i32, %c0_i32_0 : i32, i32
  }
  func.func @transform_8(%arg0: i32) -> (i32, i32) {
    %c0_i32 = arith.constant 0 : i32
    %c0_i32_0 = arith.constant 0 : i32
    return %arg0, %c0_i32 : i32, i32
  }
  func.func @transform_9(%arg0: i32) -> (i32, i32) {
    %c0_i32 = arith.constant 0 : i32
    %c0_i32_0 = arith.constant 0 : i32
    return %arg0, %c0_i32 : i32, i32
  }
}

module attributes {stable_mosaic.version = 14 : i64} {
  func.func @_head_body(%arg0: i32, %arg1: memref<2000x128xf32, #tpu.memory_space<vmem>>, %arg2: memref<2000x128xf32, #tpu.memory_space<vmem>>, %arg3: memref<2000x1xf32, #tpu.memory_space<vmem>>, %arg4: memref<2000x1xf32, #tpu.memory_space<vmem>>, %arg5: memref<2000x128xf32, #tpu.memory_space<vmem>>, %arg6: memref<128x64xf32, #tpu.memory_space<vmem>>, %arg7: memref<1x64xf32, #tpu.memory_space<vmem>>, %arg8: memref<64x4xf32, #tpu.memory_space<vmem>>, %arg9: memref<1x4xf32, #tpu.memory_space<vmem>>, %arg10: memref<2000x4xf32, #tpu.memory_space<vmem>>) attributes {dimension_semantics = [#tpu.dimension_semantics<arbitrary>], iteration_bounds = array<i64: 5>, scalar_prefetch = 0 : i64, scratch_operands = 0 : i64, tpu.core_type = #tpu.core_type<tc>, window_params = [{transform_indices = @transform_0, window_bounds = array<i64: 2000, 128>}, {transform_indices = @transform_1, window_bounds = array<i64: 2000, 128>}, {transform_indices = @transform_2, window_bounds = array<i64: 2000, 1>}, {transform_indices = @transform_3, window_bounds = array<i64: 2000, 1>}, {transform_indices = @transform_4, window_bounds = array<i64: 2000, 128>}, {pipeline_mode = #tpu.pipeline_mode<synchronous>, transform_indices = @transform_5, window_bounds = array<i64: 128, 64>}, {pipeline_mode = #tpu.pipeline_mode<synchronous>, transform_indices = @transform_6, window_bounds = array<i64: 1, 64>}, {pipeline_mode = #tpu.pipeline_mode<synchronous>, transform_indices = @transform_7, window_bounds = array<i64: 64, 4>}, {pipeline_mode = #tpu.pipeline_mode<synchronous>, transform_indices = @transform_8, window_bounds = array<i64: 1, 4>}, {transform_indices = @transform_9, window_bounds = array<i64: 2000, 4>}]} {
    %get3A = arith.constant 0 : index
    %get3A_0 = arith.constant 0 : index
    %get3A_1 = vector.load %arg3[%get3A, %get3A_0] : memref<2000x1xf32, #tpu.memory_space<vmem>>, vector<2000x1xf32>
    %get3A_2 = arith.constant 0 : index
    %get3A_3 = arith.constant 0 : index
    %get3A_4 = vector.load %arg4[%get3A_2, %get3A_3] : memref<2000x1xf32, #tpu.memory_space<vmem>>, vector<2000x1xf32>
    %add3A = arith.addf %get3A_1, %get3A_4 : vector<2000x1xf32>
    %max3A = arith.constant 1.000000e+00 : f32
    %max3A_5 = vector.broadcast %max3A : f32 to vector<2000x1xf32>
    %max3A_6 = arith.maximumf %add3A, %max3A_5 : vector<2000x1xf32>
    %get3A_7 = arith.constant 0 : index
    %get3A_8 = arith.constant 0 : index
    %get3A_9 = vector.load %arg1[%get3A_7, %get3A_8] : memref<2000x128xf32, #tpu.memory_space<vmem>>, vector<2000x128xf32>
    %get3A_10 = arith.constant 0 : index
    %get3A_11 = arith.constant 0 : index
    %get3A_12 = vector.load %arg2[%get3A_10, %get3A_11] : memref<2000x128xf32, #tpu.memory_space<vmem>>, vector<2000x128xf32>
    %add3A_13 = arith.addf %get3A_9, %get3A_12 : vector<2000x128xf32>
    %div3A = vector.broadcast %max3A_6 : vector<2000x1xf32> to vector<2000x128xf32>
    %div3A_14 = arith.divf %add3A_13, %div3A : vector<2000x128xf32>
    %get3A_15 = arith.constant 0 : index
    %get3A_16 = arith.constant 0 : index
    %get3A_17 = vector.load %arg5[%get3A_15, %get3A_16] : memref<2000x128xf32, #tpu.memory_space<vmem>>, vector<2000x128xf32>
    %add3A_18 = arith.addf %div3A_14, %get3A_17 : vector<2000x128xf32>
    %max3A_19 = arith.constant 0.000000e+00 : f32
    %max3A_20 = vector.broadcast %max3A_19 : f32 to vector<2000x128xf32>
    %max3A_21 = arith.maximumf %add3A_18, %max3A_20 : vector<2000x128xf32>
    %get3A_22 = arith.constant 0 : index
    %get3A_23 = arith.constant 0 : index
    %get3A_24 = vector.load %arg6[%get3A_22, %get3A_23] : memref<128x64xf32, #tpu.memory_space<vmem>>, vector<128x64xf32>
    %dot_general3A = arith.constant dense<0.000000e+00> : vector<2000x64xf32>
    %dot_general3A_25 = tpu.matmul %max3A_21, %get3A_24, %dot_general3A {dimension_numbers = #tpu.dot_dimension_numbers<[1], [0], [0], [1], [0, 0, 1, 1], [], []>, transpose_lhs_hint = false} : vector<2000x128xf32>, vector<128x64xf32>, vector<2000x64xf32> -> vector<2000x64xf32>
    %get3A_26 = arith.constant 0 : index
    %get3A_27 = arith.constant 0 : index
    %get3A_28 = vector.load %arg7[%get3A_26, %get3A_27] : memref<1x64xf32, #tpu.memory_space<vmem>>, vector<1x64xf32>
    %add3A_29 = vector.broadcast %get3A_28 : vector<1x64xf32> to vector<2000x64xf32>
    %add3A_30 = arith.addf %dot_general3A_25, %add3A_29 : vector<2000x64xf32>
    %max3A_31 = arith.constant 0.000000e+00 : f32
    %max3A_32 = vector.broadcast %max3A_31 : f32 to vector<2000x64xf32>
    %max3A_33 = arith.maximumf %add3A_30, %max3A_32 : vector<2000x64xf32>
    %get3A_34 = arith.constant 0 : index
    %get3A_35 = arith.constant 0 : index
    %get3A_36 = vector.load %arg8[%get3A_34, %get3A_35] : memref<64x4xf32, #tpu.memory_space<vmem>>, vector<64x4xf32>
    %dot_general3A_37 = arith.constant dense<0.000000e+00> : vector<2000x4xf32>
    %dot_general3A_38 = tpu.matmul %max3A_33, %get3A_36, %dot_general3A_37 {dimension_numbers = #tpu.dot_dimension_numbers<[1], [0], [0], [1], [0, 0, 1, 1], [], []>, transpose_lhs_hint = false} : vector<2000x64xf32>, vector<64x4xf32>, vector<2000x4xf32> -> vector<2000x4xf32>
    %get3A_39 = arith.constant 0 : index
    %get3A_40 = arith.constant 0 : index
    %get3A_41 = vector.load %arg9[%get3A_39, %get3A_40] : memref<1x4xf32, #tpu.memory_space<vmem>>, vector<1x4xf32>
    %add3A_42 = vector.broadcast %get3A_41 : vector<1x4xf32> to vector<2000x4xf32>
    %add3A_43 = arith.addf %dot_general3A_38, %add3A_42 : vector<2000x4xf32>
    %swap3A = arith.constant 0 : index
    %swap3A_44 = arith.constant 0 : index
    %swap3A_45 = vector.load %arg10[%swap3A, %swap3A_44] : memref<2000x4xf32, #tpu.memory_space<vmem>>, vector<2000x4xf32>
    tpu.vector_store %arg10[%swap3A, %swap3A_44], %add3A_43 {strides = array<i32>} : memref<2000x4xf32, #tpu.memory_space<vmem>>, vector<2000x4xf32>,
    return
  }
  func.func @transform_0(%arg0: i32) -> (i32, i32) {
    %c0_i32 = arith.constant 0 : i32
    %c0_i32_0 = arith.constant 0 : i32
    return %arg0, %c0_i32 : i32, i32
  }
  func.func @transform_1(%arg0: i32) -> (i32, i32) {
    %c0_i32 = arith.constant 0 : i32
    %c0_i32_0 = arith.constant 0 : i32
    return %arg0, %c0_i32 : i32, i32
  }
  func.func @transform_2(%arg0: i32) -> (i32, i32) {
    %c0_i32 = arith.constant 0 : i32
    %c0_i32_0 = arith.constant 0 : i32
    return %arg0, %c0_i32 : i32, i32
  }
  func.func @transform_3(%arg0: i32) -> (i32, i32) {
    %c0_i32 = arith.constant 0 : i32
    %c0_i32_0 = arith.constant 0 : i32
    return %arg0, %c0_i32 : i32, i32
  }
  func.func @transform_4(%arg0: i32) -> (i32, i32) {
    %c0_i32 = arith.constant 0 : i32
    %c0_i32_0 = arith.constant 0 : i32
    return %arg0, %c0_i32 : i32, i32
  }
  func.func @transform_5(%arg0: i32) -> (i32, i32) {
    %c0_i32 = arith.constant 0 : i32
    %c0_i32_0 = arith.constant 0 : i32
    %c0_i32_1 = arith.constant 0 : i32
    return %c0_i32, %c0_i32_0 : i32, i32
  }
  func.func @transform_6(%arg0: i32) -> (i32, i32) {
    %c0_i32 = arith.constant 0 : i32
    %c0_i32_0 = arith.constant 0 : i32
    %c0_i32_1 = arith.constant 0 : i32
    return %c0_i32, %c0_i32_0 : i32, i32
  }
  func.func @transform_7(%arg0: i32) -> (i32, i32) {
    %c0_i32 = arith.constant 0 : i32
    %c0_i32_0 = arith.constant 0 : i32
    %c0_i32_1 = arith.constant 0 : i32
    return %c0_i32, %c0_i32_0 : i32, i32
  }
  func.func @transform_8(%arg0: i32) -> (i32, i32) {
    %c0_i32 = arith.constant 0 : i32
    %c0_i32_0 = arith.constant 0 : i32
    %c0_i32_1 = arith.constant 0 : i32
    return %c0_i32, %c0_i32_0 : i32, i32
  }
  func.func @transform_9(%arg0: i32) -> (i32, i32) {
    %c0_i32 = arith.constant 0 : i32
    %c0_i32_0 = arith.constant 0 : i32
    return %arg0, %c0_i32 : i32, i32
  }
}

</mosaic_0001>

<sc_bundles>
// kernel: kernel.12.cloned.1.call-start
scs
__scs_entry_jumppad:
0x0: {  	(pc) =	sbr.rel $0x88, $3  }
0x1: {  	(tag) =	ssettag $0x0;
	lr =	simm.s32 $0x1  }
0x2: {  	[smem:$0x3F92] =	sst lr;
	_ =	strace $0xD0000000  }
0x3: {  	_ = 	snop  }
0x4: {  	_ = 	snop  }
0x5: {  	_ = 	snop  }
0x6: {  	_ = 	snop  }
0x7: {  	_ = 	snop  }
__scs_overlays_trampoline_lowered:
0x8: {  	[smem:$0x3FA1] =	sst s0  }
0x9: {  	[smem:$0x3FA2] =	sst s1  }
0xa: {  	[smem:$0x3FA3] =	sst s2  }
0xb: {  	[smem:$0x3FA4] =	sst s3  }
0xc: {  	[smem:$0x3FA5] =	sst s4  }
0xd: {  	[smem:$0x3FA6] =	sst s5  }
0xe: {  	[smem:$0x3FA7] =	sst s6  }
0xf: {  	[smem:$0x3FA8] =	sst s7  }
0x10: {  	[smem:$0x3FA9] =	sst s8  }
0x11: {  	[smem:$0x3FAA] =	sst s9;
	s0 =	simm.s32 @!p0 $0x0  }
0x12: {  	s1 =	sld [smem:$0x3F90];
	s0 =	simm.s32 @p0 $0x1  }
0x13: {  	[smem:$0x3FAB] =	sst s0;
	s0 =	simm.s32 @!p1 $0x0  }
0x14: {  	s2 =	sld [smem:$0x3F8F];
	s0 =	simm.s32 @p1 $0x1  }
0x15: {  	[smem:$0x3FAC] =	sst s0;
	s0 =	simm.s32 @!p2 $0x0  }
0x16: {  	s3 =	sld [smem:$0x3FDB];
	s0 =	simm.s32 @p2 $0x1  }
0x17: {  	s4 =	simm.s32 $0x1BF5;
	[smem:$0x3FAE] =	sst s0  }
0x18: {  	s0 =	sld [smem:$0x3F91];
	_ =	swait.ge [sflag:s4], $0x0  }
0x19: {  	s7 =	sld [smem:$0x3F92]  }
0x1a: {  	s8 =	sadd.s32 $0xFFFFE003, lr  }
0x1b: {  	s9 =	sadd.s32 $0xFFFFFEF7, lr;
	s5 =	simm.s32 $0xFFFFFFFF;
	p2 =	slt.u32 s8, $0xFFFFF086  }
0x1c: {  	p1 =	slt.u32 s9, $0xF7A;
	s5 =	simm.s32 @!p2 $0x0  }
0x1d: {  	s5 =	simm.s32 @p1 $0x1;
	p0 =	seq.s32 s7, s2  }
0x1e: {  	s7 =	smul.u32 @!p0 $0xF7A, s2;
	p2 =	seq.s32 @!p0 s5, $0x0  }
0x1f: {  	s9 =	smul.u32 $0xF7A, s1;
	s8 =	simm.s32 @!p0 $0x1BF5;
	p2 =	por !p2, p0  }
0x20: {  	[sflag:s8] =	ssyncset.s32 @!p0 $0xFFFFF086;
	s6 =	sadd.s32 @!p0 s3, s7;
	s7 =	simm.s32 @!p0 $0x108  }
0x21: {  	s3 =	sadd.s32 s3, s9;
	s6 =	sadd.s32 @!p0 $0x88, s6;
	s7 =	simm.s32 @p2 $0x1082  }
0x22: {  	[simem:s7], [sflag:s8] =	dma.local @!p0 [hbm:s6], $0xF7A  }
0x23: {  	s9 =	sor.u32 $0xD0000000, s2;
	s6 =	simm.s32 $0x108;
	_ =	swait.ge @!p0 [sflag:s8], $0x0  }
0x24: {  	s3 =	sadd.s32 $0x88, s3;
	s6 =	simm.s32 @!p1 $0x1082;
	[sflag:s4] =	ssyncset.s32 $0xFFFFF086  }
0x25: {  	[simem:s6], [sflag:s4] =	dma.local [hbm:s3], $0xF7A  }
0x26: {  	[smem:$0x3F92] =	sst s1;
	(tag) =	ssettag s2;
	_ =	strace s9  }
0x27: {  	s1 =	sld [smem:$0x3FA2]  }
0x28: {  	s2 =	sld [smem:$0x3FA3]  }
0x29: {  	s4 =	sld [smem:$0x3FA5]  }
0x2a: {  	p0 =	seq.s32 s5, $0x0;
	s5 =	sld [smem:$0x3FA6]  }
0x2b: {  	s6 =	sld [smem:$0x3FA7]  }
0x2c: {  	s7 =	sld [smem:$0x3FA8]  }
0x2d: {  	s3 =	simm.s32 $0x108;
	s8 =	sld [smem:$0x3FA9]  }
0x2e: {  	s3 =	simm.s32 @!p0 $0x1082;
	s9 =	sld [smem:$0x3FAA]  }
0x2f: {  	lr =	sadd.s32 s0, s3;
	s0 =	sld [smem:$0x3FA1]  }
0x30: {  	s3 =	sld [smem:$0x3FA4]  }
0x31: {  	[smem:$0x3FAD] =	sst s10  }
0x32: {  	s10 =	sld [smem:$0x3FAB];
	_ =	sdelay $0x3  }
0x33: {  	p0 =	seq.s32 s10, $0x1;
	s10 =	sld [smem:$0x3FAD];
	_ =	sdelay $0x3  }
0x34: {  	[smem:$0x3FAD] =	sst s10  }
0x35: {  	s10 =	sld [smem:$0x3FAC];
	_ =	sdelay $0x3  }
0x36: {  	p1 =	seq.s32 s10, $0x1;
	s10 =	sld [smem:$0x3FAD];
	_ =	sdelay $0x3  }
0x37: {  	[smem:$0x3FAD] =	sst s10  }
0x38: {  	s10 =	sld [smem:$0x3FAE]  }
0x39: {  	_ = 	snop;
	(pc) =	sbr.ind lr, $3  }
0x3a: {  	_ = 	snop  }
0x3b: {  	_ = 	snop  }
0x3c: {  	p2 =	seq.s32 s10, $0x1;
	s10 =	sld [smem:$0x3FAD]  }
0x3d: {  	_ =	shalt  }
0x3e: {  	_ =	shalt  }
0x3f: {  	_ =	shalt  }
0x40: {  	_ =	shalt  }
0x41: {  	_ =	shalt  }
0x42: {  	_ =	shalt  }
0x43: {  	_ =	shalt  }
0x44: {  	_ =	shalt  }
0x45: {  	_ =	shalt  }
0x46: {  	_ =	shalt  }
0x47: {  	_ =	shalt  }
0x48: {  	_ =	shalt  }
0x49: {  	_ =	shalt  }
0x4a: {  	_ =	shalt  }
0x4b: {  	_ =	shalt  }
0x4c: {  	_ =	shalt  }
0x4d: {  	_ =	shalt  }
0x4e: {  	_ =	shalt  }
0x4f: {  	_ =	shalt  }
0x50: {  	_ =	shalt  }
0x51: {  	_ =	shalt  }
0x52: {  	_ =	shalt  }
0x53: {  	_ =	shalt  }
0x54: {  	_ =	shalt  }
0x55: {  	_ =	shalt  }
0x56: {  	_ =	shalt  }
0x57: {  	_ =	shalt  }
0x58: {  	_ =	shalt  }
0x59: {  	_ =	shalt  }
0x5a: {  	_ =	shalt  }
0x5b: {  	_ =	shalt  }
0x5c: {  	_ =	shalt  }
0x5d: {  	_ =	shalt  }
0x5e: {  	_ =	shalt  }
0x5f: {  	_ =	shalt  }
0x60: {  	_ =	shalt  }
0x61: {  	_ =	shalt  }
0x62: {  	_ =	shalt  }
0x63: {  	_ =	shalt  }
0x64: {  	_ =	shalt  }
0x65: {  	_ =	shalt  }
0x66: {  	_ =	shalt  }
0x67: {  	_ =	shalt  }
0x68: {  	_ =	shalt  }
0x69: {  	_ =	shalt  }
0x6a: {  	_ =	shalt  }
0x6b: {  	_ =	shalt  }
0x6c: {  	_ =	shalt  }
0x6d: {  	_ =	shalt  }
0x6e: {  	_ =	shalt  }
0x6f: {  	_ =	shalt  }
0x70: {  	_ =	shalt  }
0x71: {  	_ =	shalt  }
0x72: {  	_ =	shalt  }
0x73: {  	_ =	shalt  }
0x74: {  	_ =	shalt  }
0x75: {  	_ =	shalt  }
0x76: {  	_ =	shalt  }
0x77: {  	_ =	shalt  }
0x78: {  	_ =	shalt  }
0x79: {  	_ =	shalt  }
0x7a: {  	_ =	shalt  }
0x7b: {  	_ =	shalt  }
0x7c: {  	_ =	shalt  }
0x7d: {  	_ =	shalt  }
0x7e: {  	_ =	shalt  }
0x7f: {  	_ =	shalt  }
0x80: {  	_ =	shalt  }
0x81: {  	_ =	shalt  }
0x82: {  	_ =	shalt  }
0x83: {  	_ =	shalt  }
0x84: {  	_ =	shalt  }
0x85: {  	_ =	shalt  }
0x86: {  	_ =	shalt  }
0x87: {  	_ =	shalt  }
.Lfunc_end0:
.L_simem_size_0:
called_computation.1_lowered:
.L_overlay_start_0:
0x88: {  	s2 =	sld [smem:$0x3FD9]  }
0x89: {  	s3 =	sld [smem:$0x3FFE];
	_ =	sdelay $0x1  }
0x8a: {  	s1 =	srdreg.scid  }
0x8b: {  	s0 =	sand.u32 $0x1, s1  }
0x8c: {  	s16 =	sshll.u32 s0, $0xA;
	s2 =	sadd.s32 s3, s2  }
0x8d: {  	s2 =	sadd.s32 s2, s16  }
0x8e: {  	[smem:$0x3FB9] =	sst s2  }
0x8f: {  	_ = 	snop  }
0x90: {  	(tm) =	ssettm $0x1  }
0x91: {  	s17 =	sld [smem:$0x3FFB];
	_ =	sdelay $0x3  }
0x92: {  	_ =	strace s17  }
0x93: {  	s2 =	sld [smem:$0x3FFC];
	_ =	sdelay $0x3  }
0x94: {  	_ =	strace s2  }
0x95: {  	s2 =	sld [smem:$0x3FFD];
	_ =	sdelay $0x3  }
0x96: {  	_ =	strace s2  }
0x97: {  	_ =	strace $0x8FFFFFFF  }
0x98: {  	s18 =	sld [smem:$0x3FDB];
	_ =	sdelay $0x1  }
0x99: {  	s19 =	simm.s32 $_scs_section_size  }
0x9a: {  	s4 =	simm.s32 $_size__tile_overlayer_lowered;
	s5 =	simm.s32 $_tile_overlayer_lowered  }
0x9b: {  	s22 =	simm.s32 $0x1BFF;
	s21 =	sshll.u32 s5, $0x1;
	s2 =	sadd.s32 s19, s18  }
0x9c: {  	s6 =	simm.s32 $0x0;
	s20 =	sshll.u32 s4, $0x1;
	s4 =	sadd.s32 s21, s2  }
0x9d: {  	[timem:s6], [sflag:s22] =	dma.local [hbm:s4], s20  }
0x9e: {  	_ =	swait.ge [sflag:s22], s20  }
0x9f: {  	s3 =	ssub.s32 $0x0, s20;
	[sflag:s22] =	ssyncset.done $0x0  }
0xa0: {  	[sflag:s22] =	ssyncadd.s32 s3;
	_ =	sdelay $0x1  }
0xa1: {  	s23 =	simm.s32 $0x1B8B  }
0xa2: {  	_ =	swait.ge [sflag:s23], $0x1  }
0xa3: {  	[sflag:s23] =	ssyncset.done $0x0  }
0xa4: {  	s25 =	simm.s32 $0x1B8E;
	s24 =	sld [smem:$0x3FFE];
	[sflag:s23] =	ssyncadd.s32 $0xFFFFFFFF  }
0xa5: {  	s26 =	simm.s32 $execute0_lowered;
	[smem:$0x3FD2] =	sst s25  }
0xa6: {  	s4 =	sshll.u32 s26, $0x1;
	_ =	strace $0x80000049;
	[dreg:$0x1] =	wrdreg $0xFFFFFFFF  }
0xa7: {  	s28 =	simm.s32 $_size_execute0_lowered;
	s2 =	sadd.s32 s2, s4;
	[dreg:$0x0] =	wrdreg $0x0  }
0xa8: {  	s4 =	sshll.u32 s28, $0x1;
	[dreg:$0x2] =	wrdreg s2  }
0xa9: {  	[dreg:$0x3] =	wrdreg s4  }
0xaa: {  	[dreg:$0x4] =	wrdreg $0xC0  }
0xab: {  	_ =	task [dreg:s6], $0x5FFFF  }
0xac: {  	[dreg:$0x1] =	wrdreg $0xFFFFFFFF  }
0xad: {  	[dreg:$0x0] =	wrdreg $0x60  }
0xae: {  	[dreg:$0x2] =	wrdreg s24  }
0xaf: {  	[dreg:$0x3] =	wrdreg $0x82000  }
0xb0: {  	[dreg:$0x4] =	wrdreg $0x9  }
0xb1: {  	_ =	task.clear_ibuf [dreg:s6], $0x5FFFF;
	_ =	strace $0x90000049  }
0xb2: {  	s29 =	simm.s32 $0x9;
	_ =	strace $0x8000004B  }
0xb3: {  	_ =	swait.ge [sflag:s29], $0x1  }
0xb4: {  	[sflag:s29] =	ssyncadd.s32 $0xFFFFFFFF  }
0xb5: {  	_ =	strace $0x9000004B  }
0xb6: {  	_ =	sfence  }
0xb7: {  	s30 =	sld [smem:$0x0];
	_ =	sdelay $0x2  }
0xb8: {  	s31 =	sshll.u32 s1, $0xD;
	s1 =	sshrl.u32 s1, $0x2  }
0xb9: {  	s3 =	sand.u32 $0x4000, s31;
	s1 =	sadd.s32 s1, s30  }
0xba: {  	s0 =	sor.u32 s3, s0;
	s1 =	sshll.u32 s1, $0x11  }
0xbb: {  	s0 =	sor.u32 s1, s0  }
0xbc: {  	s0 =	sadd.s32 $0x8F2B, s0  }
0xbd: {  	[sflag:s0] =	ssyncadd.remote.s32 $0x1  }
0xbe: {  	_ =	sfence.sel $0xFFFF  }
0xbf: {  	[dreg:$0x0] =	wrdreg $0xFFFFFFFF;
	(pc) =	sbr.abs _section_cstart, $3  }
0xc0: {  	[dreg:$0x1] =	wrdreg $0xFFFFFFFF  }
0xc1: {  	_ =	task.clear_ibuf [dreg:s6], $0x2FFFF;
	_ =	strace $0x9FFFFFFF  }
0xc2: {  	(tm) =	ssettm $0x7FFFFFFF  }
0xc3: {  	_ =	shalt  }
tec
execute0_lowered:
.L_overlay_start_1:
0x0: {  	(tag) =	ssettag $0x1  }
0x1: {  	s0 =	rddreg [dreg:$0x0]  }
0x2: {  	s2 =	rddreg [dreg:$0x1]  }
0x3: {  	s3 =	simm.s32 $0x0;
	s14 =	stileid.u32;
	s1 =	srdreg.scid  }
0x4: {  	s28 =	simm.s32 $0x4200;
	s29 =	simm.s32 $0x1;
	s30 =	simm.s32 $0x3  }
0x5: {  	s31 =	simm.s32 $0x2;
	[smem:$0x7FF] =	sst s3;
	s5 =	smul.u32 $0x13C00, s14  }
0x6: {  	s1 =	sand.u32 $0x1, s1;
	s4 =	sadd.s32 $0x3FA00, s0;
	s22 =	smul.u32 $0xA0, s14  }
0x7: {  	s7 =	sadd.s32 $0x4800, s0;
	s11 =	sadd.s32 $0xE800, s0;
	s12 =	smul.u32 $0x4F000, s14  }
0x8: {  	s26 =	sshll.u32 s14, $0x6;
	_ =	strace $0x8000004A;
	s6 =	smul.u32 $0x13C000, s1  }
0x9: {  	s9 =	ssub.s32 $0x2, s1;
	s10 =	smul.u32 $0x7C, s1;
	p0 =	seq.s32 s1, $0x0  }
0xa: {  	s8 =	sshrl.u32 s5, $0x3;
	s23 =	sshrl.u32 s9, $0x1;
	s25 =	sshrl.u32 s12, $0x2  }
0xb: {  	s8 =	sadd.s32 s8, s0;
	s5 =	sadd.s32 s5, s6;
	s13 =	ssub.s32 s9, s23  }
0xc: {  	s24 =	sadd.s32 s10, s22;
	s6 =	sadd.s32 s25, s2;
	s5 =	sshrl.u32 s5, $0x3  }
0xd: {  	[dreg:$0x4] =	wrdreg s6;
	s1 =	sshll.u32 s24, $0x4;
	s8 =	sadd.s32 $0x66C00, s8  }
0xe: {  	s23 =	smax.u32 s13, $0x1;
	s0 =	sadd.s32 s5, s0;
	s5 =	simm.s32 $0x7C  }
0xf: {  	[dreg:$0x5] =	wrdreg s8;
	s8 =	sor.u32 $0x1C03, s26;
	s9 =	sor.u32 $0x10, s1  }
0x10: {  	s12 =	sadd.s32 s7, s1;
	s14 =	sadd.s32 s11, s1;
	[dreg:$0x9] =	wrdreg s23  }
0x11: {  	s24 =	sadd.s32 $0x40, s1;
	s1 =	sor.u32 $0x20, s1;
	s23 =	simm.s32 $0x100  }
0x12: {  	s5 =	simm.s32 @!p0 $0x24;
	s21 =	sadd.s32 s7, s9;
	s6 =	sadd.s32 s11, s9  }
0x13: {  	s0 =	sadd.s32 $0x104E00, s0;
	s25 =	sadd.s32 s24, s11;
	[dreg:$0x6] =	wrdreg s21  }
0x14: {  	s20 =	sadd.s32 s1, s11;
	s10 =	smov.u32 s12;
	[dreg:$0x7] =	wrdreg s6  }
0x15: {  	s16 =	smov.u32 s14;
	[dreg:$0x8] =	wrdreg s0;
	s22 =	sshll.u32 s5, $0x4  }
0x16: {  	s0 =	sadd.s32 s24, s7;
	s26 =	sadd.s32 $0xFFFFFFF0, s25;
	s7 =	sadd.s32 s1, s7  }
0x17: {  	s18 =	sadd.s32 $0xFFFFFFE0, s25;
	s21 =	sadd.s32 $0x30, s12;
	s24 =	simm.s32 $0x80  }
0x18: {  	s25 =	simm.s32 $0x200;
	s15 =	sadd.s32 $0xFFFFFFE0, s22;
	[dreg:$0xa] =	wrdreg s26  }
0x19: {  	s17 =	sadd.s32 $0xFFFFFFF0, s0;
	s19 =	sadd.s32 $0xFFFFFFE0, s0;
	[dreg:$0x3] =	wrdreg s7  }
0x1a: {  	s22 =	sadd.s32 $0x30, s14;
	s26 =	simm.s32 $0x180;
	s0 =	simm.s32 $0x0  }
.LBB2_1:
0x1b: {  	s1 =	rddreg [dreg:$0x4]  }
0x1c: {  	s6 =	rddreg [dreg:$0x5];
	s1 =	sshrl.u32 s1, $0x3  }
0x1d: {  	[spmem:s1], [sflag:s8] =	dma.local [hbm:s6], $0x2780  }
0x1e: {  	_ =	swait.ge [sflag:s30], $0x2780  }
0x1f: {  	[sflag:s30] =	ssyncset.done $0x0  }
0x20: {  	[sflag:s30] =	ssyncadd.s32 $0xFFFFD880  }
0x21: {  	[bflag:$0x0] =	sbarrier.arrive $0xFFFF  }
0x22: {  	[tilespmem:s3], [sflag:$0x3] =	stream.linear.gather [hbm4b:s10+s3], $0x80, $0x38;
	[tilespmem:$0x1BE00] =	vst v63  }
0x23: {  	_ =	swait.ge [sflag:s30], $0x80  }
0x24: {  	[sflag:s30] =	ssyncset.done $0x0  }
0x25: {  	[sflag:s30] =	ssyncadd.s32 $0xFFFFFF80  }
0x26: {  	[tilespmem:s23], [sflag:$0x3] =	stream.linear.gather [hbm4b:s16+s3], $0x80, $0x38;
	[tilespmem:$0x1BE00] =	vst v63  }
0x27: {  	_ =	swait.ge [sflag:s30], $0x80  }
0x28: {  	[sflag:s30] =	ssyncset.done $0x0  }
0x29: {  	[sflag:s30] =	ssyncadd.s32 $0xFFFFFF80  }
0x2a: {  	[tilespmem:s25], [sflag:$0x1] =	stream.indirect.gather [hbm4b:s4+s24], $0x80, s3, s24, $0xb8;
	[tilespmem:$0x1BE00] =	vst v63  }
0x2b: {  	s13 =	rddreg [dreg:$0x6]  }
0x2c: {  	[tilespmem:s24], [sflag:$0x3] =	stream.linear.gather [hbm4b:s13+s3], $0x80, $0x38;
	[tilespmem:$0x1BE00] =	vst v63  }
0x2d: {  	_ =	swait.ge [sflag:s30], $0x80  }
0x2e: {  	[sflag:s30] =	ssyncset.done $0x0  }
0x2f: {  	s14 =	rddreg [dreg:$0x7];
	[sflag:s30] =	ssyncadd.s32 $0xFFFFFF80  }
0x30: {  	[tilespmem:s26], [sflag:$0x3] =	stream.linear.gather [hbm4b:s14+s3], $0x80, $0x38;
	[tilespmem:$0x1BE00] =	vst v63  }
0x31: {  	_ =	swait.ge [sflag:s30], $0x80  }
0x32: {  	[sflag:s30] =	ssyncset.done $0x0  }
0x33: {  	[sflag:s30] =	ssyncadd.s32 $0xFFFFFF80  }
0x34: {  	[tilespmem:s28], [sflag:$0x2] =	stream.indirect.gather [hbm4b:s4+s24], $0x80, s24, s24, $0xb8;
	[tilespmem:$0x1BE00] =	vst v63  }
0x35: {  	_ =	swait.ge [sflag:s29], $0x4000  }
0x36: {  	[sflag:s29] =	ssyncset.done $0x0  }
0x37: {  	[sflag:s29] =	ssyncadd.s32 $0xFFFFC000  }
0x38: {  	[spmem:s2] =	stream.indirect.scatter.add.f32 [tilespmem:s25], [sflag:$0x3], $0x80, s23, s24, $0xb8;
	[tilespmem:$0x1BE00] =	vst v63  }
0x39: {  	p0 =	sle.u32 s5, $0x2;
	_ =	swait.ge [sflag:s30], $0x4000  }
0x3a: {  	s7 =	simm.s32 @!p0 $0x0;
	s6 =	rddreg [dreg:$0x3];
	[sflag:s30] =	ssyncset.done $0x0  }
0x3b: {  	s11 =	simm.s32 @!p0 $0x3;
	[sflag:s30] =	ssyncadd.s32 $0xFFFFC000;
	s6 =	sadd.s32 @!p0 $0x0, s6  }
0x3c: {  	[tilespmem:s7], [sflag:$0x3] =	stream.linear.gather @!p0 [hbm4b:s6+s7], $0x80, $0x38;
	[tilespmem:$0x1BE00] =	vst v63  }
0x3d: {  	_ =	swait.ge @!p0 [sflag:s11], $0x80  }
0x3e: {  	[sflag:s11] =	ssyncset.done @!p0 $0x0  }
0x3f: {  	s12 =	simm.s32 @!p0 $0x100;
	s6 =	sadd.s32 @!p0 $0x0, s20;
	[sflag:s11] =	ssyncadd.s32 @!p0 $0xFFFFFF80  }
0x40: {  	[tilespmem:s12], [sflag:$0x3] =	stream.linear.gather @!p0 [hbm4b:s6+s7], $0x80, $0x38;
	[tilespmem:$0x1BE00] =	vst v63  }
0x41: {  	_ =	swait.ge @!p0 [sflag:s11], $0x80  }
0x42: {  	[sflag:s11] =	ssyncset.done @!p0 $0x0  }
0x43: {  	s6 =	simm.s32 @!p0 $0x80;
	s12 =	simm.s32 @!p0 $0x200;
	[sflag:s11] =	ssyncadd.s32 @!p0 $0xFFFFFF80  }
0x44: {  	[tilespmem:s12], [sflag:$0x1] =	stream.indirect.gather @!p0 [hbm4b:s4+s6], $0x80, s7, s6, $0xb8;
	[tilespmem:$0x1BE00] =	vst v63  }
0x45: {  	_ =	swait.ge [sflag:s31], $0x4000  }
0x46: {  	[sflag:s31] =	ssyncset.done $0x0  }
0x47: {  	[sflag:s31] =	ssyncadd.s32 $0xFFFFC000  }
0x48: {  	[spmem:s2] =	stream.indirect.scatter.add.f32 [tilespmem:s28], [sflag:$0x3], $0x80, s26, s24, $0xb8;
	[tilespmem:$0x1BE00] =	vst v63  }
0x49: {  	p1 =	sle.u32 s5, $0x3;
	_ =	swait.ge [sflag:s30], $0x4000  }
0x4a: {  	s13 =	simm.s32 @!p1 $0x3;
	s6 =	sadd.s32 @!p1 $0x0, s21;
	[sflag:s30] =	ssyncset.done $0x0  }
0x4b: {  	s12 =	simm.s32 @!p1 $0x80;
	s7 =	simm.s32 @!p1 $0x0;
	[sflag:s30] =	ssyncadd.s32 $0xFFFFC000  }
0x4c: {  	[tilespmem:s12], [sflag:$0x3] =	stream.linear.gather @!p1 [hbm4b:s6+s7], $0x80, $0x38;
	[tilespmem:$0x1BE00] =	vst v63  }
0x4d: {  	p0 =	sne.s32 s15, $0x20;
	_ =	swait.ge @!p1 [sflag:s13], $0x80  }
.Ltmp0:
0x4e: {  	[sflag:s13] =	ssyncset.done @!p1 $0x0;
	(pc) =	sbr.rel @!p0 .LBB2_3-.Ltmp0, $4  }
0x4f: {  	s11 =	sadd.s32 @!p1 $0x0, s22;
	s6 =	simm.s32 @!p1 $0x180;
	[sflag:s13] =	ssyncadd.s32 @!p1 $0xFFFFFF80  }
0x50: {  	[tilespmem:s6], [sflag:$0x3] =	stream.linear.gather @!p1 [hbm4b:s11+s7], $0x80, $0x38;
	[tilespmem:$0x1BE00] =	vst v63  }
0x51: {  	s14 =	simm.s32 @!p1 $0x4200;
	_ =	swait.ge @!p1 [sflag:s13], $0x80  }
0x52: {  	s6 =	simm.s32 $0x20;
	s7 =	simm.s32 $0x3;
	[sflag:s13] =	ssyncset.done @!p1 $0x0  }
.LBB2_2:
0x53: {  	[sflag:s13] =	ssyncadd.s32 @!p1 $0xFFFFFF80  }
0x54: {  	[tilespmem:s14], [sflag:$0x2] =	stream.indirect.gather @!p1 [hbm4b:s4+s12], $0x80, s12, s12, $0xb8;
	[tilespmem:$0x1BE00] =	vst v63  }
0x55: {  	_ =	swait.ge [sflag:s29], $0x4000  }
0x56: {  	s7 =	sadd.s32 $0x2, s7;
	[sflag:s29] =	ssyncset.done $0x0  }
0x57: {  	s14 =	sadd.s32 $0xFFFFFFFF, s7;
	[sflag:s29] =	ssyncadd.s32 $0xFFFFC000  }
0x58: {  	[spmem:s2] =	stream.indirect.scatter.add.f32 [tilespmem:s25], [sflag:$0x3], $0x80, s23, s24, $0xb8;
	[tilespmem:$0x1BE00] =	vst v63  }
0x59: {  	s11 =	smov.u32 s6;
	p1 =	sge.u32 s14, s5;
	_ =	swait.ge [sflag:s30], $0x4000  }
0x5a: {  	s12 =	simm.s32 @!p1 $0x0;
	s13 =	rddreg [dreg:$0x3];
	[sflag:s30] =	ssyncset.done $0x0  }
0x5b: {  	s14 =	simm.s32 @!p1 $0x3;
	[sflag:s30] =	ssyncadd.s32 $0xFFFFC000;
	s13 =	sadd.s32 @!p1 s11, s13  }
0x5c: {  	[tilespmem:s12], [sflag:$0x3] =	stream.linear.gather @!p1 [hbm4b:s13+s12], $0x80, $0x38;
	[tilespmem:$0x1BE00] =	vst v63  }
0x5d: {  	_ =	swait.ge @!p1 [sflag:s14], $0x80  }
0x5e: {  	[sflag:s14] =	ssyncset.done @!p1 $0x0  }
0x5f: {  	s9 =	simm.s32 @!p1 $0x100;
	s13 =	sadd.s32 @!p1 s11, s20;
	[sflag:s14] =	ssyncadd.s32 @!p1 $0xFFFFFF80  }
0x60: {  	[tilespmem:s9], [sflag:$0x3] =	stream.linear.gather @!p1 [hbm4b:s13+s12], $0x80, $0x38;
	[tilespmem:$0x1BE00] =	vst v63  }
0x61: {  	_ =	swait.ge @!p1 [sflag:s14], $0x80  }
0x62: {  	[sflag:s14] =	ssyncset.done @!p1 $0x0  }
0x63: {  	s9 =	simm.s32 @!p1 $0x80;
	s13 =	simm.s32 @!p1 $0x200;
	[sflag:s14] =	ssyncadd.s32 @!p1 $0xFFFFFF80  }
0x64: {  	[tilespmem:s13], [sflag:$0x1] =	stream.indirect.gather @!p1 [hbm4b:s4+s9], $0x80, s12, s9, $0xb8;
	[tilespmem:$0x1BE00] =	vst v63  }
0x65: {  	_ =	swait.ge [sflag:s31], $0x4000  }
0x66: {  	[sflag:s31] =	ssyncset.done $0x0  }
0x67: {  	[sflag:s31] =	ssyncadd.s32 $0xFFFFC000  }
0x68: {  	[spmem:s2] =	stream.indirect.scatter.add.f32 [tilespmem:s28], [sflag:$0x3], $0x80, s26, s24, $0xb8;
	[tilespmem:$0x1BE00] =	vst v63  }
0x69: {  	s6 =	sadd.s32 $0x20, s6;
	p1 =	sge.u32 s7, s5;
	_ =	swait.ge [sflag:s30], $0x4000  }
0x6a: {  	s9 =	sadd.s32 @!p1 s11, s21;
	s12 =	simm.s32 @!p1 $0x80;
	[sflag:s30] =	ssyncset.done $0x0  }
0x6b: {  	s14 =	simm.s32 @!p1 $0x0;
	s13 =	simm.s32 @!p1 $0x3;
	[sflag:s30] =	ssyncadd.s32 $0xFFFFC000  }
0x6c: {  	[tilespmem:s12], [sflag:$0x3] =	stream.linear.gather @!p1 [hbm4b:s9+s14], $0x80, $0x38;
	[tilespmem:$0x1BE00] =	vst v63  }
0x6d: {  	p0 =	sne.s32 s15, s6;
	_ =	swait.ge @!p1 [sflag:s13], $0x80  }
.Ltmp1:
0x6e: {  	[sflag:s13] =	ssyncset.done @!p1 $0x0;
	(pc) =	sbr.rel @p0 .LBB2_2-.Ltmp1, $4  }
0x6f: {  	s11 =	sadd.s32 @!p1 s11, s22;
	s9 =	simm.s32 @!p1 $0x180;
	[sflag:s13] =	ssyncadd.s32 @!p1 $0xFFFFFF80  }
0x70: {  	[tilespmem:s9], [sflag:$0x3] =	stream.linear.gather @!p1 [hbm4b:s11+s14], $0x80, $0x38;
	[tilespmem:$0x1BE00] =	vst v63  }
0x71: {  	_ =	swait.ge @!p1 [sflag:s13], $0x80  }
0x72: {  	s14 =	simm.s32 @!p1 $0x4200;
	[sflag:s13] =	ssyncset.done @!p1 $0x0  }
.LBB2_3:
0x73: {  	[sflag:s13] =	ssyncadd.s32 @!p1 $0xFFFFFF80  }
0x74: {  	[tilespmem:s14], [sflag:$0x2] =	stream.indirect.gather @!p1 [hbm4b:s4+s12], $0x80, s12, s12, $0xb8;
	[tilespmem:$0x1BE00] =	vst v63  }
0x75: {  	_ =	swait.ge [sflag:s29], $0x4000  }
0x76: {  	[sflag:s29] =	ssyncset.done $0x0  }
0x77: {  	s7 =	sadd.s32 $0x2, s7;
	[sflag:s29] =	ssyncadd.s32 $0xFFFFC000  }
0x78: {  	[spmem:s2] =	stream.indirect.scatter.add.f32 [tilespmem:s25], [sflag:$0x3], $0x80, s23, s24, $0xb8;
	[tilespmem:$0x1BE00] =	vst v63  }
0x79: {  	s9 =	sadd.s32 $0xFFFFFFFF, s7;
	_ =	swait.ge [sflag:s30], $0x4000  }
0x7a: {  	p0 =	sge.u32 s9, s5;
	[sflag:s30] =	ssyncset.done $0x0  }
0x7b: {  	s9 =	sadd.s32 @!p0 s6, s19;
	s11 =	simm.s32 @!p0 $0x0;
	[sflag:s30] =	ssyncadd.s32 $0xFFFFC000  }
0x7c: {  	[tilespmem:s11], [sflag:$0x3] =	stream.linear.gather @!p0 [hbm4b:s9+s11], $0x80, $0x38;
	[tilespmem:$0x1BE00] =	vst v63  }
0x7d: {  	s9 =	simm.s32 @!p0 $0x3  }
0x7e: {  	_ =	swait.ge @!p0 [sflag:s9], $0x80  }
0x7f: {  	[sflag:s9] =	ssyncset.done @!p0 $0x0  }
0x80: {  	s12 =	sadd.s32 @!p0 s6, s18;
	s13 =	simm.s32 @!p0 $0x100;
	[sflag:s9] =	ssyncadd.s32 @!p0 $0xFFFFFF80  }
0x81: {  	[tilespmem:s13], [sflag:$0x3] =	stream.linear.gather @!p0 [hbm4b:s12+s11], $0x80, $0x38;
	[tilespmem:$0x1BE00] =	vst v63  }
0x82: {  	_ =	swait.ge @!p0 [sflag:s9], $0x80  }
0x83: {  	[sflag:s9] =	ssyncset.done @!p0 $0x0  }
0x84: {  	s12 =	simm.s32 @!p0 $0x200;
	[sflag:s9] =	ssyncadd.s32 @!p0 $0xFFFFFF80;
	s9 =	simm.s32 @!p0 $0x80  }
0x85: {  	[tilespmem:s12], [sflag:$0x1] =	stream.indirect.gather @!p0 [hbm4b:s4+s9], $0x80, s11, s9, $0xb8;
	[tilespmem:$0x1BE00] =	vst v63  }
0x86: {  	_ =	swait.ge [sflag:s31], $0x4000  }
0x87: {  	[sflag:s31] =	ssyncset.done $0x0  }
0x88: {  	[sflag:s31] =	ssyncadd.s32 $0xFFFFC000  }
0x89: {  	[spmem:s2] =	stream.indirect.scatter.add.f32 [tilespmem:s28], [sflag:$0x3], $0x80, s26, s24, $0xb8;
	[tilespmem:$0x1BE00] =	vst v63  }
0x8a: {  	p0 =	sge.u32 s7, s5;
	_ =	swait.ge [sflag:s30], $0x4000  }
0x8b: {  	s7 =	sadd.s32 @!p0 s6, s17;
	[sflag:s30] =	ssyncset.done $0x0  }
0x8c: {  	s9 =	simm.s32 @!p0 $0x0;
	s11 =	simm.s32 @!p0 $0x80;
	[sflag:s30] =	ssyncadd.s32 $0xFFFFC000  }
0x8d: {  	[tilespmem:s11], [sflag:$0x3] =	stream.linear.gather @!p0 [hbm4b:s7+s9], $0x80, $0x38;
	[tilespmem:$0x1BE00] =	vst v63  }
0x8e: {  	s7 =	simm.s32 @!p0 $0x3  }
0x8f: {  	_ =	swait.ge @!p0 [sflag:s7], $0x80  }
0x90: {  	[sflag:s7] =	ssyncset.done @!p0 $0x0;
	s12 =	rddreg [dreg:$0xa]  }
0x91: {  	[sflag:s7] =	ssyncadd.s32 @!p0 $0xFFFFFF80;
	s6 =	sadd.s32 @!p0 s6, s12;
	s12 =	simm.s32 @!p0 $0x180  }
0x92: {  	[tilespmem:s12], [sflag:$0x3] =	stream.linear.gather @!p0 [hbm4b:s6+s9], $0x80, $0x38;
	[tilespmem:$0x1BE00] =	vst v63  }
0x93: {  	_ =	swait.ge @!p0 [sflag:s7], $0x80  }
0x94: {  	[sflag:s7] =	ssyncset.done @!p0 $0x0  }
0x95: {  	s6 =	simm.s32 @!p0 $0x4200;
	[sflag:s7] =	ssyncadd.s32 @!p0 $0xFFFFFF80  }
0x96: {  	[tilespmem:s6], [sflag:$0x2] =	stream.indirect.gather @!p0 [hbm4b:s4+s11], $0x80, s11, s11, $0xb8;
	[tilespmem:$0x1BE00] =	vst v63  }
0x97: {  	[bflag:$0x0] =	sbarrier.arrive $0xFFFF  }
0x98: {  	s13 =	rddreg [dreg:$0x8]  }
0x99: {  	[hbm:s13], [sflag:s8] =	dma.local [spmem:s1], $0x2780  }
0x9a: {  	_ =	swait.ge [sflag:s30], $0x2780  }
0x9b: {  	s0 =	sadd.s32 $0x1, s0;
	s14 =	rddreg [dreg:$0x9]  }
0x9c: {  	p0 =	sne.s32 s0, s14  }
.Ltmp2:
0x9d: {  	_ = 	snop;
	(pc) =	sbr.rel @p0 .LBB2_1-.Ltmp2, $3  }
0x9e: {  	_ =	sdelay $0x1  }
0x9f: {  	[sflag:s30] =	ssyncset.done $0x0  }
0xa0: {  	[sflag:s30] =	ssyncadd.s32 $0xFFFFD880  }
0xa1: {  	_ =	sfence.sel $0x180000  }
0xa2: {  	[bflag:$0x0] =	sbarrier.arrive $0xFFFF  }
0xa3: {  	_ =	strace $0x9000004A  }
0xa4: {  	s0 =	stileid.u32;
	[bflag:$0x2] =	sbarrier.arrive $0xFFFF  }
0xa5: {  	p0 =	sne.s32 s0, $0x0;
	s0 =	rddreg [dreg:$0x2]  }
0xa6: {  	s0 =	sadd.s32 @!p0 $0x100000, s0  }
0xa7: {  	[sflag:s0] =	ssyncadd.tile.s32 @!p0 $0x1;
	_ =	shalt  }
.Lfunc_end2:
_tile_overlayer_lowered:
.L_overlay_start_2:
0xa8: {  	(tag) =	ssettag $0x2  }
0xa9: {  	s0 =	rddreg [dreg:$0x0];
	s2 =	stileid.u32  }
0xaa: {  	s1 =	rddreg [dreg:$0x1];
	p0 =	sne.s32 s2, $0x0  }
0xab: {  	s3 =	rddreg [dreg:$0x2];
	[bflag:$0x3] =	sbarrier.arrive $0xFFFF;
	s2 =	simm.s32 @!p0 $0x1C03  }
0xac: {  	[timem:s3], [sflag:s2] =	dma.local @!p0 [hbm:s0], s1  }
0xad: {  	s0 =	simm.s32 @!p0 $0x3  }
0xae: {  	_ =	swait.ge @!p0 [sflag:s0], s1  }
0xaf: {  	s1 =	ssub.s32 @!p0 $0x0, s1;
	[sflag:s0] =	ssyncset.done @!p0 $0x0  }
0xb0: {  	[sflag:s0] =	ssyncadd.s32 @!p0 s1  }
0xb1: {  	[bflag:$0x3] =	sbarrier.arrive $0xFFFF  }
0xb2: {  	_ =	shalt  }

// kernel: kernel.15.cloned.1.call-start
scs
__scs_entry_jumppad:
0x0: {  	(pc) =	sbr.rel $0x88, $3  }
0x1: {  	(tag) =	ssettag $0x0;
	lr =	simm.s32 $0x1  }
0x2: {  	[smem:$0x3F92] =	sst lr;
	_ =	strace $0xD0000000  }
0x3: {  	_ = 	snop  }
0x4: {  	_ = 	snop  }
0x5: {  	_ = 	snop  }
0x6: {  	_ = 	snop  }
0x7: {  	_ = 	snop  }
__scs_overlays_trampoline_lowered:
0x8: {  	[smem:$0x3FA1] =	sst s0  }
0x9: {  	[smem:$0x3FA2] =	sst s1  }
0xa: {  	[smem:$0x3FA3] =	sst s2  }
0xb: {  	[smem:$0x3FA4] =	sst s3  }
0xc: {  	[smem:$0x3FA5] =	sst s4  }
0xd: {  	[smem:$0x3FA6] =	sst s5  }
0xe: {  	[smem:$0x3FA7] =	sst s6  }
0xf: {  	[smem:$0x3FA8] =	sst s7  }
0x10: {  	[smem:$0x3FA9] =	sst s8  }
0x11: {  	[smem:$0x3FAA] =	sst s9;
	s0 =	simm.s32 @!p0 $0x0  }
0x12: {  	s1 =	sld [smem:$0x3F90];
	s0 =	simm.s32 @p0 $0x1  }
0x13: {  	[smem:$0x3FAB] =	sst s0;
	s0 =	simm.s32 @!p1 $0x0  }
0x14: {  	s2 =	sld [smem:$0x3F8F];
	s0 =	simm.s32 @p1 $0x1  }
0x15: {  	[smem:$0x3FAC] =	sst s0;
	s0 =	simm.s32 @!p2 $0x0  }
0x16: {  	s3 =	sld [smem:$0x3FDB];
	s0 =	simm.s32 @p2 $0x1  }
0x17: {  	s4 =	simm.s32 $0x1BF5;
	[smem:$0x3FAE] =	sst s0  }
0x18: {  	s0 =	sld [smem:$0x3F91];
	_ =	swait.ge [sflag:s4], $0x0  }
0x19: {  	s7 =	sld [smem:$0x3F92]  }
0x1a: {  	s8 =	sadd.s32 $0xFFFFE003, lr  }
0x1b: {  	s9 =	sadd.s32 $0xFFFFFEF7, lr;
	s5 =	simm.s32 $0xFFFFFFFF;
	p2 =	slt.u32 s8, $0xFFFFF086  }
0x1c: {  	p1 =	slt.u32 s9, $0xF7A;
	s5 =	simm.s32 @!p2 $0x0  }
0x1d: {  	s5 =	simm.s32 @p1 $0x1;
	p0 =	seq.s32 s7, s2  }
0x1e: {  	s7 =	smul.u32 @!p0 $0xF7A, s2;
	p2 =	seq.s32 @!p0 s5, $0x0  }
0x1f: {  	s9 =	smul.u32 $0xF7A, s1;
	s8 =	simm.s32 @!p0 $0x1BF5;
	p2 =	por !p2, p0  }
0x20: {  	[sflag:s8] =	ssyncset.s32 @!p0 $0xFFFFF086;
	s6 =	sadd.s32 @!p0 s3, s7;
	s7 =	simm.s32 @!p0 $0x108  }
0x21: {  	s3 =	sadd.s32 s3, s9;
	s6 =	sadd.s32 @!p0 $0x88, s6;
	s7 =	simm.s32 @p2 $0x1082  }
0x22: {  	[simem:s7], [sflag:s8] =	dma.local @!p0 [hbm:s6], $0xF7A  }
0x23: {  	s9 =	sor.u32 $0xD0000000, s2;
	s6 =	simm.s32 $0x108;
	_ =	swait.ge @!p0 [sflag:s8], $0x0  }
0x24: {  	s3 =	sadd.s32 $0x88, s3;
	s6 =	simm.s32 @!p1 $0x1082;
	[sflag:s4] =	ssyncset.s32 $0xFFFFF086  }
0x25: {  	[simem:s6], [sflag:s4] =	dma.local [hbm:s3], $0xF7A  }
0x26: {  	[smem:$0x3F92] =	sst s1;
	(tag) =	ssettag s2;
	_ =	strace s9  }
0x27: {  	s1 =	sld [smem:$0x3FA2]  }
0x28: {  	s2 =	sld [smem:$0x3FA3]  }
0x29: {  	s4 =	sld [smem:$0x3FA5]  }
0x2a: {  	p0 =	seq.s32 s5, $0x0;
	s5 =	sld [smem:$0x3FA6]  }
0x2b: {  	s6 =	sld [smem:$0x3FA7]  }
0x2c: {  	s7 =	sld [smem:$0x3FA8]  }
0x2d: {  	s3 =	simm.s32 $0x108;
	s8 =	sld [smem:$0x3FA9]  }
0x2e: {  	s3 =	simm.s32 @!p0 $0x1082;
	s9 =	sld [smem:$0x3FAA]  }
0x2f: {  	lr =	sadd.s32 s0, s3;
	s0 =	sld [smem:$0x3FA1]  }
0x30: {  	s3 =	sld [smem:$0x3FA4]  }
0x31: {  	[smem:$0x3FAD] =	sst s10  }
0x32: {  	s10 =	sld [smem:$0x3FAB];
	_ =	sdelay $0x3  }
0x33: {  	p0 =	seq.s32 s10, $0x1;
	s10 =	sld [smem:$0x3FAD];
	_ =	sdelay $0x3  }
0x34: {  	[smem:$0x3FAD] =	sst s10  }
0x35: {  	s10 =	sld [smem:$0x3FAC];
	_ =	sdelay $0x3  }
0x36: {  	p1 =	seq.s32 s10, $0x1;
	s10 =	sld [smem:$0x3FAD];
	_ =	sdelay $0x3  }
0x37: {  	[smem:$0x3FAD] =	sst s10  }
0x38: {  	s10 =	sld [smem:$0x3FAE]  }
0x39: {  	_ = 	snop;
	(pc) =	sbr.ind lr, $3  }
0x3a: {  	_ = 	snop  }
0x3b: {  	_ = 	snop  }
0x3c: {  	p2 =	seq.s32 s10, $0x1;
	s10 =	sld [smem:$0x3FAD]  }
0x3d: {  	_ =	shalt  }
0x3e: {  	_ =	shalt  }
0x3f: {  	_ =	shalt  }
0x40: {  	_ =	shalt  }
0x41: {  	_ =	shalt  }
0x42: {  	_ =	shalt  }
0x43: {  	_ =	shalt  }
0x44: {  	_ =	shalt  }
0x45: {  	_ =	shalt  }
0x46: {  	_ =	shalt  }
0x47: {  	_ =	shalt  }
0x48: {  	_ =	shalt  }
0x49: {  	_ =	shalt  }
0x4a: {  	_ =	shalt  }
0x4b: {  	_ =	shalt  }
0x4c: {  	_ =	shalt  }
0x4d: {  	_ =	shalt  }
0x4e: {  	_ =	shalt  }
0x4f: {  	_ =	shalt  }
0x50: {  	_ =	shalt  }
0x51: {  	_ =	shalt  }
0x52: {  	_ =	shalt  }
0x53: {  	_ =	shalt  }
0x54: {  	_ =	shalt  }
0x55: {  	_ =	shalt  }
0x56: {  	_ =	shalt  }
0x57: {  	_ =	shalt  }
0x58: {  	_ =	shalt  }
0x59: {  	_ =	shalt  }
0x5a: {  	_ =	shalt  }
0x5b: {  	_ =	shalt  }
0x5c: {  	_ =	shalt  }
0x5d: {  	_ =	shalt  }
0x5e: {  	_ =	shalt  }
0x5f: {  	_ =	shalt  }
0x60: {  	_ =	shalt  }
0x61: {  	_ =	shalt  }
0x62: {  	_ =	shalt  }
0x63: {  	_ =	shalt  }
0x64: {  	_ =	shalt  }
0x65: {  	_ =	shalt  }
0x66: {  	_ =	shalt  }
0x67: {  	_ =	shalt  }
0x68: {  	_ =	shalt  }
0x69: {  	_ =	shalt  }
0x6a: {  	_ =	shalt  }
0x6b: {  	_ =	shalt  }
0x6c: {  	_ =	shalt  }
0x6d: {  	_ =	shalt  }
0x6e: {  	_ =	shalt  }
0x6f: {  	_ =	shalt  }
0x70: {  	_ =	shalt  }
0x71: {  	_ =	shalt  }
0x72: {  	_ =	shalt  }
0x73: {  	_ =	shalt  }
0x74: {  	_ =	shalt  }
0x75: {  	_ =	shalt  }
0x76: {  	_ =	shalt  }
0x77: {  	_ =	shalt  }
0x78: {  	_ =	shalt  }
0x79: {  	_ =	shalt  }
0x7a: {  	_ =	shalt  }
0x7b: {  	_ =	shalt  }
0x7c: {  	_ =	shalt  }
0x7d: {  	_ =	shalt  }
0x7e: {  	_ =	shalt  }
0x7f: {  	_ =	shalt  }
0x80: {  	_ =	shalt  }
0x81: {  	_ =	shalt  }
0x82: {  	_ =	shalt  }
0x83: {  	_ =	shalt  }
0x84: {  	_ =	shalt  }
0x85: {  	_ =	shalt  }
0x86: {  	_ =	shalt  }
0x87: {  	_ =	shalt  }
.Lfunc_end0:
.L_simem_size_0:
called_computation.2_lowered:
.L_overlay_start_0:
0x88: {  	s2 =	sld [smem:$0x3FD9]  }
0x89: {  	s3 =	sld [smem:$0x3FFE];
	_ =	sdelay $0x1  }
0x8a: {  	s1 =	srdreg.scid  }
0x8b: {  	s0 =	sand.u32 $0x1, s1  }
0x8c: {  	s16 =	sshll.u32 s0, $0xA;
	s2 =	sadd.s32 s3, s2  }
0x8d: {  	s2 =	sadd.s32 s2, s16  }
0x8e: {  	[smem:$0x3FB9] =	sst s2  }
0x8f: {  	_ = 	snop  }
0x90: {  	(tm) =	ssettm $0x1  }
0x91: {  	s17 =	sld [smem:$0x3FFB];
	_ =	sdelay $0x3  }
0x92: {  	_ =	strace s17  }
0x93: {  	s2 =	sld [smem:$0x3FFC];
	_ =	sdelay $0x3  }
0x94: {  	_ =	strace s2  }
0x95: {  	s2 =	sld [smem:$0x3FFD];
	_ =	sdelay $0x3  }
0x96: {  	_ =	strace s2  }
0x97: {  	_ =	strace $0x8FFFFFFF  }
0x98: {  	s18 =	sld [smem:$0x3FDB];
	_ =	sdelay $0x1  }
0x99: {  	s19 =	simm.s32 $_scs_section_size  }
0x9a: {  	s4 =	simm.s32 $_size__tile_overlayer_lowered;
	s5 =	simm.s32 $_tile_overlayer_lowered  }
0x9b: {  	s22 =	simm.s32 $0x1BFF;
	s21 =	sshll.u32 s5, $0x1;
	s2 =	sadd.s32 s19, s18  }
0x9c: {  	s6 =	simm.s32 $0x0;
	s20 =	sshll.u32 s4, $0x1;
	s4 =	sadd.s32 s21, s2  }
0x9d: {  	[timem:s6], [sflag:s22] =	dma.local [hbm:s4], s20  }
0x9e: {  	_ =	swait.ge [sflag:s22], s20  }
0x9f: {  	s3 =	ssub.s32 $0x0, s20;
	[sflag:s22] =	ssyncset.done $0x0  }
0xa0: {  	[sflag:s22] =	ssyncadd.s32 s3;
	_ =	sdelay $0x1  }
0xa1: {  	s23 =	simm.s32 $0x1B8B  }
0xa2: {  	_ =	swait.ge [sflag:s23], $0x1  }
0xa3: {  	[sflag:s23] =	ssyncset.done $0x0  }
0xa4: {  	s25 =	simm.s32 $0x1B8E;
	s24 =	sld [smem:$0x3FFE];
	[sflag:s23] =	ssyncadd.s32 $0xFFFFFFFF  }
0xa5: {  	s26 =	simm.s32 $execute0_lowered;
	[smem:$0x3FD2] =	sst s25  }
0xa6: {  	s4 =	sshll.u32 s26, $0x1;
	_ =	strace $0x8000004C;
	[dreg:$0x1] =	wrdreg $0xFFFFFFFF  }
0xa7: {  	s28 =	simm.s32 $_size_execute0_lowered;
	s2 =	sadd.s32 s2, s4;
	[dreg:$0x0] =	wrdreg $0x0  }
0xa8: {  	s4 =	sshll.u32 s28, $0x1;
	[dreg:$0x2] =	wrdreg s2  }
0xa9: {  	[dreg:$0x3] =	wrdreg s4  }
0xaa: {  	[dreg:$0x4] =	wrdreg $0xC0  }
0xab: {  	_ =	task [dreg:s6], $0x5FFFF  }
0xac: {  	[dreg:$0x1] =	wrdreg $0xFFFFFFFF  }
0xad: {  	[dreg:$0x0] =	wrdreg $0x60  }
0xae: {  	[dreg:$0x2] =	wrdreg s24  }
0xaf: {  	[dreg:$0x3] =	wrdreg $0x82000  }
0xb0: {  	[dreg:$0x4] =	wrdreg $0x9  }
0xb1: {  	_ =	task.clear_ibuf [dreg:s6], $0x5FFFF;
	_ =	strace $0x9000004C  }
0xb2: {  	s29 =	simm.s32 $0x9;
	_ =	strace $0x8000004E  }
0xb3: {  	_ =	swait.ge [sflag:s29], $0x1  }
0xb4: {  	[sflag:s29] =	ssyncadd.s32 $0xFFFFFFFF  }
0xb5: {  	_ =	strace $0x9000004E  }
0xb6: {  	_ =	sfence  }
0xb7: {  	s30 =	sld [smem:$0x0];
	_ =	sdelay $0x2  }
0xb8: {  	s31 =	sshll.u32 s1, $0xD;
	s1 =	sshrl.u32 s1, $0x2  }
0xb9: {  	s3 =	sand.u32 $0x4000, s31;
	s1 =	sadd.s32 s1, s30  }
0xba: {  	s0 =	sor.u32 s3, s0;
	s1 =	sshll.u32 s1, $0x11  }
0xbb: {  	s0 =	sor.u32 s1, s0  }
0xbc: {  	s0 =	sadd.s32 $0x8F2B, s0  }
0xbd: {  	[sflag:s0] =	ssyncadd.remote.s32 $0x1  }
0xbe: {  	_ =	sfence.sel $0xFFFF  }
0xbf: {  	[dreg:$0x0] =	wrdreg $0xFFFFFFFF;
	(pc) =	sbr.abs _section_cstart, $3  }
0xc0: {  	[dreg:$0x1] =	wrdreg $0xFFFFFFFF  }
0xc1: {  	_ =	task.clear_ibuf [dreg:s6], $0x2FFFF;
	_ =	strace $0x9FFFFFFF  }
0xc2: {  	(tm) =	ssettm $0x7FFFFFFF  }
0xc3: {  	_ =	shalt  }
tec
execute0_lowered:
.L_overlay_start_1:
0x0: {  	(tag) =	ssettag $0x1  }
0x1: {  	s0 =	rddreg [dreg:$0x0]  }
0x2: {  	s2 =	rddreg [dreg:$0x1]  }
0x3: {  	s3 =	simm.s32 $0x0;
	s14 =	stileid.u32;
	s1 =	srdreg.scid  }
0x4: {  	s28 =	simm.s32 $0x4200;
	s29 =	simm.s32 $0x1;
	s30 =	simm.s32 $0x3  }
0x5: {  	s31 =	simm.s32 $0x2;
	[smem:$0x7FF] =	sst s3;
	s5 =	smul.u32 $0x13C00, s14  }
0x6: {  	s1 =	sand.u32 $0x1, s1;
	s4 =	sadd.s32 $0x3FA00, s0;
	s22 =	smul.u32 $0xA0, s14  }
0x7: {  	s7 =	sadd.s32 $0x4800, s0;
	s11 =	sadd.s32 $0xE800, s0;
	s12 =	smul.u32 $0x4F000, s14  }
0x8: {  	s26 =	sshll.u32 s14, $0x6;
	_ =	strace $0x8000004D;
	s6 =	smul.u32 $0x13C000, s1  }
0x9: {  	s9 =	ssub.s32 $0x2, s1;
	s10 =	smul.u32 $0x7C, s1;
	p0 =	seq.s32 s1, $0x0  }
0xa: {  	s8 =	sshrl.u32 s5, $0x3;
	s23 =	sshrl.u32 s9, $0x1;
	s25 =	sshrl.u32 s12, $0x2  }
0xb: {  	s8 =	sadd.s32 s8, s0;
	s5 =	sadd.s32 s5, s6;
	s13 =	ssub.s32 s9, s23  }
0xc: {  	s24 =	sadd.s32 s10, s22;
	s6 =	sadd.s32 s25, s2;
	s5 =	sshrl.u32 s5, $0x3  }
0xd: {  	[dreg:$0x4] =	wrdreg s6;
	s1 =	sshll.u32 s24, $0x4;
	s8 =	sadd.s32 $0x66C00, s8  }
0xe: {  	s23 =	smax.u32 s13, $0x1;
	s0 =	sadd.s32 s5, s0;
	s5 =	simm.s32 $0x7C  }
0xf: {  	[dreg:$0x5] =	wrdreg s8;
	s8 =	sor.u32 $0x1C03, s26;
	s9 =	sor.u32 $0x10, s1  }
0x10: {  	s12 =	sadd.s32 s7, s1;
	s14 =	sadd.s32 s11, s1;
	[dreg:$0x9] =	wrdreg s23  }
0x11: {  	s24 =	sadd.s32 $0x40, s1;
	s1 =	sor.u32 $0x20, s1;
	s23 =	simm.s32 $0x100  }
0x12: {  	s5 =	simm.s32 @!p0 $0x24;
	s21 =	sadd.s32 s7, s9;
	s6 =	sadd.s32 s11, s9  }
0x13: {  	s0 =	sadd.s32 $0x104E00, s0;
	s25 =	sadd.s32 s24, s11;
	[dreg:$0x6] =	wrdreg s21  }
0x14: {  	s20 =	sadd.s32 s1, s11;
	s10 =	smov.u32 s12;
	[dreg:$0x7] =	wrdreg s6  }
0x15: {  	s16 =	smov.u32 s14;
	[dreg:$0x8] =	wrdreg s0;
	s22 =	sshll.u32 s5, $0x4  }
0x16: {  	s0 =	sadd.s32 s24, s7;
	s26 =	sadd.s32 $0xFFFFFFF0, s25;
	s7 =	sadd.s32 s1, s7  }
0x17: {  	s18 =	sadd.s32 $0xFFFFFFE0, s25;
	s21 =	sadd.s32 $0x30, s12;
	s24 =	simm.s32 $0x80  }
0x18: {  	s25 =	simm.s32 $0x200;
	s15 =	sadd.s32 $0xFFFFFFE0, s22;
	[dreg:$0xa] =	wrdreg s26  }
0x19: {  	s17 =	sadd.s32 $0xFFFFFFF0, s0;
	s19 =	sadd.s32 $0xFFFFFFE0, s0;
	[dreg:$0x3] =	wrdreg s7  }
0x1a: {  	s22 =	sadd.s32 $0x30, s14;
	s26 =	simm.s32 $0x180;
	s0 =	simm.s32 $0x0  }
.LBB2_1:
0x1b: {  	s1 =	rddreg [dreg:$0x4]  }
0x1c: {  	s6 =	rddreg [dreg:$0x5];
	s1 =	sshrl.u32 s1, $0x3  }
0x1d: {  	[spmem:s1], [sflag:s8] =	dma.local [hbm:s6], $0x2780  }
0x1e: {  	_ =	swait.ge [sflag:s30], $0x2780  }
0x1f: {  	[sflag:s30] =	ssyncset.done $0x0  }
0x20: {  	[sflag:s30] =	ssyncadd.s32 $0xFFFFD880  }
0x21: {  	[bflag:$0x0] =	sbarrier.arrive $0xFFFF  }
0x22: {  	[tilespmem:s3], [sflag:$0x3] =	stream.linear.gather [hbm4b:s10+s3], $0x80, $0x38;
	[tilespmem:$0x1BE00] =	vst v63  }
0x23: {  	_ =	swait.ge [sflag:s30], $0x80  }
0x24: {  	[sflag:s30] =	ssyncset.done $0x0  }
0x25: {  	[sflag:s30] =	ssyncadd.s32 $0xFFFFFF80  }
0x26: {  	[tilespmem:s23], [sflag:$0x3] =	stream.linear.gather [hbm4b:s16+s3], $0x80, $0x38;
	[tilespmem:$0x1BE00] =	vst v63  }
0x27: {  	_ =	swait.ge [sflag:s30], $0x80  }
0x28: {  	[sflag:s30] =	ssyncset.done $0x0  }
0x29: {  	[sflag:s30] =	ssyncadd.s32 $0xFFFFFF80  }
0x2a: {  	[tilespmem:s25], [sflag:$0x1] =	stream.indirect.gather [hbm4b:s4+s24], $0x80, s3, s24, $0xb8;
	[tilespmem:$0x1BE00] =	vst v63  }
0x2b: {  	s13 =	rddreg [dreg:$0x6]  }
0x2c: {  	[tilespmem:s24], [sflag:$0x3] =	stream.linear.gather [hbm4b:s13+s3], $0x80, $0x38;
	[tilespmem:$0x1BE00] =	vst v63  }
0x2d: {  	_ =	swait.ge [sflag:s30], $0x80  }
0x2e: {  	[sflag:s30] =	ssyncset.done $0x0  }
0x2f: {  	s14 =	rddreg [dreg:$0x7];
	[sflag:s30] =	ssyncadd.s32 $0xFFFFFF80  }
0x30: {  	[tilespmem:s26], [sflag:$0x3] =	stream.linear.gather [hbm4b:s14+s3], $0x80, $0x38;
	[tilespmem:$0x1BE00] =	vst v63  }
0x31: {  	_ =	swait.ge [sflag:s30], $0x80  }
0x32: {  	[sflag:s30] =	ssyncset.done $0x0  }
0x33: {  	[sflag:s30] =	ssyncadd.s32 $0xFFFFFF80  }
0x34: {  	[tilespmem:s28], [sflag:$0x2] =	stream.indirect.gather [hbm4b:s4+s24], $0x80, s24, s24, $0xb8;
	[tilespmem:$0x1BE00] =	vst v63  }
0x35: {  	_ =	swait.ge [sflag:s29], $0x4000  }
0x36: {  	[sflag:s29] =	ssyncset.done $0x0  }
0x37: {  	[sflag:s29] =	ssyncadd.s32 $0xFFFFC000  }
0x38: {  	[spmem:s2] =	stream.indirect.scatter.add.f32 [tilespmem:s25], [sflag:$0x3], $0x80, s23, s24, $0xb8;
	[tilespmem:$0x1BE00] =	vst v63  }
0x39: {  	p0 =	sle.u32 s5, $0x2;
	_ =	swait.ge [sflag:s30], $0x4000  }
0x3a: {  	s7 =	simm.s32 @!p0 $0x0;
	s6 =	rddreg [dreg:$0x3];
	[sflag:s30] =	ssyncset.done $0x0  }
0x3b: {  	s11 =	simm.s32 @!p0 $0x3;
	[sflag:s30] =	ssyncadd.s32 $0xFFFFC000;
	s6 =	sadd.s32 @!p0 $0x0, s6  }
0x3c: {  	[tilespmem:s7], [sflag:$0x3] =	stream.linear.gather @!p0 [hbm4b:s6+s7], $0x80, $0x38;
	[tilespmem:$0x1BE00] =	vst v63  }
0x3d: {  	_ =	swait.ge @!p0 [sflag:s11], $0x80  }
0x3e: {  	[sflag:s11] =	ssyncset.done @!p0 $0x0  }
0x3f: {  	s12 =	simm.s32 @!p0 $0x100;
	s6 =	sadd.s32 @!p0 $0x0, s20;
	[sflag:s11] =	ssyncadd.s32 @!p0 $0xFFFFFF80  }
0x40: {  	[tilespmem:s12], [sflag:$0x3] =	stream.linear.gather @!p0 [hbm4b:s6+s7], $0x80, $0x38;
	[tilespmem:$0x1BE00] =	vst v63  }
0x41: {  	_ =	swait.ge @!p0 [sflag:s11], $0x80  }
0x42: {  	[sflag:s11] =	ssyncset.done @!p0 $0x0  }
0x43: {  	s6 =	simm.s32 @!p0 $0x80;
	s12 =	simm.s32 @!p0 $0x200;
	[sflag:s11] =	ssyncadd.s32 @!p0 $0xFFFFFF80  }
0x44: {  	[tilespmem:s12], [sflag:$0x1] =	stream.indirect.gather @!p0 [hbm4b:s4+s6], $0x80, s7, s6, $0xb8;
	[tilespmem:$0x1BE00] =	vst v63  }
0x45: {  	_ =	swait.ge [sflag:s31], $0x4000  }
0x46: {  	[sflag:s31] =	ssyncset.done $0x0  }
0x47: {  	[sflag:s31] =	ssyncadd.s32 $0xFFFFC000  }
0x48: {  	[spmem:s2] =	stream.indirect.scatter.add.f32 [tilespmem:s28], [sflag:$0x3], $0x80, s26, s24, $0xb8;
	[tilespmem:$0x1BE00] =	vst v63  }
0x49: {  	p1 =	sle.u32 s5, $0x3;
	_ =	swait.ge [sflag:s30], $0x4000  }
0x4a: {  	s13 =	simm.s32 @!p1 $0x3;
	s6 =	sadd.s32 @!p1 $0x0, s21;
	[sflag:s30] =	ssyncset.done $0x0  }
0x4b: {  	s12 =	simm.s32 @!p1 $0x80;
	s7 =	simm.s32 @!p1 $0x0;
	[sflag:s30] =	ssyncadd.s32 $0xFFFFC000  }
0x4c: {  	[tilespmem:s12], [sflag:$0x3] =	stream.linear.gather @!p1 [hbm4b:s6+s7], $0x80, $0x38;
	[tilespmem:$0x1BE00] =	vst v63  }
0x4d: {  	p0 =	sne.s32 s15, $0x20;
	_ =	swait.ge @!p1 [sflag:s13], $0x80  }
.Ltmp0:
0x4e: {  	[sflag:s13] =	ssyncset.done @!p1 $0x0;
	(pc) =	sbr.rel @!p0 .LBB2_3-.Ltmp0, $4  }
0x4f: {  	s11 =	sadd.s32 @!p1 $0x0, s22;
	s6 =	simm.s32 @!p1 $0x180;
	[sflag:s13] =	ssyncadd.s32 @!p1 $0xFFFFFF80  }
0x50: {  	[tilespmem:s6], [sflag:$0x3] =	stream.linear.gather @!p1 [hbm4b:s11+s7], $0x80, $0x38;
	[tilespmem:$0x1BE00] =	vst v63  }
0x51: {  	s14 =	simm.s32 @!p1 $0x4200;
	_ =	swait.ge @!p1 [sflag:s13], $0x80  }
0x52: {  	s6 =	simm.s32 $0x20;
	s7 =	simm.s32 $0x3;
	[sflag:s13] =	ssyncset.done @!p1 $0x0  }
.LBB2_2:
0x53: {  	[sflag:s13] =	ssyncadd.s32 @!p1 $0xFFFFFF80  }
0x54: {  	[tilespmem:s14], [sflag:$0x2] =	stream.indirect.gather @!p1 [hbm4b:s4+s12], $0x80, s12, s12, $0xb8;
	[tilespmem:$0x1BE00] =	vst v63  }
0x55: {  	_ =	swait.ge [sflag:s29], $0x4000  }
0x56: {  	s7 =	sadd.s32 $0x2, s7;
	[sflag:s29] =	ssyncset.done $0x0  }
0x57: {  	s14 =	sadd.s32 $0xFFFFFFFF, s7;
	[sflag:s29] =	ssyncadd.s32 $0xFFFFC000  }
0x58: {  	[spmem:s2] =	stream.indirect.scatter.add.f32 [tilespmem:s25], [sflag:$0x3], $0x80, s23, s24, $0xb8;
	[tilespmem:$0x1BE00] =	vst v63  }
0x59: {  	s11 =	smov.u32 s6;
	p1 =	sge.u32 s14, s5;
	_ =	swait.ge [sflag:s30], $0x4000  }
0x5a: {  	s12 =	simm.s32 @!p1 $0x0;
	s13 =	rddreg [dreg:$0x3];
	[sflag:s30] =	ssyncset.done $0x0  }
0x5b: {  	s14 =	simm.s32 @!p1 $0x3;
	[sflag:s30] =	ssyncadd.s32 $0xFFFFC000;
	s13 =	sadd.s32 @!p1 s11, s13  }
0x5c: {  	[tilespmem:s12], [sflag:$0x3] =	stream.linear.gather @!p1 [hbm4b:s13+s12], $0x80, $0x38;
	[tilespmem:$0x1BE00] =	vst v63  }
0x5d: {  	_ =	swait.ge @!p1 [sflag:s14], $0x80  }
0x5e: {  	[sflag:s14] =	ssyncset.done @!p1 $0x0  }
0x5f: {  	s9 =	simm.s32 @!p1 $0x100;
	s13 =	sadd.s32 @!p1 s11, s20;
	[sflag:s14] =	ssyncadd.s32 @!p1 $0xFFFFFF80  }
0x60: {  	[tilespmem:s9], [sflag:$0x3] =	stream.linear.gather @!p1 [hbm4b:s13+s12], $0x80, $0x38;
	[tilespmem:$0x1BE00] =	vst v63  }
0x61: {  	_ =	swait.ge @!p1 [sflag:s14], $0x80  }
0x62: {  	[sflag:s14] =	ssyncset.done @!p1 $0x0  }
0x63: {  	s9 =	simm.s32 @!p1 $0x80;
	s13 =	simm.s32 @!p1 $0x200;
	[sflag:s14] =	ssyncadd.s32 @!p1 $0xFFFFFF80  }
0x64: {  	[tilespmem:s13], [sflag:$0x1] =	stream.indirect.gather @!p1 [hbm4b:s4+s9], $0x80, s12, s9, $0xb8;
	[tilespmem:$0x1BE00] =	vst v63  }
0x65: {  	_ =	swait.ge [sflag:s31], $0x4000  }
0x66: {  	[sflag:s31] =	ssyncset.done $0x0  }
0x67: {  	[sflag:s31] =	ssyncadd.s32 $0xFFFFC000  }
0x68: {  	[spmem:s2] =	stream.indirect.scatter.add.f32 [tilespmem:s28], [sflag:$0x3], $0x80, s26, s24, $0xb8;
	[tilespmem:$0x1BE00] =	vst v63  }
0x69: {  	s6 =	sadd.s32 $0x20, s6;
	p1 =	sge.u32 s7, s5;
	_ =	swait.ge [sflag:s30], $0x4000  }
0x6a: {  	s9 =	sadd.s32 @!p1 s11, s21;
	s12 =	simm.s32 @!p1 $0x80;
	[sflag:s30] =	ssyncset.done $0x0  }
0x6b: {  	s14 =	simm.s32 @!p1 $0x0;
	s13 =	simm.s32 @!p1 $0x3;
	[sflag:s30] =	ssyncadd.s32 $0xFFFFC000  }
0x6c: {  	[tilespmem:s12], [sflag:$0x3] =	stream.linear.gather @!p1 [hbm4b:s9+s14], $0x80, $0x38;
	[tilespmem:$0x1BE00] =	vst v63  }
0x6d: {  	p0 =	sne.s32 s15, s6;
	_ =	swait.ge @!p1 [sflag:s13], $0x80  }
.Ltmp1:
0x6e: {  	[sflag:s13] =	ssyncset.done @!p1 $0x0;
	(pc) =	sbr.rel @p0 .LBB2_2-.Ltmp1, $4  }
0x6f: {  	s11 =	sadd.s32 @!p1 s11, s22;
	s9 =	simm.s32 @!p1 $0x180;
	[sflag:s13] =	ssyncadd.s32 @!p1 $0xFFFFFF80  }
0x70: {  	[tilespmem:s9], [sflag:$0x3] =	stream.linear.gather @!p1 [hbm4b:s11+s14], $0x80, $0x38;
	[tilespmem:$0x1BE00] =	vst v63  }
0x71: {  	_ =	swait.ge @!p1 [sflag:s13], $0x80  }
0x72: {  	s14 =	simm.s32 @!p1 $0x4200;
	[sflag:s13] =	ssyncset.done @!p1 $0x0  }
.LBB2_3:
0x73: {  	[sflag:s13] =	ssyncadd.s32 @!p1 $0xFFFFFF80  }
0x74: {  	[tilespmem:s14], [sflag:$0x2] =	stream.indirect.gather @!p1 [hbm4b:s4+s12], $0x80, s12, s12, $0xb8;
	[tilespmem:$0x1BE00] =	vst v63  }
0x75: {  	_ =	swait.ge [sflag:s29], $0x4000  }
0x76: {  	[sflag:s29] =	ssyncset.done $0x0  }
0x77: {  	s7 =	sadd.s32 $0x2, s7;
	[sflag:s29] =	ssyncadd.s32 $0xFFFFC000  }
0x78: {  	[spmem:s2] =	stream.indirect.scatter.add.f32 [tilespmem:s25], [sflag:$0x3], $0x80, s23, s24, $0xb8;
	[tilespmem:$0x1BE00] =	vst v63  }
0x79: {  	s9 =	sadd.s32 $0xFFFFFFFF, s7;
	_ =	swait.ge [sflag:s30], $0x4000  }
0x7a: {  	p0 =	sge.u32 s9, s5;
	[sflag:s30] =	ssyncset.done $0x0  }
0x7b: {  	s9 =	sadd.s32 @!p0 s6, s19;
	s11 =	simm.s32 @!p0 $0x0;
	[sflag:s30] =	ssyncadd.s32 $0xFFFFC000  }
0x7c: {  	[tilespmem:s11], [sflag:$0x3] =	stream.linear.gather @!p0 [hbm4b:s9+s11], $0x80, $0x38;
	[tilespmem:$0x1BE00] =	vst v63  }
0x7d: {  	s9 =	simm.s32 @!p0 $0x3  }
0x7e: {  	_ =	swait.ge @!p0 [sflag:s9], $0x80  }
0x7f: {  	[sflag:s9] =	ssyncset.done @!p0 $0x0  }
0x80: {  	s12 =	sadd.s32 @!p0 s6, s18;
	s13 =	simm.s32 @!p0 $0x100;
	[sflag:s9] =	ssyncadd.s32 @!p0 $0xFFFFFF80  }
0x81: {  	[tilespmem:s13], [sflag:$0x3] =	stream.linear.gather @!p0 [hbm4b:s12+s11], $0x80, $0x38;
	[tilespmem:$0x1BE00] =	vst v63  }
0x82: {  	_ =	swait.ge @!p0 [sflag:s9], $0x80  }
0x83: {  	[sflag:s9] =	ssyncset.done @!p0 $0x0  }
0x84: {  	s12 =	simm.s32 @!p0 $0x200;
	[sflag:s9] =	ssyncadd.s32 @!p0 $0xFFFFFF80;
	s9 =	simm.s32 @!p0 $0x80  }
0x85: {  	[tilespmem:s12], [sflag:$0x1] =	stream.indirect.gather @!p0 [hbm4b:s4+s9], $0x80, s11, s9, $0xb8;
	[tilespmem:$0x1BE00] =	vst v63  }
0x86: {  	_ =	swait.ge [sflag:s31], $0x4000  }
0x87: {  	[sflag:s31] =	ssyncset.done $0x0  }
0x88: {  	[sflag:s31] =	ssyncadd.s32 $0xFFFFC000  }
0x89: {  	[spmem:s2] =	stream.indirect.scatter.add.f32 [tilespmem:s28], [sflag:$0x3], $0x80, s26, s24, $0xb8;
	[tilespmem:$0x1BE00] =	vst v63  }
0x8a: {  	p0 =	sge.u32 s7, s5;
	_ =	swait.ge [sflag:s30], $0x4000  }
0x8b: {  	s7 =	sadd.s32 @!p0 s6, s17;
	[sflag:s30] =	ssyncset.done $0x0  }
0x8c: {  	s9 =	simm.s32 @!p0 $0x0;
	s11 =	simm.s32 @!p0 $0x80;
	[sflag:s30] =	ssyncadd.s32 $0xFFFFC000  }
0x8d: {  	[tilespmem:s11], [sflag:$0x3] =	stream.linear.gather @!p0 [hbm4b:s7+s9], $0x80, $0x38;
	[tilespmem:$0x1BE00] =	vst v63  }
0x8e: {  	s7 =	simm.s32 @!p0 $0x3  }
0x8f: {  	_ =	swait.ge @!p0 [sflag:s7], $0x80  }
0x90: {  	[sflag:s7] =	ssyncset.done @!p0 $0x0;
	s12 =	rddreg [dreg:$0xa]  }
0x91: {  	[sflag:s7] =	ssyncadd.s32 @!p0 $0xFFFFFF80;
	s6 =	sadd.s32 @!p0 s6, s12;
	s12 =	simm.s32 @!p0 $0x180  }
0x92: {  	[tilespmem:s12], [sflag:$0x3] =	stream.linear.gather @!p0 [hbm4b:s6+s9], $0x80, $0x38;
	[tilespmem:$0x1BE00] =	vst v63  }
0x93: {  	_ =	swait.ge @!p0 [sflag:s7], $0x80  }
0x94: {  	[sflag:s7] =	ssyncset.done @!p0 $0x0  }
0x95: {  	s6 =	simm.s32 @!p0 $0x4200;
	[sflag:s7] =	ssyncadd.s32 @!p0 $0xFFFFFF80  }
0x96: {  	[tilespmem:s6], [sflag:$0x2] =	stream.indirect.gather @!p0 [hbm4b:s4+s11], $0x80, s11, s11, $0xb8;
	[tilespmem:$0x1BE00] =	vst v63  }
0x97: {  	[bflag:$0x0] =	sbarrier.arrive $0xFFFF  }
0x98: {  	s13 =	rddreg [dreg:$0x8]  }
0x99: {  	[hbm:s13], [sflag:s8] =	dma.local [spmem:s1], $0x2780  }
0x9a: {  	_ =	swait.ge [sflag:s30], $0x2780  }
0x9b: {  	s0 =	sadd.s32 $0x1, s0;
	s14 =	rddreg [dreg:$0x9]  }
0x9c: {  	p0 =	sne.s32 s0, s14  }
.Ltmp2:
0x9d: {  	_ = 	snop;
	(pc) =	sbr.rel @p0 .LBB2_1-.Ltmp2, $3  }
0x9e: {  	_ =	sdelay $0x1  }
0x9f: {  	[sflag:s30] =	ssyncset.done $0x0  }
0xa0: {  	[sflag:s30] =	ssyncadd.s32 $0xFFFFD880  }
0xa1: {  	_ =	sfence.sel $0x180000  }
0xa2: {  	[bflag:$0x0] =	sbarrier.arrive $0xFFFF  }
0xa3: {  	_ =	strace $0x9000004D  }
0xa4: {  	s0 =	stileid.u32;
	[bflag:$0x2] =	sbarrier.arrive $0xFFFF  }
0xa5: {  	p0 =	sne.s32 s0, $0x0;
	s0 =	rddreg [dreg:$0x2]  }
0xa6: {  	s0 =	sadd.s32 @!p0 $0x100000, s0  }
0xa7: {  	[sflag:s0] =	ssyncadd.tile.s32 @!p0 $0x1;
	_ =	shalt  }
.Lfunc_end2:
_tile_overlayer_lowered:
.L_overlay_start_2:
0xa8: {  	(tag) =	ssettag $0x2  }
0xa9: {  	s0 =	rddreg [dreg:$0x0];
	s2 =	stileid.u32  }
0xaa: {  	s1 =	rddreg [dreg:$0x1];
	p0 =	sne.s32 s2, $0x0  }
0xab: {  	s3 =	rddreg [dreg:$0x2];
	[bflag:$0x3] =	sbarrier.arrive $0xFFFF;
	s2 =	simm.s32 @!p0 $0x1C03  }
0xac: {  	[timem:s3], [sflag:s2] =	dma.local @!p0 [hbm:s0], s1  }
0xad: {  	s0 =	simm.s32 @!p0 $0x3  }
0xae: {  	_ =	swait.ge @!p0 [sflag:s0], s1  }
0xaf: {  	s1 =	ssub.s32 @!p0 $0x0, s1;
	[sflag:s0] =	ssyncset.done @!p0 $0x0  }
0xb0: {  	[sflag:s0] =	ssyncadd.s32 @!p0 s1  }
0xb1: {  	[bflag:$0x3] =	sbarrier.arrive $0xFFFF  }
0xb2: {  	_ =	shalt  }

// kernel: kernel.9.cloned.1.call-start
scs
__scs_entry_jumppad:
0x0: {  	(pc) =	sbr.rel $0x88, $3  }
0x1: {  	(tag) =	ssettag $0x0;
	lr =	simm.s32 $0x1  }
0x2: {  	[smem:$0x3F92] =	sst lr;
	_ =	strace $0xD0000000  }
0x3: {  	_ = 	snop  }
0x4: {  	_ = 	snop  }
0x5: {  	_ = 	snop  }
0x6: {  	_ = 	snop  }
0x7: {  	_ = 	snop  }
__scs_overlays_trampoline_lowered:
0x8: {  	[smem:$0x3FA1] =	sst s0  }
0x9: {  	[smem:$0x3FA2] =	sst s1  }
0xa: {  	[smem:$0x3FA3] =	sst s2  }
0xb: {  	[smem:$0x3FA4] =	sst s3  }
0xc: {  	[smem:$0x3FA5] =	sst s4  }
0xd: {  	[smem:$0x3FA6] =	sst s5  }
0xe: {  	[smem:$0x3FA7] =	sst s6  }
0xf: {  	[smem:$0x3FA8] =	sst s7  }
0x10: {  	[smem:$0x3FA9] =	sst s8  }
0x11: {  	[smem:$0x3FAA] =	sst s9;
	s0 =	simm.s32 @!p0 $0x0  }
0x12: {  	s1 =	sld [smem:$0x3F90];
	s0 =	simm.s32 @p0 $0x1  }
0x13: {  	[smem:$0x3FAB] =	sst s0;
	s0 =	simm.s32 @!p1 $0x0  }
0x14: {  	s2 =	sld [smem:$0x3F8F];
	s0 =	simm.s32 @p1 $0x1  }
0x15: {  	[smem:$0x3FAC] =	sst s0;
	s0 =	simm.s32 @!p2 $0x0  }
0x16: {  	s3 =	sld [smem:$0x3FDB];
	s0 =	simm.s32 @p2 $0x1  }
0x17: {  	s4 =	simm.s32 $0x1BF5;
	[smem:$0x3FAE] =	sst s0  }
0x18: {  	s0 =	sld [smem:$0x3F91];
	_ =	swait.ge [sflag:s4], $0x0  }
0x19: {  	s7 =	sld [smem:$0x3F92]  }
0x1a: {  	s8 =	sadd.s32 $0xFFFFE003, lr  }
0x1b: {  	s9 =	sadd.s32 $0xFFFFFEF7, lr;
	s5 =	simm.s32 $0xFFFFFFFF;
	p2 =	slt.u32 s8, $0xFFFFF086  }
0x1c: {  	p1 =	slt.u32 s9, $0xF7A;
	s5 =	simm.s32 @!p2 $0x0  }
0x1d: {  	s5 =	simm.s32 @p1 $0x1;
	p0 =	seq.s32 s7, s2  }
0x1e: {  	s7 =	smul.u32 @!p0 $0xF7A, s2;
	p2 =	seq.s32 @!p0 s5, $0x0  }
0x1f: {  	s9 =	smul.u32 $0xF7A, s1;
	s8 =	simm.s32 @!p0 $0x1BF5;
	p2 =	por !p2, p0  }
0x20: {  	[sflag:s8] =	ssyncset.s32 @!p0 $0xFFFFF086;
	s6 =	sadd.s32 @!p0 s3, s7;
	s7 =	simm.s32 @!p0 $0x108  }
0x21: {  	s3 =	sadd.s32 s3, s9;
	s6 =	sadd.s32 @!p0 $0x88, s6;
	s7 =	simm.s32 @p2 $0x1082  }
0x22: {  	[simem:s7], [sflag:s8] =	dma.local @!p0 [hbm:s6], $0xF7A  }
0x23: {  	s9 =	sor.u32 $0xD0000000, s2;
	s6 =	simm.s32 $0x108;
	_ =	swait.ge @!p0 [sflag:s8], $0x0  }
0x24: {  	s3 =	sadd.s32 $0x88, s3;
	s6 =	simm.s32 @!p1 $0x1082;
	[sflag:s4] =	ssyncset.s32 $0xFFFFF086  }
0x25: {  	[simem:s6], [sflag:s4] =	dma.local [hbm:s3], $0xF7A  }
0x26: {  	[smem:$0x3F92] =	sst s1;
	(tag) =	ssettag s2;
	_ =	strace s9  }
0x27: {  	s1 =	sld [smem:$0x3FA2]  }
0x28: {  	s2 =	sld [smem:$0x3FA3]  }
0x29: {  	s4 =	sld [smem:$0x3FA5]  }
0x2a: {  	p0 =	seq.s32 s5, $0x0;
	s5 =	sld [smem:$0x3FA6]  }
0x2b: {  	s6 =	sld [smem:$0x3FA7]  }
0x2c: {  	s7 =	sld [smem:$0x3FA8]  }
0x2d: {  	s3 =	simm.s32 $0x108;
	s8 =	sld [smem:$0x3FA9]  }
0x2e: {  	s3 =	simm.s32 @!p0 $0x1082;
	s9 =	sld [smem:$0x3FAA]  }
0x2f: {  	lr =	sadd.s32 s0, s3;
	s0 =	sld [smem:$0x3FA1]  }
0x30: {  	s3 =	sld [smem:$0x3FA4]  }
0x31: {  	[smem:$0x3FAD] =	sst s10  }
0x32: {  	s10 =	sld [smem:$0x3FAB];
	_ =	sdelay $0x3  }
0x33: {  	p0 =	seq.s32 s10, $0x1;
	s10 =	sld [smem:$0x3FAD];
	_ =	sdelay $0x3  }
0x34: {  	[smem:$0x3FAD] =	sst s10  }
0x35: {  	s10 =	sld [smem:$0x3FAC];
	_ =	sdelay $0x3  }
0x36: {  	p1 =	seq.s32 s10, $0x1;
	s10 =	sld [smem:$0x3FAD];
	_ =	sdelay $0x3  }
0x37: {  	[smem:$0x3FAD] =	sst s10  }
0x38: {  	s10 =	sld [smem:$0x3FAE]  }
0x39: {  	_ = 	snop;
	(pc) =	sbr.ind lr, $3  }
0x3a: {  	_ = 	snop  }
0x3b: {  	_ = 	snop  }
0x3c: {  	p2 =	seq.s32 s10, $0x1;
	s10 =	sld [smem:$0x3FAD]  }
0x3d: {  	_ =	shalt  }
0x3e: {  	_ =	shalt  }
0x3f: {  	_ =	shalt  }
0x40: {  	_ =	shalt  }
0x41: {  	_ =	shalt  }
0x42: {  	_ =	shalt  }
0x43: {  	_ =	shalt  }
0x44: {  	_ =	shalt  }
0x45: {  	_ =	shalt  }
0x46: {  	_ =	shalt  }
0x47: {  	_ =	shalt  }
0x48: {  	_ =	shalt  }
0x49: {  	_ =	shalt  }
0x4a: {  	_ =	shalt  }
0x4b: {  	_ =	shalt  }
0x4c: {  	_ =	shalt  }
0x4d: {  	_ =	shalt  }
0x4e: {  	_ =	shalt  }
0x4f: {  	_ =	shalt  }
0x50: {  	_ =	shalt  }
0x51: {  	_ =	shalt  }
0x52: {  	_ =	shalt  }
0x53: {  	_ =	shalt  }
0x54: {  	_ =	shalt  }
0x55: {  	_ =	shalt  }
0x56: {  	_ =	shalt  }
0x57: {  	_ =	shalt  }
0x58: {  	_ =	shalt  }
0x59: {  	_ =	shalt  }
0x5a: {  	_ =	shalt  }
0x5b: {  	_ =	shalt  }
0x5c: {  	_ =	shalt  }
0x5d: {  	_ =	shalt  }
0x5e: {  	_ =	shalt  }
0x5f: {  	_ =	shalt  }
0x60: {  	_ =	shalt  }
0x61: {  	_ =	shalt  }
0x62: {  	_ =	shalt  }
0x63: {  	_ =	shalt  }
0x64: {  	_ =	shalt  }
0x65: {  	_ =	shalt  }
0x66: {  	_ =	shalt  }
0x67: {  	_ =	shalt  }
0x68: {  	_ =	shalt  }
0x69: {  	_ =	shalt  }
0x6a: {  	_ =	shalt  }
0x6b: {  	_ =	shalt  }
0x6c: {  	_ =	shalt  }
0x6d: {  	_ =	shalt  }
0x6e: {  	_ =	shalt  }
0x6f: {  	_ =	shalt  }
0x70: {  	_ =	shalt  }
0x71: {  	_ =	shalt  }
0x72: {  	_ =	shalt  }
0x73: {  	_ =	shalt  }
0x74: {  	_ =	shalt  }
0x75: {  	_ =	shalt  }
0x76: {  	_ =	shalt  }
0x77: {  	_ =	shalt  }
0x78: {  	_ =	shalt  }
0x79: {  	_ =	shalt  }
0x7a: {  	_ =	shalt  }
0x7b: {  	_ =	shalt  }
0x7c: {  	_ =	shalt  }
0x7d: {  	_ =	shalt  }
0x7e: {  	_ =	shalt  }
0x7f: {  	_ =	shalt  }
0x80: {  	_ =	shalt  }
0x81: {  	_ =	shalt  }
0x82: {  	_ =	shalt  }
0x83: {  	_ =	shalt  }
0x84: {  	_ =	shalt  }
0x85: {  	_ =	shalt  }
0x86: {  	_ =	shalt  }
0x87: {  	_ =	shalt  }
.Lfunc_end0:
.L_simem_size_0:
called_computation_lowered:
.L_overlay_start_0:
0x88: {  	s2 =	sld [smem:$0x3FD9]  }
0x89: {  	s3 =	sld [smem:$0x3FFE];
	_ =	sdelay $0x1  }
0x8a: {  	s1 =	srdreg.scid  }
0x8b: {  	s0 =	sand.u32 $0x1, s1  }
0x8c: {  	s17 =	sshll.u32 s0, $0xA;
	s2 =	sadd.s32 s3, s2  }
0x8d: {  	s2 =	sadd.s32 s2, s17  }
0x8e: {  	[smem:$0x3FB9] =	sst s2  }
0x8f: {  	_ = 	snop  }
0x90: {  	s2 =	sld [smem:$0x3FD0];
	(tm) =	ssettm $0x1  }
0x91: {  	s18 =	sld [smem:$0x3FFB];
	_ =	sdelay $0x3  }
0x92: {  	_ =	strace s18  }
0x93: {  	s3 =	sld [smem:$0x3FFC];
	_ =	sdelay $0x3  }
0x94: {  	_ =	strace s3  }
0x95: {  	s3 =	sld [smem:$0x3FFD];
	_ =	sdelay $0x3  }
0x96: {  	_ =	strace s3  }
0x97: {  	_ =	strace $0x8FFFFFFF  }
0x98: {  	s19 =	sld [smem:$0x3FDB];
	_ =	sdelay $0x1  }
0x99: {  	s4 =	simm.s32 $_scs_section_size  }
0x9a: {  	s5 =	simm.s32 $_size__tile_overlayer_lowered;
	s6 =	simm.s32 $_tile_overlayer_lowered  }
0x9b: {  	s22 =	simm.s32 $0x1BFF;
	s21 =	sshll.u32 s6, $0x1;
	s3 =	sadd.s32 s4, s19  }
0x9c: {  	s7 =	simm.s32 $0x0;
	s20 =	sshll.u32 s5, $0x1;
	s5 =	sadd.s32 s21, s3  }
0x9d: {  	[timem:s7], [sflag:s22] =	dma.local [hbm:s5], s20  }
0x9e: {  	_ =	swait.ge [sflag:s22], s20  }
0x9f: {  	s4 =	ssub.s32 $0x0, s20;
	[sflag:s22] =	ssyncset.done $0x0  }
0xa0: {  	[sflag:s22] =	ssyncadd.s32 s4;
	_ =	sdelay $0x1  }
0xa1: {  	s23 =	simm.s32 $0x1B8B  }
0xa2: {  	_ =	swait.ge [sflag:s23], $0x1  }
0xa3: {  	[sflag:s23] =	ssyncset.done $0x0  }
0xa4: {  	s25 =	simm.s32 $0x1B8E;
	s24 =	sld [smem:$0x3FFE];
	[sflag:s23] =	ssyncadd.s32 $0xFFFFFFFF  }
0xa5: {  	s26 =	simm.s32 $execute0_lowered;
	[smem:$0x3FD2] =	sst s25  }
0xa6: {  	s5 =	sshll.u32 s26, $0x1;
	_ =	strace $0x80000046;
	[dreg:$0x1] =	wrdreg $0xFFFFFFFF  }
0xa7: {  	s28 =	simm.s32 $_size_execute0_lowered;
	s3 =	sadd.s32 s3, s5;
	[dreg:$0x0] =	wrdreg $0x0  }
0xa8: {  	s5 =	sshll.u32 s28, $0x1;
	[dreg:$0x2] =	wrdreg s3  }
0xa9: {  	[dreg:$0x3] =	wrdreg s5  }
0xaa: {  	[dreg:$0x4] =	wrdreg $0xC0  }
0xab: {  	_ =	task [dreg:s7], $0x5FFFF  }
0xac: {  	[dreg:$0x1] =	wrdreg $0xFFFFFFFF  }
0xad: {  	[dreg:$0x0] =	wrdreg $0x60  }
0xae: {  	[dreg:$0x2] =	wrdreg s24  }
0xaf: {  	[dreg:$0x3] =	wrdreg s2  }
0xb0: {  	[dreg:$0x4] =	wrdreg $0x85000  }
0xb1: {  	[dreg:$0x5] =	wrdreg $0x1C1000  }
0xb2: {  	[dreg:$0x6] =	wrdreg $0x9  }
0xb3: {  	_ =	task.clear_ibuf [dreg:s7], $0x7FFFF;
	_ =	strace $0x90000046  }
0xb4: {  	s29 =	simm.s32 $0x9;
	_ =	strace $0x80000048  }
0xb5: {  	_ =	swait.ge [sflag:s29], $0x1  }
0xb6: {  	[sflag:s29] =	ssyncadd.s32 $0xFFFFFFFF  }
0xb7: {  	_ =	strace $0x90000048  }
0xb8: {  	_ =	sfence  }
0xb9: {  	s30 =	sld [smem:$0x0];
	_ =	sdelay $0x2  }
0xba: {  	s31 =	sshll.u32 s1, $0xD;
	s1 =	sshrl.u32 s1, $0x2  }
0xbb: {  	s3 =	sand.u32 $0x4000, s31;
	s1 =	sadd.s32 s1, s30  }
0xbc: {  	s0 =	sor.u32 s3, s0;
	s1 =	sshll.u32 s1, $0x11  }
0xbd: {  	s0 =	sor.u32 s1, s0  }
0xbe: {  	s0 =	sadd.s32 $0x8F2B, s0  }
0xbf: {  	[sflag:s0] =	ssyncadd.remote.s32 $0x1  }
0xc0: {  	_ =	sfence.sel $0xFFFF  }
0xc1: {  	[dreg:$0x0] =	wrdreg $0xFFFFFFFF;
	(pc) =	sbr.abs _section_cstart, $3  }
0xc2: {  	[dreg:$0x1] =	wrdreg $0xFFFFFFFF  }
0xc3: {  	_ =	task.clear_ibuf [dreg:s7], $0x2FFFF;
	_ =	strace $0x9FFFFFFF  }
0xc4: {  	(tm) =	ssettm $0x7FFFFFFF  }
0xc5: {  	_ =	shalt  }
tec
execute0_lowered:
.L_overlay_start_1:
0x0: {  	(tag) =	ssettag $0x1  }
0x1: {  	s0 =	rddreg [dreg:$0x0]  }
0x2: {  	s2 =	rddreg [dreg:$0x1]  }
0x3: {  	s1 =	rddreg [dreg:$0x2]  }
0x4: {  	s3 =	rddreg [dreg:$0x3];
	s4 =	simm.s32 $0x0  }
0x5: {  	s17 =	stileid.u32;
	s7 =	srdreg.scid;
	s28 =	simm.s32 $0x8200  }
0x6: {  	s29 =	simm.s32 $0x100;
	s30 =	simm.s32 $0x80;
	s31 =	simm.s32 $0x200  }
0x7: {  	[smem:$0x7FF] =	sst s4;
	s6 =	smul.u32 $0x13C00, s17;
	s5 =	sadd.s32 $0x18800, s0  }
0x8: {  	s8 =	smul.u32 $0x278, s17;
	s9 =	sadd.s32 $0x4800, s0;
	s11 =	sadd.s32 $0xE800, s0  }
0x9: {  	s12 =	sand.u32 $0x1, s7;
	s23 =	sadd.s32 $0x8EA00, s0;
	s25 =	smul.u32 $0xA0, s17  }
0xa: {  	s18 =	smul.u32 $0x4F000, s17;
	s7 =	simm.s32 $0x7C;
	s20 =	sshll.u32 s17, $0x6  }
0xb: {  	_ =	strace $0x80000047;
	s13 =	smul.u32 $0x13C000, s12;
	[dreg:$0x8] =	wrdreg s23  }
0xc: {  	s24 =	ssub.s32 $0x2, s12;
	s16 =	smul.u32 $0x7C, s12;
	p0 =	seq.s32 s12, $0x0  }
0xd: {  	s22 =	sshrl.u32 s6, $0x3;
	s10 =	sshrl.u32 s8, $0x3;
	s26 =	sshrl.u32 s24, $0x1  }
0xe: {  	s7 =	simm.s32 @!p0 $0x24;
	s19 =	sshrl.u32 s18, $0x2;
	s14 =	sadd.s32 s22, s0  }
0xf: {  	s15 =	sadd.s32 s10, s0;
	s6 =	sadd.s32 s6, s13;
	s16 =	sadd.s32 s16, s25  }
0x10: {  	s10 =	sadd.s32 s19, s1;
	s19 =	sshll.u32 s7, $0x4;
	s6 =	sshrl.u32 s6, $0x3  }
0x11: {  	[dreg:$0x9] =	wrdreg s10;
	s21 =	sadd.s32 $0x66C00, s14;
	s10 =	sor.u32 $0x1C03, s20  }
0x12: {  	s22 =	sadd.s32 $0x8E400, s15;
	s23 =	sshll.u32 s16, $0x4;
	[dreg:$0xa] =	wrdreg s21  }
0x13: {  	s0 =	sadd.s32 s6, s0;
	s6 =	ssub.s32 s24, s26;
	[dreg:$0xb] =	wrdreg s22  }
0x14: {  	s24 =	smul.u32 $0x2780, s12;
	s12 =	sadd.s32 s8, s3;
	s25 =	sor.u32 $0x10, s23  }
0x15: {  	s13 =	sadd.s32 s9, s23;
	s14 =	sadd.s32 s11, s23;
	s18 =	sadd.s32 s9, s25  }
0x16: {  	s20 =	sadd.s32 $0x40, s23;
	s26 =	sadd.s32 s11, s25;
	[dreg:$0xc] =	wrdreg s18  }
0x17: {  	s21 =	sor.u32 $0x20, s23;
	s0 =	sadd.s32 $0x8EC00, s0;
	[dreg:$0xd] =	wrdreg s26  }
0x18: {  	s22 =	sadd.s32 s20, s11;
	s23 =	sadd.s32 s21, s9;
	[dreg:$0xe] =	wrdreg s0  }
0x19: {  	s8 =	sadd.s32 s8, s24;
	s18 =	smax.u32 s6, $0x1;
	[dreg:$0x6] =	wrdreg s23  }
0x1a: {  	s24 =	sadd.s32 $0xFFFFFFF0, s22;
	s26 =	sadd.s32 s21, s11;
	[dreg:$0x10] =	wrdreg s18  }
0x1b: {  	s21 =	smov.u32 s13;
	s6 =	simm.s32 $0x1;
	[dreg:$0x11] =	wrdreg s24  }
0x1c: {  	s11 =	simm.s32 $0x0;
	s17 =	sshrl.u32 s8, $0x3;
	[dreg:$0x7] =	wrdreg s26  }
0x1d: {  	s24 =	sadd.s32 $0x30, s13;
	s26 =	simm.s32 $0x8280;
	s8 =	simm.s32 $0x3  }
0x1e: {  	s0 =	sadd.s32 s2, s17;
	s2 =	sadd.s32 s20, s9;
	s9 =	simm.s32 $0x2  }
0x1f: {  	[dreg:$0xf] =	wrdreg s0;
	s0 =	sadd.s32 $0xFFFFFFE0, s19;
	s25 =	sadd.s32 $0xFFFFFFF0, s2  }
0x20: {  	s23 =	sadd.s32 $0xFFFFFFE0, s2;
	s2 =	simm.s32 $0x4200;
	[dreg:$0x5] =	wrdreg s0  }
0x21: {  	[dreg:$0x12] =	wrdreg s25;
	s0 =	sadd.s32 $0xFFFFFFE0, s22;
	s22 =	smov.u32 s14  }
0x22: {  	s25 =	sadd.s32 $0x30, s14;
	[dreg:$0x13] =	wrdreg s0;
	s0 =	simm.s32 $0x180  }
.LBB2_1:
0x23: {  	s13 =	rddreg [dreg:$0x9]  }
0x24: {  	s16 =	rddreg [dreg:$0xa];
	s15 =	sshrl.u32 s13, $0x3  }
0x25: {  	[spmem:s15], [sflag:s10] =	dma.local [hbm:s16], $0x2780  }
0x26: {  	_ =	swait.ge [sflag:s8], $0x2780  }
0x27: {  	[sflag:s8] =	ssyncset.done $0x0  }
0x28: {  	s17 =	rddreg [dreg:$0xb];
	[sflag:s8] =	ssyncadd.s32 $0xFFFFD880  }
0x29: {  	[tilespmem:s26], [sflag:$0x3] =	stream.linear.gather [hbm4b:s17+s4], $0x278, $0x38;
	[tilespmem:$0x1C378] =	vst v63  }
0x2a: {  	_ =	swait.ge [sflag:s8], $0x278  }
0x2b: {  	[sflag:s8] =	ssyncset.done $0x0  }
0x2c: {  	[sflag:s8] =	ssyncadd.s32 $0xFFFFFD88  }
0x2d: {  	[spmem:s12] =	stream.linear.scatter [tilespmem:s26], [sflag:$0x3], $0x278, $0x38;
	[tilespmem:$0x1C378] =	vst v63  }
0x2e: {  	_ =	swait.ge [sflag:s8], $0x278  }
0x2f: {  	[sflag:s8] =	ssyncset.done $0x0  }
0x30: {  	s18 =	rddreg [dreg:$0x8];
	[sflag:s8] =	ssyncadd.s32 $0xFFFFFD88  }
0x31: {  	[tilespmem:s28], [sflag:$0x3] =	stream.linear.gather [hbm4b:s18+s4], $0x80, $0x38;
	[tilespmem:$0x1C378] =	vst v63  }
0x32: {  	_ =	swait.ge [sflag:s8], $0x80  }
0x33: {  	[sflag:s8] =	ssyncset.done $0x0  }
0x34: {  	[sflag:s8] =	ssyncadd.s32 $0xFFFFFF80  }
0x35: {  	[bflag:$0x0] =	sbarrier.arrive $0xFFFF  }
0x36: {  	[tilespmem:s4], [sflag:$0x3] =	stream.linear.gather [hbm4b:s21+s4], $0x80, $0x38;
	[tilespmem:$0x1C378] =	vst v63  }
0x37: {  	_ =	swait.ge [sflag:s8], $0x80  }
0x38: {  	[sflag:s8] =	ssyncset.done $0x0  }
0x39: {  	[sflag:s8] =	ssyncadd.s32 $0xFFFFFF80  }
0x3a: {  	[tilespmem:s29], [sflag:$0x3] =	stream.linear.gather [hbm4b:s22+s4], $0x80, $0x38;
	[tilespmem:$0x1C378] =	vst v63  }
0x3b: {  	_ =	swait.ge [sflag:s8], $0x80  }
0x3c: {  	[sflag:s8] =	ssyncset.done $0x0  }
0x3d: {  	[sflag:s8] =	ssyncadd.s32 $0xFFFFFF80  }
0x3e: {  	[tilespmem:s31], [sflag:$0x1] =	stream.indirect.gather [hbm4b:s5+s30], $0x80, s4, s30, $0xb8;
	[tilespmem:$0x1C378] =	vst v63  }
0x3f: {  	s19 =	rddreg [dreg:$0xc]  }
0x40: {  	[tilespmem:s30], [sflag:$0x3] =	stream.linear.gather [hbm4b:s19+s4], $0x80, $0x38;
	[tilespmem:$0x1C378] =	vst v63  }
0x41: {  	_ =	swait.ge [sflag:s8], $0x80  }
0x42: {  	[sflag:s8] =	ssyncset.done $0x0  }
0x43: {  	s20 =	rddreg [dreg:$0xd];
	[sflag:s8] =	ssyncadd.s32 $0xFFFFFF80  }
0x44: {  	[tilespmem:s0], [sflag:$0x3] =	stream.linear.gather [hbm4b:s20+s4], $0x80, $0x38;
	[tilespmem:$0x1C378] =	vst v63  }
0x45: {  	_ =	swait.ge [sflag:s8], $0x80  }
0x46: {  	[sflag:s8] =	ssyncset.done $0x0  }
0x47: {  	s16 =	simm.s32 $0x0;
	s17 =	simm.s32 $0x3;
	[sflag:s8] =	ssyncadd.s32 $0xFFFFFF80  }
0x48: {  	[tilespmem:s2], [sflag:$0x2] =	stream.indirect.gather [hbm4b:s5+s30], $0x80, s30, s30, $0xb8;
	[tilespmem:$0x1C378] =	vst v63  }
.LBB2_2:
0x49: {  	_ =	swait.ge [sflag:s6], $0x4000  }
0x4a: {  	[sflag:s6] =	ssyncset.done $0x0  }
0x4b: {  	[sflag:s6] =	ssyncadd.s32 $0xFFFFC000  }
0x4c: {  	[spmem:s1] =	stream.indirect.scatter.add.f32 [tilespmem:s31], [sflag:$0x3], $0x80, s29, s30, $0xb8;
	[tilespmem:$0x1C378] =	vst v63  }
0x4d: {  	_ =	swait.ge [sflag:s8], $0x4000  }
0x4e: {  	[sflag:s8] =	ssyncset.done $0x0  }
0x4f: {  	[sflag:s8] =	ssyncadd.s32 $0xFFFFC000  }
0x50: {  	[spmem:s3] =	stream.indirect.scatter.add.f32 [tilespmem:s28], [sflag:$0x3], $0x1, s29, s30, $0xb8;
	[tilespmem:$0x1C378] =	vst v63  }
0x51: {  	s18 =	sadd.s32 $0xFFFFFFFF, s17;
	_ =	swait.ge [sflag:s8], $0x80  }
0x52: {  	p0 =	sge.u32 s18, s7;
	s13 =	rddreg [dreg:$0x6];
	[sflag:s8] =	ssyncset.done $0x0  }
0x53: {  	s18 =	simm.s32 @!p0 $0x0;
	[sflag:s8] =	ssyncadd.s32 $0xFFFFFF80;
	s13 =	sadd.s32 @!p0 s16, s13  }
0x54: {  	[tilespmem:s18], [sflag:$0x3] =	stream.linear.gather @!p0 [hbm4b:s13+s18], $0x80, $0x38;
	[tilespmem:$0x1C378] =	vst v63  }
0x55: {  	s13 =	simm.s32 @!p0 $0x3  }
0x56: {  	_ =	swait.ge @!p0 [sflag:s13], $0x80  }
0x57: {  	s19 =	rddreg [dreg:$0x7];
	[sflag:s13] =	ssyncset.done @!p0 $0x0  }
0x58: {  	s14 =	simm.s32 @!p0 $0x100;
	[sflag:s13] =	ssyncadd.s32 @!p0 $0xFFFFFF80;
	s19 =	sadd.s32 @!p0 s16, s19  }
0x59: {  	[tilespmem:s14], [sflag:$0x3] =	stream.linear.gather @!p0 [hbm4b:s19+s18], $0x80, $0x38;
	[tilespmem:$0x1C378] =	vst v63  }
0x5a: {  	_ =	swait.ge @!p0 [sflag:s13], $0x80  }
0x5b: {  	[sflag:s13] =	ssyncset.done @!p0 $0x0  }
0x5c: {  	s14 =	simm.s32 @!p0 $0x200;
	[sflag:s13] =	ssyncadd.s32 @!p0 $0xFFFFFF80;
	s13 =	simm.s32 @!p0 $0x80  }
0x5d: {  	[tilespmem:s14], [sflag:$0x1] =	stream.indirect.gather @!p0 [hbm4b:s5+s13], $0x80, s18, s13, $0xb8;
	[tilespmem:$0x1C378] =	vst v63  }
0x5e: {  	_ =	swait.ge [sflag:s9], $0x4000  }
0x5f: {  	[sflag:s9] =	ssyncset.done $0x0  }
0x60: {  	[sflag:s9] =	ssyncadd.s32 $0xFFFFC000  }
0x61: {  	[spmem:s1] =	stream.indirect.scatter.add.f32 [tilespmem:s2], [sflag:$0x3], $0x80, s0, s30, $0xb8;
	[tilespmem:$0x1C378] =	vst v63  }
0x62: {  	_ =	swait.ge [sflag:s8], $0x4000  }
0x63: {  	[sflag:s8] =	ssyncset.done $0x0  }
0x64: {  	[sflag:s8] =	ssyncadd.s32 $0xFFFFC000  }
0x65: {  	[spmem:s3] =	stream.indirect.scatter.add.f32 [tilespmem:s28], [sflag:$0x3], $0x1, s0, s30, $0xb8;
	[tilespmem:$0x1C378] =	vst v63  }
0x66: {  	p0 =	sge.u32 s17, s7;
	_ =	swait.ge [sflag:s8], $0x80  }
0x67: {  	s13 =	sadd.s32 @!p0 s16, s24;
	[sflag:s8] =	ssyncset.done $0x0  }
0x68: {  	s14 =	simm.s32 @!p0 $0x0;
	s18 =	simm.s32 @!p0 $0x80;
	[sflag:s8] =	ssyncadd.s32 $0xFFFFFF80  }
0x69: {  	[tilespmem:s18], [sflag:$0x3] =	stream.linear.gather @!p0 [hbm4b:s13+s14], $0x80, $0x38;
	[tilespmem:$0x1C378] =	vst v63  }
0x6a: {  	s13 =	simm.s32 @!p0 $0x3  }
0x6b: {  	_ =	swait.ge @!p0 [sflag:s13], $0x80  }
0x6c: {  	[sflag:s13] =	ssyncset.done @!p0 $0x0  }
0x6d: {  	s19 =	sadd.s32 @!p0 s16, s25;
	s20 =	simm.s32 @!p0 $0x180;
	[sflag:s13] =	ssyncadd.s32 @!p0 $0xFFFFFF80  }
0x6e: {  	[tilespmem:s20], [sflag:$0x3] =	stream.linear.gather @!p0 [hbm4b:s19+s14], $0x80, $0x38;
	[tilespmem:$0x1C378] =	vst v63  }
0x6f: {  	_ =	swait.ge @!p0 [sflag:s13], $0x80  }
0x70: {  	s16 =	sadd.s32 $0x20, s16;
	[sflag:s13] =	ssyncset.done @!p0 $0x0  }
0x71: {  	s20 =	rddreg [dreg:$0x5];
	[sflag:s13] =	ssyncadd.s32 @!p0 $0xFFFFFF80;
	s13 =	simm.s32 @!p0 $0x4200  }
0x72: {  	[tilespmem:s13], [sflag:$0x2] =	stream.indirect.gather @!p0 [hbm4b:s5+s18], $0x80, s18, s18, $0xb8;
	[tilespmem:$0x1C378] =	vst v63  }
0x73: {  	p0 =	sne.s32 s20, s16  }
.Ltmp0:
0x74: {  	_ = 	snop;
	(pc) =	sbr.rel @p0 .LBB2_2-.Ltmp0, $2  }
0x75: {  	_ =	sdelay $0x2  }
0x76: {  	s17 =	sadd.s32 $0x2, s17  }
0x77: {  	_ =	swait.ge [sflag:s6], $0x4000  }
0x78: {  	[sflag:s6] =	ssyncset.done $0x0  }
0x79: {  	[sflag:s6] =	ssyncadd.s32 $0xFFFFC000  }
0x7a: {  	[spmem:s1] =	stream.indirect.scatter.add.f32 [tilespmem:s31], [sflag:$0x3], $0x80, s29, s30, $0xb8;
	[tilespmem:$0x1C378] =	vst v63  }
0x7b: {  	_ =	swait.ge [sflag:s8], $0x4000  }
0x7c: {  	[sflag:s8] =	ssyncset.done $0x0  }
0x7d: {  	[sflag:s8] =	ssyncadd.s32 $0xFFFFC000  }
0x7e: {  	[spmem:s3] =	stream.indirect.scatter.add.f32 [tilespmem:s28], [sflag:$0x3], $0x1, s29, s30, $0xb8;
	[tilespmem:$0x1C378] =	vst v63  }
0x7f: {  	s13 =	sadd.s32 $0xFFFFFFFF, s17;
	_ =	swait.ge [sflag:s8], $0x80  }
0x80: {  	p0 =	sge.u32 s13, s7;
	[sflag:s8] =	ssyncset.done $0x0  }
0x81: {  	s13 =	sadd.s32 @!p0 s16, s23;
	s14 =	simm.s32 @!p0 $0x0;
	[sflag:s8] =	ssyncadd.s32 $0xFFFFFF80  }
0x82: {  	[tilespmem:s14], [sflag:$0x3] =	stream.linear.gather @!p0 [hbm4b:s13+s14], $0x80, $0x38;
	[tilespmem:$0x1C378] =	vst v63  }
0x83: {  	s13 =	simm.s32 @!p0 $0x3  }
0x84: {  	_ =	swait.ge @!p0 [sflag:s13], $0x80  }
0x85: {  	[sflag:s13] =	ssyncset.done @!p0 $0x0;
	s18 =	rddreg [dreg:$0x13]  }
0x86: {  	s19 =	simm.s32 @!p0 $0x100;
	[sflag:s13] =	ssyncadd.s32 @!p0 $0xFFFFFF80;
	s18 =	sadd.s32 @!p0 s16, s18  }
0x87: {  	[tilespmem:s19], [sflag:$0x3] =	stream.linear.gather @!p0 [hbm4b:s18+s14], $0x80, $0x38;
	[tilespmem:$0x1C378] =	vst v63  }
0x88: {  	_ =	swait.ge @!p0 [sflag:s13], $0x80  }
0x89: {  	[sflag:s13] =	ssyncset.done @!p0 $0x0  }
0x8a: {  	s18 =	simm.s32 @!p0 $0x200;
	[sflag:s13] =	ssyncadd.s32 @!p0 $0xFFFFFF80;
	s13 =	simm.s32 @!p0 $0x80  }
0x8b: {  	[tilespmem:s18], [sflag:$0x1] =	stream.indirect.gather @!p0 [hbm4b:s5+s13], $0x80, s14, s13, $0xb8;
	[tilespmem:$0x1C378] =	vst v63  }
0x8c: {  	_ =	swait.ge [sflag:s9], $0x4000  }
0x8d: {  	[sflag:s9] =	ssyncset.done $0x0  }
0x8e: {  	[sflag:s9] =	ssyncadd.s32 $0xFFFFC000  }
0x8f: {  	[spmem:s1] =	stream.indirect.scatter.add.f32 [tilespmem:s2], [sflag:$0x3], $0x80, s0, s30, $0xb8;
	[tilespmem:$0x1C378] =	vst v63  }
0x90: {  	_ =	swait.ge [sflag:s8], $0x4000  }
0x91: {  	[sflag:s8] =	ssyncset.done $0x0  }
0x92: {  	[sflag:s8] =	ssyncadd.s32 $0xFFFFC000  }
0x93: {  	[spmem:s3] =	stream.indirect.scatter.add.f32 [tilespmem:s28], [sflag:$0x3], $0x1, s0, s30, $0xb8;
	[tilespmem:$0x1C378] =	vst v63  }
0x94: {  	p0 =	sge.u32 s17, s7;
	_ =	swait.ge [sflag:s8], $0x80  }
0x95: {  	s14 =	simm.s32 @!p0 $0x0;
	[sflag:s8] =	ssyncset.done $0x0;
	s13 =	rddreg [dreg:$0x12]  }
0x96: {  	s17 =	simm.s32 @!p0 $0x80;
	[sflag:s8] =	ssyncadd.s32 $0xFFFFFF80;
	s13 =	sadd.s32 @!p0 s16, s13  }
0x97: {  	[tilespmem:s17], [sflag:$0x3] =	stream.linear.gather @!p0 [hbm4b:s13+s14], $0x80, $0x38;
	[tilespmem:$0x1C378] =	vst v63  }
0x98: {  	s13 =	simm.s32 @!p0 $0x3  }
0x99: {  	_ =	swait.ge @!p0 [sflag:s13], $0x80  }
0x9a: {  	[sflag:s13] =	ssyncset.done @!p0 $0x0;
	s18 =	rddreg [dreg:$0x11]  }
0x9b: {  	[sflag:s13] =	ssyncadd.s32 @!p0 $0xFFFFFF80;
	s16 =	sadd.s32 @!p0 s16, s18;
	s18 =	simm.s32 @!p0 $0x180  }
0x9c: {  	[tilespmem:s18], [sflag:$0x3] =	stream.linear.gather @!p0 [hbm4b:s16+s14], $0x80, $0x38;
	[tilespmem:$0x1C378] =	vst v63  }
0x9d: {  	_ =	swait.ge @!p0 [sflag:s13], $0x80  }
0x9e: {  	[sflag:s13] =	ssyncset.done @!p0 $0x0  }
0x9f: {  	[sflag:s13] =	ssyncadd.s32 @!p0 $0xFFFFFF80;
	s13 =	simm.s32 @!p0 $0x4200  }
0xa0: {  	[tilespmem:s13], [sflag:$0x2] =	stream.indirect.gather @!p0 [hbm4b:s5+s17], $0x80, s17, s17, $0xb8;
	[tilespmem:$0x1C378] =	vst v63  }
0xa1: {  	[bflag:$0x0] =	sbarrier.arrive $0xFFFF  }
0xa2: {  	s18 =	rddreg [dreg:$0xe]  }
0xa3: {  	[hbm:s18], [sflag:s10] =	dma.local [spmem:s15], $0x2780  }
0xa4: {  	_ =	swait.ge [sflag:s8], $0x2780  }
0xa5: {  	[sflag:s8] =	ssyncset.done $0x0  }
0xa6: {  	[sflag:s8] =	ssyncadd.s32 $0xFFFFD880  }
0xa7: {  	[tilespmem:s26], [sflag:$0x3] =	stream.linear.gather [spmem:s12], $0x278, $0x38;
	[tilespmem:$0x1C378] =	vst v63  }
0xa8: {  	_ =	swait.ge [sflag:s8], $0x278  }
0xa9: {  	[sflag:s8] =	ssyncset.done $0x0  }
0xaa: {  	s19 =	rddreg [dreg:$0xf];
	[sflag:s8] =	ssyncadd.s32 $0xFFFFFD88  }
0xab: {  	[hbm4b:s19+s4] =	stream.linear.scatter [tilespmem:s26], [sflag:$0x3], $0x278, $0x38;
	[tilespmem:$0x1C378] =	vst v63  }
0xac: {  	_ =	swait.ge [sflag:s8], $0x278  }
0xad: {  	s11 =	sadd.s32 $0x1, s11;
	s20 =	rddreg [dreg:$0x10]  }
0xae: {  	p0 =	sne.s32 s11, s20  }
.Ltmp1:
0xaf: {  	_ = 	snop;
	(pc) =	sbr.rel @p0 .LBB2_1-.Ltmp1, $3  }
0xb0: {  	_ =	sdelay $0x1  }
0xb1: {  	[sflag:s8] =	ssyncset.done $0x0  }
0xb2: {  	[sflag:s8] =	ssyncadd.s32 $0xFFFFFD88  }
0xb3: {  	_ =	sfence.sel $0x180000  }
0xb4: {  	[bflag:$0x0] =	sbarrier.arrive $0xFFFF  }
0xb5: {  	_ =	strace $0x90000047  }
0xb6: {  	s0 =	stileid.u32;
	[bflag:$0x2] =	sbarrier.arrive $0xFFFF  }
0xb7: {  	p0 =	sne.s32 s0, $0x0;
	s0 =	rddreg [dreg:$0x4]  }
0xb8: {  	s0 =	sadd.s32 @!p0 $0x100000, s0  }
0xb9: {  	[sflag:s0] =	ssyncadd.tile.s32 @!p0 $0x1;
	_ =	shalt  }
.Lfunc_end2:
_tile_overlayer_lowered:
.L_overlay_start_2:
0xba: {  	(tag) =	ssettag $0x2  }
0xbb: {  	s0 =	rddreg [dreg:$0x0];
	s2 =	stileid.u32  }
0xbc: {  	s1 =	rddreg [dreg:$0x1];
	p0 =	sne.s32 s2, $0x0  }
0xbd: {  	s3 =	rddreg [dreg:$0x2];
	[bflag:$0x3] =	sbarrier.arrive $0xFFFF;
	s2 =	simm.s32 @!p0 $0x1C03  }
0xbe: {  	[timem:s3], [sflag:s2] =	dma.local @!p0 [hbm:s0], s1  }
0xbf: {  	s0 =	simm.s32 @!p0 $0x3  }
0xc0: {  	_ =	swait.ge @!p0 [sflag:s0], s1  }
0xc1: {  	s1 =	ssub.s32 @!p0 $0x0, s1;
	[sflag:s0] =	ssyncset.done @!p0 $0x0  }
0xc2: {  	[sflag:s0] =	ssyncadd.s32 @!p0 s1  }
0xc3: {  	[bflag:$0x3] =	sbarrier.arrive $0xFFFF  }
0xc4: {  	_ =	shalt  }

</sc_bundles>
